<compile_context>
chip_gen: v7x
topology: tpu7x:2x2x1
jax: 0.10.2.dev20260603
libtpu: 0.0.44.dev20260713+nightly
codegen_flags: <defaults>
</compile_context>

<pallas_src>
import functools

import jax
import jax.numpy as jnp
from jax import lax
from jax.experimental import pallas as pl
from jax.experimental.pallas import tpu as pltpu

try:
    from jax.experimental.pallas import tpu_sc as plsc
    _HAS_SC = True
except ImportError:
    plsc = None
    _HAS_SC = False

_F32 = jnp.float32

_NC = 2
_NS = 16
_NW = _NC * _NS
_CH = 128


def _node_block(n):
    for b in (400, 200, 100, 40, 8):
        if n % b == 0:
            return b
    return n


def _edge_block(e):
    for b in (2000, 1000, 400, 200, 40, 8):
        if e % b == 0:
            return b
    return e



def _embed_body(hf, ws, wa, wb, h_o, p_o, q_o):
    h = jnp.dot(hf[...], ws[...], preferred_element_type=_F32)
    h_o[...] = h
    p_o[...] = jnp.dot(h, wa[...], preferred_element_type=_F32)
    q_o[...] = jnp.dot(h, wb[...], preferred_element_type=_F32)


def _embed_call(h_feats, W_single, wa, wb):
    n, lm = h_feats.shape
    nd = W_single.shape[1]
    bn = _node_block(n)
    grid = (n // bn,)
    full = lambda s: pl.BlockSpec(s, lambda i: (0, 0))
    row = lambda c: pl.BlockSpec((bn, c), lambda i: (i, 0))
    out_sd = jax.ShapeDtypeStruct((n, nd), _F32)
    return pl.pallas_call(
        _embed_body,
        grid=grid,
        in_specs=[row(lm), full((lm, nd)), full((nd, nd)), full((nd, nd))],
        out_specs=[row(nd), row(nd), row(nd)],
        out_shape=[out_sd, out_sd, out_sd],
    )(h_feats, W_single, wa, wb)


def _eemb_body(sp, po, wsp, wpo, ea_o):
    ea = jnp.dot(sp[...], wsp[...], preferred_element_type=_F32)
    ea += jnp.dot(po[...], wpo[...], preferred_element_type=_F32)
    ea_o[...] = ea


def _eemb_call(spatial, pos, wsp, wpo):
    e, spd = spatial.shape
    ped = pos.shape[1]
    ed = wsp.shape[1]
    be = _edge_block(e)
    grid = (e // be,)
    full = lambda s: pl.BlockSpec(s, lambda i: (0, 0))
    row = lambda c: pl.BlockSpec((be, c), lambda i: (i, 0))
    return pl.pallas_call(
        _eemb_body,
        grid=grid,
        in_specs=[row(spd), row(ped), full((spd, ed)), full((ped, ed))],
        out_specs=row(ed),
        out_shape=jax.ShapeDtypeStruct((e, ed), _F32),
    )(spatial, pos, wsp, wpo)


def _edge_body(ps, qd, ea, rad, w1e, w1r, b1, w2, b2, awv, abv, mo_o):
    t = ps[...] + qd[...] + rad[...] * w1r[...] + b1[...]
    t += jnp.dot(ea[...], w1e[...], preferred_element_type=_F32)
    t = t * jax.nn.sigmoid(t)
    m = jnp.dot(t, w2[...], preferred_element_type=_F32) + b2[...]
    m = m * jax.nn.sigmoid(m)
    lg = jnp.sum(m * awv[...], axis=1, keepdims=True) + abv[...]
    mo_o[...] = m * jax.nn.sigmoid(lg)


def _edge_call(psrc, qdst, eattr, rad, w1e, w1r, b1, w2, b2, awv, abv):
    e, nd = psrc.shape
    ed = eattr.shape[1]
    be = _edge_block(e)
    grid = (e // be,)
    full = lambda s: pl.BlockSpec(s, lambda i: tuple(0 for _ in s))
    row = lambda c: pl.BlockSpec((be, c), lambda i: (i, 0))
    return pl.pallas_call(
        _edge_body,
        grid=grid,
        in_specs=[row(nd), row(nd), row(ed), row(1), full((ed, nd)),
                  full((1, nd)), full((1, nd)), full((nd, nd)),
                  full((1, nd)), full((1, nd)), full((1, 1))],
        out_specs=row(nd),
        out_shape=jax.ShapeDtypeStruct((e, nd), _F32),
    )(psrc, qdst, eattr, rad, w1e, w1r, b1, w2, b2, awv, abv)


def _node_body_pq(h, a0, a1, w1h, w1a, b1, w2, b2, wan, wbn, h_o, p_o, q_o):
    agg = a0[...] + a1[...]
    o = jnp.dot(h[...], w1h[...], preferred_element_type=_F32)
    o += jnp.dot(agg, w1a[...], preferred_element_type=_F32) + b1[...]
    o = o * jax.nn.sigmoid(o)
    o = jnp.dot(o, w2[...], preferred_element_type=_F32) + b2[...]
    hn = h[...] + o
    h_o[...] = hn
    p_o[...] = jnp.dot(hn, wan[...], preferred_element_type=_F32)
    q_o[...] = jnp.dot(hn, wbn[...], preferred_element_type=_F32)


def _node_body_last(h, a0, a1, w1h, w1a, b1, w2, b2, h_o):
    agg = a0[...] + a1[...]
    o = jnp.dot(h[...], w1h[...], preferred_element_type=_F32)
    o += jnp.dot(agg, w1a[...], preferred_element_type=_F32) + b1[...]
    o = o * jax.nn.sigmoid(o)
    o = jnp.dot(o, w2[...], preferred_element_type=_F32) + b2[...]
    h_o[...] = h[...] + o


def _node_call(h, a0, a1, w1h, w1a, b1, w2, b2, wan=None, wbn=None):
    n, nd = h.shape
    bn = _node_block(n)
    grid = (n // bn,)
    full = lambda s: pl.BlockSpec(s, lambda i: (0, 0))
    row = pl.BlockSpec((bn, nd), lambda i: (i, 0))
    out_sd = jax.ShapeDtypeStruct((n, nd), _F32)
    wspecs = [full((nd, nd)), full((nd, nd)), full((1, nd)), full((nd, nd)),
              full((1, nd))]
    if wan is None:
        return pl.pallas_call(
            _node_body_last,
            grid=grid,
            in_specs=[row, row, row] + wspecs,
            out_specs=row,
            out_shape=out_sd,
        )(h, a0, a1, w1h, w1a, b1, w2, b2)
    return pl.pallas_call(
        _node_body_pq,
        grid=grid,
        in_specs=[row, row, row] + wspecs + [full((nd, nd)), full((nd, nd))],
        out_specs=[row, row, row],
        out_shape=[out_sd, out_sd, out_sd],
    )(h, a0, a1, w1h, w1a, b1, w2, b2, wan, wbn)



_NB = 3


def _gather_pq_sc(p_tab, q_tab, src, dst, xcols=None):
    n, nd = p_tab.shape
    e = src.shape[0]
    nchunks = e // _CH
    with_rad = xcols is not None
    per_tile = -(-nchunks // _NW)
    nslots = -(-per_tile // _NB) * _NB
    kout = nslots // _NB
    mesh = plsc.VectorSubcoreMesh(core_axis_name="c", subcore_axis_name="s")
    out_type = [jax.ShapeDtypeStruct((e, nd), _F32),
                jax.ShapeDtypeStruct((e, nd), _F32)]
    scratch = ([pltpu.VMEM((_CH,), jnp.int32)] * (2 * _NB)
               + [pltpu.VMEM((_CH, nd), _F32)] * (2 * _NB))
    if with_rad:
        out_type.append(jax.ShapeDtypeStruct((e,), _F32))
        scratch += [pltpu.VMEM((n,), _F32)] * 3
        scratch += [pltpu.VMEM((_CH,), _F32)] * _NB
    scratch += [pltpu.SemaphoreType.DMA] * (2 * _NB)

    @functools.partial(
        pl.kernel, mesh=mesh, out_type=out_type, scratch_types=scratch,
        compiler_params=pltpu.CompilerParams(needs_layout_passes=False))
    def gk(*refs):
        it = iter(refs)
        p_h, q_h = next(it), next(it)
        xc_h = [next(it) for _ in range(3)] if with_rad else []
        src_h, dst_h = next(it), next(it)
        ps_o, qd_o = next(it), next(it)
        rad_o = next(it) if with_rad else None
        idx_s = [next(it) for _ in range(_NB)]
        idx_d = [next(it) for _ in range(_NB)]
        pbuf = [next(it) for _ in range(_NB)]
        qbuf = [next(it) for _ in range(_NB)]
        xv = [next(it) for _ in range(3)] if with_rad else []
        rbuf = [next(it) for _ in range(_NB)] if with_rad else []
        semg = [next(it) for _ in range(_NB)]
        semw = [next(it) for _ in range(_NB)]
        wid = lax.axis_index("s") * _NC + lax.axis_index("c")
        if with_rad:
            for k in range(3):
                pltpu.sync_copy(xc_h[k], xv[k])

        def cbase(j):
            c = wid + j * _NW
            return jnp.where(c < nchunks, c, wid) * _CH

        def fire_slot(j, b):
            base = cbase(j)
            pltpu.sync_copy(src_h.at[pl.ds(base, _CH)], idx_s[b])
            pltpu.sync_copy(dst_h.at[pl.ds(base, _CH)], idx_d[b])
            pltpu.async_copy(p_h.at[idx_s[b]], pbuf[b], semg[b])
            pltpu.async_copy(q_h.at[idx_d[b]], qbuf[b], semg[b])
            if with_rad:
                for i in range(_CH // 16):
                    s_ids = idx_s[b][pl.ds(i * 16, 16)]
                    d_ids = idx_d[b][pl.ds(i * 16, 16)]
                    acc = None
                    for k in range(3):
                        dd = (plsc.load_gather(xv[k], [s_ids])
                              - plsc.load_gather(xv[k], [d_ids]))
                        acc = dd * dd if acc is None else acc + dd * dd
                    rbuf[b][pl.ds(i * 16, 16)] = acc

        def wait_g(b):
            pltpu.make_async_copy(p_h.at[idx_s[b]], pbuf[b], semg[b]).wait()
            pltpu.make_async_copy(q_h.at[idx_d[b]], qbuf[b], semg[b]).wait()

        def fire_wb(j, b):
            base = cbase(j)
            pltpu.async_copy(pbuf[b], ps_o.at[pl.ds(base, _CH)], semw[b])
            pltpu.async_copy(qbuf[b], qd_o.at[pl.ds(base, _CH)], semw[b])
            if with_rad:
                pltpu.async_copy(rbuf[b], rad_o.at[pl.ds(base, _CH)], semw[b])

        def wait_wb(b):
            pltpu.make_async_copy(pbuf[b], ps_o.at[pl.ds(0, _CH)],
                                  semw[b]).wait()
            pltpu.make_async_copy(qbuf[b], qd_o.at[pl.ds(0, _CH)],
                                  semw[b]).wait()
            if with_rad:
                pltpu.make_async_copy(rbuf[b], rad_o.at[pl.ds(0, _CH)],
                                      semw[b]).wait()

        def outer(k, carry):
            for b in range(_NB):
                j = k * _NB + b

                @pl.when(k > 0)
                def _retire_wb(b=b):
                    wait_wb(b)

                fire_slot(j, b)
                bp = (b - 1) % _NB
                if b > 0:
                    wait_g(bp)
                    fire_wb(j - 1, bp)
                else:
                    @pl.when(k > 0)
                    def _retire_g(bp=bp, j=j):
                        wait_g(bp)
                        fire_wb(j - 1, bp)
            return carry

        lax.fori_loop(0, kout, outer, 0)
        last = nslots - 1
        bl = last % _NB
        wait_g(bl)
        fire_wb(last, bl)
        for b in range(_NB):
            wait_wb(b)

    if with_rad:
        return gk(p_tab, q_tab, *xcols, src, dst)
    return gk(p_tab, q_tab, src, dst)


def _scatter_add_sc(mo, src, zeros_n):
    e, nd = mo.shape
    n = zeros_n.shape[0]
    e_half = e // _NC
    nchunks = e_half // _CH
    rows_per_sub = n // _NS
    mesh = plsc.VectorSubcoreMesh(core_axis_name="c", subcore_axis_name="s")

    per_sub = -(-nchunks // _NS)
    nslots = -(-per_sub // _NB) * _NB
    kout = nslots // _NB

    @functools.partial(
        pl.kernel, mesh=mesh,
        out_type=jax.ShapeDtypeStruct((_NC, n, nd), _F32),
        scratch_types=(
            [pltpu.VMEM((_CH,), jnp.int32)] * _NB
            + [pltpu.VMEM((_CH, nd), _F32)] * _NB
            + [pltpu.VMEM_SHARED((n, nd), _F32)]
            + [pltpu.SemaphoreType.DMA] * _NB
        ))
    def sk(*refs):
        it = iter(refs)
        mo_h, src_h, z_h, out_h = next(it), next(it), next(it), next(it)
        idx = [next(it) for _ in range(_NB)]
        mb = [next(it) for _ in range(_NB)]
        agg_sh = next(it)
        seml = [next(it) for _ in range(_NB)]
        cid = lax.axis_index("c")
        sid = lax.axis_index("s")
        rs = sid * rows_per_sub
        pltpu.sync_copy(z_h.at[pl.ds(rs, rows_per_sub)],
                        agg_sh.at[pl.ds(rs, rows_per_sub)])
        plsc.subcore_barrier()

        def cond(j):
            return (sid + j * _NS) < nchunks

        def base(j):
            return cid * e_half + (sid + j * _NS) * _CH

        def fire_load(j, b):
            @pl.when(cond(j))
            def _(j=j, b=b):
                pltpu.async_copy(src_h.at[pl.ds(base(j), _CH)], idx[b],
                                 seml[b])
                pltpu.async_copy(mo_h.at[pl.ds(base(j), _CH)], mb[b],
                                 seml[b])

        def drain_scatter(j, b):
            @pl.when(cond(j))
            def _(j=j, b=b):
                pltpu.make_async_copy(src_h.at[pl.ds(0, _CH)], idx[b],
                                      seml[b]).wait()
                pltpu.make_async_copy(mo_h.at[pl.ds(0, _CH)], mb[b],
                                      seml[b]).wait()
                pltpu.sync_copy(mb[b], agg_sh.at[idx[b]], add=True)

        def outer(k, carry):
            for b in range(_NB):
                j = k * _NB + b
                fire_load(j, b)
                if b > 0:
                    drain_scatter(j - 1, b - 1)
                else:
                    @pl.when(k > 0)
                    def _(j=j):
                        drain_scatter(j - 1, _NB - 1)
            return carry

        lax.fori_loop(0, kout, outer, 0)
        drain_scatter(nslots - 1, (nslots - 1) % _NB)
        plsc.subcore_barrier()
        pltpu.sync_copy(agg_sh.at[pl.ds(rs, rows_per_sub)],
                        out_h.at[cid, pl.ds(rs, rows_per_sub)])

    return sk(mo, src, zeros_n)



def kernel(h_feats, x, edge_index, spatial_attr, positional_attr,
           W_single, W_spatial, W_pos,
           ew1, eb1, ew2, eb2, aw, ab, nw1, nb1, nw2, nb2):
    n, _ = h_feats.shape
    e = edge_index.shape[1]
    nd = W_single.shape[1]
    depth = ew1.shape[0]
    src = edge_index[0]
    dst = edge_index[1]
    xcols = [x[:, 0], x[:, 1], x[:, 2]]
    n_pad = ((n + 127) // 128) * 128
    zeros_n = jnp.zeros((n_pad, nd), _F32)

    h, p_tab, q_tab = _embed_call(h_feats, W_single,
                                  ew1[0, :nd], ew1[0, nd:2 * nd])

    psrc, qdst, rad = _gather_pq_sc(p_tab, q_tab, src, dst, xcols=xcols)
    rad = rad.reshape(e, 1)

    eattr = _eemb_call(spatial_attr, positional_attr, W_spatial, W_pos)

    for l in range(depth):
        if l > 0:
            psrc, qdst = _gather_pq_sc(p_tab, q_tab, src, dst)
        mo = _edge_call(
            psrc, qdst, eattr, rad,
            ew1[l, 2 * nd + 1:], ew1[l, 2 * nd].reshape(1, nd),
            eb1[l].reshape(1, nd), ew2[l], eb2[l].reshape(1, nd),
            aw[l].reshape(1, nd), ab[l].reshape(1, 1))
        aggp = _scatter_add_sc(mo, src, zeros_n)
        a0, a1 = aggp[0, :n], aggp[1, :n]
        if l + 1 < depth:
            h, p_tab, q_tab = _node_call(
                h, a0, a1, nw1[l, :nd], nw1[l, nd:],
                nb1[l].reshape(1, nd), nw2[l], nb2[l].reshape(1, nd),
                ew1[l + 1, :nd], ew1[l + 1, nd:2 * nd])
        else:
            h = _node_call(
                h, a0, a1, nw1[l, :nd], nw1[l, nd:],
                nb1[l].reshape(1, nd), nw2[l], nb2[l].reshape(1, nd))
    return h

# --- scband reference (transcript-rebuilt; emitter-appended) ---
"""Pipeline reference for scband-egnn-net-17815524344059 (READ-ONLY COPY).

The authoritative reference and input builder live on the scoring server;
editing this copy changes nothing except your own understanding.
"""

import jax, jax.numpy as jnp
import numpy as np

N = 10000
E = 320000
LM = 1280
SP = 100
PE = 64
ND = 128
ED = 16
DEPTH = 2


def _winit(key, shape):
    fan_in = shape[-2] if len(shape) >= 2 else shape[-1]
    return jax.random.normal(key, shape, dtype=jnp.float32) / np.sqrt(fan_in)


def setup_inputs(seed: int = 0) -> dict:
    key = jax.random.key(seed)
    ks = jax.random.split(key, 24)
    h_feats = jax.random.normal(ks[0], (N, LM), dtype=jnp.float32)
    x = jax.random.normal(ks[1], (N, 3), dtype=jnp.float32) * 10.0
    edge_index = jax.random.randint(ks[2], (2, E), 0, N)
    spatial_attr = jax.random.uniform(ks[3], (E, SP), dtype=jnp.float32)
    positional_attr = jax.random.uniform(ks[4], (E, PE), dtype=jnp.float32)
    # learned parameters (per init conf: node_dim=128, edge_dim=16, depth=2, attention=True, residual=True)
    W_single = _winit(ks[5], (LM, ND))
    W_spatial = _winit(ks[6], (SP, ED))
    W_pos = _winit(ks[7], (PE, ED))
    edge_in = 2 * ND + 1 + ED  # h_i, h_j, radial, edge_attr
    ew1 = _winit(ks[8], (DEPTH, edge_in, ND))
    eb1 = jnp.zeros((DEPTH, ND), dtype=jnp.float32)
    ew2 = _winit(ks[9], (DEPTH, ND, ND))
    eb2 = jnp.zeros((DEPTH, ND), dtype=jnp.float32)
    aw = _winit(ks[10], (DEPTH, ND, 1))
    ab = jnp.zeros((DEPTH, 1), dtype=jnp.float32)
    nw1 = _winit(ks[11], (DEPTH, 2 * ND, ND))
    nb1 = jnp.zeros((DEPTH, ND), dtype=jnp.float32)
    nw2 = _winit(ks[12], (DEPTH, ND, ND))
    nb2 = jnp.zeros((DEPTH, ND), dtype=jnp.float32)
    return {
        'h_feats': h_feats, 'x': x, 'edge_index': edge_index,
        'spatial_attr': spatial_attr, 'positional_attr': positional_attr,
        'W_single': W_single, 'W_spatial': W_spatial, 'W_pos': W_pos,
        'ew1': ew1, 'eb1': eb1, 'ew2': ew2, 'eb2': eb2,
        'aw': aw, 'ab': ab,
        'nw1': nw1, 'nb1': nb1, 'nw2': nw2, 'nb2': nb2,
    }


def reference(h_feats, x, edge_index, spatial_attr, positional_attr,
              W_single, W_spatial, W_pos,
              ew1, eb1, ew2, eb2, aw, ab, nw1, nb1, nw2, nb2):
    # EGNN_Net forward (truncated source): embed node LM features and edge
    # spatial/positional features, then run EGNN trunk (depth E_GCL layers
    # with attention, residual, update_coords=False); returns node reps h.
    h = h_feats @ W_single                       # single_embed (no bias)
    eattr = spatial_attr @ W_spatial + positional_attr @ W_pos  # edge embeds
    src = edge_index[0]
    dst = edge_index[1]
    for l in range(DEPTH):
        diff = x[src] - x[dst]                   # gather coords
        radial = jnp.sum(diff * diff, axis=-1, keepdims=True)
        h_src = jnp.take(h, src, axis=0)         # gather node feats
        h_dst = jnp.take(h, dst, axis=0)
        inp = jnp.concatenate([h_src, h_dst, radial, eattr], axis=-1)
        m = jax.nn.silu(inp @ ew1[l] + eb1[l])   # edge_mlp
        m = jax.nn.silu(m @ ew2[l] + eb2[l])
        att = jax.nn.sigmoid(m @ aw[l] + ab[l])  # att_mlp (attention=True)
        m = m * att
        agg = jax.ops.segment_sum(m, src, num_segments=N)  # scatter-add to src nodes
        o = jnp.concatenate([h, agg], axis=-1)
        o = jax.nn.silu(o @ nw1[l] + nb1[l])     # node_mlp
        o = o @ nw2[l] + nb2[l]
        h = h + o                                # residual=True
    return h

if __name__ == "__main__":
    import jax
    _d = setup_inputs()
    print(jax.jit(kernel)(*tuple(_d.values())))

</pallas_src>

<mosaic_0001>
#map = affine_map<(d0, d1) -> (0, 0)>
#map1 = affine_map<(d0, d1) -> (0)>
#map2 = affine_map<(d0, d1) -> (0, 0, 0)>
module attributes {stable_mosaic.version = 14 : i64} {
  func.func @sk(%arg0: i32, %arg1: i32, %arg2: memref<320000x128xf32, #tpu.memory_space<hbm>>, %arg3: memref<320000xi32, #tpu.memory_space<hbm>>, %arg4: memref<10112x128xf32, #tpu.memory_space<hbm>>, %arg5: memref<2x10112x128xf32, #tpu.memory_space<hbm>>, %arg6: memref<128xi32, #tpu.memory_space<vmem>>, %arg7: memref<128xi32, #tpu.memory_space<vmem>>, %arg8: memref<128xi32, #tpu.memory_space<vmem>>, %arg9: memref<128x128xf32, #tpu.memory_space<vmem>>, %arg10: memref<128x128xf32, #tpu.memory_space<vmem>>, %arg11: memref<128x128xf32, #tpu.memory_space<vmem>>, %arg12: memref<10112x128xf32, #tpu.memory_space<vmem_shared>>, %arg13: memref<!tpu.dma_semaphore, #tpu.memory_space<semaphore_mem>>, %arg14: memref<!tpu.dma_semaphore, #tpu.memory_space<semaphore_mem>>, %arg15: memref<!tpu.dma_semaphore, #tpu.memory_space<semaphore_mem>>) attributes {dimension_semantics = [#tpu.dimension_semantics<core_parallel>, #tpu.dimension_semantics<subcore_parallel>], iteration_bounds = array<i64: 2, 16>, scalar_prefetch = 0 : i64, scratch_operands = 10 : i64, tpu.core_type = #tpu.core_type<sc_vector_subcore>, window_params = [{transform_indices = #map}, {transform_indices = #map1}, {transform_indices = #map}, {transform_indices = #map2}]} {
    %mul3A = arith.constant 632 : i32
    %mul3A_0 = arith.muli %arg1, %mul3A : i32
    "tpu.region"() ({
      %run_scoped3A = tpu.sem_alloc : memref<!tpu.dma_semaphore, #tpu.memory_space<semaphore_mem>>
      %dma_start3A = arith.constant 0 : i32
      %dma_start3A_10 = tpu.memref_slice %arg12[%mul3A_0, %dma_start3A] : memref<10112x128xf32, #tpu.memory_space<vmem_shared>> -> memref<632x128xf32, #tpu.memory_space<vmem_shared>>
      %dma_start3A_11 = arith.constant 0 : i32
      %dma_start3A_12 = tpu.memref_slice %arg4[%mul3A_0, %dma_start3A_11] : memref<10112x128xf32, #tpu.memory_space<hbm>> -> memref<632x128xf32, #tpu.memory_space<hbm>>
      tpu.enqueue_dma source(%dma_start3A_12 : memref<632x128xf32, #tpu.memory_space<hbm>>) target(%dma_start3A_10 : memref<632x128xf32, #tpu.memory_space<vmem_shared>>) target_semaphore(%run_scoped3A : memref<!tpu.dma_semaphore, #tpu.memory_space<semaphore_mem>>)
      %dma_wait3A = arith.constant 0 : i32
      %dma_wait3A_13 = tpu.memref_slice %arg12[%mul3A_0, %dma_wait3A] : memref<10112x128xf32, #tpu.memory_space<vmem_shared>> -> memref<632x128xf32, #tpu.memory_space<vmem_shared>>
      %dma_wait3A_14 = arith.constant 0 : i32
      %dma_wait3A_15 = tpu.memref_slice %arg4[%mul3A_0, %dma_wait3A_14] : memref<10112x128xf32, #tpu.memory_space<hbm>> -> memref<632x128xf32, #tpu.memory_space<hbm>>
      tpu.wait_dma2 semaphore(%run_scoped3A : memref<!tpu.dma_semaphore, #tpu.memory_space<semaphore_mem>>) src(%dma_wait3A_15 : memref<632x128xf32, #tpu.memory_space<hbm>>) dst(%dma_wait3A_13 : memref<632x128xf32, #tpu.memory_space<vmem_shared>>)
      tpu.yield
    }) : () -> ()
    %barrier3A = arith.constant 0 : index
    tpu.barrier barrier_id(%barrier3A)
    %scan3A = arith.constant 0 : i32
    %scan3A_1 = arith.constant 0 : i32
    %scan3A_2 = arith.constant 27 : i32
    %scan3A_3 = arith.addi %scan3A_1, %scan3A_2 : i32
    %scan3A_4 = arith.constant 1 : i32
    scf.for %scan3A_10 = %scan3A_1 to %scan3A_3 step %scan3A_4  : i32 {
      %mul3A_11 = arith.constant 3 : i32
      %mul3A_12 = arith.muli %scan3A_10, %mul3A_11 : i32
      %add3A_13 = arith.constant 0 : i32
      %add3A_14 = arith.addi %mul3A_12, %add3A_13 : i32
      %mul3A_15 = arith.constant 16 : i32
      %mul3A_16 = arith.muli %add3A_14, %mul3A_15 : i32
      %add3A_17 = arith.addi %arg1, %mul3A_16 : i32
      %lt3A_18 = arith.constant 1250 : i32
      %lt3A_19 = arith.cmpi slt, %add3A_17, %lt3A_18 : i32
      %convert_element_type3A_20 = arith.extui %lt3A_19 : i1 to i32
      %cond3A_21 = arith.constant 0 : i32
      %cond3A_22 = arith.cmpi ne, %convert_element_type3A_20, %cond3A_21 : i32
      scf.if %cond3A_22 {
        %mul3A_70 = arith.constant 160000 : i32
        %mul3A_71 = arith.muli %arg0, %mul3A_70 : i32
        %mul3A_72 = arith.constant 16 : i32
        %mul3A_73 = arith.muli %add3A_14, %mul3A_72 : i32
        %add3A_74 = arith.addi %arg1, %mul3A_73 : i32
        %mul3A_75 = arith.constant 128 : i32
        %mul3A_76 = arith.muli %add3A_74, %mul3A_75 : i32
        %add3A_77 = arith.addi %mul3A_71, %mul3A_76 : i32
        %dma_start3A = tpu.memref_slice %arg3[%add3A_77] : memref<320000xi32, #tpu.memory_space<hbm>> -> memref<128xi32, #tpu.memory_space<hbm>>
        %dma_start3A_78 = tpu.memref_slice %arg3[%add3A_77] : memref<320000xi32, #tpu.memory_space<hbm>> -> memref<128xi32, #tpu.memory_space<hbm>>
        tpu.enqueue_dma source(%dma_start3A_78 : memref<128xi32, #tpu.memory_space<hbm>>) target(%arg6 : memref<128xi32, #tpu.memory_space<vmem>>) target_semaphore(%arg13 : memref<!tpu.dma_semaphore, #tpu.memory_space<semaphore_mem>>)
        %mul3A_79 = arith.constant 160000 : i32
        %mul3A_80 = arith.muli %arg0, %mul3A_79 : i32
        %mul3A_81 = arith.constant 16 : i32
        %mul3A_82 = arith.muli %add3A_14, %mul3A_81 : i32
        %add3A_83 = arith.addi %arg1, %mul3A_82 : i32
        %mul3A_84 = arith.constant 128 : i32
        %mul3A_85 = arith.muli %add3A_83, %mul3A_84 : i32
        %add3A_86 = arith.addi %mul3A_80, %mul3A_85 : i32
        %dma_start3A_87 = arith.constant 0 : i32
        %dma_start3A_88 = tpu.memref_slice %arg2[%add3A_86, %dma_start3A_87] : memref<320000x128xf32, #tpu.memory_space<hbm>> -> memref<128x128xf32, #tpu.memory_space<hbm>>
        %dma_start3A_89 = arith.constant 0 : i32
        %dma_start3A_90 = tpu.memref_slice %arg2[%add3A_86, %dma_start3A_89] : memref<320000x128xf32, #tpu.memory_space<hbm>> -> memref<128x128xf32, #tpu.memory_space<hbm>>
        tpu.enqueue_dma source(%dma_start3A_90 : memref<128x128xf32, #tpu.memory_space<hbm>>) target(%arg9 : memref<128x128xf32, #tpu.memory_space<vmem>>) target_semaphore(%arg13 : memref<!tpu.dma_semaphore, #tpu.memory_space<semaphore_mem>>)
      } else {
      }
      %gt3A = arith.constant 0 : i32
      %gt3A_23 = arith.cmpi sgt, %scan3A_10, %gt3A : i32
      %convert_element_type3A_24 = arith.extui %gt3A_23 : i1 to i32
      %cond3A_25 = arith.constant 0 : i32
      %cond3A_26 = arith.cmpi ne, %convert_element_type3A_24, %cond3A_25 : i32
      scf.if %cond3A_26 {
        %sub3A_70 = arith.constant 1 : i32
        %sub3A_71 = arith.subi %add3A_14, %sub3A_70 : i32
        %mul3A_72 = arith.constant 16 : i32
        %mul3A_73 = arith.muli %sub3A_71, %mul3A_72 : i32
        %add3A_74 = arith.addi %arg1, %mul3A_73 : i32
        %lt3A_75 = arith.constant 1250 : i32
        %lt3A_76 = arith.cmpi slt, %add3A_74, %lt3A_75 : i32
        %convert_element_type3A_77 = arith.extui %lt3A_76 : i1 to i32
        %cond3A_78 = arith.constant 0 : i32
        %cond3A_79 = arith.cmpi ne, %convert_element_type3A_77, %cond3A_78 : i32
        scf.if %cond3A_79 {
          %dma_wait3A = arith.constant 0 : i32
          %dma_wait3A_80 = tpu.memref_slice %arg3[%dma_wait3A] : memref<320000xi32, #tpu.memory_space<hbm>> -> memref<128xi32, #tpu.memory_space<hbm>>
          %dma_wait3A_81 = arith.constant 0 : i32
          %dma_wait3A_82 = tpu.memref_slice %arg3[%dma_wait3A_81] : memref<320000xi32, #tpu.memory_space<hbm>> -> memref<128xi32, #tpu.memory_space<hbm>>
          tpu.wait_dma2 semaphore(%arg15 : memref<!tpu.dma_semaphore, #tpu.memory_space<semaphore_mem>>) src(%dma_wait3A_82 : memref<128xi32, #tpu.memory_space<hbm>>) dst(%arg8 : memref<128xi32, #tpu.memory_space<vmem>>)
          %dma_wait3A_83 = arith.constant 0 : i32
          %dma_wait3A_84 = arith.constant 0 : i32
          %dma_wait3A_85 = tpu.memref_slice %arg2[%dma_wait3A_83, %dma_wait3A_84] : memref<320000x128xf32, #tpu.memory_space<hbm>> -> memref<128x128xf32, #tpu.memory_space<hbm>>
          %dma_wait3A_86 = arith.constant 0 : i32
          %dma_wait3A_87 = arith.constant 0 : i32
          %dma_wait3A_88 = tpu.memref_slice %arg2[%dma_wait3A_86, %dma_wait3A_87] : memref<320000x128xf32, #tpu.memory_space<hbm>> -> memref<128x128xf32, #tpu.memory_space<hbm>>
          tpu.wait_dma2 semaphore(%arg15 : memref<!tpu.dma_semaphore, #tpu.memory_space<semaphore_mem>>) src(%dma_wait3A_88 : memref<128x128xf32, #tpu.memory_space<hbm>>) dst(%arg11 : memref<128x128xf32, #tpu.memory_space<vmem>>)
          "tpu.region"() ({
            %run_scoped3A = tpu.sem_alloc : memref<!tpu.dma_semaphore, #tpu.memory_space<semaphore_mem>>
            %dma_start3A = arith.constant 0 : i32
            %dma_start3A_89 = arith.constant 0 : i32
            %dma_start3A_90 = tpu.memref_slice %arg12[%dma_start3A, %dma_start3A_89] : memref<10112x128xf32, #tpu.memory_space<vmem_shared>> -> memref<10112x128xf32, #tpu.memory_space<vmem_shared>>
            tpu.enqueue_indirect_dma source(%arg11 : memref<128x128xf32, #tpu.memory_space<vmem>>) target(%dma_start3A_90 : memref<10112x128xf32, #tpu.memory_space<vmem_shared>>) offsets(%arg8 : memref<128xi32, #tpu.memory_space<vmem>>) semaphore(%run_scoped3A : memref<!tpu.dma_semaphore, #tpu.memory_space<semaphore_mem>>) {add = true}
            %dma_wait3A_91 = arith.constant 0 : i32
            %dma_wait3A_92 = arith.constant 0 : i32
            %dma_wait3A_93 = tpu.memref_slice %arg12[%dma_wait3A_91, %dma_wait3A_92] : memref<10112x128xf32, #tpu.memory_space<vmem_shared>> -> memref<10112x128xf32, #tpu.memory_space<vmem_shared>>
            tpu.wait_indirect_dma semaphore(%run_scoped3A : memref<!tpu.dma_semaphore, #tpu.memory_space<semaphore_mem>>) src(%arg11 : memref<128x128xf32, #tpu.memory_space<vmem>>) dst(%dma_wait3A_93 : memref<10112x128xf32, #tpu.memory_space<vmem_shared>>)
            tpu.yield
          }) : () -> ()
        } else {
        }
      } else {
      }
      %mul3A_27 = arith.constant 3 : i32
      %mul3A_28 = arith.muli %scan3A_10, %mul3A_27 : i32
      %add3A_29 = arith.constant 1 : i32
      %add3A_30 = arith.addi %mul3A_28, %add3A_29 : i32
      %mul3A_31 = arith.constant 16 : i32
      %mul3A_32 = arith.muli %add3A_30, %mul3A_31 : i32
      %add3A_33 = arith.addi %arg1, %mul3A_32 : i32
      %lt3A_34 = arith.constant 1250 : i32
      %lt3A_35 = arith.cmpi slt, %add3A_33, %lt3A_34 : i32
      %convert_element_type3A_36 = arith.extui %lt3A_35 : i1 to i32
      %cond3A_37 = arith.constant 0 : i32
      %cond3A_38 = arith.cmpi ne, %convert_element_type3A_36, %cond3A_37 : i32
      scf.if %cond3A_38 {
        %mul3A_70 = arith.constant 160000 : i32
        %mul3A_71 = arith.muli %arg0, %mul3A_70 : i32
        %mul3A_72 = arith.constant 16 : i32
        %mul3A_73 = arith.muli %add3A_30, %mul3A_72 : i32
        %add3A_74 = arith.addi %arg1, %mul3A_73 : i32
        %mul3A_75 = arith.constant 128 : i32
        %mul3A_76 = arith.muli %add3A_74, %mul3A_75 : i32
        %add3A_77 = arith.addi %mul3A_71, %mul3A_76 : i32
        %dma_start3A = tpu.memref_slice %arg3[%add3A_77] : memref<320000xi32, #tpu.memory_space<hbm>> -> memref<128xi32, #tpu.memory_space<hbm>>
        %dma_start3A_78 = tpu.memref_slice %arg3[%add3A_77] : memref<320000xi32, #tpu.memory_space<hbm>> -> memref<128xi32, #tpu.memory_space<hbm>>
        tpu.enqueue_dma source(%dma_start3A_78 : memref<128xi32, #tpu.memory_space<hbm>>) target(%arg7 : memref<128xi32, #tpu.memory_space<vmem>>) target_semaphore(%arg14 : memref<!tpu.dma_semaphore, #tpu.memory_space<semaphore_mem>>)
        %mul3A_79 = arith.constant 160000 : i32
        %mul3A_80 = arith.muli %arg0, %mul3A_79 : i32
        %mul3A_81 = arith.constant 16 : i32
        %mul3A_82 = arith.muli %add3A_30, %mul3A_81 : i32
        %add3A_83 = arith.addi %arg1, %mul3A_82 : i32
        %mul3A_84 = arith.constant 128 : i32
        %mul3A_85 = arith.muli %add3A_83, %mul3A_84 : i32
        %add3A_86 = arith.addi %mul3A_80, %mul3A_85 : i32
        %dma_start3A_87 = arith.constant 0 : i32
        %dma_start3A_88 = tpu.memref_slice %arg2[%add3A_86, %dma_start3A_87] : memref<320000x128xf32, #tpu.memory_space<hbm>> -> memref<128x128xf32, #tpu.memory_space<hbm>>
        %dma_start3A_89 = arith.constant 0 : i32
        %dma_start3A_90 = tpu.memref_slice %arg2[%add3A_86, %dma_start3A_89] : memref<320000x128xf32, #tpu.memory_space<hbm>> -> memref<128x128xf32, #tpu.memory_space<hbm>>
        tpu.enqueue_dma source(%dma_start3A_90 : memref<128x128xf32, #tpu.memory_space<hbm>>) target(%arg10 : memref<128x128xf32, #tpu.memory_space<vmem>>) target_semaphore(%arg14 : memref<!tpu.dma_semaphore, #tpu.memory_space<semaphore_mem>>)
      } else {
      }
      %sub3A = arith.constant 1 : i32
      %sub3A_39 = arith.subi %add3A_30, %sub3A : i32
      %mul3A_40 = arith.constant 16 : i32
      %mul3A_41 = arith.muli %sub3A_39, %mul3A_40 : i32
      %add3A_42 = arith.addi %arg1, %mul3A_41 : i32
      %lt3A_43 = arith.constant 1250 : i32
      %lt3A_44 = arith.cmpi slt, %add3A_42, %lt3A_43 : i32
      %convert_element_type3A_45 = arith.extui %lt3A_44 : i1 to i32
      %cond3A_46 = arith.constant 0 : i32
      %cond3A_47 = arith.cmpi ne, %convert_element_type3A_45, %cond3A_46 : i32
      scf.if %cond3A_47 {
        %dma_wait3A = arith.constant 0 : i32
        %dma_wait3A_70 = tpu.memref_slice %arg3[%dma_wait3A] : memref<320000xi32, #tpu.memory_space<hbm>> -> memref<128xi32, #tpu.memory_space<hbm>>
        %dma_wait3A_71 = arith.constant 0 : i32
        %dma_wait3A_72 = tpu.memref_slice %arg3[%dma_wait3A_71] : memref<320000xi32, #tpu.memory_space<hbm>> -> memref<128xi32, #tpu.memory_space<hbm>>
        tpu.wait_dma2 semaphore(%arg13 : memref<!tpu.dma_semaphore, #tpu.memory_space<semaphore_mem>>) src(%dma_wait3A_72 : memref<128xi32, #tpu.memory_space<hbm>>) dst(%arg6 : memref<128xi32, #tpu.memory_space<vmem>>)
        %dma_wait3A_73 = arith.constant 0 : i32
        %dma_wait3A_74 = arith.constant 0 : i32
        %dma_wait3A_75 = tpu.memref_slice %arg2[%dma_wait3A_73, %dma_wait3A_74] : memref<320000x128xf32, #tpu.memory_space<hbm>> -> memref<128x128xf32, #tpu.memory_space<hbm>>
        %dma_wait3A_76 = arith.constant 0 : i32
        %dma_wait3A_77 = arith.constant 0 : i32
        %dma_wait3A_78 = tpu.memref_slice %arg2[%dma_wait3A_76, %dma_wait3A_77] : memref<320000x128xf32, #tpu.memory_space<hbm>> -> memref<128x128xf32, #tpu.memory_space<hbm>>
        tpu.wait_dma2 semaphore(%arg13 : memref<!tpu.dma_semaphore, #tpu.memory_space<semaphore_mem>>) src(%dma_wait3A_78 : memref<128x128xf32, #tpu.memory_space<hbm>>) dst(%arg9 : memref<128x128xf32, #tpu.memory_space<vmem>>)
        "tpu.region"() ({
          %run_scoped3A = tpu.sem_alloc : memref<!tpu.dma_semaphore, #tpu.memory_space<semaphore_mem>>
          %dma_start3A = arith.constant 0 : i32
          %dma_start3A_79 = arith.constant 0 : i32
          %dma_start3A_80 = tpu.memref_slice %arg12[%dma_start3A, %dma_start3A_79] : memref<10112x128xf32, #tpu.memory_space<vmem_shared>> -> memref<10112x128xf32, #tpu.memory_space<vmem_shared>>
          tpu.enqueue_indirect_dma source(%arg9 : memref<128x128xf32, #tpu.memory_space<vmem>>) target(%dma_start3A_80 : memref<10112x128xf32, #tpu.memory_space<vmem_shared>>) offsets(%arg6 : memref<128xi32, #tpu.memory_space<vmem>>) semaphore(%run_scoped3A : memref<!tpu.dma_semaphore, #tpu.memory_space<semaphore_mem>>) {add = true}
          %dma_wait3A_81 = arith.constant 0 : i32
          %dma_wait3A_82 = arith.constant 0 : i32
          %dma_wait3A_83 = tpu.memref_slice %arg12[%dma_wait3A_81, %dma_wait3A_82] : memref<10112x128xf32, #tpu.memory_space<vmem_shared>> -> memref<10112x128xf32, #tpu.memory_space<vmem_shared>>
          tpu.wait_indirect_dma semaphore(%run_scoped3A : memref<!tpu.dma_semaphore, #tpu.memory_space<semaphore_mem>>) src(%arg9 : memref<128x128xf32, #tpu.memory_space<vmem>>) dst(%dma_wait3A_83 : memref<10112x128xf32, #tpu.memory_space<vmem_shared>>)
          tpu.yield
        }) : () -> ()
      } else {
      }
      %mul3A_48 = arith.constant 3 : i32
      %mul3A_49 = arith.muli %scan3A_10, %mul3A_48 : i32
      %add3A_50 = arith.constant 2 : i32
      %add3A_51 = arith.addi %mul3A_49, %add3A_50 : i32
      %mul3A_52 = arith.constant 16 : i32
      %mul3A_53 = arith.muli %add3A_51, %mul3A_52 : i32
      %add3A_54 = arith.addi %arg1, %mul3A_53 : i32
      %lt3A_55 = arith.constant 1250 : i32
      %lt3A_56 = arith.cmpi slt, %add3A_54, %lt3A_55 : i32
      %convert_element_type3A_57 = arith.extui %lt3A_56 : i1 to i32
      %cond3A_58 = arith.constant 0 : i32
      %cond3A_59 = arith.cmpi ne, %convert_element_type3A_57, %cond3A_58 : i32
      scf.if %cond3A_59 {
        %mul3A_70 = arith.constant 160000 : i32
        %mul3A_71 = arith.muli %arg0, %mul3A_70 : i32
        %mul3A_72 = arith.constant 16 : i32
        %mul3A_73 = arith.muli %add3A_51, %mul3A_72 : i32
        %add3A_74 = arith.addi %arg1, %mul3A_73 : i32
        %mul3A_75 = arith.constant 128 : i32
        %mul3A_76 = arith.muli %add3A_74, %mul3A_75 : i32
        %add3A_77 = arith.addi %mul3A_71, %mul3A_76 : i32
        %dma_start3A = tpu.memref_slice %arg3[%add3A_77] : memref<320000xi32, #tpu.memory_space<hbm>> -> memref<128xi32, #tpu.memory_space<hbm>>
        %dma_start3A_78 = tpu.memref_slice %arg3[%add3A_77] : memref<320000xi32, #tpu.memory_space<hbm>> -> memref<128xi32, #tpu.memory_space<hbm>>
        tpu.enqueue_dma source(%dma_start3A_78 : memref<128xi32, #tpu.memory_space<hbm>>) target(%arg8 : memref<128xi32, #tpu.memory_space<vmem>>) target_semaphore(%arg15 : memref<!tpu.dma_semaphore, #tpu.memory_space<semaphore_mem>>)
        %mul3A_79 = arith.constant 160000 : i32
        %mul3A_80 = arith.muli %arg0, %mul3A_79 : i32
        %mul3A_81 = arith.constant 16 : i32
        %mul3A_82 = arith.muli %add3A_51, %mul3A_81 : i32
        %add3A_83 = arith.addi %arg1, %mul3A_82 : i32
        %mul3A_84 = arith.constant 128 : i32
        %mul3A_85 = arith.muli %add3A_83, %mul3A_84 : i32
        %add3A_86 = arith.addi %mul3A_80, %mul3A_85 : i32
        %dma_start3A_87 = arith.constant 0 : i32
        %dma_start3A_88 = tpu.memref_slice %arg2[%add3A_86, %dma_start3A_87] : memref<320000x128xf32, #tpu.memory_space<hbm>> -> memref<128x128xf32, #tpu.memory_space<hbm>>
        %dma_start3A_89 = arith.constant 0 : i32
        %dma_start3A_90 = tpu.memref_slice %arg2[%add3A_86, %dma_start3A_89] : memref<320000x128xf32, #tpu.memory_space<hbm>> -> memref<128x128xf32, #tpu.memory_space<hbm>>
        tpu.enqueue_dma source(%dma_start3A_90 : memref<128x128xf32, #tpu.memory_space<hbm>>) target(%arg11 : memref<128x128xf32, #tpu.memory_space<vmem>>) target_semaphore(%arg15 : memref<!tpu.dma_semaphore, #tpu.memory_space<semaphore_mem>>)
      } else {
      }
      %sub3A_60 = arith.constant 1 : i32
      %sub3A_61 = arith.subi %add3A_51, %sub3A_60 : i32
      %mul3A_62 = arith.constant 16 : i32
      %mul3A_63 = arith.muli %sub3A_61, %mul3A_62 : i32
      %add3A_64 = arith.addi %arg1, %mul3A_63 : i32
      %lt3A_65 = arith.constant 1250 : i32
      %lt3A_66 = arith.cmpi slt, %add3A_64, %lt3A_65 : i32
      %convert_element_type3A_67 = arith.extui %lt3A_66 : i1 to i32
      %cond3A_68 = arith.constant 0 : i32
      %cond3A_69 = arith.cmpi ne, %convert_element_type3A_67, %cond3A_68 : i32
      scf.if %cond3A_69 {
        %dma_wait3A = arith.constant 0 : i32
        %dma_wait3A_70 = tpu.memref_slice %arg3[%dma_wait3A] : memref<320000xi32, #tpu.memory_space<hbm>> -> memref<128xi32, #tpu.memory_space<hbm>>
        %dma_wait3A_71 = arith.constant 0 : i32
        %dma_wait3A_72 = tpu.memref_slice %arg3[%dma_wait3A_71] : memref<320000xi32, #tpu.memory_space<hbm>> -> memref<128xi32, #tpu.memory_space<hbm>>
        tpu.wait_dma2 semaphore(%arg14 : memref<!tpu.dma_semaphore, #tpu.memory_space<semaphore_mem>>) src(%dma_wait3A_72 : memref<128xi32, #tpu.memory_space<hbm>>) dst(%arg7 : memref<128xi32, #tpu.memory_space<vmem>>)
        %dma_wait3A_73 = arith.constant 0 : i32
        %dma_wait3A_74 = arith.constant 0 : i32
        %dma_wait3A_75 = tpu.memref_slice %arg2[%dma_wait3A_73, %dma_wait3A_74] : memref<320000x128xf32, #tpu.memory_space<hbm>> -> memref<128x128xf32, #tpu.memory_space<hbm>>
        %dma_wait3A_76 = arith.constant 0 : i32
        %dma_wait3A_77 = arith.constant 0 : i32
        %dma_wait3A_78 = tpu.memref_slice %arg2[%dma_wait3A_76, %dma_wait3A_77] : memref<320000x128xf32, #tpu.memory_space<hbm>> -> memref<128x128xf32, #tpu.memory_space<hbm>>
        tpu.wait_dma2 semaphore(%arg14 : memref<!tpu.dma_semaphore, #tpu.memory_space<semaphore_mem>>) src(%dma_wait3A_78 : memref<128x128xf32, #tpu.memory_space<hbm>>) dst(%arg10 : memref<128x128xf32, #tpu.memory_space<vmem>>)
        "tpu.region"() ({
          %run_scoped3A = tpu.sem_alloc : memref<!tpu.dma_semaphore, #tpu.memory_space<semaphore_mem>>
          %dma_start3A = arith.constant 0 : i32
          %dma_start3A_79 = arith.constant 0 : i32
          %dma_start3A_80 = tpu.memref_slice %arg12[%dma_start3A, %dma_start3A_79] : memref<10112x128xf32, #tpu.memory_space<vmem_shared>> -> memref<10112x128xf32, #tpu.memory_space<vmem_shared>>
          tpu.enqueue_indirect_dma source(%arg10 : memref<128x128xf32, #tpu.memory_space<vmem>>) target(%dma_start3A_80 : memref<10112x128xf32, #tpu.memory_space<vmem_shared>>) offsets(%arg7 : memref<128xi32, #tpu.memory_space<vmem>>) semaphore(%run_scoped3A : memref<!tpu.dma_semaphore, #tpu.memory_space<semaphore_mem>>) {add = true}
          %dma_wait3A_81 = arith.constant 0 : i32
          %dma_wait3A_82 = arith.constant 0 : i32
          %dma_wait3A_83 = tpu.memref_slice %arg12[%dma_wait3A_81, %dma_wait3A_82] : memref<10112x128xf32, #tpu.memory_space<vmem_shared>> -> memref<10112x128xf32, #tpu.memory_space<vmem_shared>>
          tpu.wait_indirect_dma semaphore(%run_scoped3A : memref<!tpu.dma_semaphore, #tpu.memory_space<semaphore_mem>>) src(%arg10 : memref<128x128xf32, #tpu.memory_space<vmem>>) dst(%dma_wait3A_83 : memref<10112x128xf32, #tpu.memory_space<vmem_shared>>)
          tpu.yield
        }) : () -> ()
      } else {
      }
    }
    %scan3A_5 = arith.constant 27 : i32
    %add3A = arith.constant 1280 : i32
    %add3A_6 = arith.addi %arg1, %add3A : i32
    %lt3A = arith.constant 1250 : i32
    %lt3A_7 = arith.cmpi slt, %add3A_6, %lt3A : i32
    %convert_element_type3A = arith.extui %lt3A_7 : i1 to i32
    %cond3A = arith.constant 0 : i32
    %cond3A_8 = arith.cmpi ne, %convert_element_type3A, %cond3A : i32
    scf.if %cond3A_8 {
      %dma_wait3A = arith.constant 0 : i32
      %dma_wait3A_10 = tpu.memref_slice %arg3[%dma_wait3A] : memref<320000xi32, #tpu.memory_space<hbm>> -> memref<128xi32, #tpu.memory_space<hbm>>
      %dma_wait3A_11 = arith.constant 0 : i32
      %dma_wait3A_12 = tpu.memref_slice %arg3[%dma_wait3A_11] : memref<320000xi32, #tpu.memory_space<hbm>> -> memref<128xi32, #tpu.memory_space<hbm>>
      tpu.wait_dma2 semaphore(%arg15 : memref<!tpu.dma_semaphore, #tpu.memory_space<semaphore_mem>>) src(%dma_wait3A_12 : memref<128xi32, #tpu.memory_space<hbm>>) dst(%arg8 : memref<128xi32, #tpu.memory_space<vmem>>)
      %dma_wait3A_13 = arith.constant 0 : i32
      %dma_wait3A_14 = arith.constant 0 : i32
      %dma_wait3A_15 = tpu.memref_slice %arg2[%dma_wait3A_13, %dma_wait3A_14] : memref<320000x128xf32, #tpu.memory_space<hbm>> -> memref<128x128xf32, #tpu.memory_space<hbm>>
      %dma_wait3A_16 = arith.constant 0 : i32
      %dma_wait3A_17 = arith.constant 0 : i32
      %dma_wait3A_18 = tpu.memref_slice %arg2[%dma_wait3A_16, %dma_wait3A_17] : memref<320000x128xf32, #tpu.memory_space<hbm>> -> memref<128x128xf32, #tpu.memory_space<hbm>>
      tpu.wait_dma2 semaphore(%arg15 : memref<!tpu.dma_semaphore, #tpu.memory_space<semaphore_mem>>) src(%dma_wait3A_18 : memref<128x128xf32, #tpu.memory_space<hbm>>) dst(%arg11 : memref<128x128xf32, #tpu.memory_space<vmem>>)
      "tpu.region"() ({
        %run_scoped3A = tpu.sem_alloc : memref<!tpu.dma_semaphore, #tpu.memory_space<semaphore_mem>>
        %dma_start3A = arith.constant 0 : i32
        %dma_start3A_19 = arith.constant 0 : i32
        %dma_start3A_20 = tpu.memref_slice %arg12[%dma_start3A, %dma_start3A_19] : memref<10112x128xf32, #tpu.memory_space<vmem_shared>> -> memref<10112x128xf32, #tpu.memory_space<vmem_shared>>
        tpu.enqueue_indirect_dma source(%arg11 : memref<128x128xf32, #tpu.memory_space<vmem>>) target(%dma_start3A_20 : memref<10112x128xf32, #tpu.memory_space<vmem_shared>>) offsets(%arg8 : memref<128xi32, #tpu.memory_space<vmem>>) semaphore(%run_scoped3A : memref<!tpu.dma_semaphore, #tpu.memory_space<semaphore_mem>>) {add = true}
        %dma_wait3A_21 = arith.constant 0 : i32
        %dma_wait3A_22 = arith.constant 0 : i32
        %dma_wait3A_23 = tpu.memref_slice %arg12[%dma_wait3A_21, %dma_wait3A_22] : memref<10112x128xf32, #tpu.memory_space<vmem_shared>> -> memref<10112x128xf32, #tpu.memory_space<vmem_shared>>
        tpu.wait_indirect_dma semaphore(%run_scoped3A : memref<!tpu.dma_semaphore, #tpu.memory_space<semaphore_mem>>) src(%arg11 : memref<128x128xf32, #tpu.memory_space<vmem>>) dst(%dma_wait3A_23 : memref<10112x128xf32, #tpu.memory_space<vmem_shared>>)
        tpu.yield
      }) : () -> ()
    } else {
    }
    %barrier3A_9 = arith.constant 0 : index
    tpu.barrier barrier_id(%barrier3A_9)
    "tpu.region"() ({
      %run_scoped3A = tpu.sem_alloc : memref<!tpu.dma_semaphore, #tpu.memory_space<semaphore_mem>>
      %dma_start3A = arith.constant 0 : i32
      %dma_start3A_10 = tpu.memref_slice %arg5[%arg0, %mul3A_0, %dma_start3A] : memref<2x10112x128xf32, #tpu.memory_space<hbm>> -> memref<1x632x128xf32, #tpu.memory_space<hbm>>
      %dma_start3A_11 = tpu.memref_squeeze %dma_start3A_10 : memref<1x632x128xf32, #tpu.memory_space<hbm>> -> memref<632x128xf32, #tpu.memory_space<hbm>>
      %dma_start3A_12 = arith.constant 0 : i32
      %dma_start3A_13 = tpu.memref_slice %arg12[%mul3A_0, %dma_start3A_12] : memref<10112x128xf32, #tpu.memory_space<vmem_shared>> -> memref<632x128xf32, #tpu.memory_space<vmem_shared>>
      tpu.enqueue_dma source(%dma_start3A_13 : memref<632x128xf32, #tpu.memory_space<vmem_shared>>) target(%dma_start3A_11 : memref<632x128xf32, #tpu.memory_space<hbm>>) target_semaphore(%run_scoped3A : memref<!tpu.dma_semaphore, #tpu.memory_space<semaphore_mem>>)
      %dma_wait3A = arith.constant 0 : i32
      %dma_wait3A_14 = tpu.memref_slice %arg5[%arg0, %mul3A_0, %dma_wait3A] : memref<2x10112x128xf32, #tpu.memory_space<hbm>> -> memref<1x632x128xf32, #tpu.memory_space<hbm>>
      %dma_wait3A_15 = tpu.memref_squeeze %dma_wait3A_14 : memref<1x632x128xf32, #tpu.memory_space<hbm>> -> memref<632x128xf32, #tpu.memory_space<hbm>>
      %dma_wait3A_16 = arith.constant 0 : i32
      %dma_wait3A_17 = tpu.memref_slice %arg12[%mul3A_0, %dma_wait3A_16] : memref<10112x128xf32, #tpu.memory_space<vmem_shared>> -> memref<632x128xf32, #tpu.memory_space<vmem_shared>>
      tpu.wait_dma2 semaphore(%run_scoped3A : memref<!tpu.dma_semaphore, #tpu.memory_space<semaphore_mem>>) src(%dma_wait3A_17 : memref<632x128xf32, #tpu.memory_space<vmem_shared>>) dst(%dma_wait3A_15 : memref<632x128xf32, #tpu.memory_space<hbm>>)
      tpu.yield
    }) : () -> ()
    return
  }
}

#map = affine_map<(d0, d1) -> (0, 0)>
#map1 = affine_map<(d0, d1) -> (0)>
#map2 = affine_map<(d0, d1) -> (0, 0, 0)>
module attributes {stable_mosaic.version = 14 : i64} {
  func.func @sk(%arg0: i32, %arg1: i32, %arg2: memref<320000x128xf32, #tpu.memory_space<hbm>>, %arg3: memref<320000xi32, #tpu.memory_space<hbm>>, %arg4: memref<10112x128xf32, #tpu.memory_space<hbm>>, %arg5: memref<2x10112x128xf32, #tpu.memory_space<hbm>>, %arg6: memref<128xi32, #tpu.memory_space<vmem>>, %arg7: memref<128xi32, #tpu.memory_space<vmem>>, %arg8: memref<128xi32, #tpu.memory_space<vmem>>, %arg9: memref<128x128xf32, #tpu.memory_space<vmem>>, %arg10: memref<128x128xf32, #tpu.memory_space<vmem>>, %arg11: memref<128x128xf32, #tpu.memory_space<vmem>>, %arg12: memref<10112x128xf32, #tpu.memory_space<vmem_shared>>, %arg13: memref<!tpu.dma_semaphore, #tpu.memory_space<semaphore_mem>>, %arg14: memref<!tpu.dma_semaphore, #tpu.memory_space<semaphore_mem>>, %arg15: memref<!tpu.dma_semaphore, #tpu.memory_space<semaphore_mem>>) attributes {dimension_semantics = [#tpu.dimension_semantics<core_parallel>, #tpu.dimension_semantics<subcore_parallel>], iteration_bounds = array<i64: 2, 16>, scalar_prefetch = 0 : i64, scratch_operands = 10 : i64, tpu.core_type = #tpu.core_type<sc_vector_subcore>, window_params = [{transform_indices = #map}, {transform_indices = #map1}, {transform_indices = #map}, {transform_indices = #map2}]} {
    %mul3A = arith.constant 632 : i32
    %mul3A_0 = arith.muli %arg1, %mul3A : i32
    "tpu.region"() ({
      %run_scoped3A = tpu.sem_alloc : memref<!tpu.dma_semaphore, #tpu.memory_space<semaphore_mem>>
      %dma_start3A = arith.constant 0 : i32
      %dma_start3A_10 = tpu.memref_slice %arg12[%mul3A_0, %dma_start3A] : memref<10112x128xf32, #tpu.memory_space<vmem_shared>> -> memref<632x128xf32, #tpu.memory_space<vmem_shared>>
      %dma_start3A_11 = arith.constant 0 : i32
      %dma_start3A_12 = tpu.memref_slice %arg4[%mul3A_0, %dma_start3A_11] : memref<10112x128xf32, #tpu.memory_space<hbm>> -> memref<632x128xf32, #tpu.memory_space<hbm>>
      tpu.enqueue_dma source(%dma_start3A_12 : memref<632x128xf32, #tpu.memory_space<hbm>>) target(%dma_start3A_10 : memref<632x128xf32, #tpu.memory_space<vmem_shared>>) target_semaphore(%run_scoped3A : memref<!tpu.dma_semaphore, #tpu.memory_space<semaphore_mem>>)
      %dma_wait3A = arith.constant 0 : i32
      %dma_wait3A_13 = tpu.memref_slice %arg12[%mul3A_0, %dma_wait3A] : memref<10112x128xf32, #tpu.memory_space<vmem_shared>> -> memref<632x128xf32, #tpu.memory_space<vmem_shared>>
      %dma_wait3A_14 = arith.constant 0 : i32
      %dma_wait3A_15 = tpu.memref_slice %arg4[%mul3A_0, %dma_wait3A_14] : memref<10112x128xf32, #tpu.memory_space<hbm>> -> memref<632x128xf32, #tpu.memory_space<hbm>>
      tpu.wait_dma2 semaphore(%run_scoped3A : memref<!tpu.dma_semaphore, #tpu.memory_space<semaphore_mem>>) src(%dma_wait3A_15 : memref<632x128xf32, #tpu.memory_space<hbm>>) dst(%dma_wait3A_13 : memref<632x128xf32, #tpu.memory_space<vmem_shared>>)
      tpu.yield
    }) : () -> ()
    %barrier3A = arith.constant 0 : index
    tpu.barrier barrier_id(%barrier3A)
    %scan3A = arith.constant 0 : i32
    %scan3A_1 = arith.constant 0 : i32
    %scan3A_2 = arith.constant 27 : i32
    %scan3A_3 = arith.addi %scan3A_1, %scan3A_2 : i32
    %scan3A_4 = arith.constant 1 : i32
    scf.for %scan3A_10 = %scan3A_1 to %scan3A_3 step %scan3A_4  : i32 {
      %mul3A_11 = arith.constant 3 : i32
      %mul3A_12 = arith.muli %scan3A_10, %mul3A_11 : i32
      %add3A_13 = arith.constant 0 : i32
      %add3A_14 = arith.addi %mul3A_12, %add3A_13 : i32
      %mul3A_15 = arith.constant 16 : i32
      %mul3A_16 = arith.muli %add3A_14, %mul3A_15 : i32
      %add3A_17 = arith.addi %arg1, %mul3A_16 : i32
      %lt3A_18 = arith.constant 1250 : i32
      %lt3A_19 = arith.cmpi slt, %add3A_17, %lt3A_18 : i32
      %convert_element_type3A_20 = arith.extui %lt3A_19 : i1 to i32
      %cond3A_21 = arith.constant 0 : i32
      %cond3A_22 = arith.cmpi ne, %convert_element_type3A_20, %cond3A_21 : i32
      scf.if %cond3A_22 {
        %mul3A_70 = arith.constant 160000 : i32
        %mul3A_71 = arith.muli %arg0, %mul3A_70 : i32
        %mul3A_72 = arith.constant 16 : i32
        %mul3A_73 = arith.muli %add3A_14, %mul3A_72 : i32
        %add3A_74 = arith.addi %arg1, %mul3A_73 : i32
        %mul3A_75 = arith.constant 128 : i32
        %mul3A_76 = arith.muli %add3A_74, %mul3A_75 : i32
        %add3A_77 = arith.addi %mul3A_71, %mul3A_76 : i32
        %dma_start3A = tpu.memref_slice %arg3[%add3A_77] : memref<320000xi32, #tpu.memory_space<hbm>> -> memref<128xi32, #tpu.memory_space<hbm>>
        %dma_start3A_78 = tpu.memref_slice %arg3[%add3A_77] : memref<320000xi32, #tpu.memory_space<hbm>> -> memref<128xi32, #tpu.memory_space<hbm>>
        tpu.enqueue_dma source(%dma_start3A_78 : memref<128xi32, #tpu.memory_space<hbm>>) target(%arg6 : memref<128xi32, #tpu.memory_space<vmem>>) target_semaphore(%arg13 : memref<!tpu.dma_semaphore, #tpu.memory_space<semaphore_mem>>)
        %mul3A_79 = arith.constant 160000 : i32
        %mul3A_80 = arith.muli %arg0, %mul3A_79 : i32
        %mul3A_81 = arith.constant 16 : i32
        %mul3A_82 = arith.muli %add3A_14, %mul3A_81 : i32
        %add3A_83 = arith.addi %arg1, %mul3A_82 : i32
        %mul3A_84 = arith.constant 128 : i32
        %mul3A_85 = arith.muli %add3A_83, %mul3A_84 : i32
        %add3A_86 = arith.addi %mul3A_80, %mul3A_85 : i32
        %dma_start3A_87 = arith.constant 0 : i32
        %dma_start3A_88 = tpu.memref_slice %arg2[%add3A_86, %dma_start3A_87] : memref<320000x128xf32, #tpu.memory_space<hbm>> -> memref<128x128xf32, #tpu.memory_space<hbm>>
        %dma_start3A_89 = arith.constant 0 : i32
        %dma_start3A_90 = tpu.memref_slice %arg2[%add3A_86, %dma_start3A_89] : memref<320000x128xf32, #tpu.memory_space<hbm>> -> memref<128x128xf32, #tpu.memory_space<hbm>>
        tpu.enqueue_dma source(%dma_start3A_90 : memref<128x128xf32, #tpu.memory_space<hbm>>) target(%arg9 : memref<128x128xf32, #tpu.memory_space<vmem>>) target_semaphore(%arg13 : memref<!tpu.dma_semaphore, #tpu.memory_space<semaphore_mem>>)
      } else {
      }
      %gt3A = arith.constant 0 : i32
      %gt3A_23 = arith.cmpi sgt, %scan3A_10, %gt3A : i32
      %convert_element_type3A_24 = arith.extui %gt3A_23 : i1 to i32
      %cond3A_25 = arith.constant 0 : i32
      %cond3A_26 = arith.cmpi ne, %convert_element_type3A_24, %cond3A_25 : i32
      scf.if %cond3A_26 {
        %sub3A_70 = arith.constant 1 : i32
        %sub3A_71 = arith.subi %add3A_14, %sub3A_70 : i32
        %mul3A_72 = arith.constant 16 : i32
        %mul3A_73 = arith.muli %sub3A_71, %mul3A_72 : i32
        %add3A_74 = arith.addi %arg1, %mul3A_73 : i32
        %lt3A_75 = arith.constant 1250 : i32
        %lt3A_76 = arith.cmpi slt, %add3A_74, %lt3A_75 : i32
        %convert_element_type3A_77 = arith.extui %lt3A_76 : i1 to i32
        %cond3A_78 = arith.constant 0 : i32
        %cond3A_79 = arith.cmpi ne, %convert_element_type3A_77, %cond3A_78 : i32
        scf.if %cond3A_79 {
          %dma_wait3A = arith.constant 0 : i32
          %dma_wait3A_80 = tpu.memref_slice %arg3[%dma_wait3A] : memref<320000xi32, #tpu.memory_space<hbm>> -> memref<128xi32, #tpu.memory_space<hbm>>
          %dma_wait3A_81 = arith.constant 0 : i32
          %dma_wait3A_82 = tpu.memref_slice %arg3[%dma_wait3A_81] : memref<320000xi32, #tpu.memory_space<hbm>> -> memref<128xi32, #tpu.memory_space<hbm>>
          tpu.wait_dma2 semaphore(%arg15 : memref<!tpu.dma_semaphore, #tpu.memory_space<semaphore_mem>>) src(%dma_wait3A_82 : memref<128xi32, #tpu.memory_space<hbm>>) dst(%arg8 : memref<128xi32, #tpu.memory_space<vmem>>)
          %dma_wait3A_83 = arith.constant 0 : i32
          %dma_wait3A_84 = arith.constant 0 : i32
          %dma_wait3A_85 = tpu.memref_slice %arg2[%dma_wait3A_83, %dma_wait3A_84] : memref<320000x128xf32, #tpu.memory_space<hbm>> -> memref<128x128xf32, #tpu.memory_space<hbm>>
          %dma_wait3A_86 = arith.constant 0 : i32
          %dma_wait3A_87 = arith.constant 0 : i32
          %dma_wait3A_88 = tpu.memref_slice %arg2[%dma_wait3A_86, %dma_wait3A_87] : memref<320000x128xf32, #tpu.memory_space<hbm>> -> memref<128x128xf32, #tpu.memory_space<hbm>>
          tpu.wait_dma2 semaphore(%arg15 : memref<!tpu.dma_semaphore, #tpu.memory_space<semaphore_mem>>) src(%dma_wait3A_88 : memref<128x128xf32, #tpu.memory_space<hbm>>) dst(%arg11 : memref<128x128xf32, #tpu.memory_space<vmem>>)
          "tpu.region"() ({
            %run_scoped3A = tpu.sem_alloc : memref<!tpu.dma_semaphore, #tpu.memory_space<semaphore_mem>>
            %dma_start3A = arith.constant 0 : i32
            %dma_start3A_89 = arith.constant 0 : i32
            %dma_start3A_90 = tpu.memref_slice %arg12[%dma_start3A, %dma_start3A_89] : memref<10112x128xf32, #tpu.memory_space<vmem_shared>> -> memref<10112x128xf32, #tpu.memory_space<vmem_shared>>
            tpu.enqueue_indirect_dma source(%arg11 : memref<128x128xf32, #tpu.memory_space<vmem>>) target(%dma_start3A_90 : memref<10112x128xf32, #tpu.memory_space<vmem_shared>>) offsets(%arg8 : memref<128xi32, #tpu.memory_space<vmem>>) semaphore(%run_scoped3A : memref<!tpu.dma_semaphore, #tpu.memory_space<semaphore_mem>>) {add = true}
            %dma_wait3A_91 = arith.constant 0 : i32
            %dma_wait3A_92 = arith.constant 0 : i32
            %dma_wait3A_93 = tpu.memref_slice %arg12[%dma_wait3A_91, %dma_wait3A_92] : memref<10112x128xf32, #tpu.memory_space<vmem_shared>> -> memref<10112x128xf32, #tpu.memory_space<vmem_shared>>
            tpu.wait_indirect_dma semaphore(%run_scoped3A : memref<!tpu.dma_semaphore, #tpu.memory_space<semaphore_mem>>) src(%arg11 : memref<128x128xf32, #tpu.memory_space<vmem>>) dst(%dma_wait3A_93 : memref<10112x128xf32, #tpu.memory_space<vmem_shared>>)
            tpu.yield
          }) : () -> ()
        } else {
        }
      } else {
      }
      %mul3A_27 = arith.constant 3 : i32
      %mul3A_28 = arith.muli %scan3A_10, %mul3A_27 : i32
      %add3A_29 = arith.constant 1 : i32
      %add3A_30 = arith.addi %mul3A_28, %add3A_29 : i32
      %mul3A_31 = arith.constant 16 : i32
      %mul3A_32 = arith.muli %add3A_30, %mul3A_31 : i32
      %add3A_33 = arith.addi %arg1, %mul3A_32 : i32
      %lt3A_34 = arith.constant 1250 : i32
      %lt3A_35 = arith.cmpi slt, %add3A_33, %lt3A_34 : i32
      %convert_element_type3A_36 = arith.extui %lt3A_35 : i1 to i32
      %cond3A_37 = arith.constant 0 : i32
      %cond3A_38 = arith.cmpi ne, %convert_element_type3A_36, %cond3A_37 : i32
      scf.if %cond3A_38 {
        %mul3A_70 = arith.constant 160000 : i32
        %mul3A_71 = arith.muli %arg0, %mul3A_70 : i32
        %mul3A_72 = arith.constant 16 : i32
        %mul3A_73 = arith.muli %add3A_30, %mul3A_72 : i32
        %add3A_74 = arith.addi %arg1, %mul3A_73 : i32
        %mul3A_75 = arith.constant 128 : i32
        %mul3A_76 = arith.muli %add3A_74, %mul3A_75 : i32
        %add3A_77 = arith.addi %mul3A_71, %mul3A_76 : i32
        %dma_start3A = tpu.memref_slice %arg3[%add3A_77] : memref<320000xi32, #tpu.memory_space<hbm>> -> memref<128xi32, #tpu.memory_space<hbm>>
        %dma_start3A_78 = tpu.memref_slice %arg3[%add3A_77] : memref<320000xi32, #tpu.memory_space<hbm>> -> memref<128xi32, #tpu.memory_space<hbm>>
        tpu.enqueue_dma source(%dma_start3A_78 : memref<128xi32, #tpu.memory_space<hbm>>) target(%arg7 : memref<128xi32, #tpu.memory_space<vmem>>) target_semaphore(%arg14 : memref<!tpu.dma_semaphore, #tpu.memory_space<semaphore_mem>>)
        %mul3A_79 = arith.constant 160000 : i32
        %mul3A_80 = arith.muli %arg0, %mul3A_79 : i32
        %mul3A_81 = arith.constant 16 : i32
        %mul3A_82 = arith.muli %add3A_30, %mul3A_81 : i32
        %add3A_83 = arith.addi %arg1, %mul3A_82 : i32
        %mul3A_84 = arith.constant 128 : i32
        %mul3A_85 = arith.muli %add3A_83, %mul3A_84 : i32
        %add3A_86 = arith.addi %mul3A_80, %mul3A_85 : i32
        %dma_start3A_87 = arith.constant 0 : i32
        %dma_start3A_88 = tpu.memref_slice %arg2[%add3A_86, %dma_start3A_87] : memref<320000x128xf32, #tpu.memory_space<hbm>> -> memref<128x128xf32, #tpu.memory_space<hbm>>
        %dma_start3A_89 = arith.constant 0 : i32
        %dma_start3A_90 = tpu.memref_slice %arg2[%add3A_86, %dma_start3A_89] : memref<320000x128xf32, #tpu.memory_space<hbm>> -> memref<128x128xf32, #tpu.memory_space<hbm>>
        tpu.enqueue_dma source(%dma_start3A_90 : memref<128x128xf32, #tpu.memory_space<hbm>>) target(%arg10 : memref<128x128xf32, #tpu.memory_space<vmem>>) target_semaphore(%arg14 : memref<!tpu.dma_semaphore, #tpu.memory_space<semaphore_mem>>)
      } else {
      }
      %sub3A = arith.constant 1 : i32
      %sub3A_39 = arith.subi %add3A_30, %sub3A : i32
      %mul3A_40 = arith.constant 16 : i32
      %mul3A_41 = arith.muli %sub3A_39, %mul3A_40 : i32
      %add3A_42 = arith.addi %arg1, %mul3A_41 : i32
      %lt3A_43 = arith.constant 1250 : i32
      %lt3A_44 = arith.cmpi slt, %add3A_42, %lt3A_43 : i32
      %convert_element_type3A_45 = arith.extui %lt3A_44 : i1 to i32
      %cond3A_46 = arith.constant 0 : i32
      %cond3A_47 = arith.cmpi ne, %convert_element_type3A_45, %cond3A_46 : i32
      scf.if %cond3A_47 {
        %dma_wait3A = arith.constant 0 : i32
        %dma_wait3A_70 = tpu.memref_slice %arg3[%dma_wait3A] : memref<320000xi32, #tpu.memory_space<hbm>> -> memref<128xi32, #tpu.memory_space<hbm>>
        %dma_wait3A_71 = arith.constant 0 : i32
        %dma_wait3A_72 = tpu.memref_slice %arg3[%dma_wait3A_71] : memref<320000xi32, #tpu.memory_space<hbm>> -> memref<128xi32, #tpu.memory_space<hbm>>
        tpu.wait_dma2 semaphore(%arg13 : memref<!tpu.dma_semaphore, #tpu.memory_space<semaphore_mem>>) src(%dma_wait3A_72 : memref<128xi32, #tpu.memory_space<hbm>>) dst(%arg6 : memref<128xi32, #tpu.memory_space<vmem>>)
        %dma_wait3A_73 = arith.constant 0 : i32
        %dma_wait3A_74 = arith.constant 0 : i32
        %dma_wait3A_75 = tpu.memref_slice %arg2[%dma_wait3A_73, %dma_wait3A_74] : memref<320000x128xf32, #tpu.memory_space<hbm>> -> memref<128x128xf32, #tpu.memory_space<hbm>>
        %dma_wait3A_76 = arith.constant 0 : i32
        %dma_wait3A_77 = arith.constant 0 : i32
        %dma_wait3A_78 = tpu.memref_slice %arg2[%dma_wait3A_76, %dma_wait3A_77] : memref<320000x128xf32, #tpu.memory_space<hbm>> -> memref<128x128xf32, #tpu.memory_space<hbm>>
        tpu.wait_dma2 semaphore(%arg13 : memref<!tpu.dma_semaphore, #tpu.memory_space<semaphore_mem>>) src(%dma_wait3A_78 : memref<128x128xf32, #tpu.memory_space<hbm>>) dst(%arg9 : memref<128x128xf32, #tpu.memory_space<vmem>>)
        "tpu.region"() ({
          %run_scoped3A = tpu.sem_alloc : memref<!tpu.dma_semaphore, #tpu.memory_space<semaphore_mem>>
          %dma_start3A = arith.constant 0 : i32
          %dma_start3A_79 = arith.constant 0 : i32
          %dma_start3A_80 = tpu.memref_slice %arg12[%dma_start3A, %dma_start3A_79] : memref<10112x128xf32, #tpu.memory_space<vmem_shared>> -> memref<10112x128xf32, #tpu.memory_space<vmem_shared>>
          tpu.enqueue_indirect_dma source(%arg9 : memref<128x128xf32, #tpu.memory_space<vmem>>) target(%dma_start3A_80 : memref<10112x128xf32, #tpu.memory_space<vmem_shared>>) offsets(%arg6 : memref<128xi32, #tpu.memory_space<vmem>>) semaphore(%run_scoped3A : memref<!tpu.dma_semaphore, #tpu.memory_space<semaphore_mem>>) {add = true}
          %dma_wait3A_81 = arith.constant 0 : i32
          %dma_wait3A_82 = arith.constant 0 : i32
          %dma_wait3A_83 = tpu.memref_slice %arg12[%dma_wait3A_81, %dma_wait3A_82] : memref<10112x128xf32, #tpu.memory_space<vmem_shared>> -> memref<10112x128xf32, #tpu.memory_space<vmem_shared>>
          tpu.wait_indirect_dma semaphore(%run_scoped3A : memref<!tpu.dma_semaphore, #tpu.memory_space<semaphore_mem>>) src(%arg9 : memref<128x128xf32, #tpu.memory_space<vmem>>) dst(%dma_wait3A_83 : memref<10112x128xf32, #tpu.memory_space<vmem_shared>>)
          tpu.yield
        }) : () -> ()
      } else {
      }
      %mul3A_48 = arith.constant 3 : i32
      %mul3A_49 = arith.muli %scan3A_10, %mul3A_48 : i32
      %add3A_50 = arith.constant 2 : i32
      %add3A_51 = arith.addi %mul3A_49, %add3A_50 : i32
      %mul3A_52 = arith.constant 16 : i32
      %mul3A_53 = arith.muli %add3A_51, %mul3A_52 : i32
      %add3A_54 = arith.addi %arg1, %mul3A_53 : i32
      %lt3A_55 = arith.constant 1250 : i32
      %lt3A_56 = arith.cmpi slt, %add3A_54, %lt3A_55 : i32
      %convert_element_type3A_57 = arith.extui %lt3A_56 : i1 to i32
      %cond3A_58 = arith.constant 0 : i32
      %cond3A_59 = arith.cmpi ne, %convert_element_type3A_57, %cond3A_58 : i32
      scf.if %cond3A_59 {
        %mul3A_70 = arith.constant 160000 : i32
        %mul3A_71 = arith.muli %arg0, %mul3A_70 : i32
        %mul3A_72 = arith.constant 16 : i32
        %mul3A_73 = arith.muli %add3A_51, %mul3A_72 : i32
        %add3A_74 = arith.addi %arg1, %mul3A_73 : i32
        %mul3A_75 = arith.constant 128 : i32
        %mul3A_76 = arith.muli %add3A_74, %mul3A_75 : i32
        %add3A_77 = arith.addi %mul3A_71, %mul3A_76 : i32
        %dma_start3A = tpu.memref_slice %arg3[%add3A_77] : memref<320000xi32, #tpu.memory_space<hbm>> -> memref<128xi32, #tpu.memory_space<hbm>>
        %dma_start3A_78 = tpu.memref_slice %arg3[%add3A_77] : memref<320000xi32, #tpu.memory_space<hbm>> -> memref<128xi32, #tpu.memory_space<hbm>>
        tpu.enqueue_dma source(%dma_start3A_78 : memref<128xi32, #tpu.memory_space<hbm>>) target(%arg8 : memref<128xi32, #tpu.memory_space<vmem>>) target_semaphore(%arg15 : memref<!tpu.dma_semaphore, #tpu.memory_space<semaphore_mem>>)
        %mul3A_79 = arith.constant 160000 : i32
        %mul3A_80 = arith.muli %arg0, %mul3A_79 : i32
        %mul3A_81 = arith.constant 16 : i32
        %mul3A_82 = arith.muli %add3A_51, %mul3A_81 : i32
        %add3A_83 = arith.addi %arg1, %mul3A_82 : i32
        %mul3A_84 = arith.constant 128 : i32
        %mul3A_85 = arith.muli %add3A_83, %mul3A_84 : i32
        %add3A_86 = arith.addi %mul3A_80, %mul3A_85 : i32
        %dma_start3A_87 = arith.constant 0 : i32
        %dma_start3A_88 = tpu.memref_slice %arg2[%add3A_86, %dma_start3A_87] : memref<320000x128xf32, #tpu.memory_space<hbm>> -> memref<128x128xf32, #tpu.memory_space<hbm>>
        %dma_start3A_89 = arith.constant 0 : i32
        %dma_start3A_90 = tpu.memref_slice %arg2[%add3A_86, %dma_start3A_89] : memref<320000x128xf32, #tpu.memory_space<hbm>> -> memref<128x128xf32, #tpu.memory_space<hbm>>
        tpu.enqueue_dma source(%dma_start3A_90 : memref<128x128xf32, #tpu.memory_space<hbm>>) target(%arg11 : memref<128x128xf32, #tpu.memory_space<vmem>>) target_semaphore(%arg15 : memref<!tpu.dma_semaphore, #tpu.memory_space<semaphore_mem>>)
      } else {
      }
      %sub3A_60 = arith.constant 1 : i32
      %sub3A_61 = arith.subi %add3A_51, %sub3A_60 : i32
      %mul3A_62 = arith.constant 16 : i32
      %mul3A_63 = arith.muli %sub3A_61, %mul3A_62 : i32
      %add3A_64 = arith.addi %arg1, %mul3A_63 : i32
      %lt3A_65 = arith.constant 1250 : i32
      %lt3A_66 = arith.cmpi slt, %add3A_64, %lt3A_65 : i32
      %convert_element_type3A_67 = arith.extui %lt3A_66 : i1 to i32
      %cond3A_68 = arith.constant 0 : i32
      %cond3A_69 = arith.cmpi ne, %convert_element_type3A_67, %cond3A_68 : i32
      scf.if %cond3A_69 {
        %dma_wait3A = arith.constant 0 : i32
        %dma_wait3A_70 = tpu.memref_slice %arg3[%dma_wait3A] : memref<320000xi32, #tpu.memory_space<hbm>> -> memref<128xi32, #tpu.memory_space<hbm>>
        %dma_wait3A_71 = arith.constant 0 : i32
        %dma_wait3A_72 = tpu.memref_slice %arg3[%dma_wait3A_71] : memref<320000xi32, #tpu.memory_space<hbm>> -> memref<128xi32, #tpu.memory_space<hbm>>
        tpu.wait_dma2 semaphore(%arg14 : memref<!tpu.dma_semaphore, #tpu.memory_space<semaphore_mem>>) src(%dma_wait3A_72 : memref<128xi32, #tpu.memory_space<hbm>>) dst(%arg7 : memref<128xi32, #tpu.memory_space<vmem>>)
        %dma_wait3A_73 = arith.constant 0 : i32
        %dma_wait3A_74 = arith.constant 0 : i32
        %dma_wait3A_75 = tpu.memref_slice %arg2[%dma_wait3A_73, %dma_wait3A_74] : memref<320000x128xf32, #tpu.memory_space<hbm>> -> memref<128x128xf32, #tpu.memory_space<hbm>>
        %dma_wait3A_76 = arith.constant 0 : i32
        %dma_wait3A_77 = arith.constant 0 : i32
        %dma_wait3A_78 = tpu.memref_slice %arg2[%dma_wait3A_76, %dma_wait3A_77] : memref<320000x128xf32, #tpu.memory_space<hbm>> -> memref<128x128xf32, #tpu.memory_space<hbm>>
        tpu.wait_dma2 semaphore(%arg14 : memref<!tpu.dma_semaphore, #tpu.memory_space<semaphore_mem>>) src(%dma_wait3A_78 : memref<128x128xf32, #tpu.memory_space<hbm>>) dst(%arg10 : memref<128x128xf32, #tpu.memory_space<vmem>>)
        "tpu.region"() ({
          %run_scoped3A = tpu.sem_alloc : memref<!tpu.dma_semaphore, #tpu.memory_space<semaphore_mem>>
          %dma_start3A = arith.constant 0 : i32
          %dma_start3A_79 = arith.constant 0 : i32
          %dma_start3A_80 = tpu.memref_slice %arg12[%dma_start3A, %dma_start3A_79] : memref<10112x128xf32, #tpu.memory_space<vmem_shared>> -> memref<10112x128xf32, #tpu.memory_space<vmem_shared>>
          tpu.enqueue_indirect_dma source(%arg10 : memref<128x128xf32, #tpu.memory_space<vmem>>) target(%dma_start3A_80 : memref<10112x128xf32, #tpu.memory_space<vmem_shared>>) offsets(%arg7 : memref<128xi32, #tpu.memory_space<vmem>>) semaphore(%run_scoped3A : memref<!tpu.dma_semaphore, #tpu.memory_space<semaphore_mem>>) {add = true}
          %dma_wait3A_81 = arith.constant 0 : i32
          %dma_wait3A_82 = arith.constant 0 : i32
          %dma_wait3A_83 = tpu.memref_slice %arg12[%dma_wait3A_81, %dma_wait3A_82] : memref<10112x128xf32, #tpu.memory_space<vmem_shared>> -> memref<10112x128xf32, #tpu.memory_space<vmem_shared>>
          tpu.wait_indirect_dma semaphore(%run_scoped3A : memref<!tpu.dma_semaphore, #tpu.memory_space<semaphore_mem>>) src(%arg10 : memref<128x128xf32, #tpu.memory_space<vmem>>) dst(%dma_wait3A_83 : memref<10112x128xf32, #tpu.memory_space<vmem_shared>>)
          tpu.yield
        }) : () -> ()
      } else {
      }
    }
    %scan3A_5 = arith.constant 27 : i32
    %add3A = arith.constant 1280 : i32
    %add3A_6 = arith.addi %arg1, %add3A : i32
    %lt3A = arith.constant 1250 : i32
    %lt3A_7 = arith.cmpi slt, %add3A_6, %lt3A : i32
    %convert_element_type3A = arith.extui %lt3A_7 : i1 to i32
    %cond3A = arith.constant 0 : i32
    %cond3A_8 = arith.cmpi ne, %convert_element_type3A, %cond3A : i32
    scf.if %cond3A_8 {
      %dma_wait3A = arith.constant 0 : i32
      %dma_wait3A_10 = tpu.memref_slice %arg3[%dma_wait3A] : memref<320000xi32, #tpu.memory_space<hbm>> -> memref<128xi32, #tpu.memory_space<hbm>>
      %dma_wait3A_11 = arith.constant 0 : i32
      %dma_wait3A_12 = tpu.memref_slice %arg3[%dma_wait3A_11] : memref<320000xi32, #tpu.memory_space<hbm>> -> memref<128xi32, #tpu.memory_space<hbm>>
      tpu.wait_dma2 semaphore(%arg15 : memref<!tpu.dma_semaphore, #tpu.memory_space<semaphore_mem>>) src(%dma_wait3A_12 : memref<128xi32, #tpu.memory_space<hbm>>) dst(%arg8 : memref<128xi32, #tpu.memory_space<vmem>>)
      %dma_wait3A_13 = arith.constant 0 : i32
      %dma_wait3A_14 = arith.constant 0 : i32
      %dma_wait3A_15 = tpu.memref_slice %arg2[%dma_wait3A_13, %dma_wait3A_14] : memref<320000x128xf32, #tpu.memory_space<hbm>> -> memref<128x128xf32, #tpu.memory_space<hbm>>
      %dma_wait3A_16 = arith.constant 0 : i32
      %dma_wait3A_17 = arith.constant 0 : i32
      %dma_wait3A_18 = tpu.memref_slice %arg2[%dma_wait3A_16, %dma_wait3A_17] : memref<320000x128xf32, #tpu.memory_space<hbm>> -> memref<128x128xf32, #tpu.memory_space<hbm>>
      tpu.wait_dma2 semaphore(%arg15 : memref<!tpu.dma_semaphore, #tpu.memory_space<semaphore_mem>>) src(%dma_wait3A_18 : memref<128x128xf32, #tpu.memory_space<hbm>>) dst(%arg11 : memref<128x128xf32, #tpu.memory_space<vmem>>)
      "tpu.region"() ({
        %run_scoped3A = tpu.sem_alloc : memref<!tpu.dma_semaphore, #tpu.memory_space<semaphore_mem>>
        %dma_start3A = arith.constant 0 : i32
        %dma_start3A_19 = arith.constant 0 : i32
        %dma_start3A_20 = tpu.memref_slice %arg12[%dma_start3A, %dma_start3A_19] : memref<10112x128xf32, #tpu.memory_space<vmem_shared>> -> memref<10112x128xf32, #tpu.memory_space<vmem_shared>>
        tpu.enqueue_indirect_dma source(%arg11 : memref<128x128xf32, #tpu.memory_space<vmem>>) target(%dma_start3A_20 : memref<10112x128xf32, #tpu.memory_space<vmem_shared>>) offsets(%arg8 : memref<128xi32, #tpu.memory_space<vmem>>) semaphore(%run_scoped3A : memref<!tpu.dma_semaphore, #tpu.memory_space<semaphore_mem>>) {add = true}
        %dma_wait3A_21 = arith.constant 0 : i32
        %dma_wait3A_22 = arith.constant 0 : i32
        %dma_wait3A_23 = tpu.memref_slice %arg12[%dma_wait3A_21, %dma_wait3A_22] : memref<10112x128xf32, #tpu.memory_space<vmem_shared>> -> memref<10112x128xf32, #tpu.memory_space<vmem_shared>>
        tpu.wait_indirect_dma semaphore(%run_scoped3A : memref<!tpu.dma_semaphore, #tpu.memory_space<semaphore_mem>>) src(%arg11 : memref<128x128xf32, #tpu.memory_space<vmem>>) dst(%dma_wait3A_23 : memref<10112x128xf32, #tpu.memory_space<vmem_shared>>)
        tpu.yield
      }) : () -> ()
    } else {
    }
    %barrier3A_9 = arith.constant 0 : index
    tpu.barrier barrier_id(%barrier3A_9)
    "tpu.region"() ({
      %run_scoped3A = tpu.sem_alloc : memref<!tpu.dma_semaphore, #tpu.memory_space<semaphore_mem>>
      %dma_start3A = arith.constant 0 : i32
      %dma_start3A_10 = tpu.memref_slice %arg5[%arg0, %mul3A_0, %dma_start3A] : memref<2x10112x128xf32, #tpu.memory_space<hbm>> -> memref<1x632x128xf32, #tpu.memory_space<hbm>>
      %dma_start3A_11 = tpu.memref_squeeze %dma_start3A_10 : memref<1x632x128xf32, #tpu.memory_space<hbm>> -> memref<632x128xf32, #tpu.memory_space<hbm>>
      %dma_start3A_12 = arith.constant 0 : i32
      %dma_start3A_13 = tpu.memref_slice %arg12[%mul3A_0, %dma_start3A_12] : memref<10112x128xf32, #tpu.memory_space<vmem_shared>> -> memref<632x128xf32, #tpu.memory_space<vmem_shared>>
      tpu.enqueue_dma source(%dma_start3A_13 : memref<632x128xf32, #tpu.memory_space<vmem_shared>>) target(%dma_start3A_11 : memref<632x128xf32, #tpu.memory_space<hbm>>) target_semaphore(%run_scoped3A : memref<!tpu.dma_semaphore, #tpu.memory_space<semaphore_mem>>)
      %dma_wait3A = arith.constant 0 : i32
      %dma_wait3A_14 = tpu.memref_slice %arg5[%arg0, %mul3A_0, %dma_wait3A] : memref<2x10112x128xf32, #tpu.memory_space<hbm>> -> memref<1x632x128xf32, #tpu.memory_space<hbm>>
      %dma_wait3A_15 = tpu.memref_squeeze %dma_wait3A_14 : memref<1x632x128xf32, #tpu.memory_space<hbm>> -> memref<632x128xf32, #tpu.memory_space<hbm>>
      %dma_wait3A_16 = arith.constant 0 : i32
      %dma_wait3A_17 = tpu.memref_slice %arg12[%mul3A_0, %dma_wait3A_16] : memref<10112x128xf32, #tpu.memory_space<vmem_shared>> -> memref<632x128xf32, #tpu.memory_space<vmem_shared>>
      tpu.wait_dma2 semaphore(%run_scoped3A : memref<!tpu.dma_semaphore, #tpu.memory_space<semaphore_mem>>) src(%dma_wait3A_17 : memref<632x128xf32, #tpu.memory_space<vmem_shared>>) dst(%dma_wait3A_15 : memref<632x128xf32, #tpu.memory_space<hbm>>)
      tpu.yield
    }) : () -> ()
    return
  }
}

#map = affine_map<(d0, d1) -> (0, 0)>
#map1 = affine_map<(d0, d1) -> (0)>
module attributes {stable_mosaic.version = 14 : i64} {
  func.func @gk(%arg0: i32, %arg1: i32, %arg2: memref<10000x128xf32, #tpu.memory_space<hbm>>, %arg3: memref<10000x128xf32, #tpu.memory_space<hbm>>, %arg4: memref<320000xi32, #tpu.memory_space<hbm>>, %arg5: memref<320000xi32, #tpu.memory_space<hbm>>, %arg6: memref<320000x128xf32, #tpu.memory_space<hbm>>, %arg7: memref<320000x128xf32, #tpu.memory_space<hbm>>, %arg8: memref<128xi32, #tpu.memory_space<vmem>>, %arg9: memref<128xi32, #tpu.memory_space<vmem>>, %arg10: memref<128xi32, #tpu.memory_space<vmem>>, %arg11: memref<128xi32, #tpu.memory_space<vmem>>, %arg12: memref<128xi32, #tpu.memory_space<vmem>>, %arg13: memref<128xi32, #tpu.memory_space<vmem>>, %arg14: memref<128x128xf32, #tpu.memory_space<vmem>>, %arg15: memref<128x128xf32, #tpu.memory_space<vmem>>, %arg16: memref<128x128xf32, #tpu.memory_space<vmem>>, %arg17: memref<128x128xf32, #tpu.memory_space<vmem>>, %arg18: memref<128x128xf32, #tpu.memory_space<vmem>>, %arg19: memref<128x128xf32, #tpu.memory_space<vmem>>, %arg20: memref<!tpu.dma_semaphore, #tpu.memory_space<semaphore_mem>>, %arg21: memref<!tpu.dma_semaphore, #tpu.memory_space<semaphore_mem>>, %arg22: memref<!tpu.dma_semaphore, #tpu.memory_space<semaphore_mem>>, %arg23: memref<!tpu.dma_semaphore, #tpu.memory_space<semaphore_mem>>, %arg24: memref<!tpu.dma_semaphore, #tpu.memory_space<semaphore_mem>>, %arg25: memref<!tpu.dma_semaphore, #tpu.memory_space<semaphore_mem>>) attributes {dimension_semantics = [#tpu.dimension_semantics<core_parallel>, #tpu.dimension_semantics<subcore_parallel>], iteration_bounds = array<i64: 2, 16>, scalar_prefetch = 0 : i64, scratch_operands = 18 : i64, tpu.core_type = #tpu.core_type<sc_vector_subcore>, window_params = [{transform_indices = #map}, {transform_indices = #map}, {transform_indices = #map1}, {transform_indices = #map1}, {transform_indices = #map}, {transform_indices = #map}]} {
    %mul3A = arith.constant 2 : i32
    %mul3A_0 = arith.muli %arg1, %mul3A : i32
    %add3A = arith.addi %mul3A_0, %arg0 : i32
    %scan3A = arith.constant 0 : i32
    %scan3A_1 = arith.constant 0 : i32
    %scan3A_2 = arith.constant 27 : i32
    %scan3A_3 = arith.addi %scan3A_1, %scan3A_2 : i32
    %scan3A_4 = arith.constant 1 : i32
    scf.for %scan3A_59 = %scan3A_1 to %scan3A_3 step %scan3A_4  : i32 {
      %mul3A_60 = arith.constant 3 : i32
      %mul3A_61 = arith.muli %scan3A_59, %mul3A_60 : i32
      %add3A_62 = arith.constant 0 : i32
      %add3A_63 = arith.addi %mul3A_61, %add3A_62 : i32
      %gt3A = arith.constant 0 : i32
      %gt3A_64 = arith.cmpi sgt, %scan3A_59, %gt3A : i32
      %convert_element_type3A = arith.extui %gt3A_64 : i1 to i32
      %cond3A = arith.constant 0 : i32
      %cond3A_65 = arith.cmpi ne, %convert_element_type3A, %cond3A : i32
      scf.if %cond3A_65 {
        %dma_wait3A_178 = arith.constant 0 : i32
        %dma_wait3A_179 = arith.constant 0 : i32
        %dma_wait3A_180 = tpu.memref_slice %arg6[%dma_wait3A_178, %dma_wait3A_179] : memref<320000x128xf32, #tpu.memory_space<hbm>> -> memref<128x128xf32, #tpu.memory_space<hbm>>
        %dma_wait3A_181 = arith.constant 0 : i32
        %dma_wait3A_182 = arith.constant 0 : i32
        %dma_wait3A_183 = tpu.memref_slice %arg6[%dma_wait3A_181, %dma_wait3A_182] : memref<320000x128xf32, #tpu.memory_space<hbm>> -> memref<128x128xf32, #tpu.memory_space<hbm>>
        tpu.wait_dma2 semaphore(%arg23 : memref<!tpu.dma_semaphore, #tpu.memory_space<semaphore_mem>>) src(%arg14 : memref<128x128xf32, #tpu.memory_space<vmem>>) dst(%dma_wait3A_183 : memref<128x128xf32, #tpu.memory_space<hbm>>)
        %dma_wait3A_184 = arith.constant 0 : i32
        %dma_wait3A_185 = arith.constant 0 : i32
        %dma_wait3A_186 = tpu.memref_slice %arg7[%dma_wait3A_184, %dma_wait3A_185] : memref<320000x128xf32, #tpu.memory_space<hbm>> -> memref<128x128xf32, #tpu.memory_space<hbm>>
        %dma_wait3A_187 = arith.constant 0 : i32
        %dma_wait3A_188 = arith.constant 0 : i32
        %dma_wait3A_189 = tpu.memref_slice %arg7[%dma_wait3A_187, %dma_wait3A_188] : memref<320000x128xf32, #tpu.memory_space<hbm>> -> memref<128x128xf32, #tpu.memory_space<hbm>>
        tpu.wait_dma2 semaphore(%arg23 : memref<!tpu.dma_semaphore, #tpu.memory_space<semaphore_mem>>) src(%arg17 : memref<128x128xf32, #tpu.memory_space<vmem>>) dst(%dma_wait3A_189 : memref<128x128xf32, #tpu.memory_space<hbm>>)
      } else {
      }
      %mul3A_66 = arith.constant 32 : i32
      %mul3A_67 = arith.muli %add3A_63, %mul3A_66 : i32
      %add3A_68 = arith.addi %add3A, %mul3A_67 : i32
      %lt3A_69 = arith.constant 2500 : i32
      %lt3A_70 = arith.cmpi slt, %add3A_68, %lt3A_69 : i32
      %select_n3A_71 = arith.select %lt3A_70, %add3A_68, %add3A : i32
      %mul3A_72 = arith.constant 128 : i32
      %mul3A_73 = arith.muli %select_n3A_71, %mul3A_72 : i32
      "tpu.region"() ({
        %run_scoped3A = tpu.sem_alloc : memref<!tpu.dma_semaphore, #tpu.memory_space<semaphore_mem>>
        %dma_start3A_178 = tpu.memref_slice %arg4[%mul3A_73] : memref<320000xi32, #tpu.memory_space<hbm>> -> memref<128xi32, #tpu.memory_space<hbm>>
        %dma_start3A_179 = tpu.memref_slice %arg4[%mul3A_73] : memref<320000xi32, #tpu.memory_space<hbm>> -> memref<128xi32, #tpu.memory_space<hbm>>
        tpu.enqueue_dma source(%dma_start3A_179 : memref<128xi32, #tpu.memory_space<hbm>>) target(%arg8 : memref<128xi32, #tpu.memory_space<vmem>>) target_semaphore(%run_scoped3A : memref<!tpu.dma_semaphore, #tpu.memory_space<semaphore_mem>>)
        %dma_wait3A_180 = tpu.memref_slice %arg4[%mul3A_73] : memref<320000xi32, #tpu.memory_space<hbm>> -> memref<128xi32, #tpu.memory_space<hbm>>
        %dma_wait3A_181 = tpu.memref_slice %arg4[%mul3A_73] : memref<320000xi32, #tpu.memory_space<hbm>> -> memref<128xi32, #tpu.memory_space<hbm>>
        tpu.wait_dma2 semaphore(%run_scoped3A : memref<!tpu.dma_semaphore, #tpu.memory_space<semaphore_mem>>) src(%dma_wait3A_181 : memref<128xi32, #tpu.memory_space<hbm>>) dst(%arg8 : memref<128xi32, #tpu.memory_space<vmem>>)
        tpu.yield
      }) : () -> ()
      "tpu.region"() ({
        %run_scoped3A = tpu.sem_alloc : memref<!tpu.dma_semaphore, #tpu.memory_space<semaphore_mem>>
        %dma_start3A_178 = tpu.memref_slice %arg5[%mul3A_73] : memref<320000xi32, #tpu.memory_space<hbm>> -> memref<128xi32, #tpu.memory_space<hbm>>
        %dma_start3A_179 = tpu.memref_slice %arg5[%mul3A_73] : memref<320000xi32, #tpu.memory_space<hbm>> -> memref<128xi32, #tpu.memory_space<hbm>>
        tpu.enqueue_dma source(%dma_start3A_179 : memref<128xi32, #tpu.memory_space<hbm>>) target(%arg11 : memref<128xi32, #tpu.memory_space<vmem>>) target_semaphore(%run_scoped3A : memref<!tpu.dma_semaphore, #tpu.memory_space<semaphore_mem>>)
        %dma_wait3A_180 = tpu.memref_slice %arg5[%mul3A_73] : memref<320000xi32, #tpu.memory_space<hbm>> -> memref<128xi32, #tpu.memory_space<hbm>>
        %dma_wait3A_181 = tpu.memref_slice %arg5[%mul3A_73] : memref<320000xi32, #tpu.memory_space<hbm>> -> memref<128xi32, #tpu.memory_space<hbm>>
        tpu.wait_dma2 semaphore(%run_scoped3A : memref<!tpu.dma_semaphore, #tpu.memory_space<semaphore_mem>>) src(%dma_wait3A_181 : memref<128xi32, #tpu.memory_space<hbm>>) dst(%arg11 : memref<128xi32, #tpu.memory_space<vmem>>)
        tpu.yield
      }) : () -> ()
      %dma_start3A_74 = arith.constant 0 : i32
      %dma_start3A_75 = arith.constant 0 : i32
      %dma_start3A_76 = tpu.memref_slice %arg2[%dma_start3A_74, %dma_start3A_75] : memref<10000x128xf32, #tpu.memory_space<hbm>> -> memref<10000x128xf32, #tpu.memory_space<hbm>>
      tpu.enqueue_indirect_dma source(%dma_start3A_76 : memref<10000x128xf32, #tpu.memory_space<hbm>>) target(%arg14 : memref<128x128xf32, #tpu.memory_space<vmem>>) offsets(%arg8 : memref<128xi32, #tpu.memory_space<vmem>>) semaphore(%arg20 : memref<!tpu.dma_semaphore, #tpu.memory_space<semaphore_mem>>)
      %dma_start3A_77 = arith.constant 0 : i32
      %dma_start3A_78 = arith.constant 0 : i32
      %dma_start3A_79 = tpu.memref_slice %arg3[%dma_start3A_77, %dma_start3A_78] : memref<10000x128xf32, #tpu.memory_space<hbm>> -> memref<10000x128xf32, #tpu.memory_space<hbm>>
      tpu.enqueue_indirect_dma source(%dma_start3A_79 : memref<10000x128xf32, #tpu.memory_space<hbm>>) target(%arg17 : memref<128x128xf32, #tpu.memory_space<vmem>>) offsets(%arg11 : memref<128xi32, #tpu.memory_space<vmem>>) semaphore(%arg20 : memref<!tpu.dma_semaphore, #tpu.memory_space<semaphore_mem>>)
      %gt3A_80 = arith.constant 0 : i32
      %gt3A_81 = arith.cmpi sgt, %scan3A_59, %gt3A_80 : i32
      %convert_element_type3A_82 = arith.extui %gt3A_81 : i1 to i32
      %cond3A_83 = arith.constant 0 : i32
      %cond3A_84 = arith.cmpi ne, %convert_element_type3A_82, %cond3A_83 : i32
      scf.if %cond3A_84 {
        %dma_wait3A_178 = arith.constant 0 : i32
        %dma_wait3A_179 = arith.constant 0 : i32
        %dma_wait3A_180 = tpu.memref_slice %arg2[%dma_wait3A_178, %dma_wait3A_179] : memref<10000x128xf32, #tpu.memory_space<hbm>> -> memref<10000x128xf32, #tpu.memory_space<hbm>>
        tpu.wait_indirect_dma semaphore(%arg22 : memref<!tpu.dma_semaphore, #tpu.memory_space<semaphore_mem>>) src(%dma_wait3A_180 : memref<10000x128xf32, #tpu.memory_space<hbm>>) dst(%arg16 : memref<128x128xf32, #tpu.memory_space<vmem>>)
        %dma_wait3A_181 = arith.constant 0 : i32
        %dma_wait3A_182 = arith.constant 0 : i32
        %dma_wait3A_183 = tpu.memref_slice %arg3[%dma_wait3A_181, %dma_wait3A_182] : memref<10000x128xf32, #tpu.memory_space<hbm>> -> memref<10000x128xf32, #tpu.memory_space<hbm>>
        tpu.wait_indirect_dma semaphore(%arg22 : memref<!tpu.dma_semaphore, #tpu.memory_space<semaphore_mem>>) src(%dma_wait3A_183 : memref<10000x128xf32, #tpu.memory_space<hbm>>) dst(%arg19 : memref<128x128xf32, #tpu.memory_space<vmem>>)
        %sub3A_184 = arith.constant 1 : i32
        %sub3A_185 = arith.subi %add3A_63, %sub3A_184 : i32
        %mul3A_186 = arith.constant 32 : i32
        %mul3A_187 = arith.muli %sub3A_185, %mul3A_186 : i32
        %add3A_188 = arith.addi %add3A, %mul3A_187 : i32
        %lt3A_189 = arith.constant 2500 : i32
        %lt3A_190 = arith.cmpi slt, %add3A_188, %lt3A_189 : i32
        %select_n3A_191 = arith.select %lt3A_190, %add3A_188, %add3A : i32
        %mul3A_192 = arith.constant 128 : i32
        %mul3A_193 = arith.muli %select_n3A_191, %mul3A_192 : i32
        %dma_start3A_194 = arith.constant 0 : i32
        %dma_start3A_195 = tpu.memref_slice %arg6[%mul3A_193, %dma_start3A_194] : memref<320000x128xf32, #tpu.memory_space<hbm>> -> memref<128x128xf32, #tpu.memory_space<hbm>>
        %dma_start3A_196 = arith.constant 0 : i32
        %dma_start3A_197 = tpu.memref_slice %arg6[%mul3A_193, %dma_start3A_196] : memref<320000x128xf32, #tpu.memory_space<hbm>> -> memref<128x128xf32, #tpu.memory_space<hbm>>
        tpu.enqueue_dma source(%arg16 : memref<128x128xf32, #tpu.memory_space<vmem>>) target(%dma_start3A_197 : memref<128x128xf32, #tpu.memory_space<hbm>>) target_semaphore(%arg25 : memref<!tpu.dma_semaphore, #tpu.memory_space<semaphore_mem>>)
        %dma_start3A_198 = arith.constant 0 : i32
        %dma_start3A_199 = tpu.memref_slice %arg7[%mul3A_193, %dma_start3A_198] : memref<320000x128xf32, #tpu.memory_space<hbm>> -> memref<128x128xf32, #tpu.memory_space<hbm>>
        %dma_start3A_200 = arith.constant 0 : i32
        %dma_start3A_201 = tpu.memref_slice %arg7[%mul3A_193, %dma_start3A_200] : memref<320000x128xf32, #tpu.memory_space<hbm>> -> memref<128x128xf32, #tpu.memory_space<hbm>>
        tpu.enqueue_dma source(%arg19 : memref<128x128xf32, #tpu.memory_space<vmem>>) target(%dma_start3A_201 : memref<128x128xf32, #tpu.memory_space<hbm>>) target_semaphore(%arg25 : memref<!tpu.dma_semaphore, #tpu.memory_space<semaphore_mem>>)
      } else {
      }
      %mul3A_85 = arith.constant 3 : i32
      %mul3A_86 = arith.muli %scan3A_59, %mul3A_85 : i32
      %add3A_87 = arith.constant 1 : i32
      %add3A_88 = arith.addi %mul3A_86, %add3A_87 : i32
      %gt3A_89 = arith.constant 0 : i32
      %gt3A_90 = arith.cmpi sgt, %scan3A_59, %gt3A_89 : i32
      %convert_element_type3A_91 = arith.extui %gt3A_90 : i1 to i32
      %cond3A_92 = arith.constant 0 : i32
      %cond3A_93 = arith.cmpi ne, %convert_element_type3A_91, %cond3A_92 : i32
      scf.if %cond3A_93 {
        %dma_wait3A_178 = arith.constant 0 : i32
        %dma_wait3A_179 = arith.constant 0 : i32
        %dma_wait3A_180 = tpu.memref_slice %arg6[%dma_wait3A_178, %dma_wait3A_179] : memref<320000x128xf32, #tpu.memory_space<hbm>> -> memref<128x128xf32, #tpu.memory_space<hbm>>
        %dma_wait3A_181 = arith.constant 0 : i32
        %dma_wait3A_182 = arith.constant 0 : i32
        %dma_wait3A_183 = tpu.memref_slice %arg6[%dma_wait3A_181, %dma_wait3A_182] : memref<320000x128xf32, #tpu.memory_space<hbm>> -> memref<128x128xf32, #tpu.memory_space<hbm>>
        tpu.wait_dma2 semaphore(%arg24 : memref<!tpu.dma_semaphore, #tpu.memory_space<semaphore_mem>>) src(%arg15 : memref<128x128xf32, #tpu.memory_space<vmem>>) dst(%dma_wait3A_183 : memref<128x128xf32, #tpu.memory_space<hbm>>)
        %dma_wait3A_184 = arith.constant 0 : i32
        %dma_wait3A_185 = arith.constant 0 : i32
        %dma_wait3A_186 = tpu.memref_slice %arg7[%dma_wait3A_184, %dma_wait3A_185] : memref<320000x128xf32, #tpu.memory_space<hbm>> -> memref<128x128xf32, #tpu.memory_space<hbm>>
        %dma_wait3A_187 = arith.constant 0 : i32
        %dma_wait3A_188 = arith.constant 0 : i32
        %dma_wait3A_189 = tpu.memref_slice %arg7[%dma_wait3A_187, %dma_wait3A_188] : memref<320000x128xf32, #tpu.memory_space<hbm>> -> memref<128x128xf32, #tpu.memory_space<hbm>>
        tpu.wait_dma2 semaphore(%arg24 : memref<!tpu.dma_semaphore, #tpu.memory_space<semaphore_mem>>) src(%arg18 : memref<128x128xf32, #tpu.memory_space<vmem>>) dst(%dma_wait3A_189 : memref<128x128xf32, #tpu.memory_space<hbm>>)
      } else {
      }
      %mul3A_94 = arith.constant 32 : i32
      %mul3A_95 = arith.muli %add3A_88, %mul3A_94 : i32
      %add3A_96 = arith.addi %add3A, %mul3A_95 : i32
      %lt3A_97 = arith.constant 2500 : i32
      %lt3A_98 = arith.cmpi slt, %add3A_96, %lt3A_97 : i32
      %select_n3A_99 = arith.select %lt3A_98, %add3A_96, %add3A : i32
      %mul3A_100 = arith.constant 128 : i32
      %mul3A_101 = arith.muli %select_n3A_99, %mul3A_100 : i32
      "tpu.region"() ({
        %run_scoped3A = tpu.sem_alloc : memref<!tpu.dma_semaphore, #tpu.memory_space<semaphore_mem>>
        %dma_start3A_178 = tpu.memref_slice %arg4[%mul3A_101] : memref<320000xi32, #tpu.memory_space<hbm>> -> memref<128xi32, #tpu.memory_space<hbm>>
        %dma_start3A_179 = tpu.memref_slice %arg4[%mul3A_101] : memref<320000xi32, #tpu.memory_space<hbm>> -> memref<128xi32, #tpu.memory_space<hbm>>
        tpu.enqueue_dma source(%dma_start3A_179 : memref<128xi32, #tpu.memory_space<hbm>>) target(%arg9 : memref<128xi32, #tpu.memory_space<vmem>>) target_semaphore(%run_scoped3A : memref<!tpu.dma_semaphore, #tpu.memory_space<semaphore_mem>>)
        %dma_wait3A_180 = tpu.memref_slice %arg4[%mul3A_101] : memref<320000xi32, #tpu.memory_space<hbm>> -> memref<128xi32, #tpu.memory_space<hbm>>
        %dma_wait3A_181 = tpu.memref_slice %arg4[%mul3A_101] : memref<320000xi32, #tpu.memory_space<hbm>> -> memref<128xi32, #tpu.memory_space<hbm>>
        tpu.wait_dma2 semaphore(%run_scoped3A : memref<!tpu.dma_semaphore, #tpu.memory_space<semaphore_mem>>) src(%dma_wait3A_181 : memref<128xi32, #tpu.memory_space<hbm>>) dst(%arg9 : memref<128xi32, #tpu.memory_space<vmem>>)
        tpu.yield
      }) : () -> ()
      "tpu.region"() ({
        %run_scoped3A = tpu.sem_alloc : memref<!tpu.dma_semaphore, #tpu.memory_space<semaphore_mem>>
        %dma_start3A_178 = tpu.memref_slice %arg5[%mul3A_101] : memref<320000xi32, #tpu.memory_space<hbm>> -> memref<128xi32, #tpu.memory_space<hbm>>
        %dma_start3A_179 = tpu.memref_slice %arg5[%mul3A_101] : memref<320000xi32, #tpu.memory_space<hbm>> -> memref<128xi32, #tpu.memory_space<hbm>>
        tpu.enqueue_dma source(%dma_start3A_179 : memref<128xi32, #tpu.memory_space<hbm>>) target(%arg12 : memref<128xi32, #tpu.memory_space<vmem>>) target_semaphore(%run_scoped3A : memref<!tpu.dma_semaphore, #tpu.memory_space<semaphore_mem>>)
        %dma_wait3A_180 = tpu.memref_slice %arg5[%mul3A_101] : memref<320000xi32, #tpu.memory_space<hbm>> -> memref<128xi32, #tpu.memory_space<hbm>>
        %dma_wait3A_181 = tpu.memref_slice %arg5[%mul3A_101] : memref<320000xi32, #tpu.memory_space<hbm>> -> memref<128xi32, #tpu.memory_space<hbm>>
        tpu.wait_dma2 semaphore(%run_scoped3A : memref<!tpu.dma_semaphore, #tpu.memory_space<semaphore_mem>>) src(%dma_wait3A_181 : memref<128xi32, #tpu.memory_space<hbm>>) dst(%arg12 : memref<128xi32, #tpu.memory_space<vmem>>)
        tpu.yield
      }) : () -> ()
      %dma_start3A_102 = arith.constant 0 : i32
      %dma_start3A_103 = arith.constant 0 : i32
      %dma_start3A_104 = tpu.memref_slice %arg2[%dma_start3A_102, %dma_start3A_103] : memref<10000x128xf32, #tpu.memory_space<hbm>> -> memref<10000x128xf32, #tpu.memory_space<hbm>>
      tpu.enqueue_indirect_dma source(%dma_start3A_104 : memref<10000x128xf32, #tpu.memory_space<hbm>>) target(%arg15 : memref<128x128xf32, #tpu.memory_space<vmem>>) offsets(%arg9 : memref<128xi32, #tpu.memory_space<vmem>>) semaphore(%arg21 : memref<!tpu.dma_semaphore, #tpu.memory_space<semaphore_mem>>)
      %dma_start3A_105 = arith.constant 0 : i32
      %dma_start3A_106 = arith.constant 0 : i32
      %dma_start3A_107 = tpu.memref_slice %arg3[%dma_start3A_105, %dma_start3A_106] : memref<10000x128xf32, #tpu.memory_space<hbm>> -> memref<10000x128xf32, #tpu.memory_space<hbm>>
      tpu.enqueue_indirect_dma source(%dma_start3A_107 : memref<10000x128xf32, #tpu.memory_space<hbm>>) target(%arg18 : memref<128x128xf32, #tpu.memory_space<vmem>>) offsets(%arg12 : memref<128xi32, #tpu.memory_space<vmem>>) semaphore(%arg21 : memref<!tpu.dma_semaphore, #tpu.memory_space<semaphore_mem>>)
      %dma_wait3A_108 = arith.constant 0 : i32
      %dma_wait3A_109 = arith.constant 0 : i32
      %dma_wait3A_110 = tpu.memref_slice %arg2[%dma_wait3A_108, %dma_wait3A_109] : memref<10000x128xf32, #tpu.memory_space<hbm>> -> memref<10000x128xf32, #tpu.memory_space<hbm>>
      tpu.wait_indirect_dma semaphore(%arg20 : memref<!tpu.dma_semaphore, #tpu.memory_space<semaphore_mem>>) src(%dma_wait3A_110 : memref<10000x128xf32, #tpu.memory_space<hbm>>) dst(%arg14 : memref<128x128xf32, #tpu.memory_space<vmem>>)
      %dma_wait3A_111 = arith.constant 0 : i32
      %dma_wait3A_112 = arith.constant 0 : i32
      %dma_wait3A_113 = tpu.memref_slice %arg3[%dma_wait3A_111, %dma_wait3A_112] : memref<10000x128xf32, #tpu.memory_space<hbm>> -> memref<10000x128xf32, #tpu.memory_space<hbm>>
      tpu.wait_indirect_dma semaphore(%arg20 : memref<!tpu.dma_semaphore, #tpu.memory_space<semaphore_mem>>) src(%dma_wait3A_113 : memref<10000x128xf32, #tpu.memory_space<hbm>>) dst(%arg17 : memref<128x128xf32, #tpu.memory_space<vmem>>)
      %sub3A = arith.constant 1 : i32
      %sub3A_114 = arith.subi %add3A_88, %sub3A : i32
      %mul3A_115 = arith.constant 32 : i32
      %mul3A_116 = arith.muli %sub3A_114, %mul3A_115 : i32
      %add3A_117 = arith.addi %add3A, %mul3A_116 : i32
      %lt3A_118 = arith.constant 2500 : i32
      %lt3A_119 = arith.cmpi slt, %add3A_117, %lt3A_118 : i32
      %select_n3A_120 = arith.select %lt3A_119, %add3A_117, %add3A : i32
      %mul3A_121 = arith.constant 128 : i32
      %mul3A_122 = arith.muli %select_n3A_120, %mul3A_121 : i32
      %dma_start3A_123 = arith.constant 0 : i32
      %dma_start3A_124 = tpu.memref_slice %arg6[%mul3A_122, %dma_start3A_123] : memref<320000x128xf32, #tpu.memory_space<hbm>> -> memref<128x128xf32, #tpu.memory_space<hbm>>
      %dma_start3A_125 = arith.constant 0 : i32
      %dma_start3A_126 = tpu.memref_slice %arg6[%mul3A_122, %dma_start3A_125] : memref<320000x128xf32, #tpu.memory_space<hbm>> -> memref<128x128xf32, #tpu.memory_space<hbm>>
      tpu.enqueue_dma source(%arg14 : memref<128x128xf32, #tpu.memory_space<vmem>>) target(%dma_start3A_126 : memref<128x128xf32, #tpu.memory_space<hbm>>) target_semaphore(%arg23 : memref<!tpu.dma_semaphore, #tpu.memory_space<semaphore_mem>>)
      %dma_start3A_127 = arith.constant 0 : i32
      %dma_start3A_128 = tpu.memref_slice %arg7[%mul3A_122, %dma_start3A_127] : memref<320000x128xf32, #tpu.memory_space<hbm>> -> memref<128x128xf32, #tpu.memory_space<hbm>>
      %dma_start3A_129 = arith.constant 0 : i32
      %dma_start3A_130 = tpu.memref_slice %arg7[%mul3A_122, %dma_start3A_129] : memref<320000x128xf32, #tpu.memory_space<hbm>> -> memref<128x128xf32, #tpu.memory_space<hbm>>
      tpu.enqueue_dma source(%arg17 : memref<128x128xf32, #tpu.memory_space<vmem>>) target(%dma_start3A_130 : memref<128x128xf32, #tpu.memory_space<hbm>>) target_semaphore(%arg23 : memref<!tpu.dma_semaphore, #tpu.memory_space<semaphore_mem>>)
      %mul3A_131 = arith.constant 3 : i32
      %mul3A_132 = arith.muli %scan3A_59, %mul3A_131 : i32
      %add3A_133 = arith.constant 2 : i32
      %add3A_134 = arith.addi %mul3A_132, %add3A_133 : i32
      %gt3A_135 = arith.constant 0 : i32
      %gt3A_136 = arith.cmpi sgt, %scan3A_59, %gt3A_135 : i32
      %convert_element_type3A_137 = arith.extui %gt3A_136 : i1 to i32
      %cond3A_138 = arith.constant 0 : i32
      %cond3A_139 = arith.cmpi ne, %convert_element_type3A_137, %cond3A_138 : i32
      scf.if %cond3A_139 {
        %dma_wait3A_178 = arith.constant 0 : i32
        %dma_wait3A_179 = arith.constant 0 : i32
        %dma_wait3A_180 = tpu.memref_slice %arg6[%dma_wait3A_178, %dma_wait3A_179] : memref<320000x128xf32, #tpu.memory_space<hbm>> -> memref<128x128xf32, #tpu.memory_space<hbm>>
        %dma_wait3A_181 = arith.constant 0 : i32
        %dma_wait3A_182 = arith.constant 0 : i32
        %dma_wait3A_183 = tpu.memref_slice %arg6[%dma_wait3A_181, %dma_wait3A_182] : memref<320000x128xf32, #tpu.memory_space<hbm>> -> memref<128x128xf32, #tpu.memory_space<hbm>>
        tpu.wait_dma2 semaphore(%arg25 : memref<!tpu.dma_semaphore, #tpu.memory_space<semaphore_mem>>) src(%arg16 : memref<128x128xf32, #tpu.memory_space<vmem>>) dst(%dma_wait3A_183 : memref<128x128xf32, #tpu.memory_space<hbm>>)
        %dma_wait3A_184 = arith.constant 0 : i32
        %dma_wait3A_185 = arith.constant 0 : i32
        %dma_wait3A_186 = tpu.memref_slice %arg7[%dma_wait3A_184, %dma_wait3A_185] : memref<320000x128xf32, #tpu.memory_space<hbm>> -> memref<128x128xf32, #tpu.memory_space<hbm>>
        %dma_wait3A_187 = arith.constant 0 : i32
        %dma_wait3A_188 = arith.constant 0 : i32
        %dma_wait3A_189 = tpu.memref_slice %arg7[%dma_wait3A_187, %dma_wait3A_188] : memref<320000x128xf32, #tpu.memory_space<hbm>> -> memref<128x128xf32, #tpu.memory_space<hbm>>
        tpu.wait_dma2 semaphore(%arg25 : memref<!tpu.dma_semaphore, #tpu.memory_space<semaphore_mem>>) src(%arg19 : memref<128x128xf32, #tpu.memory_space<vmem>>) dst(%dma_wait3A_189 : memref<128x128xf32, #tpu.memory_space<hbm>>)
      } else {
      }
      %mul3A_140 = arith.constant 32 : i32
      %mul3A_141 = arith.muli %add3A_134, %mul3A_140 : i32
      %add3A_142 = arith.addi %add3A, %mul3A_141 : i32
      %lt3A_143 = arith.constant 2500 : i32
      %lt3A_144 = arith.cmpi slt, %add3A_142, %lt3A_143 : i32
      %select_n3A_145 = arith.select %lt3A_144, %add3A_142, %add3A : i32
      %mul3A_146 = arith.constant 128 : i32
      %mul3A_147 = arith.muli %select_n3A_145, %mul3A_146 : i32
      "tpu.region"() ({
        %run_scoped3A = tpu.sem_alloc : memref<!tpu.dma_semaphore, #tpu.memory_space<semaphore_mem>>
        %dma_start3A_178 = tpu.memref_slice %arg4[%mul3A_147] : memref<320000xi32, #tpu.memory_space<hbm>> -> memref<128xi32, #tpu.memory_space<hbm>>
        %dma_start3A_179 = tpu.memref_slice %arg4[%mul3A_147] : memref<320000xi32, #tpu.memory_space<hbm>> -> memref<128xi32, #tpu.memory_space<hbm>>
        tpu.enqueue_dma source(%dma_start3A_179 : memref<128xi32, #tpu.memory_space<hbm>>) target(%arg10 : memref<128xi32, #tpu.memory_space<vmem>>) target_semaphore(%run_scoped3A : memref<!tpu.dma_semaphore, #tpu.memory_space<semaphore_mem>>)
        %dma_wait3A_180 = tpu.memref_slice %arg4[%mul3A_147] : memref<320000xi32, #tpu.memory_space<hbm>> -> memref<128xi32, #tpu.memory_space<hbm>>
        %dma_wait3A_181 = tpu.memref_slice %arg4[%mul3A_147] : memref<320000xi32, #tpu.memory_space<hbm>> -> memref<128xi32, #tpu.memory_space<hbm>>
        tpu.wait_dma2 semaphore(%run_scoped3A : memref<!tpu.dma_semaphore, #tpu.memory_space<semaphore_mem>>) src(%dma_wait3A_181 : memref<128xi32, #tpu.memory_space<hbm>>) dst(%arg10 : memref<128xi32, #tpu.memory_space<vmem>>)
        tpu.yield
      }) : () -> ()
      "tpu.region"() ({
        %run_scoped3A = tpu.sem_alloc : memref<!tpu.dma_semaphore, #tpu.memory_space<semaphore_mem>>
        %dma_start3A_178 = tpu.memref_slice %arg5[%mul3A_147] : memref<320000xi32, #tpu.memory_space<hbm>> -> memref<128xi32, #tpu.memory_space<hbm>>
        %dma_start3A_179 = tpu.memref_slice %arg5[%mul3A_147] : memref<320000xi32, #tpu.memory_space<hbm>> -> memref<128xi32, #tpu.memory_space<hbm>>
        tpu.enqueue_dma source(%dma_start3A_179 : memref<128xi32, #tpu.memory_space<hbm>>) target(%arg13 : memref<128xi32, #tpu.memory_space<vmem>>) target_semaphore(%run_scoped3A : memref<!tpu.dma_semaphore, #tpu.memory_space<semaphore_mem>>)
        %dma_wait3A_180 = tpu.memref_slice %arg5[%mul3A_147] : memref<320000xi32, #tpu.memory_space<hbm>> -> memref<128xi32, #tpu.memory_space<hbm>>
        %dma_wait3A_181 = tpu.memref_slice %arg5[%mul3A_147] : memref<320000xi32, #tpu.memory_space<hbm>> -> memref<128xi32, #tpu.memory_space<hbm>>
        tpu.wait_dma2 semaphore(%run_scoped3A : memref<!tpu.dma_semaphore, #tpu.memory_space<semaphore_mem>>) src(%dma_wait3A_181 : memref<128xi32, #tpu.memory_space<hbm>>) dst(%arg13 : memref<128xi32, #tpu.memory_space<vmem>>)
        tpu.yield
      }) : () -> ()
      %dma_start3A_148 = arith.constant 0 : i32
      %dma_start3A_149 = arith.constant 0 : i32
      %dma_start3A_150 = tpu.memref_slice %arg2[%dma_start3A_148, %dma_start3A_149] : memref<10000x128xf32, #tpu.memory_space<hbm>> -> memref<10000x128xf32, #tpu.memory_space<hbm>>
      tpu.enqueue_indirect_dma source(%dma_start3A_150 : memref<10000x128xf32, #tpu.memory_space<hbm>>) target(%arg16 : memref<128x128xf32, #tpu.memory_space<vmem>>) offsets(%arg10 : memref<128xi32, #tpu.memory_space<vmem>>) semaphore(%arg22 : memref<!tpu.dma_semaphore, #tpu.memory_space<semaphore_mem>>)
      %dma_start3A_151 = arith.constant 0 : i32
      %dma_start3A_152 = arith.constant 0 : i32
      %dma_start3A_153 = tpu.memref_slice %arg3[%dma_start3A_151, %dma_start3A_152] : memref<10000x128xf32, #tpu.memory_space<hbm>> -> memref<10000x128xf32, #tpu.memory_space<hbm>>
      tpu.enqueue_indirect_dma source(%dma_start3A_153 : memref<10000x128xf32, #tpu.memory_space<hbm>>) target(%arg19 : memref<128x128xf32, #tpu.memory_space<vmem>>) offsets(%arg13 : memref<128xi32, #tpu.memory_space<vmem>>) semaphore(%arg22 : memref<!tpu.dma_semaphore, #tpu.memory_space<semaphore_mem>>)
      %dma_wait3A_154 = arith.constant 0 : i32
      %dma_wait3A_155 = arith.constant 0 : i32
      %dma_wait3A_156 = tpu.memref_slice %arg2[%dma_wait3A_154, %dma_wait3A_155] : memref<10000x128xf32, #tpu.memory_space<hbm>> -> memref<10000x128xf32, #tpu.memory_space<hbm>>
      tpu.wait_indirect_dma semaphore(%arg21 : memref<!tpu.dma_semaphore, #tpu.memory_space<semaphore_mem>>) src(%dma_wait3A_156 : memref<10000x128xf32, #tpu.memory_space<hbm>>) dst(%arg15 : memref<128x128xf32, #tpu.memory_space<vmem>>)
      %dma_wait3A_157 = arith.constant 0 : i32
      %dma_wait3A_158 = arith.constant 0 : i32
      %dma_wait3A_159 = tpu.memref_slice %arg3[%dma_wait3A_157, %dma_wait3A_158] : memref<10000x128xf32, #tpu.memory_space<hbm>> -> memref<10000x128xf32, #tpu.memory_space<hbm>>
      tpu.wait_indirect_dma semaphore(%arg21 : memref<!tpu.dma_semaphore, #tpu.memory_space<semaphore_mem>>) src(%dma_wait3A_159 : memref<10000x128xf32, #tpu.memory_space<hbm>>) dst(%arg18 : memref<128x128xf32, #tpu.memory_space<vmem>>)
      %sub3A_160 = arith.constant 1 : i32
      %sub3A_161 = arith.subi %add3A_134, %sub3A_160 : i32
      %mul3A_162 = arith.constant 32 : i32
      %mul3A_163 = arith.muli %sub3A_161, %mul3A_162 : i32
      %add3A_164 = arith.addi %add3A, %mul3A_163 : i32
      %lt3A_165 = arith.constant 2500 : i32
      %lt3A_166 = arith.cmpi slt, %add3A_164, %lt3A_165 : i32
      %select_n3A_167 = arith.select %lt3A_166, %add3A_164, %add3A : i32
      %mul3A_168 = arith.constant 128 : i32
      %mul3A_169 = arith.muli %select_n3A_167, %mul3A_168 : i32
      %dma_start3A_170 = arith.constant 0 : i32
      %dma_start3A_171 = tpu.memref_slice %arg6[%mul3A_169, %dma_start3A_170] : memref<320000x128xf32, #tpu.memory_space<hbm>> -> memref<128x128xf32, #tpu.memory_space<hbm>>
      %dma_start3A_172 = arith.constant 0 : i32
      %dma_start3A_173 = tpu.memref_slice %arg6[%mul3A_169, %dma_start3A_172] : memref<320000x128xf32, #tpu.memory_space<hbm>> -> memref<128x128xf32, #tpu.memory_space<hbm>>
      tpu.enqueue_dma source(%arg15 : memref<128x128xf32, #tpu.memory_space<vmem>>) target(%dma_start3A_173 : memref<128x128xf32, #tpu.memory_space<hbm>>) target_semaphore(%arg24 : memref<!tpu.dma_semaphore, #tpu.memory_space<semaphore_mem>>)
      %dma_start3A_174 = arith.constant 0 : i32
      %dma_start3A_175 = tpu.memref_slice %arg7[%mul3A_169, %dma_start3A_174] : memref<320000x128xf32, #tpu.memory_space<hbm>> -> memref<128x128xf32, #tpu.memory_space<hbm>>
      %dma_start3A_176 = arith.constant 0 : i32
      %dma_start3A_177 = tpu.memref_slice %arg7[%mul3A_169, %dma_start3A_176] : memref<320000x128xf32, #tpu.memory_space<hbm>> -> memref<128x128xf32, #tpu.memory_space<hbm>>
      tpu.enqueue_dma source(%arg18 : memref<128x128xf32, #tpu.memory_space<vmem>>) target(%dma_start3A_177 : memref<128x128xf32, #tpu.memory_space<hbm>>) target_semaphore(%arg24 : memref<!tpu.dma_semaphore, #tpu.memory_space<semaphore_mem>>)
    }
    %scan3A_5 = arith.constant 27 : i32
    %dma_wait3A = arith.constant 0 : i32
    %dma_wait3A_6 = arith.constant 0 : i32
    %dma_wait3A_7 = tpu.memref_slice %arg2[%dma_wait3A, %dma_wait3A_6] : memref<10000x128xf32, #tpu.memory_space<hbm>> -> memref<10000x128xf32, #tpu.memory_space<hbm>>
    tpu.wait_indirect_dma semaphore(%arg22 : memref<!tpu.dma_semaphore, #tpu.memory_space<semaphore_mem>>) src(%dma_wait3A_7 : memref<10000x128xf32, #tpu.memory_space<hbm>>) dst(%arg16 : memref<128x128xf32, #tpu.memory_space<vmem>>)
    %dma_wait3A_8 = arith.constant 0 : i32
    %dma_wait3A_9 = arith.constant 0 : i32
    %dma_wait3A_10 = tpu.memref_slice %arg3[%dma_wait3A_8, %dma_wait3A_9] : memref<10000x128xf32, #tpu.memory_space<hbm>> -> memref<10000x128xf32, #tpu.memory_space<hbm>>
    tpu.wait_indirect_dma semaphore(%arg22 : memref<!tpu.dma_semaphore, #tpu.memory_space<semaphore_mem>>) src(%dma_wait3A_10 : memref<10000x128xf32, #tpu.memory_space<hbm>>) dst(%arg19 : memref<128x128xf32, #tpu.memory_space<vmem>>)
    %add3A_11 = arith.constant 2560 : i32
    %add3A_12 = arith.addi %add3A, %add3A_11 : i32
    %lt3A = arith.constant 2500 : i32
    %lt3A_13 = arith.cmpi slt, %add3A_12, %lt3A : i32
    %select_n3A = arith.select %lt3A_13, %add3A_12, %add3A : i32
    %mul3A_14 = arith.constant 128 : i32
    %mul3A_15 = arith.muli %select_n3A, %mul3A_14 : i32
    %dma_start3A = arith.constant 0 : i32
    %dma_start3A_16 = tpu.memref_slice %arg6[%mul3A_15, %dma_start3A] : memref<320000x128xf32, #tpu.memory_space<hbm>> -> memref<128x128xf32, #tpu.memory_space<hbm>>
    %dma_start3A_17 = arith.constant 0 : i32
    %dma_start3A_18 = tpu.memref_slice %arg6[%mul3A_15, %dma_start3A_17] : memref<320000x128xf32, #tpu.memory_space<hbm>> -> memref<128x128xf32, #tpu.memory_space<hbm>>
    tpu.enqueue_dma source(%arg16 : memref<128x128xf32, #tpu.memory_space<vmem>>) target(%dma_start3A_18 : memref<128x128xf32, #tpu.memory_space<hbm>>) target_semaphore(%arg25 : memref<!tpu.dma_semaphore, #tpu.memory_space<semaphore_mem>>)
    %dma_start3A_19 = arith.constant 0 : i32
    %dma_start3A_20 = tpu.memref_slice %arg7[%mul3A_15, %dma_start3A_19] : memref<320000x128xf32, #tpu.memory_space<hbm>> -> memref<128x128xf32, #tpu.memory_space<hbm>>
    %dma_start3A_21 = arith.constant 0 : i32
    %dma_start3A_22 = tpu.memref_slice %arg7[%mul3A_15, %dma_start3A_21] : memref<320000x128xf32, #tpu.memory_space<hbm>> -> memref<128x128xf32, #tpu.memory_space<hbm>>
    tpu.enqueue_dma source(%arg19 : memref<128x128xf32, #tpu.memory_space<vmem>>) target(%dma_start3A_22 : memref<128x128xf32, #tpu.memory_space<hbm>>) target_semaphore(%arg25 : memref<!tpu.dma_semaphore, #tpu.memory_space<semaphore_mem>>)
    %dma_wait3A_23 = arith.constant 0 : i32
    %dma_wait3A_24 = arith.constant 0 : i32
    %dma_wait3A_25 = tpu.memref_slice %arg6[%dma_wait3A_23, %dma_wait3A_24] : memref<320000x128xf32, #tpu.memory_space<hbm>> -> memref<128x128xf32, #tpu.memory_space<hbm>>
    %dma_wait3A_26 = arith.constant 0 : i32
    %dma_wait3A_27 = arith.constant 0 : i32
    %dma_wait3A_28 = tpu.memref_slice %arg6[%dma_wait3A_26, %dma_wait3A_27] : memref<320000x128xf32, #tpu.memory_space<hbm>> -> memref<128x128xf32, #tpu.memory_space<hbm>>
    tpu.wait_dma2 semaphore(%arg23 : memref<!tpu.dma_semaphore, #tpu.memory_space<semaphore_mem>>) src(%arg14 : memref<128x128xf32, #tpu.memory_space<vmem>>) dst(%dma_wait3A_28 : memref<128x128xf32, #tpu.memory_space<hbm>>)
    %dma_wait3A_29 = arith.constant 0 : i32
    %dma_wait3A_30 = arith.constant 0 : i32
    %dma_wait3A_31 = tpu.memref_slice %arg7[%dma_wait3A_29, %dma_wait3A_30] : memref<320000x128xf32, #tpu.memory_space<hbm>> -> memref<128x128xf32, #tpu.memory_space<hbm>>
    %dma_wait3A_32 = arith.constant 0 : i32
    %dma_wait3A_33 = arith.constant 0 : i32
    %dma_wait3A_34 = tpu.memref_slice %arg7[%dma_wait3A_32, %dma_wait3A_33] : memref<320000x128xf32, #tpu.memory_space<hbm>> -> memref<128x128xf32, #tpu.memory_space<hbm>>
    tpu.wait_dma2 semaphore(%arg23 : memref<!tpu.dma_semaphore, #tpu.memory_space<semaphore_mem>>) src(%arg17 : memref<128x128xf32, #tpu.memory_space<vmem>>) dst(%dma_wait3A_34 : memref<128x128xf32, #tpu.memory_space<hbm>>)
    %dma_wait3A_35 = arith.constant 0 : i32
    %dma_wait3A_36 = arith.constant 0 : i32
    %dma_wait3A_37 = tpu.memref_slice %arg6[%dma_wait3A_35, %dma_wait3A_36] : memref<320000x128xf32, #tpu.memory_space<hbm>> -> memref<128x128xf32, #tpu.memory_space<hbm>>
    %dma_wait3A_38 = arith.constant 0 : i32
    %dma_wait3A_39 = arith.constant 0 : i32
    %dma_wait3A_40 = tpu.memref_slice %arg6[%dma_wait3A_38, %dma_wait3A_39] : memref<320000x128xf32, #tpu.memory_space<hbm>> -> memref<128x128xf32, #tpu.memory_space<hbm>>
    tpu.wait_dma2 semaphore(%arg24 : memref<!tpu.dma_semaphore, #tpu.memory_space<semaphore_mem>>) src(%arg15 : memref<128x128xf32, #tpu.memory_space<vmem>>) dst(%dma_wait3A_40 : memref<128x128xf32, #tpu.memory_space<hbm>>)
    %dma_wait3A_41 = arith.constant 0 : i32
    %dma_wait3A_42 = arith.constant 0 : i32
    %dma_wait3A_43 = tpu.memref_slice %arg7[%dma_wait3A_41, %dma_wait3A_42] : memref<320000x128xf32, #tpu.memory_space<hbm>> -> memref<128x128xf32, #tpu.memory_space<hbm>>
    %dma_wait3A_44 = arith.constant 0 : i32
    %dma_wait3A_45 = arith.constant 0 : i32
    %dma_wait3A_46 = tpu.memref_slice %arg7[%dma_wait3A_44, %dma_wait3A_45] : memref<320000x128xf32, #tpu.memory_space<hbm>> -> memref<128x128xf32, #tpu.memory_space<hbm>>
    tpu.wait_dma2 semaphore(%arg24 : memref<!tpu.dma_semaphore, #tpu.memory_space<semaphore_mem>>) src(%arg18 : memref<128x128xf32, #tpu.memory_space<vmem>>) dst(%dma_wait3A_46 : memref<128x128xf32, #tpu.memory_space<hbm>>)
    %dma_wait3A_47 = arith.constant 0 : i32
    %dma_wait3A_48 = arith.constant 0 : i32
    %dma_wait3A_49 = tpu.memref_slice %arg6[%dma_wait3A_47, %dma_wait3A_48] : memref<320000x128xf32, #tpu.memory_space<hbm>> -> memref<128x128xf32, #tpu.memory_space<hbm>>
    %dma_wait3A_50 = arith.constant 0 : i32
    %dma_wait3A_51 = arith.constant 0 : i32
    %dma_wait3A_52 = tpu.memref_slice %arg6[%dma_wait3A_50, %dma_wait3A_51] : memref<320000x128xf32, #tpu.memory_space<hbm>> -> memref<128x128xf32, #tpu.memory_space<hbm>>
    tpu.wait_dma2 semaphore(%arg25 : memref<!tpu.dma_semaphore, #tpu.memory_space<semaphore_mem>>) src(%arg16 : memref<128x128xf32, #tpu.memory_space<vmem>>) dst(%dma_wait3A_52 : memref<128x128xf32, #tpu.memory_space<hbm>>)
    %dma_wait3A_53 = arith.constant 0 : i32
    %dma_wait3A_54 = arith.constant 0 : i32
    %dma_wait3A_55 = tpu.memref_slice %arg7[%dma_wait3A_53, %dma_wait3A_54] : memref<320000x128xf32, #tpu.memory_space<hbm>> -> memref<128x128xf32, #tpu.memory_space<hbm>>
    %dma_wait3A_56 = arith.constant 0 : i32
    %dma_wait3A_57 = arith.constant 0 : i32
    %dma_wait3A_58 = tpu.memref_slice %arg7[%dma_wait3A_56, %dma_wait3A_57] : memref<320000x128xf32, #tpu.memory_space<hbm>> -> memref<128x128xf32, #tpu.memory_space<hbm>>
    tpu.wait_dma2 semaphore(%arg25 : memref<!tpu.dma_semaphore, #tpu.memory_space<semaphore_mem>>) src(%arg19 : memref<128x128xf32, #tpu.memory_space<vmem>>) dst(%dma_wait3A_58 : memref<128x128xf32, #tpu.memory_space<hbm>>)
    return
  }
}

#map = affine_map<(d0, d1) -> (0, 0)>
#map1 = affine_map<(d0, d1) -> (0)>
module attributes {stable_mosaic.version = 14 : i64} {
  func.func @gk(%arg0: i32, %arg1: i32, %arg2: memref<10000x128xf32, #tpu.memory_space<hbm>>, %arg3: memref<10000x128xf32, #tpu.memory_space<hbm>>, %arg4: memref<10000xf32, #tpu.memory_space<hbm>>, %arg5: memref<10000xf32, #tpu.memory_space<hbm>>, %arg6: memref<10000xf32, #tpu.memory_space<hbm>>, %arg7: memref<320000xi32, #tpu.memory_space<hbm>>, %arg8: memref<320000xi32, #tpu.memory_space<hbm>>, %arg9: memref<320000x128xf32, #tpu.memory_space<hbm>>, %arg10: memref<320000x128xf32, #tpu.memory_space<hbm>>, %arg11: memref<320000xf32, #tpu.memory_space<hbm>>, %arg12: memref<128xi32, #tpu.memory_space<vmem>>, %arg13: memref<128xi32, #tpu.memory_space<vmem>>, %arg14: memref<128xi32, #tpu.memory_space<vmem>>, %arg15: memref<128xi32, #tpu.memory_space<vmem>>, %arg16: memref<128xi32, #tpu.memory_space<vmem>>, %arg17: memref<128xi32, #tpu.memory_space<vmem>>, %arg18: memref<128x128xf32, #tpu.memory_space<vmem>>, %arg19: memref<128x128xf32, #tpu.memory_space<vmem>>, %arg20: memref<128x128xf32, #tpu.memory_space<vmem>>, %arg21: memref<128x128xf32, #tpu.memory_space<vmem>>, %arg22: memref<128x128xf32, #tpu.memory_space<vmem>>, %arg23: memref<128x128xf32, #tpu.memory_space<vmem>>, %arg24: memref<10000xf32, #tpu.memory_space<vmem>>, %arg25: memref<10000xf32, #tpu.memory_space<vmem>>, %arg26: memref<10000xf32, #tpu.memory_space<vmem>>, %arg27: memref<128xf32, #tpu.memory_space<vmem>>, %arg28: memref<128xf32, #tpu.memory_space<vmem>>, %arg29: memref<128xf32, #tpu.memory_space<vmem>>, %arg30: memref<!tpu.dma_semaphore, #tpu.memory_space<semaphore_mem>>, %arg31: memref<!tpu.dma_semaphore, #tpu.memory_space<semaphore_mem>>, %arg32: memref<!tpu.dma_semaphore, #tpu.memory_space<semaphore_mem>>, %arg33: memref<!tpu.dma_semaphore, #tpu.memory_space<semaphore_mem>>, %arg34: memref<!tpu.dma_semaphore, #tpu.memory_space<semaphore_mem>>, %arg35: memref<!tpu.dma_semaphore, #tpu.memory_space<semaphore_mem>>) attributes {dimension_semantics = [#tpu.dimension_semantics<core_parallel>, #tpu.dimension_semantics<subcore_parallel>], iteration_bounds = array<i64: 2, 16>, scalar_prefetch = 0 : i64, scratch_operands = 24 : i64, tpu.core_type = #tpu.core_type<sc_vector_subcore>, window_params = [{transform_indices = #map}, {transform_indices = #map}, {transform_indices = #map1}, {transform_indices = #map1}, {transform_indices = #map1}, {transform_indices = #map1}, {transform_indices = #map1}, {transform_indices = #map}, {transform_indices = #map}, {transform_indices = #map1}]} {
    %mul3A = arith.constant 2 : i32
    %mul3A_0 = arith.muli %arg1, %mul3A : i32
    %add3A = arith.addi %mul3A_0, %arg0 : i32
    "tpu.region"() ({
      %run_scoped3A = tpu.sem_alloc : memref<!tpu.dma_semaphore, #tpu.memory_space<semaphore_mem>>
      tpu.enqueue_dma source(%arg4 : memref<10000xf32, #tpu.memory_space<hbm>>) target(%arg24 : memref<10000xf32, #tpu.memory_space<vmem>>) target_semaphore(%run_scoped3A : memref<!tpu.dma_semaphore, #tpu.memory_space<semaphore_mem>>)
      tpu.wait_dma2 semaphore(%run_scoped3A : memref<!tpu.dma_semaphore, #tpu.memory_space<semaphore_mem>>) src(%arg4 : memref<10000xf32, #tpu.memory_space<hbm>>) dst(%arg24 : memref<10000xf32, #tpu.memory_space<vmem>>)
      tpu.yield
    }) : () -> ()
    "tpu.region"() ({
      %run_scoped3A = tpu.sem_alloc : memref<!tpu.dma_semaphore, #tpu.memory_space<semaphore_mem>>
      tpu.enqueue_dma source(%arg5 : memref<10000xf32, #tpu.memory_space<hbm>>) target(%arg25 : memref<10000xf32, #tpu.memory_space<vmem>>) target_semaphore(%run_scoped3A : memref<!tpu.dma_semaphore, #tpu.memory_space<semaphore_mem>>)
      tpu.wait_dma2 semaphore(%run_scoped3A : memref<!tpu.dma_semaphore, #tpu.memory_space<semaphore_mem>>) src(%arg5 : memref<10000xf32, #tpu.memory_space<hbm>>) dst(%arg25 : memref<10000xf32, #tpu.memory_space<vmem>>)
      tpu.yield
    }) : () -> ()
    "tpu.region"() ({
      %run_scoped3A = tpu.sem_alloc : memref<!tpu.dma_semaphore, #tpu.memory_space<semaphore_mem>>
      tpu.enqueue_dma source(%arg6 : memref<10000xf32, #tpu.memory_space<hbm>>) target(%arg26 : memref<10000xf32, #tpu.memory_space<vmem>>) target_semaphore(%run_scoped3A : memref<!tpu.dma_semaphore, #tpu.memory_space<semaphore_mem>>)
      tpu.wait_dma2 semaphore(%run_scoped3A : memref<!tpu.dma_semaphore, #tpu.memory_space<semaphore_mem>>) src(%arg6 : memref<10000xf32, #tpu.memory_space<hbm>>) dst(%arg26 : memref<10000xf32, #tpu.memory_space<vmem>>)
      tpu.yield
    }) : () -> ()
    %scan3A = arith.constant 0 : i32
    %scan3A_1 = arith.constant 0 : i32
    %scan3A_2 = arith.constant 27 : i32
    %scan3A_3 = arith.addi %scan3A_1, %scan3A_2 : i32
    %scan3A_4 = arith.constant 1 : i32
    scf.for %scan3A_73 = %scan3A_1 to %scan3A_3 step %scan3A_4  : i32 {
      %mul3A_74 = arith.constant 3 : i32
      %mul3A_75 = arith.muli %scan3A_73, %mul3A_74 : i32
      %add3A_76 = arith.constant 0 : i32
      %add3A_77 = arith.addi %mul3A_75, %add3A_76 : i32
      %gt3A = arith.constant 0 : i32
      %gt3A_78 = arith.cmpi sgt, %scan3A_73, %gt3A : i32
      %convert_element_type3A = arith.extui %gt3A_78 : i1 to i32
      %cond3A = arith.constant 0 : i32
      %cond3A_79 = arith.cmpi ne, %convert_element_type3A, %cond3A : i32
      scf.if %cond3A_79 {
        %dma_wait3A_673 = arith.constant 0 : i32
        %dma_wait3A_674 = arith.constant 0 : i32
        %dma_wait3A_675 = tpu.memref_slice %arg9[%dma_wait3A_673, %dma_wait3A_674] : memref<320000x128xf32, #tpu.memory_space<hbm>> -> memref<128x128xf32, #tpu.memory_space<hbm>>
        %dma_wait3A_676 = arith.constant 0 : i32
        %dma_wait3A_677 = arith.constant 0 : i32
        %dma_wait3A_678 = tpu.memref_slice %arg9[%dma_wait3A_676, %dma_wait3A_677] : memref<320000x128xf32, #tpu.memory_space<hbm>> -> memref<128x128xf32, #tpu.memory_space<hbm>>
        tpu.wait_dma2 semaphore(%arg33 : memref<!tpu.dma_semaphore, #tpu.memory_space<semaphore_mem>>) src(%arg18 : memref<128x128xf32, #tpu.memory_space<vmem>>) dst(%dma_wait3A_678 : memref<128x128xf32, #tpu.memory_space<hbm>>)
        %dma_wait3A_679 = arith.constant 0 : i32
        %dma_wait3A_680 = arith.constant 0 : i32
        %dma_wait3A_681 = tpu.memref_slice %arg10[%dma_wait3A_679, %dma_wait3A_680] : memref<320000x128xf32, #tpu.memory_space<hbm>> -> memref<128x128xf32, #tpu.memory_space<hbm>>
        %dma_wait3A_682 = arith.constant 0 : i32
        %dma_wait3A_683 = arith.constant 0 : i32
        %dma_wait3A_684 = tpu.memref_slice %arg10[%dma_wait3A_682, %dma_wait3A_683] : memref<320000x128xf32, #tpu.memory_space<hbm>> -> memref<128x128xf32, #tpu.memory_space<hbm>>
        tpu.wait_dma2 semaphore(%arg33 : memref<!tpu.dma_semaphore, #tpu.memory_space<semaphore_mem>>) src(%arg21 : memref<128x128xf32, #tpu.memory_space<vmem>>) dst(%dma_wait3A_684 : memref<128x128xf32, #tpu.memory_space<hbm>>)
        %dma_wait3A_685 = arith.constant 0 : i32
        %dma_wait3A_686 = tpu.memref_slice %arg11[%dma_wait3A_685] : memref<320000xf32, #tpu.memory_space<hbm>> -> memref<128xf32, #tpu.memory_space<hbm>>
        %dma_wait3A_687 = arith.constant 0 : i32
        %dma_wait3A_688 = tpu.memref_slice %arg11[%dma_wait3A_687] : memref<320000xf32, #tpu.memory_space<hbm>> -> memref<128xf32, #tpu.memory_space<hbm>>
        tpu.wait_dma2 semaphore(%arg33 : memref<!tpu.dma_semaphore, #tpu.memory_space<semaphore_mem>>) src(%arg27 : memref<128xf32, #tpu.memory_space<vmem>>) dst(%dma_wait3A_688 : memref<128xf32, #tpu.memory_space<hbm>>)
      } else {
      }
      %mul3A_80 = arith.constant 32 : i32
      %mul3A_81 = arith.muli %add3A_77, %mul3A_80 : i32
      %add3A_82 = arith.addi %add3A, %mul3A_81 : i32
      %lt3A_83 = arith.constant 2500 : i32
      %lt3A_84 = arith.cmpi slt, %add3A_82, %lt3A_83 : i32
      %select_n3A_85 = arith.select %lt3A_84, %add3A_82, %add3A : i32
      %mul3A_86 = arith.constant 128 : i32
      %mul3A_87 = arith.muli %select_n3A_85, %mul3A_86 : i32
      "tpu.region"() ({
        %run_scoped3A = tpu.sem_alloc : memref<!tpu.dma_semaphore, #tpu.memory_space<semaphore_mem>>
        %dma_start3A_673 = tpu.memref_slice %arg7[%mul3A_87] : memref<320000xi32, #tpu.memory_space<hbm>> -> memref<128xi32, #tpu.memory_space<hbm>>
        %dma_start3A_674 = tpu.memref_slice %arg7[%mul3A_87] : memref<320000xi32, #tpu.memory_space<hbm>> -> memref<128xi32, #tpu.memory_space<hbm>>
        tpu.enqueue_dma source(%dma_start3A_674 : memref<128xi32, #tpu.memory_space<hbm>>) target(%arg12 : memref<128xi32, #tpu.memory_space<vmem>>) target_semaphore(%run_scoped3A : memref<!tpu.dma_semaphore, #tpu.memory_space<semaphore_mem>>)
        %dma_wait3A_675 = tpu.memref_slice %arg7[%mul3A_87] : memref<320000xi32, #tpu.memory_space<hbm>> -> memref<128xi32, #tpu.memory_space<hbm>>
        %dma_wait3A_676 = tpu.memref_slice %arg7[%mul3A_87] : memref<320000xi32, #tpu.memory_space<hbm>> -> memref<128xi32, #tpu.memory_space<hbm>>
        tpu.wait_dma2 semaphore(%run_scoped3A : memref<!tpu.dma_semaphore, #tpu.memory_space<semaphore_mem>>) src(%dma_wait3A_676 : memref<128xi32, #tpu.memory_space<hbm>>) dst(%arg12 : memref<128xi32, #tpu.memory_space<vmem>>)
        tpu.yield
      }) : () -> ()
      "tpu.region"() ({
        %run_scoped3A = tpu.sem_alloc : memref<!tpu.dma_semaphore, #tpu.memory_space<semaphore_mem>>
        %dma_start3A_673 = tpu.memref_slice %arg8[%mul3A_87] : memref<320000xi32, #tpu.memory_space<hbm>> -> memref<128xi32, #tpu.memory_space<hbm>>
        %dma_start3A_674 = tpu.memref_slice %arg8[%mul3A_87] : memref<320000xi32, #tpu.memory_space<hbm>> -> memref<128xi32, #tpu.memory_space<hbm>>
        tpu.enqueue_dma source(%dma_start3A_674 : memref<128xi32, #tpu.memory_space<hbm>>) target(%arg15 : memref<128xi32, #tpu.memory_space<vmem>>) target_semaphore(%run_scoped3A : memref<!tpu.dma_semaphore, #tpu.memory_space<semaphore_mem>>)
        %dma_wait3A_675 = tpu.memref_slice %arg8[%mul3A_87] : memref<320000xi32, #tpu.memory_space<hbm>> -> memref<128xi32, #tpu.memory_space<hbm>>
        %dma_wait3A_676 = tpu.memref_slice %arg8[%mul3A_87] : memref<320000xi32, #tpu.memory_space<hbm>> -> memref<128xi32, #tpu.memory_space<hbm>>
        tpu.wait_dma2 semaphore(%run_scoped3A : memref<!tpu.dma_semaphore, #tpu.memory_space<semaphore_mem>>) src(%dma_wait3A_676 : memref<128xi32, #tpu.memory_space<hbm>>) dst(%arg15 : memref<128xi32, #tpu.memory_space<vmem>>)
        tpu.yield
      }) : () -> ()
      %dma_start3A_88 = arith.constant 0 : i32
      %dma_start3A_89 = arith.constant 0 : i32
      %dma_start3A_90 = tpu.memref_slice %arg2[%dma_start3A_88, %dma_start3A_89] : memref<10000x128xf32, #tpu.memory_space<hbm>> -> memref<10000x128xf32, #tpu.memory_space<hbm>>
      tpu.enqueue_indirect_dma source(%dma_start3A_90 : memref<10000x128xf32, #tpu.memory_space<hbm>>) target(%arg18 : memref<128x128xf32, #tpu.memory_space<vmem>>) offsets(%arg12 : memref<128xi32, #tpu.memory_space<vmem>>) semaphore(%arg30 : memref<!tpu.dma_semaphore, #tpu.memory_space<semaphore_mem>>)
      %dma_start3A_91 = arith.constant 0 : i32
      %dma_start3A_92 = arith.constant 0 : i32
      %dma_start3A_93 = tpu.memref_slice %arg3[%dma_start3A_91, %dma_start3A_92] : memref<10000x128xf32, #tpu.memory_space<hbm>> -> memref<10000x128xf32, #tpu.memory_space<hbm>>
      tpu.enqueue_indirect_dma source(%dma_start3A_93 : memref<10000x128xf32, #tpu.memory_space<hbm>>) target(%arg21 : memref<128x128xf32, #tpu.memory_space<vmem>>) offsets(%arg15 : memref<128xi32, #tpu.memory_space<vmem>>) semaphore(%arg30 : memref<!tpu.dma_semaphore, #tpu.memory_space<semaphore_mem>>)
      %get3A = arith.constant 0 : index
      %get3A_94 = tpu.vector_load %arg12[%get3A] {strides = array<i32>} : memref<128xi32, #tpu.memory_space<vmem>>, vector<16xi32>,
      %get3A_95 = arith.constant 0 : index
      %get3A_96 = tpu.vector_load %arg15[%get3A_95] {strides = array<i32>} : memref<128xi32, #tpu.memory_space<vmem>>, vector<16xi32>,
      %gather3A = tpu.vector_load_idx %arg24[%get3A_94] : memref<10000xf32, #tpu.memory_space<vmem>>[vector<16xi32>], vector<16xf32>,
      %gather3A_97 = tpu.vector_load_idx %arg24[%get3A_96] : memref<10000xf32, #tpu.memory_space<vmem>>[vector<16xi32>], vector<16xf32>,
      %sub3A = arith.subf %gather3A, %gather3A_97 : vector<16xf32>
      %mul3A_98 = arith.mulf %sub3A, %sub3A : vector<16xf32>
      %gather3A_99 = tpu.vector_load_idx %arg25[%get3A_94] : memref<10000xf32, #tpu.memory_space<vmem>>[vector<16xi32>], vector<16xf32>,
      %gather3A_100 = tpu.vector_load_idx %arg25[%get3A_96] : memref<10000xf32, #tpu.memory_space<vmem>>[vector<16xi32>], vector<16xf32>,
      %sub3A_101 = arith.subf %gather3A_99, %gather3A_100 : vector<16xf32>
      %mul3A_102 = arith.mulf %sub3A_101, %sub3A_101 : vector<16xf32>
      %add3A_103 = arith.addf %mul3A_98, %mul3A_102 : vector<16xf32>
      %gather3A_104 = tpu.vector_load_idx %arg26[%get3A_94] : memref<10000xf32, #tpu.memory_space<vmem>>[vector<16xi32>], vector<16xf32>,
      %gather3A_105 = tpu.vector_load_idx %arg26[%get3A_96] : memref<10000xf32, #tpu.memory_space<vmem>>[vector<16xi32>], vector<16xf32>,
      %sub3A_106 = arith.subf %gather3A_104, %gather3A_105 : vector<16xf32>
      %mul3A_107 = arith.mulf %sub3A_106, %sub3A_106 : vector<16xf32>
      %add3A_108 = arith.addf %add3A_103, %mul3A_107 : vector<16xf32>
      %swap3A = arith.constant 0 : index
      %swap3A_109 = tpu.vector_load %arg27[%swap3A] {strides = array<i32>} : memref<128xf32, #tpu.memory_space<vmem>>, vector<16xf32>,
      tpu.vector_store %arg27[%swap3A], %add3A_108 {strides = array<i32>} : memref<128xf32, #tpu.memory_space<vmem>>, vector<16xf32>,
      %get3A_110 = arith.constant 16 : index
      %get3A_111 = tpu.vector_load %arg12[%get3A_110] {strides = array<i32>} : memref<128xi32, #tpu.memory_space<vmem>>, vector<16xi32>,
      %get3A_112 = arith.constant 16 : index
      %get3A_113 = tpu.vector_load %arg15[%get3A_112] {strides = array<i32>} : memref<128xi32, #tpu.memory_space<vmem>>, vector<16xi32>,
      %gather3A_114 = tpu.vector_load_idx %arg24[%get3A_111] : memref<10000xf32, #tpu.memory_space<vmem>>[vector<16xi32>], vector<16xf32>,
      %gather3A_115 = tpu.vector_load_idx %arg24[%get3A_113] : memref<10000xf32, #tpu.memory_space<vmem>>[vector<16xi32>], vector<16xf32>,
      %sub3A_116 = arith.subf %gather3A_114, %gather3A_115 : vector<16xf32>
      %mul3A_117 = arith.mulf %sub3A_116, %sub3A_116 : vector<16xf32>
      %gather3A_118 = tpu.vector_load_idx %arg25[%get3A_111] : memref<10000xf32, #tpu.memory_space<vmem>>[vector<16xi32>], vector<16xf32>,
      %gather3A_119 = tpu.vector_load_idx %arg25[%get3A_113] : memref<10000xf32, #tpu.memory_space<vmem>>[vector<16xi32>], vector<16xf32>,
      %sub3A_120 = arith.subf %gather3A_118, %gather3A_119 : vector<16xf32>
      %mul3A_121 = arith.mulf %sub3A_120, %sub3A_120 : vector<16xf32>
      %add3A_122 = arith.addf %mul3A_117, %mul3A_121 : vector<16xf32>
      %gather3A_123 = tpu.vector_load_idx %arg26[%get3A_111] : memref<10000xf32, #tpu.memory_space<vmem>>[vector<16xi32>], vector<16xf32>,
      %gather3A_124 = tpu.vector_load_idx %arg26[%get3A_113] : memref<10000xf32, #tpu.memory_space<vmem>>[vector<16xi32>], vector<16xf32>,
      %sub3A_125 = arith.subf %gather3A_123, %gather3A_124 : vector<16xf32>
      %mul3A_126 = arith.mulf %sub3A_125, %sub3A_125 : vector<16xf32>
      %add3A_127 = arith.addf %add3A_122, %mul3A_126 : vector<16xf32>
      %swap3A_128 = arith.constant 16 : index
      %swap3A_129 = tpu.vector_load %arg27[%swap3A_128] {strides = array<i32>} : memref<128xf32, #tpu.memory_space<vmem>>, vector<16xf32>,
      tpu.vector_store %arg27[%swap3A_128], %add3A_127 {strides = array<i32>} : memref<128xf32, #tpu.memory_space<vmem>>, vector<16xf32>,
      %get3A_130 = arith.constant 32 : index
      %get3A_131 = tpu.vector_load %arg12[%get3A_130] {strides = array<i32>} : memref<128xi32, #tpu.memory_space<vmem>>, vector<16xi32>,
      %get3A_132 = arith.constant 32 : index
      %get3A_133 = tpu.vector_load %arg15[%get3A_132] {strides = array<i32>} : memref<128xi32, #tpu.memory_space<vmem>>, vector<16xi32>,
      %gather3A_134 = tpu.vector_load_idx %arg24[%get3A_131] : memref<10000xf32, #tpu.memory_space<vmem>>[vector<16xi32>], vector<16xf32>,
      %gather3A_135 = tpu.vector_load_idx %arg24[%get3A_133] : memref<10000xf32, #tpu.memory_space<vmem>>[vector<16xi32>], vector<16xf32>,
      %sub3A_136 = arith.subf %gather3A_134, %gather3A_135 : vector<16xf32>
      %mul3A_137 = arith.mulf %sub3A_136, %sub3A_136 : vector<16xf32>
      %gather3A_138 = tpu.vector_load_idx %arg25[%get3A_131] : memref<10000xf32, #tpu.memory_space<vmem>>[vector<16xi32>], vector<16xf32>,
      %gather3A_139 = tpu.vector_load_idx %arg25[%get3A_133] : memref<10000xf32, #tpu.memory_space<vmem>>[vector<16xi32>], vector<16xf32>,
      %sub3A_140 = arith.subf %gather3A_138, %gather3A_139 : vector<16xf32>
      %mul3A_141 = arith.mulf %sub3A_140, %sub3A_140 : vector<16xf32>
      %add3A_142 = arith.addf %mul3A_137, %mul3A_141 : vector<16xf32>
      %gather3A_143 = tpu.vector_load_idx %arg26[%get3A_131] : memref<10000xf32, #tpu.memory_space<vmem>>[vector<16xi32>], vector<16xf32>,
      %gather3A_144 = tpu.vector_load_idx %arg26[%get3A_133] : memref<10000xf32, #tpu.memory_space<vmem>>[vector<16xi32>], vector<16xf32>,
      %sub3A_145 = arith.subf %gather3A_143, %gather3A_144 : vector<16xf32>
      %mul3A_146 = arith.mulf %sub3A_145, %sub3A_145 : vector<16xf32>
      %add3A_147 = arith.addf %add3A_142, %mul3A_146 : vector<16xf32>
      %swap3A_148 = arith.constant 32 : index
      %swap3A_149 = tpu.vector_load %arg27[%swap3A_148] {strides = array<i32>} : memref<128xf32, #tpu.memory_space<vmem>>, vector<16xf32>,
      tpu.vector_store %arg27[%swap3A_148], %add3A_147 {strides = array<i32>} : memref<128xf32, #tpu.memory_space<vmem>>, vector<16xf32>,
      %get3A_150 = arith.constant 48 : index
      %get3A_151 = tpu.vector_load %arg12[%get3A_150] {strides = array<i32>} : memref<128xi32, #tpu.memory_space<vmem>>, vector<16xi32>,
      %get3A_152 = arith.constant 48 : index
      %get3A_153 = tpu.vector_load %arg15[%get3A_152] {strides = array<i32>} : memref<128xi32, #tpu.memory_space<vmem>>, vector<16xi32>,
      %gather3A_154 = tpu.vector_load_idx %arg24[%get3A_151] : memref<10000xf32, #tpu.memory_space<vmem>>[vector<16xi32>], vector<16xf32>,
      %gather3A_155 = tpu.vector_load_idx %arg24[%get3A_153] : memref<10000xf32, #tpu.memory_space<vmem>>[vector<16xi32>], vector<16xf32>,
      %sub3A_156 = arith.subf %gather3A_154, %gather3A_155 : vector<16xf32>
      %mul3A_157 = arith.mulf %sub3A_156, %sub3A_156 : vector<16xf32>
      %gather3A_158 = tpu.vector_load_idx %arg25[%get3A_151] : memref<10000xf32, #tpu.memory_space<vmem>>[vector<16xi32>], vector<16xf32>,
      %gather3A_159 = tpu.vector_load_idx %arg25[%get3A_153] : memref<10000xf32, #tpu.memory_space<vmem>>[vector<16xi32>], vector<16xf32>,
      %sub3A_160 = arith.subf %gather3A_158, %gather3A_159 : vector<16xf32>
      %mul3A_161 = arith.mulf %sub3A_160, %sub3A_160 : vector<16xf32>
      %add3A_162 = arith.addf %mul3A_157, %mul3A_161 : vector<16xf32>
      %gather3A_163 = tpu.vector_load_idx %arg26[%get3A_151] : memref<10000xf32, #tpu.memory_space<vmem>>[vector<16xi32>], vector<16xf32>,
      %gather3A_164 = tpu.vector_load_idx %arg26[%get3A_153] : memref<10000xf32, #tpu.memory_space<vmem>>[vector<16xi32>], vector<16xf32>,
      %sub3A_165 = arith.subf %gather3A_163, %gather3A_164 : vector<16xf32>
      %mul3A_166 = arith.mulf %sub3A_165, %sub3A_165 : vector<16xf32>
      %add3A_167 = arith.addf %add3A_162, %mul3A_166 : vector<16xf32>
      %swap3A_168 = arith.constant 48 : index
      %swap3A_169 = tpu.vector_load %arg27[%swap3A_168] {strides = array<i32>} : memref<128xf32, #tpu.memory_space<vmem>>, vector<16xf32>,
      tpu.vector_store %arg27[%swap3A_168], %add3A_167 {strides = array<i32>} : memref<128xf32, #tpu.memory_space<vmem>>, vector<16xf32>,
      %get3A_170 = arith.constant 64 : index
      %get3A_171 = tpu.vector_load %arg12[%get3A_170] {strides = array<i32>} : memref<128xi32, #tpu.memory_space<vmem>>, vector<16xi32>,
      %get3A_172 = arith.constant 64 : index
      %get3A_173 = tpu.vector_load %arg15[%get3A_172] {strides = array<i32>} : memref<128xi32, #tpu.memory_space<vmem>>, vector<16xi32>,
      %gather3A_174 = tpu.vector_load_idx %arg24[%get3A_171] : memref<10000xf32, #tpu.memory_space<vmem>>[vector<16xi32>], vector<16xf32>,
      %gather3A_175 = tpu.vector_load_idx %arg24[%get3A_173] : memref<10000xf32, #tpu.memory_space<vmem>>[vector<16xi32>], vector<16xf32>,
      %sub3A_176 = arith.subf %gather3A_174, %gather3A_175 : vector<16xf32>
      %mul3A_177 = arith.mulf %sub3A_176, %sub3A_176 : vector<16xf32>
      %gather3A_178 = tpu.vector_load_idx %arg25[%get3A_171] : memref<10000xf32, #tpu.memory_space<vmem>>[vector<16xi32>], vector<16xf32>,
      %gather3A_179 = tpu.vector_load_idx %arg25[%get3A_173] : memref<10000xf32, #tpu.memory_space<vmem>>[vector<16xi32>], vector<16xf32>,
      %sub3A_180 = arith.subf %gather3A_178, %gather3A_179 : vector<16xf32>
      %mul3A_181 = arith.mulf %sub3A_180, %sub3A_180 : vector<16xf32>
      %add3A_182 = arith.addf %mul3A_177, %mul3A_181 : vector<16xf32>
      %gather3A_183 = tpu.vector_load_idx %arg26[%get3A_171] : memref<10000xf32, #tpu.memory_space<vmem>>[vector<16xi32>], vector<16xf32>,
      %gather3A_184 = tpu.vector_load_idx %arg26[%get3A_173] : memref<10000xf32, #tpu.memory_space<vmem>>[vector<16xi32>], vector<16xf32>,
      %sub3A_185 = arith.subf %gather3A_183, %gather3A_184 : vector<16xf32>
      %mul3A_186 = arith.mulf %sub3A_185, %sub3A_185 : vector<16xf32>
      %add3A_187 = arith.addf %add3A_182, %mul3A_186 : vector<16xf32>
      %swap3A_188 = arith.constant 64 : index
      %swap3A_189 = tpu.vector_load %arg27[%swap3A_188] {strides = array<i32>} : memref<128xf32, #tpu.memory_space<vmem>>, vector<16xf32>,
      tpu.vector_store %arg27[%swap3A_188], %add3A_187 {strides = array<i32>} : memref<128xf32, #tpu.memory_space<vmem>>, vector<16xf32>,
      %get3A_190 = arith.constant 80 : index
      %get3A_191 = tpu.vector_load %arg12[%get3A_190] {strides = array<i32>} : memref<128xi32, #tpu.memory_space<vmem>>, vector<16xi32>,
      %get3A_192 = arith.constant 80 : index
      %get3A_193 = tpu.vector_load %arg15[%get3A_192] {strides = array<i32>} : memref<128xi32, #tpu.memory_space<vmem>>, vector<16xi32>,
      %gather3A_194 = tpu.vector_load_idx %arg24[%get3A_191] : memref<10000xf32, #tpu.memory_space<vmem>>[vector<16xi32>], vector<16xf32>,
      %gather3A_195 = tpu.vector_load_idx %arg24[%get3A_193] : memref<10000xf32, #tpu.memory_space<vmem>>[vector<16xi32>], vector<16xf32>,
      %sub3A_196 = arith.subf %gather3A_194, %gather3A_195 : vector<16xf32>
      %mul3A_197 = arith.mulf %sub3A_196, %sub3A_196 : vector<16xf32>
      %gather3A_198 = tpu.vector_load_idx %arg25[%get3A_191] : memref<10000xf32, #tpu.memory_space<vmem>>[vector<16xi32>], vector<16xf32>,
      %gather3A_199 = tpu.vector_load_idx %arg25[%get3A_193] : memref<10000xf32, #tpu.memory_space<vmem>>[vector<16xi32>], vector<16xf32>,
      %sub3A_200 = arith.subf %gather3A_198, %gather3A_199 : vector<16xf32>
      %mul3A_201 = arith.mulf %sub3A_200, %sub3A_200 : vector<16xf32>
      %add3A_202 = arith.addf %mul3A_197, %mul3A_201 : vector<16xf32>
      %gather3A_203 = tpu.vector_load_idx %arg26[%get3A_191] : memref<10000xf32, #tpu.memory_space<vmem>>[vector<16xi32>], vector<16xf32>,
      %gather3A_204 = tpu.vector_load_idx %arg26[%get3A_193] : memref<10000xf32, #tpu.memory_space<vmem>>[vector<16xi32>], vector<16xf32>,
      %sub3A_205 = arith.subf %gather3A_203, %gather3A_204 : vector<16xf32>
      %mul3A_206 = arith.mulf %sub3A_205, %sub3A_205 : vector<16xf32>
      %add3A_207 = arith.addf %add3A_202, %mul3A_206 : vector<16xf32>
      %swap3A_208 = arith.constant 80 : index
      %swap3A_209 = tpu.vector_load %arg27[%swap3A_208] {strides = array<i32>} : memref<128xf32, #tpu.memory_space<vmem>>, vector<16xf32>,
      tpu.vector_store %arg27[%swap3A_208], %add3A_207 {strides = array<i32>} : memref<128xf32, #tpu.memory_space<vmem>>, vector<16xf32>,
      %get3A_210 = arith.constant 96 : index
      %get3A_211 = tpu.vector_load %arg12[%get3A_210] {strides = array<i32>} : memref<128xi32, #tpu.memory_space<vmem>>, vector<16xi32>,
      %get3A_212 = arith.constant 96 : index
      %get3A_213 = tpu.vector_load %arg15[%get3A_212] {strides = array<i32>} : memref<128xi32, #tpu.memory_space<vmem>>, vector<16xi32>,
      %gather3A_214 = tpu.vector_load_idx %arg24[%get3A_211] : memref<10000xf32, #tpu.memory_space<vmem>>[vector<16xi32>], vector<16xf32>,
      %gather3A_215 = tpu.vector_load_idx %arg24[%get3A_213] : memref<10000xf32, #tpu.memory_space<vmem>>[vector<16xi32>], vector<16xf32>,
      %sub3A_216 = arith.subf %gather3A_214, %gather3A_215 : vector<16xf32>
      %mul3A_217 = arith.mulf %sub3A_216, %sub3A_216 : vector<16xf32>
      %gather3A_218 = tpu.vector_load_idx %arg25[%get3A_211] : memref<10000xf32, #tpu.memory_space<vmem>>[vector<16xi32>], vector<16xf32>,
      %gather3A_219 = tpu.vector_load_idx %arg25[%get3A_213] : memref<10000xf32, #tpu.memory_space<vmem>>[vector<16xi32>], vector<16xf32>,
      %sub3A_220 = arith.subf %gather3A_218, %gather3A_219 : vector<16xf32>
      %mul3A_221 = arith.mulf %sub3A_220, %sub3A_220 : vector<16xf32>
      %add3A_222 = arith.addf %mul3A_217, %mul3A_221 : vector<16xf32>
      %gather3A_223 = tpu.vector_load_idx %arg26[%get3A_211] : memref<10000xf32, #tpu.memory_space<vmem>>[vector<16xi32>], vector<16xf32>,
      %gather3A_224 = tpu.vector_load_idx %arg26[%get3A_213] : memref<10000xf32, #tpu.memory_space<vmem>>[vector<16xi32>], vector<16xf32>,
      %sub3A_225 = arith.subf %gather3A_223, %gather3A_224 : vector<16xf32>
      %mul3A_226 = arith.mulf %sub3A_225, %sub3A_225 : vector<16xf32>
      %add3A_227 = arith.addf %add3A_222, %mul3A_226 : vector<16xf32>
      %swap3A_228 = arith.constant 96 : index
      %swap3A_229 = tpu.vector_load %arg27[%swap3A_228] {strides = array<i32>} : memref<128xf32, #tpu.memory_space<vmem>>, vector<16xf32>,
      tpu.vector_store %arg27[%swap3A_228], %add3A_227 {strides = array<i32>} : memref<128xf32, #tpu.memory_space<vmem>>, vector<16xf32>,
      %get3A_230 = arith.constant 112 : index
      %get3A_231 = tpu.vector_load %arg12[%get3A_230] {strides = array<i32>} : memref<128xi32, #tpu.memory_space<vmem>>, vector<16xi32>,
      %get3A_232 = arith.constant 112 : index
      %get3A_233 = tpu.vector_load %arg15[%get3A_232] {strides = array<i32>} : memref<128xi32, #tpu.memory_space<vmem>>, vector<16xi32>,
      %gather3A_234 = tpu.vector_load_idx %arg24[%get3A_231] : memref<10000xf32, #tpu.memory_space<vmem>>[vector<16xi32>], vector<16xf32>,
      %gather3A_235 = tpu.vector_load_idx %arg24[%get3A_233] : memref<10000xf32, #tpu.memory_space<vmem>>[vector<16xi32>], vector<16xf32>,
      %sub3A_236 = arith.subf %gather3A_234, %gather3A_235 : vector<16xf32>
      %mul3A_237 = arith.mulf %sub3A_236, %sub3A_236 : vector<16xf32>
      %gather3A_238 = tpu.vector_load_idx %arg25[%get3A_231] : memref<10000xf32, #tpu.memory_space<vmem>>[vector<16xi32>], vector<16xf32>,
      %gather3A_239 = tpu.vector_load_idx %arg25[%get3A_233] : memref<10000xf32, #tpu.memory_space<vmem>>[vector<16xi32>], vector<16xf32>,
      %sub3A_240 = arith.subf %gather3A_238, %gather3A_239 : vector<16xf32>
      %mul3A_241 = arith.mulf %sub3A_240, %sub3A_240 : vector<16xf32>
      %add3A_242 = arith.addf %mul3A_237, %mul3A_241 : vector<16xf32>
      %gather3A_243 = tpu.vector_load_idx %arg26[%get3A_231] : memref<10000xf32, #tpu.memory_space<vmem>>[vector<16xi32>], vector<16xf32>,
      %gather3A_244 = tpu.vector_load_idx %arg26[%get3A_233] : memref<10000xf32, #tpu.memory_space<vmem>>[vector<16xi32>], vector<16xf32>,
      %sub3A_245 = arith.subf %gather3A_243, %gather3A_244 : vector<16xf32>
      %mul3A_246 = arith.mulf %sub3A_245, %sub3A_245 : vector<16xf32>
      %add3A_247 = arith.addf %add3A_242, %mul3A_246 : vector<16xf32>
      %swap3A_248 = arith.constant 112 : index
      %swap3A_249 = tpu.vector_load %arg27[%swap3A_248] {strides = array<i32>} : memref<128xf32, #tpu.memory_space<vmem>>, vector<16xf32>,
      tpu.vector_store %arg27[%swap3A_248], %add3A_247 {strides = array<i32>} : memref<128xf32, #tpu.memory_space<vmem>>, vector<16xf32>,
      %gt3A_250 = arith.constant 0 : i32
      %gt3A_251 = arith.cmpi sgt, %scan3A_73, %gt3A_250 : i32
      %convert_element_type3A_252 = arith.extui %gt3A_251 : i1 to i32
      %cond3A_253 = arith.constant 0 : i32
      %cond3A_254 = arith.cmpi ne, %convert_element_type3A_252, %cond3A_253 : i32
      scf.if %cond3A_254 {
        %dma_wait3A_673 = arith.constant 0 : i32
        %dma_wait3A_674 = arith.constant 0 : i32
        %dma_wait3A_675 = tpu.memref_slice %arg2[%dma_wait3A_673, %dma_wait3A_674] : memref<10000x128xf32, #tpu.memory_space<hbm>> -> memref<10000x128xf32, #tpu.memory_space<hbm>>
        tpu.wait_indirect_dma semaphore(%arg32 : memref<!tpu.dma_semaphore, #tpu.memory_space<semaphore_mem>>) src(%dma_wait3A_675 : memref<10000x128xf32, #tpu.memory_space<hbm>>) dst(%arg20 : memref<128x128xf32, #tpu.memory_space<vmem>>)
        %dma_wait3A_676 = arith.constant 0 : i32
        %dma_wait3A_677 = arith.constant 0 : i32
        %dma_wait3A_678 = tpu.memref_slice %arg3[%dma_wait3A_676, %dma_wait3A_677] : memref<10000x128xf32, #tpu.memory_space<hbm>> -> memref<10000x128xf32, #tpu.memory_space<hbm>>
        tpu.wait_indirect_dma semaphore(%arg32 : memref<!tpu.dma_semaphore, #tpu.memory_space<semaphore_mem>>) src(%dma_wait3A_678 : memref<10000x128xf32, #tpu.memory_space<hbm>>) dst(%arg23 : memref<128x128xf32, #tpu.memory_space<vmem>>)
        %sub3A_679 = arith.constant 1 : i32
        %sub3A_680 = arith.subi %add3A_77, %sub3A_679 : i32
        %mul3A_681 = arith.constant 32 : i32
        %mul3A_682 = arith.muli %sub3A_680, %mul3A_681 : i32
        %add3A_683 = arith.addi %add3A, %mul3A_682 : i32
        %lt3A_684 = arith.constant 2500 : i32
        %lt3A_685 = arith.cmpi slt, %add3A_683, %lt3A_684 : i32
        %select_n3A_686 = arith.select %lt3A_685, %add3A_683, %add3A : i32
        %mul3A_687 = arith.constant 128 : i32
        %mul3A_688 = arith.muli %select_n3A_686, %mul3A_687 : i32
        %dma_start3A_689 = arith.constant 0 : i32
        %dma_start3A_690 = tpu.memref_slice %arg9[%mul3A_688, %dma_start3A_689] : memref<320000x128xf32, #tpu.memory_space<hbm>> -> memref<128x128xf32, #tpu.memory_space<hbm>>
        %dma_start3A_691 = arith.constant 0 : i32
        %dma_start3A_692 = tpu.memref_slice %arg9[%mul3A_688, %dma_start3A_691] : memref<320000x128xf32, #tpu.memory_space<hbm>> -> memref<128x128xf32, #tpu.memory_space<hbm>>
        tpu.enqueue_dma source(%arg20 : memref<128x128xf32, #tpu.memory_space<vmem>>) target(%dma_start3A_692 : memref<128x128xf32, #tpu.memory_space<hbm>>) target_semaphore(%arg35 : memref<!tpu.dma_semaphore, #tpu.memory_space<semaphore_mem>>)
        %dma_start3A_693 = arith.constant 0 : i32
        %dma_start3A_694 = tpu.memref_slice %arg10[%mul3A_688, %dma_start3A_693] : memref<320000x128xf32, #tpu.memory_space<hbm>> -> memref<128x128xf32, #tpu.memory_space<hbm>>
        %dma_start3A_695 = arith.constant 0 : i32
        %dma_start3A_696 = tpu.memref_slice %arg10[%mul3A_688, %dma_start3A_695] : memref<320000x128xf32, #tpu.memory_space<hbm>> -> memref<128x128xf32, #tpu.memory_space<hbm>>
        tpu.enqueue_dma source(%arg23 : memref<128x128xf32, #tpu.memory_space<vmem>>) target(%dma_start3A_696 : memref<128x128xf32, #tpu.memory_space<hbm>>) target_semaphore(%arg35 : memref<!tpu.dma_semaphore, #tpu.memory_space<semaphore_mem>>)
        %dma_start3A_697 = tpu.memref_slice %arg11[%mul3A_688] : memref<320000xf32, #tpu.memory_space<hbm>> -> memref<128xf32, #tpu.memory_space<hbm>>
        %dma_start3A_698 = tpu.memref_slice %arg11[%mul3A_688] : memref<320000xf32, #tpu.memory_space<hbm>> -> memref<128xf32, #tpu.memory_space<hbm>>
        tpu.enqueue_dma source(%arg29 : memref<128xf32, #tpu.memory_space<vmem>>) target(%dma_start3A_698 : memref<128xf32, #tpu.memory_space<hbm>>) target_semaphore(%arg35 : memref<!tpu.dma_semaphore, #tpu.memory_space<semaphore_mem>>)
      } else {
      }
      %mul3A_255 = arith.constant 3 : i32
      %mul3A_256 = arith.muli %scan3A_73, %mul3A_255 : i32
      %add3A_257 = arith.constant 1 : i32
      %add3A_258 = arith.addi %mul3A_256, %add3A_257 : i32
      %gt3A_259 = arith.constant 0 : i32
      %gt3A_260 = arith.cmpi sgt, %scan3A_73, %gt3A_259 : i32
      %convert_element_type3A_261 = arith.extui %gt3A_260 : i1 to i32
      %cond3A_262 = arith.constant 0 : i32
      %cond3A_263 = arith.cmpi ne, %convert_element_type3A_261, %cond3A_262 : i32
      scf.if %cond3A_263 {
        %dma_wait3A_673 = arith.constant 0 : i32
        %dma_wait3A_674 = arith.constant 0 : i32
        %dma_wait3A_675 = tpu.memref_slice %arg9[%dma_wait3A_673, %dma_wait3A_674] : memref<320000x128xf32, #tpu.memory_space<hbm>> -> memref<128x128xf32, #tpu.memory_space<hbm>>
        %dma_wait3A_676 = arith.constant 0 : i32
        %dma_wait3A_677 = arith.constant 0 : i32
        %dma_wait3A_678 = tpu.memref_slice %arg9[%dma_wait3A_676, %dma_wait3A_677] : memref<320000x128xf32, #tpu.memory_space<hbm>> -> memref<128x128xf32, #tpu.memory_space<hbm>>
        tpu.wait_dma2 semaphore(%arg34 : memref<!tpu.dma_semaphore, #tpu.memory_space<semaphore_mem>>) src(%arg19 : memref<128x128xf32, #tpu.memory_space<vmem>>) dst(%dma_wait3A_678 : memref<128x128xf32, #tpu.memory_space<hbm>>)
        %dma_wait3A_679 = arith.constant 0 : i32
        %dma_wait3A_680 = arith.constant 0 : i32
        %dma_wait3A_681 = tpu.memref_slice %arg10[%dma_wait3A_679, %dma_wait3A_680] : memref<320000x128xf32, #tpu.memory_space<hbm>> -> memref<128x128xf32, #tpu.memory_space<hbm>>
        %dma_wait3A_682 = arith.constant 0 : i32
        %dma_wait3A_683 = arith.constant 0 : i32
        %dma_wait3A_684 = tpu.memref_slice %arg10[%dma_wait3A_682, %dma_wait3A_683] : memref<320000x128xf32, #tpu.memory_space<hbm>> -> memref<128x128xf32, #tpu.memory_space<hbm>>
        tpu.wait_dma2 semaphore(%arg34 : memref<!tpu.dma_semaphore, #tpu.memory_space<semaphore_mem>>) src(%arg22 : memref<128x128xf32, #tpu.memory_space<vmem>>) dst(%dma_wait3A_684 : memref<128x128xf32, #tpu.memory_space<hbm>>)
        %dma_wait3A_685 = arith.constant 0 : i32
        %dma_wait3A_686 = tpu.memref_slice %arg11[%dma_wait3A_685] : memref<320000xf32, #tpu.memory_space<hbm>> -> memref<128xf32, #tpu.memory_space<hbm>>
        %dma_wait3A_687 = arith.constant 0 : i32
        %dma_wait3A_688 = tpu.memref_slice %arg11[%dma_wait3A_687] : memref<320000xf32, #tpu.memory_space<hbm>> -> memref<128xf32, #tpu.memory_space<hbm>>
        tpu.wait_dma2 semaphore(%arg34 : memref<!tpu.dma_semaphore, #tpu.memory_space<semaphore_mem>>) src(%arg28 : memref<128xf32, #tpu.memory_space<vmem>>) dst(%dma_wait3A_688 : memref<128xf32, #tpu.memory_space<hbm>>)
      } else {
      }
      %mul3A_264 = arith.constant 32 : i32
      %mul3A_265 = arith.muli %add3A_258, %mul3A_264 : i32
      %add3A_266 = arith.addi %add3A, %mul3A_265 : i32
      %lt3A_267 = arith.constant 2500 : i32
      %lt3A_268 = arith.cmpi slt, %add3A_266, %lt3A_267 : i32
      %select_n3A_269 = arith.select %lt3A_268, %add3A_266, %add3A : i32
      %mul3A_270 = arith.constant 128 : i32
      %mul3A_271 = arith.muli %select_n3A_269, %mul3A_270 : i32
      "tpu.region"() ({
        %run_scoped3A = tpu.sem_alloc : memref<!tpu.dma_semaphore, #tpu.memory_space<semaphore_mem>>
        %dma_start3A_673 = tpu.memref_slice %arg7[%mul3A_271] : memref<320000xi32, #tpu.memory_space<hbm>> -> memref<128xi32, #tpu.memory_space<hbm>>
        %dma_start3A_674 = tpu.memref_slice %arg7[%mul3A_271] : memref<320000xi32, #tpu.memory_space<hbm>> -> memref<128xi32, #tpu.memory_space<hbm>>
        tpu.enqueue_dma source(%dma_start3A_674 : memref<128xi32, #tpu.memory_space<hbm>>) target(%arg13 : memref<128xi32, #tpu.memory_space<vmem>>) target_semaphore(%run_scoped3A : memref<!tpu.dma_semaphore, #tpu.memory_space<semaphore_mem>>)
        %dma_wait3A_675 = tpu.memref_slice %arg7[%mul3A_271] : memref<320000xi32, #tpu.memory_space<hbm>> -> memref<128xi32, #tpu.memory_space<hbm>>
        %dma_wait3A_676 = tpu.memref_slice %arg7[%mul3A_271] : memref<320000xi32, #tpu.memory_space<hbm>> -> memref<128xi32, #tpu.memory_space<hbm>>
        tpu.wait_dma2 semaphore(%run_scoped3A : memref<!tpu.dma_semaphore, #tpu.memory_space<semaphore_mem>>) src(%dma_wait3A_676 : memref<128xi32, #tpu.memory_space<hbm>>) dst(%arg13 : memref<128xi32, #tpu.memory_space<vmem>>)
        tpu.yield
      }) : () -> ()
      "tpu.region"() ({
        %run_scoped3A = tpu.sem_alloc : memref<!tpu.dma_semaphore, #tpu.memory_space<semaphore_mem>>
        %dma_start3A_673 = tpu.memref_slice %arg8[%mul3A_271] : memref<320000xi32, #tpu.memory_space<hbm>> -> memref<128xi32, #tpu.memory_space<hbm>>
        %dma_start3A_674 = tpu.memref_slice %arg8[%mul3A_271] : memref<320000xi32, #tpu.memory_space<hbm>> -> memref<128xi32, #tpu.memory_space<hbm>>
        tpu.enqueue_dma source(%dma_start3A_674 : memref<128xi32, #tpu.memory_space<hbm>>) target(%arg16 : memref<128xi32, #tpu.memory_space<vmem>>) target_semaphore(%run_scoped3A : memref<!tpu.dma_semaphore, #tpu.memory_space<semaphore_mem>>)
        %dma_wait3A_675 = tpu.memref_slice %arg8[%mul3A_271] : memref<320000xi32, #tpu.memory_space<hbm>> -> memref<128xi32, #tpu.memory_space<hbm>>
        %dma_wait3A_676 = tpu.memref_slice %arg8[%mul3A_271] : memref<320000xi32, #tpu.memory_space<hbm>> -> memref<128xi32, #tpu.memory_space<hbm>>
        tpu.wait_dma2 semaphore(%run_scoped3A : memref<!tpu.dma_semaphore, #tpu.memory_space<semaphore_mem>>) src(%dma_wait3A_676 : memref<128xi32, #tpu.memory_space<hbm>>) dst(%arg16 : memref<128xi32, #tpu.memory_space<vmem>>)
        tpu.yield
      }) : () -> ()
      %dma_start3A_272 = arith.constant 0 : i32
      %dma_start3A_273 = arith.constant 0 : i32
      %dma_start3A_274 = tpu.memref_slice %arg2[%dma_start3A_272, %dma_start3A_273] : memref<10000x128xf32, #tpu.memory_space<hbm>> -> memref<10000x128xf32, #tpu.memory_space<hbm>>
      tpu.enqueue_indirect_dma source(%dma_start3A_274 : memref<10000x128xf32, #tpu.memory_space<hbm>>) target(%arg19 : memref<128x128xf32, #tpu.memory_space<vmem>>) offsets(%arg13 : memref<128xi32, #tpu.memory_space<vmem>>) semaphore(%arg31 : memref<!tpu.dma_semaphore, #tpu.memory_space<semaphore_mem>>)
      %dma_start3A_275 = arith.constant 0 : i32
      %dma_start3A_276 = arith.constant 0 : i32
      %dma_start3A_277 = tpu.memref_slice %arg3[%dma_start3A_275, %dma_start3A_276] : memref<10000x128xf32, #tpu.memory_space<hbm>> -> memref<10000x128xf32, #tpu.memory_space<hbm>>
      tpu.enqueue_indirect_dma source(%dma_start3A_277 : memref<10000x128xf32, #tpu.memory_space<hbm>>) target(%arg22 : memref<128x128xf32, #tpu.memory_space<vmem>>) offsets(%arg16 : memref<128xi32, #tpu.memory_space<vmem>>) semaphore(%arg31 : memref<!tpu.dma_semaphore, #tpu.memory_space<semaphore_mem>>)
      %get3A_278 = arith.constant 0 : index
      %get3A_279 = tpu.vector_load %arg13[%get3A_278] {strides = array<i32>} : memref<128xi32, #tpu.memory_space<vmem>>, vector<16xi32>,
      %get3A_280 = arith.constant 0 : index
      %get3A_281 = tpu.vector_load %arg16[%get3A_280] {strides = array<i32>} : memref<128xi32, #tpu.memory_space<vmem>>, vector<16xi32>,
      %gather3A_282 = tpu.vector_load_idx %arg24[%get3A_279] : memref<10000xf32, #tpu.memory_space<vmem>>[vector<16xi32>], vector<16xf32>,
      %gather3A_283 = tpu.vector_load_idx %arg24[%get3A_281] : memref<10000xf32, #tpu.memory_space<vmem>>[vector<16xi32>], vector<16xf32>,
      %sub3A_284 = arith.subf %gather3A_282, %gather3A_283 : vector<16xf32>
      %mul3A_285 = arith.mulf %sub3A_284, %sub3A_284 : vector<16xf32>
      %gather3A_286 = tpu.vector_load_idx %arg25[%get3A_279] : memref<10000xf32, #tpu.memory_space<vmem>>[vector<16xi32>], vector<16xf32>,
      %gather3A_287 = tpu.vector_load_idx %arg25[%get3A_281] : memref<10000xf32, #tpu.memory_space<vmem>>[vector<16xi32>], vector<16xf32>,
      %sub3A_288 = arith.subf %gather3A_286, %gather3A_287 : vector<16xf32>
      %mul3A_289 = arith.mulf %sub3A_288, %sub3A_288 : vector<16xf32>
      %add3A_290 = arith.addf %mul3A_285, %mul3A_289 : vector<16xf32>
      %gather3A_291 = tpu.vector_load_idx %arg26[%get3A_279] : memref<10000xf32, #tpu.memory_space<vmem>>[vector<16xi32>], vector<16xf32>,
      %gather3A_292 = tpu.vector_load_idx %arg26[%get3A_281] : memref<10000xf32, #tpu.memory_space<vmem>>[vector<16xi32>], vector<16xf32>,
      %sub3A_293 = arith.subf %gather3A_291, %gather3A_292 : vector<16xf32>
      %mul3A_294 = arith.mulf %sub3A_293, %sub3A_293 : vector<16xf32>
      %add3A_295 = arith.addf %add3A_290, %mul3A_294 : vector<16xf32>
      %swap3A_296 = arith.constant 0 : index
      %swap3A_297 = tpu.vector_load %arg28[%swap3A_296] {strides = array<i32>} : memref<128xf32, #tpu.memory_space<vmem>>, vector<16xf32>,
      tpu.vector_store %arg28[%swap3A_296], %add3A_295 {strides = array<i32>} : memref<128xf32, #tpu.memory_space<vmem>>, vector<16xf32>,
      %get3A_298 = arith.constant 16 : index
      %get3A_299 = tpu.vector_load %arg13[%get3A_298] {strides = array<i32>} : memref<128xi32, #tpu.memory_space<vmem>>, vector<16xi32>,
      %get3A_300 = arith.constant 16 : index
      %get3A_301 = tpu.vector_load %arg16[%get3A_300] {strides = array<i32>} : memref<128xi32, #tpu.memory_space<vmem>>, vector<16xi32>,
      %gather3A_302 = tpu.vector_load_idx %arg24[%get3A_299] : memref<10000xf32, #tpu.memory_space<vmem>>[vector<16xi32>], vector<16xf32>,
      %gather3A_303 = tpu.vector_load_idx %arg24[%get3A_301] : memref<10000xf32, #tpu.memory_space<vmem>>[vector<16xi32>], vector<16xf32>,
      %sub3A_304 = arith.subf %gather3A_302, %gather3A_303 : vector<16xf32>
      %mul3A_305 = arith.mulf %sub3A_304, %sub3A_304 : vector<16xf32>
      %gather3A_306 = tpu.vector_load_idx %arg25[%get3A_299] : memref<10000xf32, #tpu.memory_space<vmem>>[vector<16xi32>], vector<16xf32>,
      %gather3A_307 = tpu.vector_load_idx %arg25[%get3A_301] : memref<10000xf32, #tpu.memory_space<vmem>>[vector<16xi32>], vector<16xf32>,
      %sub3A_308 = arith.subf %gather3A_306, %gather3A_307 : vector<16xf32>
      %mul3A_309 = arith.mulf %sub3A_308, %sub3A_308 : vector<16xf32>
      %add3A_310 = arith.addf %mul3A_305, %mul3A_309 : vector<16xf32>
      %gather3A_311 = tpu.vector_load_idx %arg26[%get3A_299] : memref<10000xf32, #tpu.memory_space<vmem>>[vector<16xi32>], vector<16xf32>,
      %gather3A_312 = tpu.vector_load_idx %arg26[%get3A_301] : memref<10000xf32, #tpu.memory_space<vmem>>[vector<16xi32>], vector<16xf32>,
      %sub3A_313 = arith.subf %gather3A_311, %gather3A_312 : vector<16xf32>
      %mul3A_314 = arith.mulf %sub3A_313, %sub3A_313 : vector<16xf32>
      %add3A_315 = arith.addf %add3A_310, %mul3A_314 : vector<16xf32>
      %swap3A_316 = arith.constant 16 : index
      %swap3A_317 = tpu.vector_load %arg28[%swap3A_316] {strides = array<i32>} : memref<128xf32, #tpu.memory_space<vmem>>, vector<16xf32>,
      tpu.vector_store %arg28[%swap3A_316], %add3A_315 {strides = array<i32>} : memref<128xf32, #tpu.memory_space<vmem>>, vector<16xf32>,
      %get3A_318 = arith.constant 32 : index
      %get3A_319 = tpu.vector_load %arg13[%get3A_318] {strides = array<i32>} : memref<128xi32, #tpu.memory_space<vmem>>, vector<16xi32>,
      %get3A_320 = arith.constant 32 : index
      %get3A_321 = tpu.vector_load %arg16[%get3A_320] {strides = array<i32>} : memref<128xi32, #tpu.memory_space<vmem>>, vector<16xi32>,
      %gather3A_322 = tpu.vector_load_idx %arg24[%get3A_319] : memref<10000xf32, #tpu.memory_space<vmem>>[vector<16xi32>], vector<16xf32>,
      %gather3A_323 = tpu.vector_load_idx %arg24[%get3A_321] : memref<10000xf32, #tpu.memory_space<vmem>>[vector<16xi32>], vector<16xf32>,
      %sub3A_324 = arith.subf %gather3A_322, %gather3A_323 : vector<16xf32>
      %mul3A_325 = arith.mulf %sub3A_324, %sub3A_324 : vector<16xf32>
      %gather3A_326 = tpu.vector_load_idx %arg25[%get3A_319] : memref<10000xf32, #tpu.memory_space<vmem>>[vector<16xi32>], vector<16xf32>,
      %gather3A_327 = tpu.vector_load_idx %arg25[%get3A_321] : memref<10000xf32, #tpu.memory_space<vmem>>[vector<16xi32>], vector<16xf32>,
      %sub3A_328 = arith.subf %gather3A_326, %gather3A_327 : vector<16xf32>
      %mul3A_329 = arith.mulf %sub3A_328, %sub3A_328 : vector<16xf32>
      %add3A_330 = arith.addf %mul3A_325, %mul3A_329 : vector<16xf32>
      %gather3A_331 = tpu.vector_load_idx %arg26[%get3A_319] : memref<10000xf32, #tpu.memory_space<vmem>>[vector<16xi32>], vector<16xf32>,
      %gather3A_332 = tpu.vector_load_idx %arg26[%get3A_321] : memref<10000xf32, #tpu.memory_space<vmem>>[vector<16xi32>], vector<16xf32>,
      %sub3A_333 = arith.subf %gather3A_331, %gather3A_332 : vector<16xf32>
      %mul3A_334 = arith.mulf %sub3A_333, %sub3A_333 : vector<16xf32>
      %add3A_335 = arith.addf %add3A_330, %mul3A_334 : vector<16xf32>
      %swap3A_336 = arith.constant 32 : index
      %swap3A_337 = tpu.vector_load %arg28[%swap3A_336] {strides = array<i32>} : memref<128xf32, #tpu.memory_space<vmem>>, vector<16xf32>,
      tpu.vector_store %arg28[%swap3A_336], %add3A_335 {strides = array<i32>} : memref<128xf32, #tpu.memory_space<vmem>>, vector<16xf32>,
      %get3A_338 = arith.constant 48 : index
      %get3A_339 = tpu.vector_load %arg13[%get3A_338] {strides = array<i32>} : memref<128xi32, #tpu.memory_space<vmem>>, vector<16xi32>,
      %get3A_340 = arith.constant 48 : index
      %get3A_341 = tpu.vector_load %arg16[%get3A_340] {strides = array<i32>} : memref<128xi32, #tpu.memory_space<vmem>>, vector<16xi32>,
      %gather3A_342 = tpu.vector_load_idx %arg24[%get3A_339] : memref<10000xf32, #tpu.memory_space<vmem>>[vector<16xi32>], vector<16xf32>,
      %gather3A_343 = tpu.vector_load_idx %arg24[%get3A_341] : memref<10000xf32, #tpu.memory_space<vmem>>[vector<16xi32>], vector<16xf32>,
      %sub3A_344 = arith.subf %gather3A_342, %gather3A_343 : vector<16xf32>
      %mul3A_345 = arith.mulf %sub3A_344, %sub3A_344 : vector<16xf32>
      %gather3A_346 = tpu.vector_load_idx %arg25[%get3A_339] : memref<10000xf32, #tpu.memory_space<vmem>>[vector<16xi32>], vector<16xf32>,
      %gather3A_347 = tpu.vector_load_idx %arg25[%get3A_341] : memref<10000xf32, #tpu.memory_space<vmem>>[vector<16xi32>], vector<16xf32>,
      %sub3A_348 = arith.subf %gather3A_346, %gather3A_347 : vector<16xf32>
      %mul3A_349 = arith.mulf %sub3A_348, %sub3A_348 : vector<16xf32>
      %add3A_350 = arith.addf %mul3A_345, %mul3A_349 : vector<16xf32>
      %gather3A_351 = tpu.vector_load_idx %arg26[%get3A_339] : memref<10000xf32, #tpu.memory_space<vmem>>[vector<16xi32>], vector<16xf32>,
      %gather3A_352 = tpu.vector_load_idx %arg26[%get3A_341] : memref<10000xf32, #tpu.memory_space<vmem>>[vector<16xi32>], vector<16xf32>,
      %sub3A_353 = arith.subf %gather3A_351, %gather3A_352 : vector<16xf32>
      %mul3A_354 = arith.mulf %sub3A_353, %sub3A_353 : vector<16xf32>
      %add3A_355 = arith.addf %add3A_350, %mul3A_354 : vector<16xf32>
      %swap3A_356 = arith.constant 48 : index
      %swap3A_357 = tpu.vector_load %arg28[%swap3A_356] {strides = array<i32>} : memref<128xf32, #tpu.memory_space<vmem>>, vector<16xf32>,
      tpu.vector_store %arg28[%swap3A_356], %add3A_355 {strides = array<i32>} : memref<128xf32, #tpu.memory_space<vmem>>, vector<16xf32>,
      %get3A_358 = arith.constant 64 : index
      %get3A_359 = tpu.vector_load %arg13[%get3A_358] {strides = array<i32>} : memref<128xi32, #tpu.memory_space<vmem>>, vector<16xi32>,
      %get3A_360 = arith.constant 64 : index
      %get3A_361 = tpu.vector_load %arg16[%get3A_360] {strides = array<i32>} : memref<128xi32, #tpu.memory_space<vmem>>, vector<16xi32>,
      %gather3A_362 = tpu.vector_load_idx %arg24[%get3A_359] : memref<10000xf32, #tpu.memory_space<vmem>>[vector<16xi32>], vector<16xf32>,
      %gather3A_363 = tpu.vector_load_idx %arg24[%get3A_361] : memref<10000xf32, #tpu.memory_space<vmem>>[vector<16xi32>], vector<16xf32>,
      %sub3A_364 = arith.subf %gather3A_362, %gather3A_363 : vector<16xf32>
      %mul3A_365 = arith.mulf %sub3A_364, %sub3A_364 : vector<16xf32>
      %gather3A_366 = tpu.vector_load_idx %arg25[%get3A_359] : memref<10000xf32, #tpu.memory_space<vmem>>[vector<16xi32>], vector<16xf32>,
      %gather3A_367 = tpu.vector_load_idx %arg25[%get3A_361] : memref<10000xf32, #tpu.memory_space<vmem>>[vector<16xi32>], vector<16xf32>,
      %sub3A_368 = arith.subf %gather3A_366, %gather3A_367 : vector<16xf32>
      %mul3A_369 = arith.mulf %sub3A_368, %sub3A_368 : vector<16xf32>
      %add3A_370 = arith.addf %mul3A_365, %mul3A_369 : vector<16xf32>
      %gather3A_371 = tpu.vector_load_idx %arg26[%get3A_359] : memref<10000xf32, #tpu.memory_space<vmem>>[vector<16xi32>], vector<16xf32>,
      %gather3A_372 = tpu.vector_load_idx %arg26[%get3A_361] : memref<10000xf32, #tpu.memory_space<vmem>>[vector<16xi32>], vector<16xf32>,
      %sub3A_373 = arith.subf %gather3A_371, %gather3A_372 : vector<16xf32>
      %mul3A_374 = arith.mulf %sub3A_373, %sub3A_373 : vector<16xf32>
      %add3A_375 = arith.addf %add3A_370, %mul3A_374 : vector<16xf32>
      %swap3A_376 = arith.constant 64 : index
      %swap3A_377 = tpu.vector_load %arg28[%swap3A_376] {strides = array<i32>} : memref<128xf32, #tpu.memory_space<vmem>>, vector<16xf32>,
      tpu.vector_store %arg28[%swap3A_376], %add3A_375 {strides = array<i32>} : memref<128xf32, #tpu.memory_space<vmem>>, vector<16xf32>,
      %get3A_378 = arith.constant 80 : index
      %get3A_379 = tpu.vector_load %arg13[%get3A_378] {strides = array<i32>} : memref<128xi32, #tpu.memory_space<vmem>>, vector<16xi32>,
      %get3A_380 = arith.constant 80 : index
      %get3A_381 = tpu.vector_load %arg16[%get3A_380] {strides = array<i32>} : memref<128xi32, #tpu.memory_space<vmem>>, vector<16xi32>,
      %gather3A_382 = tpu.vector_load_idx %arg24[%get3A_379] : memref<10000xf32, #tpu.memory_space<vmem>>[vector<16xi32>], vector<16xf32>,
      %gather3A_383 = tpu.vector_load_idx %arg24[%get3A_381] : memref<10000xf32, #tpu.memory_space<vmem>>[vector<16xi32>], vector<16xf32>,
      %sub3A_384 = arith.subf %gather3A_382, %gather3A_383 : vector<16xf32>
      %mul3A_385 = arith.mulf %sub3A_384, %sub3A_384 : vector<16xf32>
      %gather3A_386 = tpu.vector_load_idx %arg25[%get3A_379] : memref<10000xf32, #tpu.memory_space<vmem>>[vector<16xi32>], vector<16xf32>,
      %gather3A_387 = tpu.vector_load_idx %arg25[%get3A_381] : memref<10000xf32, #tpu.memory_space<vmem>>[vector<16xi32>], vector<16xf32>,
      %sub3A_388 = arith.subf %gather3A_386, %gather3A_387 : vector<16xf32>
      %mul3A_389 = arith.mulf %sub3A_388, %sub3A_388 : vector<16xf32>
      %add3A_390 = arith.addf %mul3A_385, %mul3A_389 : vector<16xf32>
      %gather3A_391 = tpu.vector_load_idx %arg26[%get3A_379] : memref<10000xf32, #tpu.memory_space<vmem>>[vector<16xi32>], vector<16xf32>,
      %gather3A_392 = tpu.vector_load_idx %arg26[%get3A_381] : memref<10000xf32, #tpu.memory_space<vmem>>[vector<16xi32>], vector<16xf32>,
      %sub3A_393 = arith.subf %gather3A_391, %gather3A_392 : vector<16xf32>
      %mul3A_394 = arith.mulf %sub3A_393, %sub3A_393 : vector<16xf32>
      %add3A_395 = arith.addf %add3A_390, %mul3A_394 : vector<16xf32>
      %swap3A_396 = arith.constant 80 : index
      %swap3A_397 = tpu.vector_load %arg28[%swap3A_396] {strides = array<i32>} : memref<128xf32, #tpu.memory_space<vmem>>, vector<16xf32>,
      tpu.vector_store %arg28[%swap3A_396], %add3A_395 {strides = array<i32>} : memref<128xf32, #tpu.memory_space<vmem>>, vector<16xf32>,
      %get3A_398 = arith.constant 96 : index
      %get3A_399 = tpu.vector_load %arg13[%get3A_398] {strides = array<i32>} : memref<128xi32, #tpu.memory_space<vmem>>, vector<16xi32>,
      %get3A_400 = arith.constant 96 : index
      %get3A_401 = tpu.vector_load %arg16[%get3A_400] {strides = array<i32>} : memref<128xi32, #tpu.memory_space<vmem>>, vector<16xi32>,
      %gather3A_402 = tpu.vector_load_idx %arg24[%get3A_399] : memref<10000xf32, #tpu.memory_space<vmem>>[vector<16xi32>], vector<16xf32>,
      %gather3A_403 = tpu.vector_load_idx %arg24[%get3A_401] : memref<10000xf32, #tpu.memory_space<vmem>>[vector<16xi32>], vector<16xf32>,
      %sub3A_404 = arith.subf %gather3A_402, %gather3A_403 : vector<16xf32>
      %mul3A_405 = arith.mulf %sub3A_404, %sub3A_404 : vector<16xf32>
      %gather3A_406 = tpu.vector_load_idx %arg25[%get3A_399] : memref<10000xf32, #tpu.memory_space<vmem>>[vector<16xi32>], vector<16xf32>,
      %gather3A_407 = tpu.vector_load_idx %arg25[%get3A_401] : memref<10000xf32, #tpu.memory_space<vmem>>[vector<16xi32>], vector<16xf32>,
      %sub3A_408 = arith.subf %gather3A_406, %gather3A_407 : vector<16xf32>
      %mul3A_409 = arith.mulf %sub3A_408, %sub3A_408 : vector<16xf32>
      %add3A_410 = arith.addf %mul3A_405, %mul3A_409 : vector<16xf32>
      %gather3A_411 = tpu.vector_load_idx %arg26[%get3A_399] : memref<10000xf32, #tpu.memory_space<vmem>>[vector<16xi32>], vector<16xf32>,
      %gather3A_412 = tpu.vector_load_idx %arg26[%get3A_401] : memref<10000xf32, #tpu.memory_space<vmem>>[vector<16xi32>], vector<16xf32>,
      %sub3A_413 = arith.subf %gather3A_411, %gather3A_412 : vector<16xf32>
      %mul3A_414 = arith.mulf %sub3A_413, %sub3A_413 : vector<16xf32>
      %add3A_415 = arith.addf %add3A_410, %mul3A_414 : vector<16xf32>
      %swap3A_416 = arith.constant 96 : index
      %swap3A_417 = tpu.vector_load %arg28[%swap3A_416] {strides = array<i32>} : memref<128xf32, #tpu.memory_space<vmem>>, vector<16xf32>,
      tpu.vector_store %arg28[%swap3A_416], %add3A_415 {strides = array<i32>} : memref<128xf32, #tpu.memory_space<vmem>>, vector<16xf32>,
      %get3A_418 = arith.constant 112 : index
      %get3A_419 = tpu.vector_load %arg13[%get3A_418] {strides = array<i32>} : memref<128xi32, #tpu.memory_space<vmem>>, vector<16xi32>,
      %get3A_420 = arith.constant 112 : index
      %get3A_421 = tpu.vector_load %arg16[%get3A_420] {strides = array<i32>} : memref<128xi32, #tpu.memory_space<vmem>>, vector<16xi32>,
      %gather3A_422 = tpu.vector_load_idx %arg24[%get3A_419] : memref<10000xf32, #tpu.memory_space<vmem>>[vector<16xi32>], vector<16xf32>,
      %gather3A_423 = tpu.vector_load_idx %arg24[%get3A_421] : memref<10000xf32, #tpu.memory_space<vmem>>[vector<16xi32>], vector<16xf32>,
      %sub3A_424 = arith.subf %gather3A_422, %gather3A_423 : vector<16xf32>
      %mul3A_425 = arith.mulf %sub3A_424, %sub3A_424 : vector<16xf32>
      %gather3A_426 = tpu.vector_load_idx %arg25[%get3A_419] : memref<10000xf32, #tpu.memory_space<vmem>>[vector<16xi32>], vector<16xf32>,
      %gather3A_427 = tpu.vector_load_idx %arg25[%get3A_421] : memref<10000xf32, #tpu.memory_space<vmem>>[vector<16xi32>], vector<16xf32>,
      %sub3A_428 = arith.subf %gather3A_426, %gather3A_427 : vector<16xf32>
      %mul3A_429 = arith.mulf %sub3A_428, %sub3A_428 : vector<16xf32>
      %add3A_430 = arith.addf %mul3A_425, %mul3A_429 : vector<16xf32>
      %gather3A_431 = tpu.vector_load_idx %arg26[%get3A_419] : memref<10000xf32, #tpu.memory_space<vmem>>[vector<16xi32>], vector<16xf32>,
      %gather3A_432 = tpu.vector_load_idx %arg26[%get3A_421] : memref<10000xf32, #tpu.memory_space<vmem>>[vector<16xi32>], vector<16xf32>,
      %sub3A_433 = arith.subf %gather3A_431, %gather3A_432 : vector<16xf32>
      %mul3A_434 = arith.mulf %sub3A_433, %sub3A_433 : vector<16xf32>
      %add3A_435 = arith.addf %add3A_430, %mul3A_434 : vector<16xf32>
      %swap3A_436 = arith.constant 112 : index
      %swap3A_437 = tpu.vector_load %arg28[%swap3A_436] {strides = array<i32>} : memref<128xf32, #tpu.memory_space<vmem>>, vector<16xf32>,
      tpu.vector_store %arg28[%swap3A_436], %add3A_435 {strides = array<i32>} : memref<128xf32, #tpu.memory_space<vmem>>, vector<16xf32>,
      %dma_wait3A_438 = arith.constant 0 : i32
      %dma_wait3A_439 = arith.constant 0 : i32
      %dma_wait3A_440 = tpu.memref_slice %arg2[%dma_wait3A_438, %dma_wait3A_439] : memref<10000x128xf32, #tpu.memory_space<hbm>> -> memref<10000x128xf32, #tpu.memory_space<hbm>>
      tpu.wait_indirect_dma semaphore(%arg30 : memref<!tpu.dma_semaphore, #tpu.memory_space<semaphore_mem>>) src(%dma_wait3A_440 : memref<10000x128xf32, #tpu.memory_space<hbm>>) dst(%arg18 : memref<128x128xf32, #tpu.memory_space<vmem>>)
      %dma_wait3A_441 = arith.constant 0 : i32
      %dma_wait3A_442 = arith.constant 0 : i32
      %dma_wait3A_443 = tpu.memref_slice %arg3[%dma_wait3A_441, %dma_wait3A_442] : memref<10000x128xf32, #tpu.memory_space<hbm>> -> memref<10000x128xf32, #tpu.memory_space<hbm>>
      tpu.wait_indirect_dma semaphore(%arg30 : memref<!tpu.dma_semaphore, #tpu.memory_space<semaphore_mem>>) src(%dma_wait3A_443 : memref<10000x128xf32, #tpu.memory_space<hbm>>) dst(%arg21 : memref<128x128xf32, #tpu.memory_space<vmem>>)
      %sub3A_444 = arith.constant 1 : i32
      %sub3A_445 = arith.subi %add3A_258, %sub3A_444 : i32
      %mul3A_446 = arith.constant 32 : i32
      %mul3A_447 = arith.muli %sub3A_445, %mul3A_446 : i32
      %add3A_448 = arith.addi %add3A, %mul3A_447 : i32
      %lt3A_449 = arith.constant 2500 : i32
      %lt3A_450 = arith.cmpi slt, %add3A_448, %lt3A_449 : i32
      %select_n3A_451 = arith.select %lt3A_450, %add3A_448, %add3A : i32
      %mul3A_452 = arith.constant 128 : i32
      %mul3A_453 = arith.muli %select_n3A_451, %mul3A_452 : i32
      %dma_start3A_454 = arith.constant 0 : i32
      %dma_start3A_455 = tpu.memref_slice %arg9[%mul3A_453, %dma_start3A_454] : memref<320000x128xf32, #tpu.memory_space<hbm>> -> memref<128x128xf32, #tpu.memory_space<hbm>>
      %dma_start3A_456 = arith.constant 0 : i32
      %dma_start3A_457 = tpu.memref_slice %arg9[%mul3A_453, %dma_start3A_456] : memref<320000x128xf32, #tpu.memory_space<hbm>> -> memref<128x128xf32, #tpu.memory_space<hbm>>
      tpu.enqueue_dma source(%arg18 : memref<128x128xf32, #tpu.memory_space<vmem>>) target(%dma_start3A_457 : memref<128x128xf32, #tpu.memory_space<hbm>>) target_semaphore(%arg33 : memref<!tpu.dma_semaphore, #tpu.memory_space<semaphore_mem>>)
      %dma_start3A_458 = arith.constant 0 : i32
      %dma_start3A_459 = tpu.memref_slice %arg10[%mul3A_453, %dma_start3A_458] : memref<320000x128xf32, #tpu.memory_space<hbm>> -> memref<128x128xf32, #tpu.memory_space<hbm>>
      %dma_start3A_460 = arith.constant 0 : i32
      %dma_start3A_461 = tpu.memref_slice %arg10[%mul3A_453, %dma_start3A_460] : memref<320000x128xf32, #tpu.memory_space<hbm>> -> memref<128x128xf32, #tpu.memory_space<hbm>>
      tpu.enqueue_dma source(%arg21 : memref<128x128xf32, #tpu.memory_space<vmem>>) target(%dma_start3A_461 : memref<128x128xf32, #tpu.memory_space<hbm>>) target_semaphore(%arg33 : memref<!tpu.dma_semaphore, #tpu.memory_space<semaphore_mem>>)
      %dma_start3A_462 = tpu.memref_slice %arg11[%mul3A_453] : memref<320000xf32, #tpu.memory_space<hbm>> -> memref<128xf32, #tpu.memory_space<hbm>>
      %dma_start3A_463 = tpu.memref_slice %arg11[%mul3A_453] : memref<320000xf32, #tpu.memory_space<hbm>> -> memref<128xf32, #tpu.memory_space<hbm>>
      tpu.enqueue_dma source(%arg27 : memref<128xf32, #tpu.memory_space<vmem>>) target(%dma_start3A_463 : memref<128xf32, #tpu.memory_space<hbm>>) target_semaphore(%arg33 : memref<!tpu.dma_semaphore, #tpu.memory_space<semaphore_mem>>)
      %mul3A_464 = arith.constant 3 : i32
      %mul3A_465 = arith.muli %scan3A_73, %mul3A_464 : i32
      %add3A_466 = arith.constant 2 : i32
      %add3A_467 = arith.addi %mul3A_465, %add3A_466 : i32
      %gt3A_468 = arith.constant 0 : i32
      %gt3A_469 = arith.cmpi sgt, %scan3A_73, %gt3A_468 : i32
      %convert_element_type3A_470 = arith.extui %gt3A_469 : i1 to i32
      %cond3A_471 = arith.constant 0 : i32
      %cond3A_472 = arith.cmpi ne, %convert_element_type3A_470, %cond3A_471 : i32
      scf.if %cond3A_472 {
        %dma_wait3A_673 = arith.constant 0 : i32
        %dma_wait3A_674 = arith.constant 0 : i32
        %dma_wait3A_675 = tpu.memref_slice %arg9[%dma_wait3A_673, %dma_wait3A_674] : memref<320000x128xf32, #tpu.memory_space<hbm>> -> memref<128x128xf32, #tpu.memory_space<hbm>>
        %dma_wait3A_676 = arith.constant 0 : i32
        %dma_wait3A_677 = arith.constant 0 : i32
        %dma_wait3A_678 = tpu.memref_slice %arg9[%dma_wait3A_676, %dma_wait3A_677] : memref<320000x128xf32, #tpu.memory_space<hbm>> -> memref<128x128xf32, #tpu.memory_space<hbm>>
        tpu.wait_dma2 semaphore(%arg35 : memref<!tpu.dma_semaphore, #tpu.memory_space<semaphore_mem>>) src(%arg20 : memref<128x128xf32, #tpu.memory_space<vmem>>) dst(%dma_wait3A_678 : memref<128x128xf32, #tpu.memory_space<hbm>>)
        %dma_wait3A_679 = arith.constant 0 : i32
        %dma_wait3A_680 = arith.constant 0 : i32
        %dma_wait3A_681 = tpu.memref_slice %arg10[%dma_wait3A_679, %dma_wait3A_680] : memref<320000x128xf32, #tpu.memory_space<hbm>> -> memref<128x128xf32, #tpu.memory_space<hbm>>
        %dma_wait3A_682 = arith.constant 0 : i32
        %dma_wait3A_683 = arith.constant 0 : i32
        %dma_wait3A_684 = tpu.memref_slice %arg10[%dma_wait3A_682, %dma_wait3A_683] : memref<320000x128xf32, #tpu.memory_space<hbm>> -> memref<128x128xf32, #tpu.memory_space<hbm>>
        tpu.wait_dma2 semaphore(%arg35 : memref<!tpu.dma_semaphore, #tpu.memory_space<semaphore_mem>>) src(%arg23 : memref<128x128xf32, #tpu.memory_space<vmem>>) dst(%dma_wait3A_684 : memref<128x128xf32, #tpu.memory_space<hbm>>)
        %dma_wait3A_685 = arith.constant 0 : i32
        %dma_wait3A_686 = tpu.memref_slice %arg11[%dma_wait3A_685] : memref<320000xf32, #tpu.memory_space<hbm>> -> memref<128xf32, #tpu.memory_space<hbm>>
        %dma_wait3A_687 = arith.constant 0 : i32
        %dma_wait3A_688 = tpu.memref_slice %arg11[%dma_wait3A_687] : memref<320000xf32, #tpu.memory_space<hbm>> -> memref<128xf32, #tpu.memory_space<hbm>>
        tpu.wait_dma2 semaphore(%arg35 : memref<!tpu.dma_semaphore, #tpu.memory_space<semaphore_mem>>) src(%arg29 : memref<128xf32, #tpu.memory_space<vmem>>) dst(%dma_wait3A_688 : memref<128xf32, #tpu.memory_space<hbm>>)
      } else {
      }
      %mul3A_473 = arith.constant 32 : i32
      %mul3A_474 = arith.muli %add3A_467, %mul3A_473 : i32
      %add3A_475 = arith.addi %add3A, %mul3A_474 : i32
      %lt3A_476 = arith.constant 2500 : i32
      %lt3A_477 = arith.cmpi slt, %add3A_475, %lt3A_476 : i32
      %select_n3A_478 = arith.select %lt3A_477, %add3A_475, %add3A : i32
      %mul3A_479 = arith.constant 128 : i32
      %mul3A_480 = arith.muli %select_n3A_478, %mul3A_479 : i32
      "tpu.region"() ({
        %run_scoped3A = tpu.sem_alloc : memref<!tpu.dma_semaphore, #tpu.memory_space<semaphore_mem>>
        %dma_start3A_673 = tpu.memref_slice %arg7[%mul3A_480] : memref<320000xi32, #tpu.memory_space<hbm>> -> memref<128xi32, #tpu.memory_space<hbm>>
        %dma_start3A_674 = tpu.memref_slice %arg7[%mul3A_480] : memref<320000xi32, #tpu.memory_space<hbm>> -> memref<128xi32, #tpu.memory_space<hbm>>
        tpu.enqueue_dma source(%dma_start3A_674 : memref<128xi32, #tpu.memory_space<hbm>>) target(%arg14 : memref<128xi32, #tpu.memory_space<vmem>>) target_semaphore(%run_scoped3A : memref<!tpu.dma_semaphore, #tpu.memory_space<semaphore_mem>>)
        %dma_wait3A_675 = tpu.memref_slice %arg7[%mul3A_480] : memref<320000xi32, #tpu.memory_space<hbm>> -> memref<128xi32, #tpu.memory_space<hbm>>
        %dma_wait3A_676 = tpu.memref_slice %arg7[%mul3A_480] : memref<320000xi32, #tpu.memory_space<hbm>> -> memref<128xi32, #tpu.memory_space<hbm>>
        tpu.wait_dma2 semaphore(%run_scoped3A : memref<!tpu.dma_semaphore, #tpu.memory_space<semaphore_mem>>) src(%dma_wait3A_676 : memref<128xi32, #tpu.memory_space<hbm>>) dst(%arg14 : memref<128xi32, #tpu.memory_space<vmem>>)
        tpu.yield
      }) : () -> ()
      "tpu.region"() ({
        %run_scoped3A = tpu.sem_alloc : memref<!tpu.dma_semaphore, #tpu.memory_space<semaphore_mem>>
        %dma_start3A_673 = tpu.memref_slice %arg8[%mul3A_480] : memref<320000xi32, #tpu.memory_space<hbm>> -> memref<128xi32, #tpu.memory_space<hbm>>
        %dma_start3A_674 = tpu.memref_slice %arg8[%mul3A_480] : memref<320000xi32, #tpu.memory_space<hbm>> -> memref<128xi32, #tpu.memory_space<hbm>>
        tpu.enqueue_dma source(%dma_start3A_674 : memref<128xi32, #tpu.memory_space<hbm>>) target(%arg17 : memref<128xi32, #tpu.memory_space<vmem>>) target_semaphore(%run_scoped3A : memref<!tpu.dma_semaphore, #tpu.memory_space<semaphore_mem>>)
        %dma_wait3A_675 = tpu.memref_slice %arg8[%mul3A_480] : memref<320000xi32, #tpu.memory_space<hbm>> -> memref<128xi32, #tpu.memory_space<hbm>>
        %dma_wait3A_676 = tpu.memref_slice %arg8[%mul3A_480] : memref<320000xi32, #tpu.memory_space<hbm>> -> memref<128xi32, #tpu.memory_space<hbm>>
        tpu.wait_dma2 semaphore(%run_scoped3A : memref<!tpu.dma_semaphore, #tpu.memory_space<semaphore_mem>>) src(%dma_wait3A_676 : memref<128xi32, #tpu.memory_space<hbm>>) dst(%arg17 : memref<128xi32, #tpu.memory_space<vmem>>)
        tpu.yield
      }) : () -> ()
      %dma_start3A_481 = arith.constant 0 : i32
      %dma_start3A_482 = arith.constant 0 : i32
      %dma_start3A_483 = tpu.memref_slice %arg2[%dma_start3A_481, %dma_start3A_482] : memref<10000x128xf32, #tpu.memory_space<hbm>> -> memref<10000x128xf32, #tpu.memory_space<hbm>>
      tpu.enqueue_indirect_dma source(%dma_start3A_483 : memref<10000x128xf32, #tpu.memory_space<hbm>>) target(%arg20 : memref<128x128xf32, #tpu.memory_space<vmem>>) offsets(%arg14 : memref<128xi32, #tpu.memory_space<vmem>>) semaphore(%arg32 : memref<!tpu.dma_semaphore, #tpu.memory_space<semaphore_mem>>)
      %dma_start3A_484 = arith.constant 0 : i32
      %dma_start3A_485 = arith.constant 0 : i32
      %dma_start3A_486 = tpu.memref_slice %arg3[%dma_start3A_484, %dma_start3A_485] : memref<10000x128xf32, #tpu.memory_space<hbm>> -> memref<10000x128xf32, #tpu.memory_space<hbm>>
      tpu.enqueue_indirect_dma source(%dma_start3A_486 : memref<10000x128xf32, #tpu.memory_space<hbm>>) target(%arg23 : memref<128x128xf32, #tpu.memory_space<vmem>>) offsets(%arg17 : memref<128xi32, #tpu.memory_space<vmem>>) semaphore(%arg32 : memref<!tpu.dma_semaphore, #tpu.memory_space<semaphore_mem>>)
      %get3A_487 = arith.constant 0 : index
      %get3A_488 = tpu.vector_load %arg14[%get3A_487] {strides = array<i32>} : memref<128xi32, #tpu.memory_space<vmem>>, vector<16xi32>,
      %get3A_489 = arith.constant 0 : index
      %get3A_490 = tpu.vector_load %arg17[%get3A_489] {strides = array<i32>} : memref<128xi32, #tpu.memory_space<vmem>>, vector<16xi32>,
      %gather3A_491 = tpu.vector_load_idx %arg24[%get3A_488] : memref<10000xf32, #tpu.memory_space<vmem>>[vector<16xi32>], vector<16xf32>,
      %gather3A_492 = tpu.vector_load_idx %arg24[%get3A_490] : memref<10000xf32, #tpu.memory_space<vmem>>[vector<16xi32>], vector<16xf32>,
      %sub3A_493 = arith.subf %gather3A_491, %gather3A_492 : vector<16xf32>
      %mul3A_494 = arith.mulf %sub3A_493, %sub3A_493 : vector<16xf32>
      %gather3A_495 = tpu.vector_load_idx %arg25[%get3A_488] : memref<10000xf32, #tpu.memory_space<vmem>>[vector<16xi32>], vector<16xf32>,
      %gather3A_496 = tpu.vector_load_idx %arg25[%get3A_490] : memref<10000xf32, #tpu.memory_space<vmem>>[vector<16xi32>], vector<16xf32>,
      %sub3A_497 = arith.subf %gather3A_495, %gather3A_496 : vector<16xf32>
      %mul3A_498 = arith.mulf %sub3A_497, %sub3A_497 : vector<16xf32>
      %add3A_499 = arith.addf %mul3A_494, %mul3A_498 : vector<16xf32>
      %gather3A_500 = tpu.vector_load_idx %arg26[%get3A_488] : memref<10000xf32, #tpu.memory_space<vmem>>[vector<16xi32>], vector<16xf32>,
      %gather3A_501 = tpu.vector_load_idx %arg26[%get3A_490] : memref<10000xf32, #tpu.memory_space<vmem>>[vector<16xi32>], vector<16xf32>,
      %sub3A_502 = arith.subf %gather3A_500, %gather3A_501 : vector<16xf32>
      %mul3A_503 = arith.mulf %sub3A_502, %sub3A_502 : vector<16xf32>
      %add3A_504 = arith.addf %add3A_499, %mul3A_503 : vector<16xf32>
      %swap3A_505 = arith.constant 0 : index
      %swap3A_506 = tpu.vector_load %arg29[%swap3A_505] {strides = array<i32>} : memref<128xf32, #tpu.memory_space<vmem>>, vector<16xf32>,
      tpu.vector_store %arg29[%swap3A_505], %add3A_504 {strides = array<i32>} : memref<128xf32, #tpu.memory_space<vmem>>, vector<16xf32>,
      %get3A_507 = arith.constant 16 : index
      %get3A_508 = tpu.vector_load %arg14[%get3A_507] {strides = array<i32>} : memref<128xi32, #tpu.memory_space<vmem>>, vector<16xi32>,
      %get3A_509 = arith.constant 16 : index
      %get3A_510 = tpu.vector_load %arg17[%get3A_509] {strides = array<i32>} : memref<128xi32, #tpu.memory_space<vmem>>, vector<16xi32>,
      %gather3A_511 = tpu.vector_load_idx %arg24[%get3A_508] : memref<10000xf32, #tpu.memory_space<vmem>>[vector<16xi32>], vector<16xf32>,
      %gather3A_512 = tpu.vector_load_idx %arg24[%get3A_510] : memref<10000xf32, #tpu.memory_space<vmem>>[vector<16xi32>], vector<16xf32>,
      %sub3A_513 = arith.subf %gather3A_511, %gather3A_512 : vector<16xf32>
      %mul3A_514 = arith.mulf %sub3A_513, %sub3A_513 : vector<16xf32>
      %gather3A_515 = tpu.vector_load_idx %arg25[%get3A_508] : memref<10000xf32, #tpu.memory_space<vmem>>[vector<16xi32>], vector<16xf32>,
      %gather3A_516 = tpu.vector_load_idx %arg25[%get3A_510] : memref<10000xf32, #tpu.memory_space<vmem>>[vector<16xi32>], vector<16xf32>,
      %sub3A_517 = arith.subf %gather3A_515, %gather3A_516 : vector<16xf32>
      %mul3A_518 = arith.mulf %sub3A_517, %sub3A_517 : vector<16xf32>
      %add3A_519 = arith.addf %mul3A_514, %mul3A_518 : vector<16xf32>
      %gather3A_520 = tpu.vector_load_idx %arg26[%get3A_508] : memref<10000xf32, #tpu.memory_space<vmem>>[vector<16xi32>], vector<16xf32>,
      %gather3A_521 = tpu.vector_load_idx %arg26[%get3A_510] : memref<10000xf32, #tpu.memory_space<vmem>>[vector<16xi32>], vector<16xf32>,
      %sub3A_522 = arith.subf %gather3A_520, %gather3A_521 : vector<16xf32>
      %mul3A_523 = arith.mulf %sub3A_522, %sub3A_522 : vector<16xf32>
      %add3A_524 = arith.addf %add3A_519, %mul3A_523 : vector<16xf32>
      %swap3A_525 = arith.constant 16 : index
      %swap3A_526 = tpu.vector_load %arg29[%swap3A_525] {strides = array<i32>} : memref<128xf32, #tpu.memory_space<vmem>>, vector<16xf32>,
      tpu.vector_store %arg29[%swap3A_525], %add3A_524 {strides = array<i32>} : memref<128xf32, #tpu.memory_space<vmem>>, vector<16xf32>,
      %get3A_527 = arith.constant 32 : index
      %get3A_528 = tpu.vector_load %arg14[%get3A_527] {strides = array<i32>} : memref<128xi32, #tpu.memory_space<vmem>>, vector<16xi32>,
      %get3A_529 = arith.constant 32 : index
      %get3A_530 = tpu.vector_load %arg17[%get3A_529] {strides = array<i32>} : memref<128xi32, #tpu.memory_space<vmem>>, vector<16xi32>,
      %gather3A_531 = tpu.vector_load_idx %arg24[%get3A_528] : memref<10000xf32, #tpu.memory_space<vmem>>[vector<16xi32>], vector<16xf32>,
      %gather3A_532 = tpu.vector_load_idx %arg24[%get3A_530] : memref<10000xf32, #tpu.memory_space<vmem>>[vector<16xi32>], vector<16xf32>,
      %sub3A_533 = arith.subf %gather3A_531, %gather3A_532 : vector<16xf32>
      %mul3A_534 = arith.mulf %sub3A_533, %sub3A_533 : vector<16xf32>
      %gather3A_535 = tpu.vector_load_idx %arg25[%get3A_528] : memref<10000xf32, #tpu.memory_space<vmem>>[vector<16xi32>], vector<16xf32>,
      %gather3A_536 = tpu.vector_load_idx %arg25[%get3A_530] : memref<10000xf32, #tpu.memory_space<vmem>>[vector<16xi32>], vector<16xf32>,
      %sub3A_537 = arith.subf %gather3A_535, %gather3A_536 : vector<16xf32>
      %mul3A_538 = arith.mulf %sub3A_537, %sub3A_537 : vector<16xf32>
      %add3A_539 = arith.addf %mul3A_534, %mul3A_538 : vector<16xf32>
      %gather3A_540 = tpu.vector_load_idx %arg26[%get3A_528] : memref<10000xf32, #tpu.memory_space<vmem>>[vector<16xi32>], vector<16xf32>,
      %gather3A_541 = tpu.vector_load_idx %arg26[%get3A_530] : memref<10000xf32, #tpu.memory_space<vmem>>[vector<16xi32>], vector<16xf32>,
      %sub3A_542 = arith.subf %gather3A_540, %gather3A_541 : vector<16xf32>
      %mul3A_543 = arith.mulf %sub3A_542, %sub3A_542 : vector<16xf32>
      %add3A_544 = arith.addf %add3A_539, %mul3A_543 : vector<16xf32>
      %swap3A_545 = arith.constant 32 : index
      %swap3A_546 = tpu.vector_load %arg29[%swap3A_545] {strides = array<i32>} : memref<128xf32, #tpu.memory_space<vmem>>, vector<16xf32>,
      tpu.vector_store %arg29[%swap3A_545], %add3A_544 {strides = array<i32>} : memref<128xf32, #tpu.memory_space<vmem>>, vector<16xf32>,
      %get3A_547 = arith.constant 48 : index
      %get3A_548 = tpu.vector_load %arg14[%get3A_547] {strides = array<i32>} : memref<128xi32, #tpu.memory_space<vmem>>, vector<16xi32>,
      %get3A_549 = arith.constant 48 : index
      %get3A_550 = tpu.vector_load %arg17[%get3A_549] {strides = array<i32>} : memref<128xi32, #tpu.memory_space<vmem>>, vector<16xi32>,
      %gather3A_551 = tpu.vector_load_idx %arg24[%get3A_548] : memref<10000xf32, #tpu.memory_space<vmem>>[vector<16xi32>], vector<16xf32>,
      %gather3A_552 = tpu.vector_load_idx %arg24[%get3A_550] : memref<10000xf32, #tpu.memory_space<vmem>>[vector<16xi32>], vector<16xf32>,
      %sub3A_553 = arith.subf %gather3A_551, %gather3A_552 : vector<16xf32>
      %mul3A_554 = arith.mulf %sub3A_553, %sub3A_553 : vector<16xf32>
      %gather3A_555 = tpu.vector_load_idx %arg25[%get3A_548] : memref<10000xf32, #tpu.memory_space<vmem>>[vector<16xi32>], vector<16xf32>,
      %gather3A_556 = tpu.vector_load_idx %arg25[%get3A_550] : memref<10000xf32, #tpu.memory_space<vmem>>[vector<16xi32>], vector<16xf32>,
      %sub3A_557 = arith.subf %gather3A_555, %gather3A_556 : vector<16xf32>
      %mul3A_558 = arith.mulf %sub3A_557, %sub3A_557 : vector<16xf32>
      %add3A_559 = arith.addf %mul3A_554, %mul3A_558 : vector<16xf32>
      %gather3A_560 = tpu.vector_load_idx %arg26[%get3A_548] : memref<10000xf32, #tpu.memory_space<vmem>>[vector<16xi32>], vector<16xf32>,
      %gather3A_561 = tpu.vector_load_idx %arg26[%get3A_550] : memref<10000xf32, #tpu.memory_space<vmem>>[vector<16xi32>], vector<16xf32>,
      %sub3A_562 = arith.subf %gather3A_560, %gather3A_561 : vector<16xf32>
      %mul3A_563 = arith.mulf %sub3A_562, %sub3A_562 : vector<16xf32>
      %add3A_564 = arith.addf %add3A_559, %mul3A_563 : vector<16xf32>
      %swap3A_565 = arith.constant 48 : index
      %swap3A_566 = tpu.vector_load %arg29[%swap3A_565] {strides = array<i32>} : memref<128xf32, #tpu.memory_space<vmem>>, vector<16xf32>,
      tpu.vector_store %arg29[%swap3A_565], %add3A_564 {strides = array<i32>} : memref<128xf32, #tpu.memory_space<vmem>>, vector<16xf32>,
      %get3A_567 = arith.constant 64 : index
      %get3A_568 = tpu.vector_load %arg14[%get3A_567] {strides = array<i32>} : memref<128xi32, #tpu.memory_space<vmem>>, vector<16xi32>,
      %get3A_569 = arith.constant 64 : index
      %get3A_570 = tpu.vector_load %arg17[%get3A_569] {strides = array<i32>} : memref<128xi32, #tpu.memory_space<vmem>>, vector<16xi32>,
      %gather3A_571 = tpu.vector_load_idx %arg24[%get3A_568] : memref<10000xf32, #tpu.memory_space<vmem>>[vector<16xi32>], vector<16xf32>,
      %gather3A_572 = tpu.vector_load_idx %arg24[%get3A_570] : memref<10000xf32, #tpu.memory_space<vmem>>[vector<16xi32>], vector<16xf32>,
      %sub3A_573 = arith.subf %gather3A_571, %gather3A_572 : vector<16xf32>
      %mul3A_574 = arith.mulf %sub3A_573, %sub3A_573 : vector<16xf32>
      %gather3A_575 = tpu.vector_load_idx %arg25[%get3A_568] : memref<10000xf32, #tpu.memory_space<vmem>>[vector<16xi32>], vector<16xf32>,
      %gather3A_576 = tpu.vector_load_idx %arg25[%get3A_570] : memref<10000xf32, #tpu.memory_space<vmem>>[vector<16xi32>], vector<16xf32>,
      %sub3A_577 = arith.subf %gather3A_575, %gather3A_576 : vector<16xf32>
      %mul3A_578 = arith.mulf %sub3A_577, %sub3A_577 : vector<16xf32>
      %add3A_579 = arith.addf %mul3A_574, %mul3A_578 : vector<16xf32>
      %gather3A_580 = tpu.vector_load_idx %arg26[%get3A_568] : memref<10000xf32, #tpu.memory_space<vmem>>[vector<16xi32>], vector<16xf32>,
      %gather3A_581 = tpu.vector_load_idx %arg26[%get3A_570] : memref<10000xf32, #tpu.memory_space<vmem>>[vector<16xi32>], vector<16xf32>,
      %sub3A_582 = arith.subf %gather3A_580, %gather3A_581 : vector<16xf32>
      %mul3A_583 = arith.mulf %sub3A_582, %sub3A_582 : vector<16xf32>
      %add3A_584 = arith.addf %add3A_579, %mul3A_583 : vector<16xf32>
      %swap3A_585 = arith.constant 64 : index
      %swap3A_586 = tpu.vector_load %arg29[%swap3A_585] {strides = array<i32>} : memref<128xf32, #tpu.memory_space<vmem>>, vector<16xf32>,
      tpu.vector_store %arg29[%swap3A_585], %add3A_584 {strides = array<i32>} : memref<128xf32, #tpu.memory_space<vmem>>, vector<16xf32>,
      %get3A_587 = arith.constant 80 : index
      %get3A_588 = tpu.vector_load %arg14[%get3A_587] {strides = array<i32>} : memref<128xi32, #tpu.memory_space<vmem>>, vector<16xi32>,
      %get3A_589 = arith.constant 80 : index
      %get3A_590 = tpu.vector_load %arg17[%get3A_589] {strides = array<i32>} : memref<128xi32, #tpu.memory_space<vmem>>, vector<16xi32>,
      %gather3A_591 = tpu.vector_load_idx %arg24[%get3A_588] : memref<10000xf32, #tpu.memory_space<vmem>>[vector<16xi32>], vector<16xf32>,
      %gather3A_592 = tpu.vector_load_idx %arg24[%get3A_590] : memref<10000xf32, #tpu.memory_space<vmem>>[vector<16xi32>], vector<16xf32>,
      %sub3A_593 = arith.subf %gather3A_591, %gather3A_592 : vector<16xf32>
      %mul3A_594 = arith.mulf %sub3A_593, %sub3A_593 : vector<16xf32>
      %gather3A_595 = tpu.vector_load_idx %arg25[%get3A_588] : memref<10000xf32, #tpu.memory_space<vmem>>[vector<16xi32>], vector<16xf32>,
      %gather3A_596 = tpu.vector_load_idx %arg25[%get3A_590] : memref<10000xf32, #tpu.memory_space<vmem>>[vector<16xi32>], vector<16xf32>,
      %sub3A_597 = arith.subf %gather3A_595, %gather3A_596 : vector<16xf32>
      %mul3A_598 = arith.mulf %sub3A_597, %sub3A_597 : vector<16xf32>
      %add3A_599 = arith.addf %mul3A_594, %mul3A_598 : vector<16xf32>
      %gather3A_600 = tpu.vector_load_idx %arg26[%get3A_588] : memref<10000xf32, #tpu.memory_space<vmem>>[vector<16xi32>], vector<16xf32>,
      %gather3A_601 = tpu.vector_load_idx %arg26[%get3A_590] : memref<10000xf32, #tpu.memory_space<vmem>>[vector<16xi32>], vector<16xf32>,
      %sub3A_602 = arith.subf %gather3A_600, %gather3A_601 : vector<16xf32>
      %mul3A_603 = arith.mulf %sub3A_602, %sub3A_602 : vector<16xf32>
      %add3A_604 = arith.addf %add3A_599, %mul3A_603 : vector<16xf32>
      %swap3A_605 = arith.constant 80 : index
      %swap3A_606 = tpu.vector_load %arg29[%swap3A_605] {strides = array<i32>} : memref<128xf32, #tpu.memory_space<vmem>>, vector<16xf32>,
      tpu.vector_store %arg29[%swap3A_605], %add3A_604 {strides = array<i32>} : memref<128xf32, #tpu.memory_space<vmem>>, vector<16xf32>,
      %get3A_607 = arith.constant 96 : index
      %get3A_608 = tpu.vector_load %arg14[%get3A_607] {strides = array<i32>} : memref<128xi32, #tpu.memory_space<vmem>>, vector<16xi32>,
      %get3A_609 = arith.constant 96 : index
      %get3A_610 = tpu.vector_load %arg17[%get3A_609] {strides = array<i32>} : memref<128xi32, #tpu.memory_space<vmem>>, vector<16xi32>,
      %gather3A_611 = tpu.vector_load_idx %arg24[%get3A_608] : memref<10000xf32, #tpu.memory_space<vmem>>[vector<16xi32>], vector<16xf32>,
      %gather3A_612 = tpu.vector_load_idx %arg24[%get3A_610] : memref<10000xf32, #tpu.memory_space<vmem>>[vector<16xi32>], vector<16xf32>,
      %sub3A_613 = arith.subf %gather3A_611, %gather3A_612 : vector<16xf32>
      %mul3A_614 = arith.mulf %sub3A_613, %sub3A_613 : vector<16xf32>
      %gather3A_615 = tpu.vector_load_idx %arg25[%get3A_608] : memref<10000xf32, #tpu.memory_space<vmem>>[vector<16xi32>], vector<16xf32>,
      %gather3A_616 = tpu.vector_load_idx %arg25[%get3A_610] : memref<10000xf32, #tpu.memory_space<vmem>>[vector<16xi32>], vector<16xf32>,
      %sub3A_617 = arith.subf %gather3A_615, %gather3A_616 : vector<16xf32>
      %mul3A_618 = arith.mulf %sub3A_617, %sub3A_617 : vector<16xf32>
      %add3A_619 = arith.addf %mul3A_614, %mul3A_618 : vector<16xf32>
      %gather3A_620 = tpu.vector_load_idx %arg26[%get3A_608] : memref<10000xf32, #tpu.memory_space<vmem>>[vector<16xi32>], vector<16xf32>,
      %gather3A_621 = tpu.vector_load_idx %arg26[%get3A_610] : memref<10000xf32, #tpu.memory_space<vmem>>[vector<16xi32>], vector<16xf32>,
      %sub3A_622 = arith.subf %gather3A_620, %gather3A_621 : vector<16xf32>
      %mul3A_623 = arith.mulf %sub3A_622, %sub3A_622 : vector<16xf32>
      %add3A_624 = arith.addf %add3A_619, %mul3A_623 : vector<16xf32>
      %swap3A_625 = arith.constant 96 : index
      %swap3A_626 = tpu.vector_load %arg29[%swap3A_625] {strides = array<i32>} : memref<128xf32, #tpu.memory_space<vmem>>, vector<16xf32>,
      tpu.vector_store %arg29[%swap3A_625], %add3A_624 {strides = array<i32>} : memref<128xf32, #tpu.memory_space<vmem>>, vector<16xf32>,
      %get3A_627 = arith.constant 112 : index
      %get3A_628 = tpu.vector_load %arg14[%get3A_627] {strides = array<i32>} : memref<128xi32, #tpu.memory_space<vmem>>, vector<16xi32>,
      %get3A_629 = arith.constant 112 : index
      %get3A_630 = tpu.vector_load %arg17[%get3A_629] {strides = array<i32>} : memref<128xi32, #tpu.memory_space<vmem>>, vector<16xi32>,
      %gather3A_631 = tpu.vector_load_idx %arg24[%get3A_628] : memref<10000xf32, #tpu.memory_space<vmem>>[vector<16xi32>], vector<16xf32>,
      %gather3A_632 = tpu.vector_load_idx %arg24[%get3A_630] : memref<10000xf32, #tpu.memory_space<vmem>>[vector<16xi32>], vector<16xf32>,
      %sub3A_633 = arith.subf %gather3A_631, %gather3A_632 : vector<16xf32>
      %mul3A_634 = arith.mulf %sub3A_633, %sub3A_633 : vector<16xf32>
      %gather3A_635 = tpu.vector_load_idx %arg25[%get3A_628] : memref<10000xf32, #tpu.memory_space<vmem>>[vector<16xi32>], vector<16xf32>,
      %gather3A_636 = tpu.vector_load_idx %arg25[%get3A_630] : memref<10000xf32, #tpu.memory_space<vmem>>[vector<16xi32>], vector<16xf32>,
      %sub3A_637 = arith.subf %gather3A_635, %gather3A_636 : vector<16xf32>
      %mul3A_638 = arith.mulf %sub3A_637, %sub3A_637 : vector<16xf32>
      %add3A_639 = arith.addf %mul3A_634, %mul3A_638 : vector<16xf32>
      %gather3A_640 = tpu.vector_load_idx %arg26[%get3A_628] : memref<10000xf32, #tpu.memory_space<vmem>>[vector<16xi32>], vector<16xf32>,
      %gather3A_641 = tpu.vector_load_idx %arg26[%get3A_630] : memref<10000xf32, #tpu.memory_space<vmem>>[vector<16xi32>], vector<16xf32>,
      %sub3A_642 = arith.subf %gather3A_640, %gather3A_641 : vector<16xf32>
      %mul3A_643 = arith.mulf %sub3A_642, %sub3A_642 : vector<16xf32>
      %add3A_644 = arith.addf %add3A_639, %mul3A_643 : vector<16xf32>
      %swap3A_645 = arith.constant 112 : index
      %swap3A_646 = tpu.vector_load %arg29[%swap3A_645] {strides = array<i32>} : memref<128xf32, #tpu.memory_space<vmem>>, vector<16xf32>,
      tpu.vector_store %arg29[%swap3A_645], %add3A_644 {strides = array<i32>} : memref<128xf32, #tpu.memory_space<vmem>>, vector<16xf32>,
      %dma_wait3A_647 = arith.constant 0 : i32
      %dma_wait3A_648 = arith.constant 0 : i32
      %dma_wait3A_649 = tpu.memref_slice %arg2[%dma_wait3A_647, %dma_wait3A_648] : memref<10000x128xf32, #tpu.memory_space<hbm>> -> memref<10000x128xf32, #tpu.memory_space<hbm>>
      tpu.wait_indirect_dma semaphore(%arg31 : memref<!tpu.dma_semaphore, #tpu.memory_space<semaphore_mem>>) src(%dma_wait3A_649 : memref<10000x128xf32, #tpu.memory_space<hbm>>) dst(%arg19 : memref<128x128xf32, #tpu.memory_space<vmem>>)
      %dma_wait3A_650 = arith.constant 0 : i32
      %dma_wait3A_651 = arith.constant 0 : i32
      %dma_wait3A_652 = tpu.memref_slice %arg3[%dma_wait3A_650, %dma_wait3A_651] : memref<10000x128xf32, #tpu.memory_space<hbm>> -> memref<10000x128xf32, #tpu.memory_space<hbm>>
      tpu.wait_indirect_dma semaphore(%arg31 : memref<!tpu.dma_semaphore, #tpu.memory_space<semaphore_mem>>) src(%dma_wait3A_652 : memref<10000x128xf32, #tpu.memory_space<hbm>>) dst(%arg22 : memref<128x128xf32, #tpu.memory_space<vmem>>)
      %sub3A_653 = arith.constant 1 : i32
      %sub3A_654 = arith.subi %add3A_467, %sub3A_653 : i32
      %mul3A_655 = arith.constant 32 : i32
      %mul3A_656 = arith.muli %sub3A_654, %mul3A_655 : i32
      %add3A_657 = arith.addi %add3A, %mul3A_656 : i32
      %lt3A_658 = arith.constant 2500 : i32
      %lt3A_659 = arith.cmpi slt, %add3A_657, %lt3A_658 : i32
      %select_n3A_660 = arith.select %lt3A_659, %add3A_657, %add3A : i32
      %mul3A_661 = arith.constant 128 : i32
      %mul3A_662 = arith.muli %select_n3A_660, %mul3A_661 : i32
      %dma_start3A_663 = arith.constant 0 : i32
      %dma_start3A_664 = tpu.memref_slice %arg9[%mul3A_662, %dma_start3A_663] : memref<320000x128xf32, #tpu.memory_space<hbm>> -> memref<128x128xf32, #tpu.memory_space<hbm>>
      %dma_start3A_665 = arith.constant 0 : i32
      %dma_start3A_666 = tpu.memref_slice %arg9[%mul3A_662, %dma_start3A_665] : memref<320000x128xf32, #tpu.memory_space<hbm>> -> memref<128x128xf32, #tpu.memory_space<hbm>>
      tpu.enqueue_dma source(%arg19 : memref<128x128xf32, #tpu.memory_space<vmem>>) target(%dma_start3A_666 : memref<128x128xf32, #tpu.memory_space<hbm>>) target_semaphore(%arg34 : memref<!tpu.dma_semaphore, #tpu.memory_space<semaphore_mem>>)
      %dma_start3A_667 = arith.constant 0 : i32
      %dma_start3A_668 = tpu.memref_slice %arg10[%mul3A_662, %dma_start3A_667] : memref<320000x128xf32, #tpu.memory_space<hbm>> -> memref<128x128xf32, #tpu.memory_space<hbm>>
      %dma_start3A_669 = arith.constant 0 : i32
      %dma_start3A_670 = tpu.memref_slice %arg10[%mul3A_662, %dma_start3A_669] : memref<320000x128xf32, #tpu.memory_space<hbm>> -> memref<128x128xf32, #tpu.memory_space<hbm>>
      tpu.enqueue_dma source(%arg22 : memref<128x128xf32, #tpu.memory_space<vmem>>) target(%dma_start3A_670 : memref<128x128xf32, #tpu.memory_space<hbm>>) target_semaphore(%arg34 : memref<!tpu.dma_semaphore, #tpu.memory_space<semaphore_mem>>)
      %dma_start3A_671 = tpu.memref_slice %arg11[%mul3A_662] : memref<320000xf32, #tpu.memory_space<hbm>> -> memref<128xf32, #tpu.memory_space<hbm>>
      %dma_start3A_672 = tpu.memref_slice %arg11[%mul3A_662] : memref<320000xf32, #tpu.memory_space<hbm>> -> memref<128xf32, #tpu.memory_space<hbm>>
      tpu.enqueue_dma source(%arg28 : memref<128xf32, #tpu.memory_space<vmem>>) target(%dma_start3A_672 : memref<128xf32, #tpu.memory_space<hbm>>) target_semaphore(%arg34 : memref<!tpu.dma_semaphore, #tpu.memory_space<semaphore_mem>>)
    }
    %scan3A_5 = arith.constant 27 : i32
    %dma_wait3A = arith.constant 0 : i32
    %dma_wait3A_6 = arith.constant 0 : i32
    %dma_wait3A_7 = tpu.memref_slice %arg2[%dma_wait3A, %dma_wait3A_6] : memref<10000x128xf32, #tpu.memory_space<hbm>> -> memref<10000x128xf32, #tpu.memory_space<hbm>>
    tpu.wait_indirect_dma semaphore(%arg32 : memref<!tpu.dma_semaphore, #tpu.memory_space<semaphore_mem>>) src(%dma_wait3A_7 : memref<10000x128xf32, #tpu.memory_space<hbm>>) dst(%arg20 : memref<128x128xf32, #tpu.memory_space<vmem>>)
    %dma_wait3A_8 = arith.constant 0 : i32
    %dma_wait3A_9 = arith.constant 0 : i32
    %dma_wait3A_10 = tpu.memref_slice %arg3[%dma_wait3A_8, %dma_wait3A_9] : memref<10000x128xf32, #tpu.memory_space<hbm>> -> memref<10000x128xf32, #tpu.memory_space<hbm>>
    tpu.wait_indirect_dma semaphore(%arg32 : memref<!tpu.dma_semaphore, #tpu.memory_space<semaphore_mem>>) src(%dma_wait3A_10 : memref<10000x128xf32, #tpu.memory_space<hbm>>) dst(%arg23 : memref<128x128xf32, #tpu.memory_space<vmem>>)
    %add3A_11 = arith.constant 2560 : i32
    %add3A_12 = arith.addi %add3A, %add3A_11 : i32
    %lt3A = arith.constant 2500 : i32
    %lt3A_13 = arith.cmpi slt, %add3A_12, %lt3A : i32
    %select_n3A = arith.select %lt3A_13, %add3A_12, %add3A : i32
    %mul3A_14 = arith.constant 128 : i32
    %mul3A_15 = arith.muli %select_n3A, %mul3A_14 : i32
    %dma_start3A = arith.constant 0 : i32
    %dma_start3A_16 = tpu.memref_slice %arg9[%mul3A_15, %dma_start3A] : memref<320000x128xf32, #tpu.memory_space<hbm>> -> memref<128x128xf32, #tpu.memory_space<hbm>>
    %dma_start3A_17 = arith.constant 0 : i32
    %dma_start3A_18 = tpu.memref_slice %arg9[%mul3A_15, %dma_start3A_17] : memref<320000x128xf32, #tpu.memory_space<hbm>> -> memref<128x128xf32, #tpu.memory_space<hbm>>
    tpu.enqueue_dma source(%arg20 : memref<128x128xf32, #tpu.memory_space<vmem>>) target(%dma_start3A_18 : memref<128x128xf32, #tpu.memory_space<hbm>>) target_semaphore(%arg35 : memref<!tpu.dma_semaphore, #tpu.memory_space<semaphore_mem>>)
    %dma_start3A_19 = arith.constant 0 : i32
    %dma_start3A_20 = tpu.memref_slice %arg10[%mul3A_15, %dma_start3A_19] : memref<320000x128xf32, #tpu.memory_space<hbm>> -> memref<128x128xf32, #tpu.memory_space<hbm>>
    %dma_start3A_21 = arith.constant 0 : i32
    %dma_start3A_22 = tpu.memref_slice %arg10[%mul3A_15, %dma_start3A_21] : memref<320000x128xf32, #tpu.memory_space<hbm>> -> memref<128x128xf32, #tpu.memory_space<hbm>>
    tpu.enqueue_dma source(%arg23 : memref<128x128xf32, #tpu.memory_space<vmem>>) target(%dma_start3A_22 : memref<128x128xf32, #tpu.memory_space<hbm>>) target_semaphore(%arg35 : memref<!tpu.dma_semaphore, #tpu.memory_space<semaphore_mem>>)
    %dma_start3A_23 = tpu.memref_slice %arg11[%mul3A_15] : memref<320000xf32, #tpu.memory_space<hbm>> -> memref<128xf32, #tpu.memory_space<hbm>>
    %dma_start3A_24 = tpu.memref_slice %arg11[%mul3A_15] : memref<320000xf32, #tpu.memory_space<hbm>> -> memref<128xf32, #tpu.memory_space<hbm>>
    tpu.enqueue_dma source(%arg29 : memref<128xf32, #tpu.memory_space<vmem>>) target(%dma_start3A_24 : memref<128xf32, #tpu.memory_space<hbm>>) target_semaphore(%arg35 : memref<!tpu.dma_semaphore, #tpu.memory_space<semaphore_mem>>)
    %dma_wait3A_25 = arith.constant 0 : i32
    %dma_wait3A_26 = arith.constant 0 : i32
    %dma_wait3A_27 = tpu.memref_slice %arg9[%dma_wait3A_25, %dma_wait3A_26] : memref<320000x128xf32, #tpu.memory_space<hbm>> -> memref<128x128xf32, #tpu.memory_space<hbm>>
    %dma_wait3A_28 = arith.constant 0 : i32
    %dma_wait3A_29 = arith.constant 0 : i32
    %dma_wait3A_30 = tpu.memref_slice %arg9[%dma_wait3A_28, %dma_wait3A_29] : memref<320000x128xf32, #tpu.memory_space<hbm>> -> memref<128x128xf32, #tpu.memory_space<hbm>>
    tpu.wait_dma2 semaphore(%arg33 : memref<!tpu.dma_semaphore, #tpu.memory_space<semaphore_mem>>) src(%arg18 : memref<128x128xf32, #tpu.memory_space<vmem>>) dst(%dma_wait3A_30 : memref<128x128xf32, #tpu.memory_space<hbm>>)
    %dma_wait3A_31 = arith.constant 0 : i32
    %dma_wait3A_32 = arith.constant 0 : i32
    %dma_wait3A_33 = tpu.memref_slice %arg10[%dma_wait3A_31, %dma_wait3A_32] : memref<320000x128xf32, #tpu.memory_space<hbm>> -> memref<128x128xf32, #tpu.memory_space<hbm>>
    %dma_wait3A_34 = arith.constant 0 : i32
    %dma_wait3A_35 = arith.constant 0 : i32
    %dma_wait3A_36 = tpu.memref_slice %arg10[%dma_wait3A_34, %dma_wait3A_35] : memref<320000x128xf32, #tpu.memory_space<hbm>> -> memref<128x128xf32, #tpu.memory_space<hbm>>
    tpu.wait_dma2 semaphore(%arg33 : memref<!tpu.dma_semaphore, #tpu.memory_space<semaphore_mem>>) src(%arg21 : memref<128x128xf32, #tpu.memory_space<vmem>>) dst(%dma_wait3A_36 : memref<128x128xf32, #tpu.memory_space<hbm>>)
    %dma_wait3A_37 = arith.constant 0 : i32
    %dma_wait3A_38 = tpu.memref_slice %arg11[%dma_wait3A_37] : memref<320000xf32, #tpu.memory_space<hbm>> -> memref<128xf32, #tpu.memory_space<hbm>>
    %dma_wait3A_39 = arith.constant 0 : i32
    %dma_wait3A_40 = tpu.memref_slice %arg11[%dma_wait3A_39] : memref<320000xf32, #tpu.memory_space<hbm>> -> memref<128xf32, #tpu.memory_space<hbm>>
    tpu.wait_dma2 semaphore(%arg33 : memref<!tpu.dma_semaphore, #tpu.memory_space<semaphore_mem>>) src(%arg27 : memref<128xf32, #tpu.memory_space<vmem>>) dst(%dma_wait3A_40 : memref<128xf32, #tpu.memory_space<hbm>>)
    %dma_wait3A_41 = arith.constant 0 : i32
    %dma_wait3A_42 = arith.constant 0 : i32
    %dma_wait3A_43 = tpu.memref_slice %arg9[%dma_wait3A_41, %dma_wait3A_42] : memref<320000x128xf32, #tpu.memory_space<hbm>> -> memref<128x128xf32, #tpu.memory_space<hbm>>
    %dma_wait3A_44 = arith.constant 0 : i32
    %dma_wait3A_45 = arith.constant 0 : i32
    %dma_wait3A_46 = tpu.memref_slice %arg9[%dma_wait3A_44, %dma_wait3A_45] : memref<320000x128xf32, #tpu.memory_space<hbm>> -> memref<128x128xf32, #tpu.memory_space<hbm>>
    tpu.wait_dma2 semaphore(%arg34 : memref<!tpu.dma_semaphore, #tpu.memory_space<semaphore_mem>>) src(%arg19 : memref<128x128xf32, #tpu.memory_space<vmem>>) dst(%dma_wait3A_46 : memref<128x128xf32, #tpu.memory_space<hbm>>)
    %dma_wait3A_47 = arith.constant 0 : i32
    %dma_wait3A_48 = arith.constant 0 : i32
    %dma_wait3A_49 = tpu.memref_slice %arg10[%dma_wait3A_47, %dma_wait3A_48] : memref<320000x128xf32, #tpu.memory_space<hbm>> -> memref<128x128xf32, #tpu.memory_space<hbm>>
    %dma_wait3A_50 = arith.constant 0 : i32
    %dma_wait3A_51 = arith.constant 0 : i32
    %dma_wait3A_52 = tpu.memref_slice %arg10[%dma_wait3A_50, %dma_wait3A_51] : memref<320000x128xf32, #tpu.memory_space<hbm>> -> memref<128x128xf32, #tpu.memory_space<hbm>>
    tpu.wait_dma2 semaphore(%arg34 : memref<!tpu.dma_semaphore, #tpu.memory_space<semaphore_mem>>) src(%arg22 : memref<128x128xf32, #tpu.memory_space<vmem>>) dst(%dma_wait3A_52 : memref<128x128xf32, #tpu.memory_space<hbm>>)
    %dma_wait3A_53 = arith.constant 0 : i32
    %dma_wait3A_54 = tpu.memref_slice %arg11[%dma_wait3A_53] : memref<320000xf32, #tpu.memory_space<hbm>> -> memref<128xf32, #tpu.memory_space<hbm>>
    %dma_wait3A_55 = arith.constant 0 : i32
    %dma_wait3A_56 = tpu.memref_slice %arg11[%dma_wait3A_55] : memref<320000xf32, #tpu.memory_space<hbm>> -> memref<128xf32, #tpu.memory_space<hbm>>
    tpu.wait_dma2 semaphore(%arg34 : memref<!tpu.dma_semaphore, #tpu.memory_space<semaphore_mem>>) src(%arg28 : memref<128xf32, #tpu.memory_space<vmem>>) dst(%dma_wait3A_56 : memref<128xf32, #tpu.memory_space<hbm>>)
    %dma_wait3A_57 = arith.constant 0 : i32
    %dma_wait3A_58 = arith.constant 0 : i32
    %dma_wait3A_59 = tpu.memref_slice %arg9[%dma_wait3A_57, %dma_wait3A_58] : memref<320000x128xf32, #tpu.memory_space<hbm>> -> memref<128x128xf32, #tpu.memory_space<hbm>>
    %dma_wait3A_60 = arith.constant 0 : i32
    %dma_wait3A_61 = arith.constant 0 : i32
    %dma_wait3A_62 = tpu.memref_slice %arg9[%dma_wait3A_60, %dma_wait3A_61] : memref<320000x128xf32, #tpu.memory_space<hbm>> -> memref<128x128xf32, #tpu.memory_space<hbm>>
    tpu.wait_dma2 semaphore(%arg35 : memref<!tpu.dma_semaphore, #tpu.memory_space<semaphore_mem>>) src(%arg20 : memref<128x128xf32, #tpu.memory_space<vmem>>) dst(%dma_wait3A_62 : memref<128x128xf32, #tpu.memory_space<hbm>>)
    %dma_wait3A_63 = arith.constant 0 : i32
    %dma_wait3A_64 = arith.constant 0 : i32
    %dma_wait3A_65 = tpu.memref_slice %arg10[%dma_wait3A_63, %dma_wait3A_64] : memref<320000x128xf32, #tpu.memory_space<hbm>> -> memref<128x128xf32, #tpu.memory_space<hbm>>
    %dma_wait3A_66 = arith.constant 0 : i32
    %dma_wait3A_67 = arith.constant 0 : i32
    %dma_wait3A_68 = tpu.memref_slice %arg10[%dma_wait3A_66, %dma_wait3A_67] : memref<320000x128xf32, #tpu.memory_space<hbm>> -> memref<128x128xf32, #tpu.memory_space<hbm>>
    tpu.wait_dma2 semaphore(%arg35 : memref<!tpu.dma_semaphore, #tpu.memory_space<semaphore_mem>>) src(%arg23 : memref<128x128xf32, #tpu.memory_space<vmem>>) dst(%dma_wait3A_68 : memref<128x128xf32, #tpu.memory_space<hbm>>)
    %dma_wait3A_69 = arith.constant 0 : i32
    %dma_wait3A_70 = tpu.memref_slice %arg11[%dma_wait3A_69] : memref<320000xf32, #tpu.memory_space<hbm>> -> memref<128xf32, #tpu.memory_space<hbm>>
    %dma_wait3A_71 = arith.constant 0 : i32
    %dma_wait3A_72 = tpu.memref_slice %arg11[%dma_wait3A_71] : memref<320000xf32, #tpu.memory_space<hbm>> -> memref<128xf32, #tpu.memory_space<hbm>>
    tpu.wait_dma2 semaphore(%arg35 : memref<!tpu.dma_semaphore, #tpu.memory_space<semaphore_mem>>) src(%arg29 : memref<128xf32, #tpu.memory_space<vmem>>) dst(%dma_wait3A_72 : memref<128xf32, #tpu.memory_space<hbm>>)
    return
  }
}

module attributes {stable_mosaic.version = 14 : i64} {
  func.func @_embed_body(%arg0: i32, %arg1: memref<400x1280xf32, #tpu.memory_space<vmem>>, %arg2: memref<1280x128xf32, #tpu.memory_space<vmem>>, %arg3: memref<128x128xf32, #tpu.memory_space<vmem>>, %arg4: memref<128x128xf32, #tpu.memory_space<vmem>>, %arg5: memref<400x128xf32, #tpu.memory_space<vmem>>, %arg6: memref<400x128xf32, #tpu.memory_space<vmem>>, %arg7: memref<400x128xf32, #tpu.memory_space<vmem>>) attributes {dimension_semantics = [#tpu.dimension_semantics<arbitrary>], iteration_bounds = array<i64: 25>, scalar_prefetch = 0 : i64, scratch_operands = 0 : i64, tpu.core_type = #tpu.core_type<tc>, window_params = [{transform_indices = @transform_0, window_bounds = array<i64: 400, 1280>}, {pipeline_mode = #tpu.pipeline_mode<synchronous>, transform_indices = @transform_1, window_bounds = array<i64: 1280, 128>}, {pipeline_mode = #tpu.pipeline_mode<synchronous>, transform_indices = @transform_2, window_bounds = array<i64: 128, 128>}, {pipeline_mode = #tpu.pipeline_mode<synchronous>, transform_indices = @transform_3, window_bounds = array<i64: 128, 128>}, {transform_indices = @transform_4, window_bounds = array<i64: 400, 128>}, {transform_indices = @transform_5, window_bounds = array<i64: 400, 128>}, {transform_indices = @transform_6, window_bounds = array<i64: 400, 128>}]} {
    %get3A = arith.constant 0 : index
    %get3A_0 = arith.constant 0 : index
    %get3A_1 = vector.load %arg1[%get3A, %get3A_0] : memref<400x1280xf32, #tpu.memory_space<vmem>>, vector<400x1280xf32>
    %get3A_2 = arith.constant 0 : index
    %get3A_3 = arith.constant 0 : index
    %get3A_4 = vector.load %arg2[%get3A_2, %get3A_3] : memref<1280x128xf32, #tpu.memory_space<vmem>>, vector<1280x128xf32>
    %dot_general3A = arith.constant dense<0.000000e+00> : vector<400x128xf32>
    %dot_general3A_5 = tpu.matmul %get3A_1, %get3A_4, %dot_general3A {dimension_numbers = #tpu.dot_dimension_numbers<[1], [0], [0], [1], [0, 0, 1, 1], [], []>, transpose_lhs_hint = false} : vector<400x1280xf32>, vector<1280x128xf32>, vector<400x128xf32> -> vector<400x128xf32>
    %swap3A = arith.constant 0 : index
    %swap3A_6 = arith.constant 0 : index
    %swap3A_7 = vector.load %arg5[%swap3A, %swap3A_6] : memref<400x128xf32, #tpu.memory_space<vmem>>, vector<400x128xf32>
    tpu.vector_store %arg5[%swap3A, %swap3A_6], %dot_general3A_5 {strides = array<i32>} : memref<400x128xf32, #tpu.memory_space<vmem>>, vector<400x128xf32>,
    %get3A_8 = arith.constant 0 : index
    %get3A_9 = arith.constant 0 : index
    %get3A_10 = vector.load %arg3[%get3A_8, %get3A_9] : memref<128x128xf32, #tpu.memory_space<vmem>>, vector<128x128xf32>
    %dot_general3A_11 = arith.constant dense<0.000000e+00> : vector<400x128xf32>
    %dot_general3A_12 = tpu.matmul %dot_general3A_5, %get3A_10, %dot_general3A_11 {dimension_numbers = #tpu.dot_dimension_numbers<[1], [0], [0], [1], [0, 0, 1, 1], [], []>, transpose_lhs_hint = false} : vector<400x128xf32>, vector<128x128xf32>, vector<400x128xf32> -> vector<400x128xf32>
    %swap3A_13 = arith.constant 0 : index
    %swap3A_14 = arith.constant 0 : index
    %swap3A_15 = vector.load %arg6[%swap3A_13, %swap3A_14] : memref<400x128xf32, #tpu.memory_space<vmem>>, vector<400x128xf32>
    tpu.vector_store %arg6[%swap3A_13, %swap3A_14], %dot_general3A_12 {strides = array<i32>} : memref<400x128xf32, #tpu.memory_space<vmem>>, vector<400x128xf32>,
    %get3A_16 = arith.constant 0 : index
    %get3A_17 = arith.constant 0 : index
    %get3A_18 = vector.load %arg4[%get3A_16, %get3A_17] : memref<128x128xf32, #tpu.memory_space<vmem>>, vector<128x128xf32>
    %dot_general3A_19 = arith.constant dense<0.000000e+00> : vector<400x128xf32>
    %dot_general3A_20 = tpu.matmul %dot_general3A_5, %get3A_18, %dot_general3A_19 {dimension_numbers = #tpu.dot_dimension_numbers<[1], [0], [0], [1], [0, 0, 1, 1], [], []>, transpose_lhs_hint = false} : vector<400x128xf32>, vector<128x128xf32>, vector<400x128xf32> -> vector<400x128xf32>
    %swap3A_21 = arith.constant 0 : index
    %swap3A_22 = arith.constant 0 : index
    %swap3A_23 = vector.load %arg7[%swap3A_21, %swap3A_22] : memref<400x128xf32, #tpu.memory_space<vmem>>, vector<400x128xf32>
    tpu.vector_store %arg7[%swap3A_21, %swap3A_22], %dot_general3A_20 {strides = array<i32>} : memref<400x128xf32, #tpu.memory_space<vmem>>, vector<400x128xf32>,
    return
  }
  func.func @transform_0(%arg0: i32) -> (i32, i32) {
    %c0_i32 = arith.constant 0 : i32
    %c0_i32_0 = arith.constant 0 : i32
    return %arg0, %c0_i32 : i32, i32
  }
  func.func @transform_1(%arg0: i32) -> (i32, i32) {
    %c0_i32 = arith.constant 0 : i32
    %c0_i32_0 = arith.constant 0 : i32
    %c0_i32_1 = arith.constant 0 : i32
    return %c0_i32, %c0_i32_0 : i32, i32
  }
  func.func @transform_2(%arg0: i32) -> (i32, i32) {
    %c0_i32 = arith.constant 0 : i32
    %c0_i32_0 = arith.constant 0 : i32
    %c0_i32_1 = arith.constant 0 : i32
    return %c0_i32, %c0_i32_0 : i32, i32
  }
  func.func @transform_3(%arg0: i32) -> (i32, i32) {
    %c0_i32 = arith.constant 0 : i32
    %c0_i32_0 = arith.constant 0 : i32
    %c0_i32_1 = arith.constant 0 : i32
    return %c0_i32, %c0_i32_0 : i32, i32
  }
  func.func @transform_4(%arg0: i32) -> (i32, i32) {
    %c0_i32 = arith.constant 0 : i32
    %c0_i32_0 = arith.constant 0 : i32
    return %arg0, %c0_i32 : i32, i32
  }
  func.func @transform_5(%arg0: i32) -> (i32, i32) {
    %c0_i32 = arith.constant 0 : i32
    %c0_i32_0 = arith.constant 0 : i32
    return %arg0, %c0_i32 : i32, i32
  }
  func.func @transform_6(%arg0: i32) -> (i32, i32) {
    %c0_i32 = arith.constant 0 : i32
    %c0_i32_0 = arith.constant 0 : i32
    return %arg0, %c0_i32 : i32, i32
  }
}

module attributes {stable_mosaic.version = 14 : i64} {
  func.func @_eemb_body(%arg0: i32, %arg1: memref<2000x100xf32, #tpu.memory_space<vmem>>, %arg2: memref<2000x64xf32, #tpu.memory_space<vmem>>, %arg3: memref<100x16xf32, #tpu.memory_space<vmem>>, %arg4: memref<64x16xf32, #tpu.memory_space<vmem>>, %arg5: memref<2000x16xf32, #tpu.memory_space<vmem>>) attributes {dimension_semantics = [#tpu.dimension_semantics<arbitrary>], iteration_bounds = array<i64: 160>, scalar_prefetch = 0 : i64, scratch_operands = 0 : i64, tpu.core_type = #tpu.core_type<tc>, window_params = [{transform_indices = @transform_0, window_bounds = array<i64: 2000, 100>}, {transform_indices = @transform_1, window_bounds = array<i64: 2000, 64>}, {pipeline_mode = #tpu.pipeline_mode<synchronous>, transform_indices = @transform_2, window_bounds = array<i64: 100, 16>}, {pipeline_mode = #tpu.pipeline_mode<synchronous>, transform_indices = @transform_3, window_bounds = array<i64: 64, 16>}, {transform_indices = @transform_4, window_bounds = array<i64: 2000, 16>}]} {
    %get3A = arith.constant 0 : index
    %get3A_0 = arith.constant 0 : index
    %get3A_1 = vector.load %arg1[%get3A, %get3A_0] : memref<2000x100xf32, #tpu.memory_space<vmem>>, vector<2000x100xf32>
    %get3A_2 = arith.constant 0 : index
    %get3A_3 = arith.constant 0 : index
    %get3A_4 = vector.load %arg3[%get3A_2, %get3A_3] : memref<100x16xf32, #tpu.memory_space<vmem>>, vector<100x16xf32>
    %dot_general3A = arith.constant dense<0.000000e+00> : vector<2000x16xf32>
    %dot_general3A_5 = tpu.matmul %get3A_1, %get3A_4, %dot_general3A {dimension_numbers = #tpu.dot_dimension_numbers<[1], [0], [0], [1], [0, 0, 1, 1], [], []>, transpose_lhs_hint = false} : vector<2000x100xf32>, vector<100x16xf32>, vector<2000x16xf32> -> vector<2000x16xf32>
    %get3A_6 = arith.constant 0 : index
    %get3A_7 = arith.constant 0 : index
    %get3A_8 = vector.load %arg2[%get3A_6, %get3A_7] : memref<2000x64xf32, #tpu.memory_space<vmem>>, vector<2000x64xf32>
    %get3A_9 = arith.constant 0 : index
    %get3A_10 = arith.constant 0 : index
    %get3A_11 = vector.load %arg4[%get3A_9, %get3A_10] : memref<64x16xf32, #tpu.memory_space<vmem>>, vector<64x16xf32>
    %dot_general3A_12 = arith.constant dense<0.000000e+00> : vector<2000x16xf32>
    %dot_general3A_13 = tpu.matmul %get3A_8, %get3A_11, %dot_general3A_12 {dimension_numbers = #tpu.dot_dimension_numbers<[1], [0], [0], [1], [0, 0, 1, 1], [], []>, transpose_lhs_hint = false} : vector<2000x64xf32>, vector<64x16xf32>, vector<2000x16xf32> -> vector<2000x16xf32>
    %add3A = arith.addf %dot_general3A_5, %dot_general3A_13 : vector<2000x16xf32>
    %swap3A = arith.constant 0 : index
    %swap3A_14 = arith.constant 0 : index
    %swap3A_15 = vector.load %arg5[%swap3A, %swap3A_14] : memref<2000x16xf32, #tpu.memory_space<vmem>>, vector<2000x16xf32>
    tpu.vector_store %arg5[%swap3A, %swap3A_14], %add3A {strides = array<i32>} : memref<2000x16xf32, #tpu.memory_space<vmem>>, vector<2000x16xf32>,
    return
  }
  func.func @transform_0(%arg0: i32) -> (i32, i32) {
    %c0_i32 = arith.constant 0 : i32
    %c0_i32_0 = arith.constant 0 : i32
    return %arg0, %c0_i32 : i32, i32
  }
  func.func @transform_1(%arg0: i32) -> (i32, i32) {
    %c0_i32 = arith.constant 0 : i32
    %c0_i32_0 = arith.constant 0 : i32
    return %arg0, %c0_i32 : i32, i32
  }
  func.func @transform_2(%arg0: i32) -> (i32, i32) {
    %c0_i32 = arith.constant 0 : i32
    %c0_i32_0 = arith.constant 0 : i32
    %c0_i32_1 = arith.constant 0 : i32
    return %c0_i32, %c0_i32_0 : i32, i32
  }
  func.func @transform_3(%arg0: i32) -> (i32, i32) {
    %c0_i32 = arith.constant 0 : i32
    %c0_i32_0 = arith.constant 0 : i32
    %c0_i32_1 = arith.constant 0 : i32
    return %c0_i32, %c0_i32_0 : i32, i32
  }
  func.func @transform_4(%arg0: i32) -> (i32, i32) {
    %c0_i32 = arith.constant 0 : i32
    %c0_i32_0 = arith.constant 0 : i32
    return %arg0, %c0_i32 : i32, i32
  }
}

module attributes {stable_mosaic.version = 14 : i64} {
  func.func @_edge_body(%arg0: i32, %arg1: memref<2000x128xf32, #tpu.memory_space<vmem>>, %arg2: memref<2000x128xf32, #tpu.memory_space<vmem>>, %arg3: memref<2000x16xf32, #tpu.memory_space<vmem>>, %arg4: memref<2000x1xf32, #tpu.memory_space<vmem>>, %arg5: memref<16x128xf32, #tpu.memory_space<vmem>>, %arg6: memref<1x128xf32, #tpu.memory_space<vmem>>, %arg7: memref<1x128xf32, #tpu.memory_space<vmem>>, %arg8: memref<128x128xf32, #tpu.memory_space<vmem>>, %arg9: memref<1x128xf32, #tpu.memory_space<vmem>>, %arg10: memref<1x128xf32, #tpu.memory_space<vmem>>, %arg11: memref<1x1xf32, #tpu.memory_space<vmem>>, %arg12: memref<2000x128xf32, #tpu.memory_space<vmem>>) attributes {dimension_semantics = [#tpu.dimension_semantics<arbitrary>], iteration_bounds = array<i64: 160>, scalar_prefetch = 0 : i64, scratch_operands = 0 : i64, tpu.core_type = #tpu.core_type<tc>, window_params = [{transform_indices = @transform_0, window_bounds = array<i64: 2000, 128>}, {transform_indices = @transform_1, window_bounds = array<i64: 2000, 128>}, {transform_indices = @transform_2, window_bounds = array<i64: 2000, 16>}, {transform_indices = @transform_3, window_bounds = array<i64: 2000, 1>}, {pipeline_mode = #tpu.pipeline_mode<synchronous>, transform_indices = @transform_4, window_bounds = array<i64: 16, 128>}, {pipeline_mode = #tpu.pipeline_mode<synchronous>, transform_indices = @transform_5, window_bounds = array<i64: 1, 128>}, {pipeline_mode = #tpu.pipeline_mode<synchronous>, transform_indices = @transform_6, window_bounds = array<i64: 1, 128>}, {pipeline_mode = #tpu.pipeline_mode<synchronous>, transform_indices = @transform_7, window_bounds = array<i64: 128, 128>}, {pipeline_mode = #tpu.pipeline_mode<synchronous>, transform_indices = @transform_8, window_bounds = array<i64: 1, 128>}, {pipeline_mode = #tpu.pipeline_mode<synchronous>, transform_indices = @transform_9, window_bounds = array<i64: 1, 128>}, {pipeline_mode = #tpu.pipeline_mode<synchronous>, transform_indices = @transform_10, window_bounds = array<i64: 1, 1>}, {transform_indices = @transform_11, window_bounds = array<i64: 2000, 128>}]} {
    %get3A = arith.constant 0 : index
    %get3A_0 = arith.constant 0 : index
    %get3A_1 = vector.load %arg1[%get3A, %get3A_0] : memref<2000x128xf32, #tpu.memory_space<vmem>>, vector<2000x128xf32>
    %get3A_2 = arith.constant 0 : index
    %get3A_3 = arith.constant 0 : index
    %get3A_4 = vector.load %arg2[%get3A_2, %get3A_3] : memref<2000x128xf32, #tpu.memory_space<vmem>>, vector<2000x128xf32>
    %add3A = arith.addf %get3A_1, %get3A_4 : vector<2000x128xf32>
    %get3A_5 = arith.constant 0 : index
    %get3A_6 = arith.constant 0 : index
    %get3A_7 = vector.load %arg4[%get3A_5, %get3A_6] : memref<2000x1xf32, #tpu.memory_space<vmem>>, vector<2000x1xf32>
    %get3A_8 = arith.constant 0 : index
    %get3A_9 = arith.constant 0 : index
    %get3A_10 = vector.load %arg6[%get3A_8, %get3A_9] : memref<1x128xf32, #tpu.memory_space<vmem>>, vector<1x128xf32>
    %mul3A = vector.broadcast %get3A_7 : vector<2000x1xf32> to vector<2000x128xf32>
    %mul3A_11 = vector.broadcast %get3A_10 : vector<1x128xf32> to vector<2000x128xf32>
    %mul3A_12 = arith.mulf %mul3A, %mul3A_11 : vector<2000x128xf32>
    %add3A_13 = arith.addf %add3A, %mul3A_12 : vector<2000x128xf32>
    %get3A_14 = arith.constant 0 : index
    %get3A_15 = arith.constant 0 : index
    %get3A_16 = vector.load %arg7[%get3A_14, %get3A_15] : memref<1x128xf32, #tpu.memory_space<vmem>>, vector<1x128xf32>
    %add3A_17 = vector.broadcast %get3A_16 : vector<1x128xf32> to vector<2000x128xf32>
    %add3A_18 = arith.addf %add3A_13, %add3A_17 : vector<2000x128xf32>
    %get3A_19 = arith.constant 0 : index
    %get3A_20 = arith.constant 0 : index
    %get3A_21 = vector.load %arg3[%get3A_19, %get3A_20] : memref<2000x16xf32, #tpu.memory_space<vmem>>, vector<2000x16xf32>
    %get3A_22 = arith.constant 0 : index
    %get3A_23 = arith.constant 0 : index
    %get3A_24 = vector.load %arg5[%get3A_22, %get3A_23] : memref<16x128xf32, #tpu.memory_space<vmem>>, vector<16x128xf32>
    %dot_general3A = arith.constant dense<0.000000e+00> : vector<2000x128xf32>
    %dot_general3A_25 = tpu.matmul %get3A_21, %get3A_24, %dot_general3A {dimension_numbers = #tpu.dot_dimension_numbers<[1], [0], [0], [1], [0, 0, 1, 1], [], []>, transpose_lhs_hint = false} : vector<2000x16xf32>, vector<16x128xf32>, vector<2000x128xf32> -> vector<2000x128xf32>
    %add3A_26 = arith.addf %add3A_18, %dot_general3A_25 : vector<2000x128xf32>
    %logistic3A = arith.negf %add3A_26 : vector<2000x128xf32>
    %logistic3A_27 = math.exp %logistic3A : vector<2000x128xf32>
    %logistic3A_28 = arith.constant 1.000000e+00 : f32
    %logistic3A_29 = vector.broadcast %logistic3A_28 : f32 to vector<2000x128xf32>
    %logistic3A_30 = arith.addf %logistic3A_29, %logistic3A_27 : vector<2000x128xf32>
    %logistic3A_31 = arith.divf %logistic3A_29, %logistic3A_30 : vector<2000x128xf32>
    %mul3A_32 = arith.mulf %add3A_26, %logistic3A_31 : vector<2000x128xf32>
    %get3A_33 = arith.constant 0 : index
    %get3A_34 = arith.constant 0 : index
    %get3A_35 = vector.load %arg8[%get3A_33, %get3A_34] : memref<128x128xf32, #tpu.memory_space<vmem>>, vector<128x128xf32>
    %dot_general3A_36 = arith.constant dense<0.000000e+00> : vector<2000x128xf32>
    %dot_general3A_37 = tpu.matmul %mul3A_32, %get3A_35, %dot_general3A_36 {dimension_numbers = #tpu.dot_dimension_numbers<[1], [0], [0], [1], [0, 0, 1, 1], [], []>, transpose_lhs_hint = false} : vector<2000x128xf32>, vector<128x128xf32>, vector<2000x128xf32> -> vector<2000x128xf32>
    %get3A_38 = arith.constant 0 : index
    %get3A_39 = arith.constant 0 : index
    %get3A_40 = vector.load %arg9[%get3A_38, %get3A_39] : memref<1x128xf32, #tpu.memory_space<vmem>>, vector<1x128xf32>
    %add3A_41 = vector.broadcast %get3A_40 : vector<1x128xf32> to vector<2000x128xf32>
    %add3A_42 = arith.addf %dot_general3A_37, %add3A_41 : vector<2000x128xf32>
    %logistic3A_43 = arith.negf %add3A_42 : vector<2000x128xf32>
    %logistic3A_44 = math.exp %logistic3A_43 : vector<2000x128xf32>
    %logistic3A_45 = arith.constant 1.000000e+00 : f32
    %logistic3A_46 = vector.broadcast %logistic3A_45 : f32 to vector<2000x128xf32>
    %logistic3A_47 = arith.addf %logistic3A_46, %logistic3A_44 : vector<2000x128xf32>
    %logistic3A_48 = arith.divf %logistic3A_46, %logistic3A_47 : vector<2000x128xf32>
    %mul3A_49 = arith.mulf %add3A_42, %logistic3A_48 : vector<2000x128xf32>
    %get3A_50 = arith.constant 0 : index
    %get3A_51 = arith.constant 0 : index
    %get3A_52 = vector.load %arg10[%get3A_50, %get3A_51] : memref<1x128xf32, #tpu.memory_space<vmem>>, vector<1x128xf32>
    %mul3A_53 = vector.broadcast %get3A_52 : vector<1x128xf32> to vector<2000x128xf32>
    %mul3A_54 = arith.mulf %mul3A_49, %mul3A_53 : vector<2000x128xf32>
    %reduce_sum3A = arith.constant dense<0.000000e+00> : vector<2000xf32>
    %reduce_sum3A_55 = vector.multi_reduction <add>, %mul3A_54, %reduce_sum3A [1] : vector<2000x128xf32> to vector<2000xf32>
    %broadcast_in_dim3A = vector.shape_cast %reduce_sum3A_55 : vector<2000xf32> to vector<2000x1xf32>
    %get3A_56 = arith.constant 0 : index
    %get3A_57 = arith.constant 0 : index
    %get3A_58 = vector.load %arg11[%get3A_56, %get3A_57] : memref<1x1xf32, #tpu.memory_space<vmem>>, vector<1x1xf32>
    %add3A_59 = vector.broadcast %get3A_58 : vector<1x1xf32> to vector<2000x1xf32>
    %add3A_60 = arith.addf %broadcast_in_dim3A, %add3A_59 : vector<2000x1xf32>
    %logistic3A_61 = arith.negf %add3A_60 : vector<2000x1xf32>
    %logistic3A_62 = math.exp %logistic3A_61 : vector<2000x1xf32>
    %logistic3A_63 = arith.constant 1.000000e+00 : f32
    %logistic3A_64 = vector.broadcast %logistic3A_63 : f32 to vector<2000x1xf32>
    %logistic3A_65 = arith.addf %logistic3A_64, %logistic3A_62 : vector<2000x1xf32>
    %logistic3A_66 = arith.divf %logistic3A_64, %logistic3A_65 : vector<2000x1xf32>
    %mul3A_67 = vector.broadcast %logistic3A_66 : vector<2000x1xf32> to vector<2000x128xf32>
    %mul3A_68 = arith.mulf %mul3A_49, %mul3A_67 : vector<2000x128xf32>
    %swap3A = arith.constant 0 : index
    %swap3A_69 = arith.constant 0 : index
    %swap3A_70 = vector.load %arg12[%swap3A, %swap3A_69] : memref<2000x128xf32, #tpu.memory_space<vmem>>, vector<2000x128xf32>
    tpu.vector_store %arg12[%swap3A, %swap3A_69], %mul3A_68 {strides = array<i32>} : memref<2000x128xf32, #tpu.memory_space<vmem>>, vector<2000x128xf32>,
    return
  }
  func.func @transform_0(%arg0: i32) -> (i32, i32) {
    %c0_i32 = arith.constant 0 : i32
    %c0_i32_0 = arith.constant 0 : i32
    return %arg0, %c0_i32 : i32, i32
  }
  func.func @transform_1(%arg0: i32) -> (i32, i32) {
    %c0_i32 = arith.constant 0 : i32
    %c0_i32_0 = arith.constant 0 : i32
    return %arg0, %c0_i32 : i32, i32
  }
  func.func @transform_2(%arg0: i32) -> (i32, i32) {
    %c0_i32 = arith.constant 0 : i32
    %c0_i32_0 = arith.constant 0 : i32
    return %arg0, %c0_i32 : i32, i32
  }
  func.func @transform_3(%arg0: i32) -> (i32, i32) {
    %c0_i32 = arith.constant 0 : i32
    %c0_i32_0 = arith.constant 0 : i32
    return %arg0, %c0_i32 : i32, i32
  }
  func.func @transform_4(%arg0: i32) -> (i32, i32) {
    %c0_i32 = arith.constant 0 : i32
    %c0_i32_0 = arith.constant 0 : i32
    %c0_i32_1 = arith.constant 0 : i32
    return %c0_i32, %c0_i32_0 : i32, i32
  }
  func.func @transform_5(%arg0: i32) -> (i32, i32) {
    %c0_i32 = arith.constant 0 : i32
    %c0_i32_0 = arith.constant 0 : i32
    %c0_i32_1 = arith.constant 0 : i32
    return %c0_i32, %c0_i32_0 : i32, i32
  }
  func.func @transform_6(%arg0: i32) -> (i32, i32) {
    %c0_i32 = arith.constant 0 : i32
    %c0_i32_0 = arith.constant 0 : i32
    %c0_i32_1 = arith.constant 0 : i32
    return %c0_i32, %c0_i32_0 : i32, i32
  }
  func.func @transform_7(%arg0: i32) -> (i32, i32) {
    %c0_i32 = arith.constant 0 : i32
    %c0_i32_0 = arith.constant 0 : i32
    %c0_i32_1 = arith.constant 0 : i32
    return %c0_i32, %c0_i32_0 : i32, i32
  }
  func.func @transform_8(%arg0: i32) -> (i32, i32) {
    %c0_i32 = arith.constant 0 : i32
    %c0_i32_0 = arith.constant 0 : i32
    %c0_i32_1 = arith.constant 0 : i32
    return %c0_i32, %c0_i32_0 : i32, i32
  }
  func.func @transform_9(%arg0: i32) -> (i32, i32) {
    %c0_i32 = arith.constant 0 : i32
    %c0_i32_0 = arith.constant 0 : i32
    %c0_i32_1 = arith.constant 0 : i32
    return %c0_i32, %c0_i32_0 : i32, i32
  }
  func.func @transform_10(%arg0: i32) -> (i32, i32) {
    %c0_i32 = arith.constant 0 : i32
    %c0_i32_0 = arith.constant 0 : i32
    %c0_i32_1 = arith.constant 0 : i32
    return %c0_i32, %c0_i32_0 : i32, i32
  }
  func.func @transform_11(%arg0: i32) -> (i32, i32) {
    %c0_i32 = arith.constant 0 : i32
    %c0_i32_0 = arith.constant 0 : i32
    return %arg0, %c0_i32 : i32, i32
  }
}

module attributes {stable_mosaic.version = 14 : i64} {
  func.func @_node_body_pq(%arg0: i32, %arg1: memref<400x128xf32, #tpu.memory_space<vmem>>, %arg2: memref<400x128xf32, #tpu.memory_space<vmem>>, %arg3: memref<400x128xf32, #tpu.memory_space<vmem>>, %arg4: memref<128x128xf32, #tpu.memory_space<vmem>>, %arg5: memref<128x128xf32, #tpu.memory_space<vmem>>, %arg6: memref<1x128xf32, #tpu.memory_space<vmem>>, %arg7: memref<128x128xf32, #tpu.memory_space<vmem>>, %arg8: memref<1x128xf32, #tpu.memory_space<vmem>>, %arg9: memref<128x128xf32, #tpu.memory_space<vmem>>, %arg10: memref<128x128xf32, #tpu.memory_space<vmem>>, %arg11: memref<400x128xf32, #tpu.memory_space<vmem>>, %arg12: memref<400x128xf32, #tpu.memory_space<vmem>>, %arg13: memref<400x128xf32, #tpu.memory_space<vmem>>) attributes {dimension_semantics = [#tpu.dimension_semantics<arbitrary>], iteration_bounds = array<i64: 25>, scalar_prefetch = 0 : i64, scratch_operands = 0 : i64, tpu.core_type = #tpu.core_type<tc>, window_params = [{transform_indices = @transform_0, window_bounds = array<i64: 400, 128>}, {transform_indices = @transform_1, window_bounds = array<i64: 400, 128>}, {transform_indices = @transform_2, window_bounds = array<i64: 400, 128>}, {pipeline_mode = #tpu.pipeline_mode<synchronous>, transform_indices = @transform_3, window_bounds = array<i64: 128, 128>}, {pipeline_mode = #tpu.pipeline_mode<synchronous>, transform_indices = @transform_4, window_bounds = array<i64: 128, 128>}, {pipeline_mode = #tpu.pipeline_mode<synchronous>, transform_indices = @transform_5, window_bounds = array<i64: 1, 128>}, {pipeline_mode = #tpu.pipeline_mode<synchronous>, transform_indices = @transform_6, window_bounds = array<i64: 128, 128>}, {pipeline_mode = #tpu.pipeline_mode<synchronous>, transform_indices = @transform_7, window_bounds = array<i64: 1, 128>}, {pipeline_mode = #tpu.pipeline_mode<synchronous>, transform_indices = @transform_8, window_bounds = array<i64: 128, 128>}, {pipeline_mode = #tpu.pipeline_mode<synchronous>, transform_indices = @transform_9, window_bounds = array<i64: 128, 128>}, {transform_indices = @transform_10, window_bounds = array<i64: 400, 128>}, {transform_indices = @transform_11, window_bounds = array<i64: 400, 128>}, {transform_indices = @transform_12, window_bounds = array<i64: 400, 128>}]} {
    %get3A = arith.constant 0 : index
    %get3A_0 = arith.constant 0 : index
    %get3A_1 = vector.load %arg2[%get3A, %get3A_0] : memref<400x128xf32, #tpu.memory_space<vmem>>, vector<400x128xf32>
    %get3A_2 = arith.constant 0 : index
    %get3A_3 = arith.constant 0 : index
    %get3A_4 = vector.load %arg3[%get3A_2, %get3A_3] : memref<400x128xf32, #tpu.memory_space<vmem>>, vector<400x128xf32>
    %add3A = arith.addf %get3A_1, %get3A_4 : vector<400x128xf32>
    %get3A_5 = arith.constant 0 : index
    %get3A_6 = arith.constant 0 : index
    %get3A_7 = vector.load %arg1[%get3A_5, %get3A_6] : memref<400x128xf32, #tpu.memory_space<vmem>>, vector<400x128xf32>
    %get3A_8 = arith.constant 0 : index
    %get3A_9 = arith.constant 0 : index
    %get3A_10 = vector.load %arg4[%get3A_8, %get3A_9] : memref<128x128xf32, #tpu.memory_space<vmem>>, vector<128x128xf32>
    %dot_general3A = arith.constant dense<0.000000e+00> : vector<400x128xf32>
    %dot_general3A_11 = tpu.matmul %get3A_7, %get3A_10, %dot_general3A {dimension_numbers = #tpu.dot_dimension_numbers<[1], [0], [0], [1], [0, 0, 1, 1], [], []>, transpose_lhs_hint = false} : vector<400x128xf32>, vector<128x128xf32>, vector<400x128xf32> -> vector<400x128xf32>
    %get3A_12 = arith.constant 0 : index
    %get3A_13 = arith.constant 0 : index
    %get3A_14 = vector.load %arg5[%get3A_12, %get3A_13] : memref<128x128xf32, #tpu.memory_space<vmem>>, vector<128x128xf32>
    %dot_general3A_15 = arith.constant dense<0.000000e+00> : vector<400x128xf32>
    %dot_general3A_16 = tpu.matmul %add3A, %get3A_14, %dot_general3A_15 {dimension_numbers = #tpu.dot_dimension_numbers<[1], [0], [0], [1], [0, 0, 1, 1], [], []>, transpose_lhs_hint = false} : vector<400x128xf32>, vector<128x128xf32>, vector<400x128xf32> -> vector<400x128xf32>
    %get3A_17 = arith.constant 0 : index
    %get3A_18 = arith.constant 0 : index
    %get3A_19 = vector.load %arg6[%get3A_17, %get3A_18] : memref<1x128xf32, #tpu.memory_space<vmem>>, vector<1x128xf32>
    %add3A_20 = vector.broadcast %get3A_19 : vector<1x128xf32> to vector<400x128xf32>
    %add3A_21 = arith.addf %dot_general3A_16, %add3A_20 : vector<400x128xf32>
    %add3A_22 = arith.addf %dot_general3A_11, %add3A_21 : vector<400x128xf32>
    %logistic3A = arith.negf %add3A_22 : vector<400x128xf32>
    %logistic3A_23 = math.exp %logistic3A : vector<400x128xf32>
    %logistic3A_24 = arith.constant 1.000000e+00 : f32
    %logistic3A_25 = vector.broadcast %logistic3A_24 : f32 to vector<400x128xf32>
    %logistic3A_26 = arith.addf %logistic3A_25, %logistic3A_23 : vector<400x128xf32>
    %logistic3A_27 = arith.divf %logistic3A_25, %logistic3A_26 : vector<400x128xf32>
    %mul3A = arith.mulf %add3A_22, %logistic3A_27 : vector<400x128xf32>
    %get3A_28 = arith.constant 0 : index
    %get3A_29 = arith.constant 0 : index
    %get3A_30 = vector.load %arg7[%get3A_28, %get3A_29] : memref<128x128xf32, #tpu.memory_space<vmem>>, vector<128x128xf32>
    %dot_general3A_31 = arith.constant dense<0.000000e+00> : vector<400x128xf32>
    %dot_general3A_32 = tpu.matmul %mul3A, %get3A_30, %dot_general3A_31 {dimension_numbers = #tpu.dot_dimension_numbers<[1], [0], [0], [1], [0, 0, 1, 1], [], []>, transpose_lhs_hint = false} : vector<400x128xf32>, vector<128x128xf32>, vector<400x128xf32> -> vector<400x128xf32>
    %get3A_33 = arith.constant 0 : index
    %get3A_34 = arith.constant 0 : index
    %get3A_35 = vector.load %arg8[%get3A_33, %get3A_34] : memref<1x128xf32, #tpu.memory_space<vmem>>, vector<1x128xf32>
    %add3A_36 = vector.broadcast %get3A_35 : vector<1x128xf32> to vector<400x128xf32>
    %add3A_37 = arith.addf %dot_general3A_32, %add3A_36 : vector<400x128xf32>
    %get3A_38 = arith.constant 0 : index
    %get3A_39 = arith.constant 0 : index
    %get3A_40 = vector.load %arg1[%get3A_38, %get3A_39] : memref<400x128xf32, #tpu.memory_space<vmem>>, vector<400x128xf32>
    %add3A_41 = arith.addf %get3A_40, %add3A_37 : vector<400x128xf32>
    %swap3A = arith.constant 0 : index
    %swap3A_42 = arith.constant 0 : index
    %swap3A_43 = vector.load %arg11[%swap3A, %swap3A_42] : memref<400x128xf32, #tpu.memory_space<vmem>>, vector<400x128xf32>
    tpu.vector_store %arg11[%swap3A, %swap3A_42], %add3A_41 {strides = array<i32>} : memref<400x128xf32, #tpu.memory_space<vmem>>, vector<400x128xf32>,
    %get3A_44 = arith.constant 0 : index
    %get3A_45 = arith.constant 0 : index
    %get3A_46 = vector.load %arg9[%get3A_44, %get3A_45] : memref<128x128xf32, #tpu.memory_space<vmem>>, vector<128x128xf32>
    %dot_general3A_47 = arith.constant dense<0.000000e+00> : vector<400x128xf32>
    %dot_general3A_48 = tpu.matmul %add3A_41, %get3A_46, %dot_general3A_47 {dimension_numbers = #tpu.dot_dimension_numbers<[1], [0], [0], [1], [0, 0, 1, 1], [], []>, transpose_lhs_hint = false} : vector<400x128xf32>, vector<128x128xf32>, vector<400x128xf32> -> vector<400x128xf32>
    %swap3A_49 = arith.constant 0 : index
    %swap3A_50 = arith.constant 0 : index
    %swap3A_51 = vector.load %arg12[%swap3A_49, %swap3A_50] : memref<400x128xf32, #tpu.memory_space<vmem>>, vector<400x128xf32>
    tpu.vector_store %arg12[%swap3A_49, %swap3A_50], %dot_general3A_48 {strides = array<i32>} : memref<400x128xf32, #tpu.memory_space<vmem>>, vector<400x128xf32>,
    %get3A_52 = arith.constant 0 : index
    %get3A_53 = arith.constant 0 : index
    %get3A_54 = vector.load %arg10[%get3A_52, %get3A_53] : memref<128x128xf32, #tpu.memory_space<vmem>>, vector<128x128xf32>
    %dot_general3A_55 = arith.constant dense<0.000000e+00> : vector<400x128xf32>
    %dot_general3A_56 = tpu.matmul %add3A_41, %get3A_54, %dot_general3A_55 {dimension_numbers = #tpu.dot_dimension_numbers<[1], [0], [0], [1], [0, 0, 1, 1], [], []>, transpose_lhs_hint = false} : vector<400x128xf32>, vector<128x128xf32>, vector<400x128xf32> -> vector<400x128xf32>
    %swap3A_57 = arith.constant 0 : index
    %swap3A_58 = arith.constant 0 : index
    %swap3A_59 = vector.load %arg13[%swap3A_57, %swap3A_58] : memref<400x128xf32, #tpu.memory_space<vmem>>, vector<400x128xf32>
    tpu.vector_store %arg13[%swap3A_57, %swap3A_58], %dot_general3A_56 {strides = array<i32>} : memref<400x128xf32, #tpu.memory_space<vmem>>, vector<400x128xf32>,
    return
  }
  func.func @transform_0(%arg0: i32) -> (i32, i32) {
    %c0_i32 = arith.constant 0 : i32
    %c0_i32_0 = arith.constant 0 : i32
    return %arg0, %c0_i32 : i32, i32
  }
  func.func @transform_1(%arg0: i32) -> (i32, i32) {
    %c0_i32 = arith.constant 0 : i32
    %c0_i32_0 = arith.constant 0 : i32
    return %arg0, %c0_i32 : i32, i32
  }
  func.func @transform_2(%arg0: i32) -> (i32, i32) {
    %c0_i32 = arith.constant 0 : i32
    %c0_i32_0 = arith.constant 0 : i32
    return %arg0, %c0_i32 : i32, i32
  }
  func.func @transform_3(%arg0: i32) -> (i32, i32) {
    %c0_i32 = arith.constant 0 : i32
    %c0_i32_0 = arith.constant 0 : i32
    %c0_i32_1 = arith.constant 0 : i32
    return %c0_i32, %c0_i32_0 : i32, i32
  }
  func.func @transform_4(%arg0: i32) -> (i32, i32) {
    %c0_i32 = arith.constant 0 : i32
    %c0_i32_0 = arith.constant 0 : i32
    %c0_i32_1 = arith.constant 0 : i32
    return %c0_i32, %c0_i32_0 : i32, i32
  }
  func.func @transform_5(%arg0: i32) -> (i32, i32) {
    %c0_i32 = arith.constant 0 : i32
    %c0_i32_0 = arith.constant 0 : i32
    %c0_i32_1 = arith.constant 0 : i32
    return %c0_i32, %c0_i32_0 : i32, i32
  }
  func.func @transform_6(%arg0: i32) -> (i32, i32) {
    %c0_i32 = arith.constant 0 : i32
    %c0_i32_0 = arith.constant 0 : i32
    %c0_i32_1 = arith.constant 0 : i32
    return %c0_i32, %c0_i32_0 : i32, i32
  }
  func.func @transform_7(%arg0: i32) -> (i32, i32) {
    %c0_i32 = arith.constant 0 : i32
    %c0_i32_0 = arith.constant 0 : i32
    %c0_i32_1 = arith.constant 0 : i32
    return %c0_i32, %c0_i32_0 : i32, i32
  }
  func.func @transform_8(%arg0: i32) -> (i32, i32) {
    %c0_i32 = arith.constant 0 : i32
    %c0_i32_0 = arith.constant 0 : i32
    %c0_i32_1 = arith.constant 0 : i32
    return %c0_i32, %c0_i32_0 : i32, i32
  }
  func.func @transform_9(%arg0: i32) -> (i32, i32) {
    %c0_i32 = arith.constant 0 : i32
    %c0_i32_0 = arith.constant 0 : i32
    %c0_i32_1 = arith.constant 0 : i32
    return %c0_i32, %c0_i32_0 : i32, i32
  }
  func.func @transform_10(%arg0: i32) -> (i32, i32) {
    %c0_i32 = arith.constant 0 : i32
    %c0_i32_0 = arith.constant 0 : i32
    return %arg0, %c0_i32 : i32, i32
  }
  func.func @transform_11(%arg0: i32) -> (i32, i32) {
    %c0_i32 = arith.constant 0 : i32
    %c0_i32_0 = arith.constant 0 : i32
    return %arg0, %c0_i32 : i32, i32
  }
  func.func @transform_12(%arg0: i32) -> (i32, i32) {
    %c0_i32 = arith.constant 0 : i32
    %c0_i32_0 = arith.constant 0 : i32
    return %arg0, %c0_i32 : i32, i32
  }
}

module attributes {stable_mosaic.version = 14 : i64} {
  func.func @_node_body_last(%arg0: i32, %arg1: memref<400x128xf32, #tpu.memory_space<vmem>>, %arg2: memref<400x128xf32, #tpu.memory_space<vmem>>, %arg3: memref<400x128xf32, #tpu.memory_space<vmem>>, %arg4: memref<128x128xf32, #tpu.memory_space<vmem>>, %arg5: memref<128x128xf32, #tpu.memory_space<vmem>>, %arg6: memref<1x128xf32, #tpu.memory_space<vmem>>, %arg7: memref<128x128xf32, #tpu.memory_space<vmem>>, %arg8: memref<1x128xf32, #tpu.memory_space<vmem>>, %arg9: memref<400x128xf32, #tpu.memory_space<vmem>>) attributes {dimension_semantics = [#tpu.dimension_semantics<arbitrary>], iteration_bounds = array<i64: 25>, scalar_prefetch = 0 : i64, scratch_operands = 0 : i64, tpu.core_type = #tpu.core_type<tc>, window_params = [{transform_indices = @transform_0, window_bounds = array<i64: 400, 128>}, {transform_indices = @transform_1, window_bounds = array<i64: 400, 128>}, {transform_indices = @transform_2, window_bounds = array<i64: 400, 128>}, {pipeline_mode = #tpu.pipeline_mode<synchronous>, transform_indices = @transform_3, window_bounds = array<i64: 128, 128>}, {pipeline_mode = #tpu.pipeline_mode<synchronous>, transform_indices = @transform_4, window_bounds = array<i64: 128, 128>}, {pipeline_mode = #tpu.pipeline_mode<synchronous>, transform_indices = @transform_5, window_bounds = array<i64: 1, 128>}, {pipeline_mode = #tpu.pipeline_mode<synchronous>, transform_indices = @transform_6, window_bounds = array<i64: 128, 128>}, {pipeline_mode = #tpu.pipeline_mode<synchronous>, transform_indices = @transform_7, window_bounds = array<i64: 1, 128>}, {transform_indices = @transform_8, window_bounds = array<i64: 400, 128>}]} {
    %get3A = arith.constant 0 : index
    %get3A_0 = arith.constant 0 : index
    %get3A_1 = vector.load %arg2[%get3A, %get3A_0] : memref<400x128xf32, #tpu.memory_space<vmem>>, vector<400x128xf32>
    %get3A_2 = arith.constant 0 : index
    %get3A_3 = arith.constant 0 : index
    %get3A_4 = vector.load %arg3[%get3A_2, %get3A_3] : memref<400x128xf32, #tpu.memory_space<vmem>>, vector<400x128xf32>
    %add3A = arith.addf %get3A_1, %get3A_4 : vector<400x128xf32>
    %get3A_5 = arith.constant 0 : index
    %get3A_6 = arith.constant 0 : index
    %get3A_7 = vector.load %arg1[%get3A_5, %get3A_6] : memref<400x128xf32, #tpu.memory_space<vmem>>, vector<400x128xf32>
    %get3A_8 = arith.constant 0 : index
    %get3A_9 = arith.constant 0 : index
    %get3A_10 = vector.load %arg4[%get3A_8, %get3A_9] : memref<128x128xf32, #tpu.memory_space<vmem>>, vector<128x128xf32>
    %dot_general3A = arith.constant dense<0.000000e+00> : vector<400x128xf32>
    %dot_general3A_11 = tpu.matmul %get3A_7, %get3A_10, %dot_general3A {dimension_numbers = #tpu.dot_dimension_numbers<[1], [0], [0], [1], [0, 0, 1, 1], [], []>, transpose_lhs_hint = false} : vector<400x128xf32>, vector<128x128xf32>, vector<400x128xf32> -> vector<400x128xf32>
    %get3A_12 = arith.constant 0 : index
    %get3A_13 = arith.constant 0 : index
    %get3A_14 = vector.load %arg5[%get3A_12, %get3A_13] : memref<128x128xf32, #tpu.memory_space<vmem>>, vector<128x128xf32>
    %dot_general3A_15 = arith.constant dense<0.000000e+00> : vector<400x128xf32>
    %dot_general3A_16 = tpu.matmul %add3A, %get3A_14, %dot_general3A_15 {dimension_numbers = #tpu.dot_dimension_numbers<[1], [0], [0], [1], [0, 0, 1, 1], [], []>, transpose_lhs_hint = false} : vector<400x128xf32>, vector<128x128xf32>, vector<400x128xf32> -> vector<400x128xf32>
    %get3A_17 = arith.constant 0 : index
    %get3A_18 = arith.constant 0 : index
    %get3A_19 = vector.load %arg6[%get3A_17, %get3A_18] : memref<1x128xf32, #tpu.memory_space<vmem>>, vector<1x128xf32>
    %add3A_20 = vector.broadcast %get3A_19 : vector<1x128xf32> to vector<400x128xf32>
    %add3A_21 = arith.addf %dot_general3A_16, %add3A_20 : vector<400x128xf32>
    %add3A_22 = arith.addf %dot_general3A_11, %add3A_21 : vector<400x128xf32>
    %logistic3A = arith.negf %add3A_22 : vector<400x128xf32>
    %logistic3A_23 = math.exp %logistic3A : vector<400x128xf32>
    %logistic3A_24 = arith.constant 1.000000e+00 : f32
    %logistic3A_25 = vector.broadcast %logistic3A_24 : f32 to vector<400x128xf32>
    %logistic3A_26 = arith.addf %logistic3A_25, %logistic3A_23 : vector<400x128xf32>
    %logistic3A_27 = arith.divf %logistic3A_25, %logistic3A_26 : vector<400x128xf32>
    %mul3A = arith.mulf %add3A_22, %logistic3A_27 : vector<400x128xf32>
    %get3A_28 = arith.constant 0 : index
    %get3A_29 = arith.constant 0 : index
    %get3A_30 = vector.load %arg7[%get3A_28, %get3A_29] : memref<128x128xf32, #tpu.memory_space<vmem>>, vector<128x128xf32>
    %dot_general3A_31 = arith.constant dense<0.000000e+00> : vector<400x128xf32>
    %dot_general3A_32 = tpu.matmul %mul3A, %get3A_30, %dot_general3A_31 {dimension_numbers = #tpu.dot_dimension_numbers<[1], [0], [0], [1], [0, 0, 1, 1], [], []>, transpose_lhs_hint = false} : vector<400x128xf32>, vector<128x128xf32>, vector<400x128xf32> -> vector<400x128xf32>
    %get3A_33 = arith.constant 0 : index
    %get3A_34 = arith.constant 0 : index
    %get3A_35 = vector.load %arg8[%get3A_33, %get3A_34] : memref<1x128xf32, #tpu.memory_space<vmem>>, vector<1x128xf32>
    %add3A_36 = vector.broadcast %get3A_35 : vector<1x128xf32> to vector<400x128xf32>
    %add3A_37 = arith.addf %dot_general3A_32, %add3A_36 : vector<400x128xf32>
    %get3A_38 = arith.constant 0 : index
    %get3A_39 = arith.constant 0 : index
    %get3A_40 = vector.load %arg1[%get3A_38, %get3A_39] : memref<400x128xf32, #tpu.memory_space<vmem>>, vector<400x128xf32>
    %add3A_41 = arith.addf %get3A_40, %add3A_37 : vector<400x128xf32>
    %swap3A = arith.constant 0 : index
    %swap3A_42 = arith.constant 0 : index
    %swap3A_43 = vector.load %arg9[%swap3A, %swap3A_42] : memref<400x128xf32, #tpu.memory_space<vmem>>, vector<400x128xf32>
    tpu.vector_store %arg9[%swap3A, %swap3A_42], %add3A_41 {strides = array<i32>} : memref<400x128xf32, #tpu.memory_space<vmem>>, vector<400x128xf32>,
    return
  }
  func.func @transform_0(%arg0: i32) -> (i32, i32) {
    %c0_i32 = arith.constant 0 : i32
    %c0_i32_0 = arith.constant 0 : i32
    return %arg0, %c0_i32 : i32, i32
  }
  func.func @transform_1(%arg0: i32) -> (i32, i32) {
    %c0_i32 = arith.constant 0 : i32
    %c0_i32_0 = arith.constant 0 : i32
    return %arg0, %c0_i32 : i32, i32
  }
  func.func @transform_2(%arg0: i32) -> (i32, i32) {
    %c0_i32 = arith.constant 0 : i32
    %c0_i32_0 = arith.constant 0 : i32
    return %arg0, %c0_i32 : i32, i32
  }
  func.func @transform_3(%arg0: i32) -> (i32, i32) {
    %c0_i32 = arith.constant 0 : i32
    %c0_i32_0 = arith.constant 0 : i32
    %c0_i32_1 = arith.constant 0 : i32
    return %c0_i32, %c0_i32_0 : i32, i32
  }
  func.func @transform_4(%arg0: i32) -> (i32, i32) {
    %c0_i32 = arith.constant 0 : i32
    %c0_i32_0 = arith.constant 0 : i32
    %c0_i32_1 = arith.constant 0 : i32
    return %c0_i32, %c0_i32_0 : i32, i32
  }
  func.func @transform_5(%arg0: i32) -> (i32, i32) {
    %c0_i32 = arith.constant 0 : i32
    %c0_i32_0 = arith.constant 0 : i32
    %c0_i32_1 = arith.constant 0 : i32
    return %c0_i32, %c0_i32_0 : i32, i32
  }
  func.func @transform_6(%arg0: i32) -> (i32, i32) {
    %c0_i32 = arith.constant 0 : i32
    %c0_i32_0 = arith.constant 0 : i32
    %c0_i32_1 = arith.constant 0 : i32
    return %c0_i32, %c0_i32_0 : i32, i32
  }
  func.func @transform_7(%arg0: i32) -> (i32, i32) {
    %c0_i32 = arith.constant 0 : i32
    %c0_i32_0 = arith.constant 0 : i32
    %c0_i32_1 = arith.constant 0 : i32
    return %c0_i32, %c0_i32_0 : i32, i32
  }
  func.func @transform_8(%arg0: i32) -> (i32, i32) {
    %c0_i32 = arith.constant 0 : i32
    %c0_i32_0 = arith.constant 0 : i32
    return %arg0, %c0_i32 : i32, i32
  }
}

</mosaic_0001>

<sc_bundles>
// kernel: kernel.12.cloned.1.call-start
scs
__scs_entry_jumppad:
0x0: {  	(pc) =	sbr.rel $0x88, $3  }
0x1: {  	(tag) =	ssettag $0x0;
	lr =	simm.s32 $0x1  }
0x2: {  	[smem:$0x3F8F] =	sst lr;
	_ =	strace $0xD0000000  }
0x3: {  	_ = 	snop  }
0x4: {  	_ = 	snop  }
0x5: {  	_ = 	snop  }
0x6: {  	_ = 	snop  }
0x7: {  	_ = 	snop  }
__scs_overlays_trampoline_lowered:
0x8: {  	[smem:$0x3F9E] =	sst s0  }
0x9: {  	[smem:$0x3F9F] =	sst s1  }
0xa: {  	[smem:$0x3FA0] =	sst s2  }
0xb: {  	[smem:$0x3FA1] =	sst s3  }
0xc: {  	[smem:$0x3FA2] =	sst s4  }
0xd: {  	[smem:$0x3FA3] =	sst s5  }
0xe: {  	[smem:$0x3FA4] =	sst s6  }
0xf: {  	[smem:$0x3FA5] =	sst s7  }
0x10: {  	[smem:$0x3FA6] =	sst s8  }
0x11: {  	[smem:$0x3FA7] =	sst s9;
	s0 =	simm.s32 @!p0 $0x0  }
0x12: {  	s1 =	sld [smem:$0x3F8D];
	s0 =	simm.s32 @p0 $0x1  }
0x13: {  	[smem:$0x3FA8] =	sst s0;
	s0 =	simm.s32 @!p1 $0x0  }
0x14: {  	s2 =	sld [smem:$0x3F8C];
	s0 =	simm.s32 @p1 $0x1  }
0x15: {  	[smem:$0x3FA9] =	sst s0;
	s0 =	simm.s32 @!p2 $0x0  }
0x16: {  	s3 =	sld [smem:$0x3FDB];
	s0 =	simm.s32 @p2 $0x1  }
0x17: {  	s4 =	simm.s32 $0x1BF5;
	[smem:$0x3FAB] =	sst s0  }
0x18: {  	s0 =	sld [smem:$0x3F8E];
	_ =	swait.ge [sflag:s4], $0x0  }
0x19: {  	s7 =	sld [smem:$0x3F8F]  }
0x1a: {  	s8 =	sadd.s32 $0xFFFFE003, lr  }
0x1b: {  	s9 =	sadd.s32 $0xFFFFFEF7, lr;
	s5 =	simm.s32 $0xFFFFFFFF;
	p2 =	slt.u32 s8, $0xFFFFF086  }
0x1c: {  	p1 =	slt.u32 s9, $0xF7A;
	s5 =	simm.s32 @!p2 $0x0  }
0x1d: {  	s5 =	simm.s32 @p1 $0x1;
	p0 =	seq.s32 s7, s2  }
0x1e: {  	s7 =	smul.u32 @!p0 $0xF7A, s2;
	p2 =	seq.s32 @!p0 s5, $0x0  }
0x1f: {  	s9 =	smul.u32 $0xF7A, s1;
	s8 =	simm.s32 @!p0 $0x1BF5;
	p2 =	por !p2, p0  }
0x20: {  	[sflag:s8] =	ssyncset.s32 @!p0 $0xFFFFF086;
	s6 =	sadd.s32 @!p0 s3, s7;
	s7 =	simm.s32 @!p0 $0x108  }
0x21: {  	s3 =	sadd.s32 s3, s9;
	s6 =	sadd.s32 @!p0 $0x88, s6;
	s7 =	simm.s32 @p2 $0x1082  }
0x22: {  	[simem:s7], [sflag:s8] =	dma.local @!p0 [hbm:s6], $0xF7A  }
0x23: {  	s9 =	sor.u32 $0xD0000000, s2;
	s6 =	simm.s32 $0x108;
	_ =	swait.ge @!p0 [sflag:s8], $0x0  }
0x24: {  	s3 =	sadd.s32 $0x88, s3;
	s6 =	simm.s32 @!p1 $0x1082;
	[sflag:s4] =	ssyncset.s32 $0xFFFFF086  }
0x25: {  	[simem:s6], [sflag:s4] =	dma.local [hbm:s3], $0xF7A  }
0x26: {  	[smem:$0x3F8F] =	sst s1;
	(tag) =	ssettag s2;
	_ =	strace s9  }
0x27: {  	s1 =	sld [smem:$0x3F9F]  }
0x28: {  	s2 =	sld [smem:$0x3FA0]  }
0x29: {  	s4 =	sld [smem:$0x3FA2]  }
0x2a: {  	p0 =	seq.s32 s5, $0x0;
	s5 =	sld [smem:$0x3FA3]  }
0x2b: {  	s6 =	sld [smem:$0x3FA4]  }
0x2c: {  	s7 =	sld [smem:$0x3FA5]  }
0x2d: {  	s3 =	simm.s32 $0x108;
	s8 =	sld [smem:$0x3FA6]  }
0x2e: {  	s3 =	simm.s32 @!p0 $0x1082;
	s9 =	sld [smem:$0x3FA7]  }
0x2f: {  	lr =	sadd.s32 s0, s3;
	s0 =	sld [smem:$0x3F9E]  }
0x30: {  	s3 =	sld [smem:$0x3FA1]  }
0x31: {  	[smem:$0x3FAA] =	sst s10  }
0x32: {  	s10 =	sld [smem:$0x3FA8];
	_ =	sdelay $0x3  }
0x33: {  	p0 =	seq.s32 s10, $0x1;
	s10 =	sld [smem:$0x3FAA];
	_ =	sdelay $0x3  }
0x34: {  	[smem:$0x3FAA] =	sst s10  }
0x35: {  	s10 =	sld [smem:$0x3FA9];
	_ =	sdelay $0x3  }
0x36: {  	p1 =	seq.s32 s10, $0x1;
	s10 =	sld [smem:$0x3FAA];
	_ =	sdelay $0x3  }
0x37: {  	[smem:$0x3FAA] =	sst s10  }
0x38: {  	s10 =	sld [smem:$0x3FAB]  }
0x39: {  	_ = 	snop;
	(pc) =	sbr.ind lr, $3  }
0x3a: {  	_ = 	snop  }
0x3b: {  	_ = 	snop  }
0x3c: {  	p2 =	seq.s32 s10, $0x1;
	s10 =	sld [smem:$0x3FAA]  }
0x3d: {  	_ =	shalt  }
0x3e: {  	_ =	shalt  }
0x3f: {  	_ =	shalt  }
0x40: {  	_ =	shalt  }
0x41: {  	_ =	shalt  }
0x42: {  	_ =	shalt  }
0x43: {  	_ =	shalt  }
0x44: {  	_ =	shalt  }
0x45: {  	_ =	shalt  }
0x46: {  	_ =	shalt  }
0x47: {  	_ =	shalt  }
0x48: {  	_ =	shalt  }
0x49: {  	_ =	shalt  }
0x4a: {  	_ =	shalt  }
0x4b: {  	_ =	shalt  }
0x4c: {  	_ =	shalt  }
0x4d: {  	_ =	shalt  }
0x4e: {  	_ =	shalt  }
0x4f: {  	_ =	shalt  }
0x50: {  	_ =	shalt  }
0x51: {  	_ =	shalt  }
0x52: {  	_ =	shalt  }
0x53: {  	_ =	shalt  }
0x54: {  	_ =	shalt  }
0x55: {  	_ =	shalt  }
0x56: {  	_ =	shalt  }
0x57: {  	_ =	shalt  }
0x58: {  	_ =	shalt  }
0x59: {  	_ =	shalt  }
0x5a: {  	_ =	shalt  }
0x5b: {  	_ =	shalt  }
0x5c: {  	_ =	shalt  }
0x5d: {  	_ =	shalt  }
0x5e: {  	_ =	shalt  }
0x5f: {  	_ =	shalt  }
0x60: {  	_ =	shalt  }
0x61: {  	_ =	shalt  }
0x62: {  	_ =	shalt  }
0x63: {  	_ =	shalt  }
0x64: {  	_ =	shalt  }
0x65: {  	_ =	shalt  }
0x66: {  	_ =	shalt  }
0x67: {  	_ =	shalt  }
0x68: {  	_ =	shalt  }
0x69: {  	_ =	shalt  }
0x6a: {  	_ =	shalt  }
0x6b: {  	_ =	shalt  }
0x6c: {  	_ =	shalt  }
0x6d: {  	_ =	shalt  }
0x6e: {  	_ =	shalt  }
0x6f: {  	_ =	shalt  }
0x70: {  	_ =	shalt  }
0x71: {  	_ =	shalt  }
0x72: {  	_ =	shalt  }
0x73: {  	_ =	shalt  }
0x74: {  	_ =	shalt  }
0x75: {  	_ =	shalt  }
0x76: {  	_ =	shalt  }
0x77: {  	_ =	shalt  }
0x78: {  	_ =	shalt  }
0x79: {  	_ =	shalt  }
0x7a: {  	_ =	shalt  }
0x7b: {  	_ =	shalt  }
0x7c: {  	_ =	shalt  }
0x7d: {  	_ =	shalt  }
0x7e: {  	_ =	shalt  }
0x7f: {  	_ =	shalt  }
0x80: {  	_ =	shalt  }
0x81: {  	_ =	shalt  }
0x82: {  	_ =	shalt  }
0x83: {  	_ =	shalt  }
0x84: {  	_ =	shalt  }
0x85: {  	_ =	shalt  }
0x86: {  	_ =	shalt  }
0x87: {  	_ =	shalt  }
.Lfunc_end0:
.L_simem_size_0:
called_computation_lowered:
.L_overlay_start_0:
0x88: {  	s2 =	sld [smem:$0x3FD9]  }
0x89: {  	s3 =	sld [smem:$0x3FFE];
	_ =	sdelay $0x1  }
0x8a: {  	s1 =	srdreg.scid  }
0x8b: {  	s0 =	sand.u32 $0x1, s1  }
0x8c: {  	s16 =	sshll.u32 s0, $0xA;
	s2 =	sadd.s32 s3, s2  }
0x8d: {  	s2 =	sadd.s32 s2, s16  }
0x8e: {  	[smem:$0x3FB6] =	sst s2  }
0x8f: {  	_ = 	snop  }
0x90: {  	(tm) =	ssettm $0x1  }
0x91: {  	s17 =	sld [smem:$0x3FFB];
	_ =	sdelay $0x3  }
0x92: {  	_ =	strace s17  }
0x93: {  	s2 =	sld [smem:$0x3FFC];
	_ =	sdelay $0x3  }
0x94: {  	_ =	strace s2  }
0x95: {  	s2 =	sld [smem:$0x3FFD];
	_ =	sdelay $0x3  }
0x96: {  	_ =	strace s2  }
0x97: {  	_ =	strace $0x8FFFFFFF  }
0x98: {  	s18 =	sld [smem:$0x3FDB];
	_ =	sdelay $0x1  }
0x99: {  	s19 =	simm.s32 $_scs_section_size  }
0x9a: {  	s4 =	simm.s32 $_size__tile_overlayer_lowered;
	s5 =	simm.s32 $_tile_overlayer_lowered  }
0x9b: {  	s22 =	simm.s32 $0x1BFF;
	s21 =	sshll.u32 s5, $0x1;
	s2 =	sadd.s32 s19, s18  }
0x9c: {  	s6 =	simm.s32 $0x0;
	s20 =	sshll.u32 s4, $0x1;
	s4 =	sadd.s32 s21, s2  }
0x9d: {  	[timem:s6], [sflag:s22] =	dma.local [hbm:s4], s20  }
0x9e: {  	_ =	swait.ge [sflag:s22], s20  }
0x9f: {  	s3 =	ssub.s32 $0x0, s20;
	[sflag:s22] =	ssyncset.done $0x0  }
0xa0: {  	[sflag:s22] =	ssyncadd.s32 s3;
	_ =	sdelay $0x1  }
0xa1: {  	s23 =	simm.s32 $0x1B8B  }
0xa2: {  	_ =	swait.ge [sflag:s23], $0x1  }
0xa3: {  	[sflag:s23] =	ssyncset.done $0x0  }
0xa4: {  	s25 =	simm.s32 $0x1B8E;
	s24 =	sld [smem:$0x3FFE];
	[sflag:s23] =	ssyncadd.s32 $0xFFFFFFFF  }
0xa5: {  	s26 =	simm.s32 $execute0_lowered;
	[smem:$0x3FD2] =	sst s25  }
0xa6: {  	s4 =	sshll.u32 s26, $0x1;
	_ =	strace $0x80000046;
	[dreg:$0x1] =	wrdreg $0xFFFFFFFF  }
0xa7: {  	s28 =	simm.s32 $_size_execute0_lowered;
	s2 =	sadd.s32 s2, s4;
	[dreg:$0x0] =	wrdreg $0x0  }
0xa8: {  	s4 =	sshll.u32 s28, $0x1;
	[dreg:$0x2] =	wrdreg s2  }
0xa9: {  	[dreg:$0x3] =	wrdreg s4  }
0xaa: {  	[dreg:$0x4] =	wrdreg $0xC0  }
0xab: {  	_ =	task [dreg:s6], $0x5FFFF  }
0xac: {  	[dreg:$0x1] =	wrdreg $0xFFFFFFFF  }
0xad: {  	[dreg:$0x0] =	wrdreg $0x60  }
0xae: {  	[dreg:$0x2] =	wrdreg s24  }
0xaf: {  	[dreg:$0x3] =	wrdreg $0x9  }
0xb0: {  	_ =	task.clear_ibuf [dreg:s6], $0x4FFFF;
	_ =	strace $0x90000046  }
0xb1: {  	s29 =	simm.s32 $0x9;
	_ =	strace $0x80000048  }
0xb2: {  	_ =	swait.ge [sflag:s29], $0x1  }
0xb3: {  	[sflag:s29] =	ssyncadd.s32 $0xFFFFFFFF  }
0xb4: {  	_ =	strace $0x90000048  }
0xb5: {  	_ =	sfence  }
0xb6: {  	s30 =	sld [smem:$0x0];
	_ =	sdelay $0x2  }
0xb7: {  	s31 =	sshll.u32 s1, $0xD;
	s1 =	sshrl.u32 s1, $0x2  }
0xb8: {  	s3 =	sand.u32 $0x4000, s31;
	s1 =	sadd.s32 s1, s30  }
0xb9: {  	s0 =	sor.u32 s3, s0;
	s1 =	sshll.u32 s1, $0x11  }
0xba: {  	s0 =	sor.u32 s1, s0  }
0xbb: {  	s0 =	sadd.s32 $0x8F2B, s0  }
0xbc: {  	[sflag:s0] =	ssyncadd.remote.s32 $0x1  }
0xbd: {  	_ =	sfence.sel $0xFFFF  }
0xbe: {  	[dreg:$0x0] =	wrdreg $0xFFFFFFFF;
	(pc) =	sbr.abs _section_cstart, $3  }
0xbf: {  	[dreg:$0x1] =	wrdreg $0xFFFFFFFF  }
0xc0: {  	_ =	task.clear_ibuf [dreg:s6], $0x2FFFF;
	_ =	strace $0x9FFFFFFF  }
0xc1: {  	(tm) =	ssettm $0x7FFFFFFF  }
tec
execute0_lowered:
.L_overlay_start_1:
0x0: {  	(tag) =	ssettag $0x1  }
0x1: {  	s0 =	rddreg [dreg:$0x0]  }
0x2: {  	s1 =	simm.s32 $0x0;
	s17 =	srdreg.scid;
	s5 =	stileid.u32  }
0x3: {  	s26 =	simm.s32 $0x1F980;
	s31 =	simm.s32 $0x1FA00;
	s28 =	simm.s32 $0x300  }
0x4: {  	s14 =	simm.s32 $0x2;
	s12 =	simm.s32 $0x0;
	s29 =	simm.s32 $0xC300  }
0x5: {  	s30 =	simm.s32 $0x200;
	[smem:$0x7FF] =	sst s1;
	s2 =	sadd.s32 $0x1C000, s0  }
0x6: {  	s3 =	sadd.s32 $0x43200, s0;
	s4 =	sadd.s32 $0x7E00, s0;
	s15 =	sadd.s32 $0x7800, s0  }
0x7: {  	s16 =	sadd.s32 $0x7200, s0;
	s8 =	sadd.s32 $0x12200, s0;
	s9 =	sadd.s32 $0x8400, s0  }
0x8: {  	s10 =	sadd.s32 $0x74200, s0;
	_ =	strace $0x80000047;
	[dreg:$0x4] =	wrdreg s4  }
0x9: {  	s5 =	sshll.u32 s5, $0x1;
	s11 =	sadd.s32 $0x556200, s0;
	[dreg:$0x5] =	wrdreg s15  }
0xa: {  	s13 =	sadd.s32 $0x6A400, s0;
	[dreg:$0x6] =	wrdreg s16;
	s4 =	sand.u32 $0x1, s17  }
0xb: {  	[dreg:$0x2] =	wrdreg s26;
	s26 =	simm.s32 $0x180;
	s24 =	sor.u32 s4, s5  }
0xc: {  	[dreg:$0x3] =	wrdreg s31;
	s6 =	ssub.s32 $0x2, s4;
	s4 =	sshll.u32 s24, $0xB  }
0xd: {  	s18 =	sshrl.u32 s6, $0x1;
	s20 =	sshll.u32 s24, $0x4;
	s19 =	sadd.s32 s10, s4  }
0xe: {  	s22 =	sor.u32 $0xFFFFFFE0, s24;
	s4 =	sadd.s32 s11, s4;
	[dreg:$0x7] =	wrdreg s19  }
0xf: {  	s0 =	ssub.s32 s6, s18;
	s21 =	sadd.s32 s13, s20;
	[dreg:$0x8] =	wrdreg s4  }
0x10: {  	s23 =	sshll.u32 s22, $0xB;
	s25 =	sshll.u32 s22, $0x4;
	[dreg:$0x9] =	wrdreg s21  }
0x11: {  	s20 =	simm.s32 $0x18300;
	s22 =	simm.s32 $0x1AA80;
	[dreg:$0xb] =	wrdreg s23  }
0x12: {  	s6 =	simm.s32 $0x100;
	s0 =	smax.u32 s0, $0x1;
	[dreg:$0xc] =	wrdreg s25  }
0x13: {  	s21 =	simm.s32 $0x7;
	s23 =	simm.s32 $0x1D200;
	s25 =	simm.s32 $0x80  }
0x14: {  	s4 =	simm.s32 $0x280;
	[dreg:$0xa] =	wrdreg s0;
	s0 =	simm.s32 $0x1  }
.LBB2_1:
0x15: {  	[dreg:$0xd] =	wrdreg s12  }
0x16: {  	s5 =	rddreg [dreg:$0x4]  }
0x17: {  	[tilespmem:s20], [sflag:$0x7] =	stream.linear.gather [hbm4b:s5+s1], $0x2780, $0x38;
	[tilespmem:$0x1FB00] =	vst v63  }
0x18: {  	_ =	swait.ge [sflag:s21], $0x2780  }
0x19: {  	[sflag:s21] =	ssyncset.done $0x0  }
0x1a: {  	s19 =	rddreg [dreg:$0x5];
	[sflag:s21] =	ssyncadd.s32 $0xFFFFD880  }
0x1b: {  	[tilespmem:s22], [sflag:$0x7] =	stream.linear.gather [hbm4b:s19+s1], $0x2780, $0x38;
	[tilespmem:$0x1FB00] =	vst v63  }
0x1c: {  	_ =	swait.ge [sflag:s21], $0x2780  }
0x1d: {  	[sflag:s21] =	ssyncset.done $0x0  }
0x1e: {  	s31 =	rddreg [dreg:$0x6];
	[sflag:s21] =	ssyncadd.s32 $0xFFFFD880  }
0x1f: {  	[tilespmem:s23], [sflag:$0x7] =	stream.linear.gather [hbm4b:s31+s1], $0x2780, $0x38;
	[tilespmem:$0x1FB00] =	vst v63  }
0x20: {  	_ =	swait.ge [sflag:s21], $0x2780  }
0x21: {  	[sflag:s21] =	ssyncset.done $0x0;
	s15 =	rddreg [dreg:$0xc]  }
0x22: {  	s17 =	simm.s32 $0x0;
	s16 =	rddreg [dreg:$0xb];
	[sflag:s21] =	ssyncadd.s32 $0xFFFFD880  }
.LBB2_2:
0x23: {  	p0 =	seq.s32 s17, $0x0  }
0x24: {  	s5 =	simm.s32 @!p0 $0x4  }
0x25: {  	_ =	swait.ge @!p0 [sflag:s5], $0x4000  }
0x26: {  	[sflag:s5] =	ssyncset.done @!p0 $0x0  }
0x27: {  	[sflag:s5] =	ssyncadd.s32 @!p0 $0xFFFFC000  }
0x28: {  	s18 =	sadd.s32 s17, s24;
	_ =	swait.ge @!p0 [sflag:s5], $0x4000  }
0x29: {  	s12 =	smov.u32 s24;
	p1 =	slt.u32 s18, $0x9C4;
	[sflag:s5] =	ssyncset.done @!p0 $0x0  }
0x2a: {  	s12 =	smov.u32 @p1 s18;
	[sflag:s5] =	ssyncadd.s32 @!p0 $0xFFFFC000  }
0x2b: {  	s7 =	sshll.u32 s12, $0x4;
	_ =	swait.ge @!p0 [sflag:s5], $0x80  }
0x2c: {  	s19 =	sand.u32 $0x1FFFFFF0, s7;
	[sflag:s5] =	ssyncset.done @!p0 $0x0  }
0x2d: {  	s7 =	sadd.s32 s8, s19;
	[sflag:s5] =	ssyncadd.s32 @!p0 $0xFFFFFF80  }
0x2e: {  	[tilespmem:s1], [sflag:$0x7] =	stream.linear.gather [hbm4b:s7+s1], $0x80, $0x38;
	[tilespmem:$0x1FB00] =	vst v63  }
0x2f: {  	_ =	swait.ge [sflag:s21], $0x80  }
0x30: {  	[sflag:s21] =	ssyncset.done $0x0  }
0x31: {  	s7 =	sadd.s32 s9, s19;
	[sflag:s21] =	ssyncadd.s32 $0xFFFFFF80  }
0x32: {  	[tilespmem:s26], [sflag:$0x7] =	stream.linear.gather [hbm4b:s7+s1], $0x80, $0x38;
	[tilespmem:$0x1FB00] =	vst v63  }
0x33: {  	_ =	swait.ge [sflag:s21], $0x80  }
0x34: {  	[sflag:s21] =	ssyncset.done $0x0  }
0x35: {  	[sflag:s21] =	ssyncadd.s32 $0xFFFFFF80  }
0x36: {  	[tilespmem:s28], [sflag:$0x1] =	stream.indirect.gather [hbm4b:s2+s25], $0x80, s1, s25, $0xb8;
	[tilespmem:$0x1FB00] =	vst v63  }
0x37: {  	_ = 	snop  }
0x38: {  	[tilespmem:s29], [sflag:$0x1] =	stream.indirect.gather [hbm4b:s3+s25], $0x80, s26, s25, $0xb8;
	[tilespmem:$0x1FB00] =	vst v63  }
0x39: {  	v0 =	vld [tilespmem:$0x0]  }
0x3a: {  	v1 =	vld [tilespmem:$0x180];
	_ =	sdelay $0x6  }
0x3b: {  	v2 =	vld.idx.msk [tilespmem:v0+s20+$0x0], $0xffff  }
0x3c: {  	v3 =	vld.idx.msk [tilespmem:v1+s20+$0x0], $0xffff  }
0x3d: {  	v4 =	vld.idx.msk [tilespmem:v0+s22+$0x0], $0xffff  }
0x3e: {  	v5 =	vld.idx.msk [tilespmem:v1+s22+$0x0], $0xffff  }
0x3f: {  	v0 =	vld.idx.msk [tilespmem:v0+s23+$0x0], $0xffff  }
0x40: {  	v1 =	vld.idx.msk [tilespmem:v1+s23+$0x0], $0xffff;
	_ =	sdelay $0x2  }
0x41: {  	v2 =	vsub.f32 v2, v3;
	v18 =	vsub.f32 v4, v5  }
0x42: {  	v19 =	vld [tilespmem:$0x10]  }
0x43: {  	v20 =	vld [tilespmem:$0x190];
	v0 =	vsub.f32 v0, v1;
	v2 =	vmul.f32 v2, v2;
	v3 =	vmul.f32 v18, v18;
	_ =	sdelay $0x1  }
0x44: {  	v0 =	vmul.f32 v0, v0;
	v2 =	vadd.f32 v3, v2;
	_ =	sdelay $0x1  }
0x45: {  	v0 =	vadd.f32 v0, v2;
	_ =	sdelay $0x1  }
0x46: {  	[tilespmem:$0x1F980] =	vst v0  }
0x47: {  	v0 =	vld.idx.msk [tilespmem:v19+s20+$0x0], $0xffff  }
0x48: {  	v21 =	vld.idx.msk [tilespmem:v20+s20+$0x0], $0xffff  }
0x49: {  	v22 =	vld.idx.msk [tilespmem:v19+s22+$0x0], $0xffff  }
0x4a: {  	v23 =	vld.idx.msk [tilespmem:v20+s22+$0x0], $0xffff  }
0x4b: {  	v4 =	vld.idx.msk [tilespmem:v19+s23+$0x0], $0xffff  }
0x4c: {  	v1 =	vld.idx.msk [tilespmem:v20+s23+$0x0], $0xffff;
	_ =	sdelay $0x2  }
0x4d: {  	v0 =	vsub.f32 v0, v21;
	v24 =	vsub.f32 v22, v23  }
0x4e: {  	v25 =	vld [tilespmem:$0x20]  }
0x4f: {  	v26 =	vld [tilespmem:$0x1A0];
	v1 =	vsub.f32 v4, v1;
	v0 =	vmul.f32 v0, v0;
	v2 =	vmul.f32 v24, v24;
	_ =	sdelay $0x1  }
0x50: {  	v1 =	vmul.f32 v1, v1;
	v0 =	vadd.f32 v2, v0;
	_ =	sdelay $0x1  }
0x51: {  	v0 =	vadd.f32 v1, v0;
	_ =	sdelay $0x1  }
0x52: {  	[tilespmem:$0x1F990] =	vst v0  }
0x53: {  	v0 =	vld.idx.msk [tilespmem:v25+s20+$0x0], $0xffff  }
0x54: {  	v27 =	vld.idx.msk [tilespmem:v26+s20+$0x0], $0xffff  }
0x55: {  	v28 =	vld.idx.msk [tilespmem:v25+s22+$0x0], $0xffff  }
0x56: {  	v29 =	vld.idx.msk [tilespmem:v26+s22+$0x0], $0xffff  }
0x57: {  	v3 =	vld.idx.msk [tilespmem:v25+s23+$0x0], $0xffff  }
0x58: {  	v4 =	vld.idx.msk [tilespmem:v26+s23+$0x0], $0xffff;
	_ =	sdelay $0x2  }
0x59: {  	v0 =	vsub.f32 v0, v27;
	v30 =	vsub.f32 v28, v29  }
0x5a: {  	v31 =	vld [tilespmem:$0x30]  }
0x5b: {  	v32 =	vld [tilespmem:$0x1B0];
	v3 =	vsub.f32 v3, v4;
	v0 =	vmul.f32 v0, v0;
	v1 =	vmul.f32 v30, v30;
	_ =	sdelay $0x1  }
0x5c: {  	v33 =	vmul.f32 v3, v3;
	v0 =	vadd.f32 v1, v0;
	_ =	sdelay $0x1  }
0x5d: {  	v0 =	vadd.f32 v33, v0;
	_ =	sdelay $0x1  }
0x5e: {  	[tilespmem:$0x1F9A0] =	vst v0  }
0x5f: {  	v0 =	vld.idx.msk [tilespmem:v31+s20+$0x0], $0xffff  }
0x60: {  	v34 =	vld.idx.msk [tilespmem:v32+s20+$0x0], $0xffff  }
0x61: {  	v35 =	vld.idx.msk [tilespmem:v31+s22+$0x0], $0xffff  }
0x62: {  	v36 =	vld.idx.msk [tilespmem:v32+s22+$0x0], $0xffff  }
0x63: {  	v2 =	vld.idx.msk [tilespmem:v31+s23+$0x0], $0xffff  }
0x64: {  	v4 =	vld.idx.msk [tilespmem:v32+s23+$0x0], $0xffff;
	_ =	sdelay $0x2  }
0x65: {  	v0 =	vsub.f32 v0, v34;
	v37 =	vsub.f32 v35, v36  }
0x66: {  	v38 =	vld [tilespmem:$0x40]  }
0x67: {  	v39 =	vld [tilespmem:$0x1C0];
	v2 =	vsub.f32 v2, v4;
	v0 =	vmul.f32 v0, v0;
	v1 =	vmul.f32 v37, v37;
	_ =	sdelay $0x1  }
0x68: {  	v40 =	vmul.f32 v2, v2;
	v0 =	vadd.f32 v1, v0;
	_ =	sdelay $0x1  }
0x69: {  	v0 =	vadd.f32 v40, v0;
	_ =	sdelay $0x1  }
0x6a: {  	[tilespmem:$0x1F9B0] =	vst v0  }
0x6b: {  	v0 =	vld.idx.msk [tilespmem:v38+s20+$0x0], $0xffff  }
0x6c: {  	v41 =	vld.idx.msk [tilespmem:v39+s20+$0x0], $0xffff  }
0x6d: {  	v42 =	vld.idx.msk [tilespmem:v38+s22+$0x0], $0xffff  }
0x6e: {  	v43 =	vld.idx.msk [tilespmem:v39+s22+$0x0], $0xffff  }
0x6f: {  	v3 =	vld.idx.msk [tilespmem:v38+s23+$0x0], $0xffff  }
0x70: {  	v4 =	vld.idx.msk [tilespmem:v39+s23+$0x0], $0xffff;
	_ =	sdelay $0x2  }
0x71: {  	v0 =	vsub.f32 v0, v41;
	v44 =	vsub.f32 v42, v43  }
0x72: {  	v45 =	vld [tilespmem:$0x50]  }
0x73: {  	v46 =	vld [tilespmem:$0x1D0];
	v3 =	vsub.f32 v3, v4;
	v0 =	vmul.f32 v0, v0;
	v1 =	vmul.f32 v44, v44;
	_ =	sdelay $0x1  }
0x74: {  	v47 =	vmul.f32 v3, v3;
	v0 =	vadd.f32 v1, v0;
	_ =	sdelay $0x1  }
0x75: {  	v0 =	vadd.f32 v47, v0;
	_ =	sdelay $0x1  }
0x76: {  	[tilespmem:$0x1F9C0] =	vst v0  }
0x77: {  	v0 =	vld.idx.msk [tilespmem:v45+s20+$0x0], $0xffff  }
0x78: {  	v48 =	vld.idx.msk [tilespmem:v46+s20+$0x0], $0xffff  }
0x79: {  	v49 =	vld.idx.msk [tilespmem:v45+s22+$0x0], $0xffff  }
0x7a: {  	v50 =	vld.idx.msk [tilespmem:v46+s22+$0x0], $0xffff  }
0x7b: {  	v2 =	vld.idx.msk [tilespmem:v45+s23+$0x0], $0xffff  }
0x7c: {  	v4 =	vld.idx.msk [tilespmem:v46+s23+$0x0], $0xffff;
	_ =	sdelay $0x2  }
0x7d: {  	v0 =	vsub.f32 v0, v48;
	v51 =	vsub.f32 v49, v50  }
0x7e: {  	v52 =	vld [tilespmem:$0x60]  }
0x7f: {  	v53 =	vld [tilespmem:$0x1E0];
	v2 =	vsub.f32 v2, v4;
	v0 =	vmul.f32 v0, v0;
	v1 =	vmul.f32 v51, v51;
	_ =	sdelay $0x1  }
0x80: {  	v54 =	vmul.f32 v2, v2;
	v0 =	vadd.f32 v1, v0;
	_ =	sdelay $0x1  }
0x81: {  	v0 =	vadd.f32 v54, v0;
	_ =	sdelay $0x1  }
0x82: {  	[tilespmem:$0x1F9D0] =	vst v0  }
0x83: {  	v0 =	vld.idx.msk [tilespmem:v52+s20+$0x0], $0xffff  }
0x84: {  	v55 =	vld.idx.msk [tilespmem:v53+s20+$0x0], $0xffff  }
0x85: {  	v56 =	vld.idx.msk [tilespmem:v52+s22+$0x0], $0xffff  }
0x86: {  	v57 =	vld.idx.msk [tilespmem:v53+s22+$0x0], $0xffff  }
0x87: {  	v3 =	vld.idx.msk [tilespmem:v52+s23+$0x0], $0xffff  }
0x88: {  	v4 =	vld.idx.msk [tilespmem:v53+s23+$0x0], $0xffff;
	_ =	sdelay $0x2  }
0x89: {  	v0 =	vsub.f32 v0, v55;
	v58 =	vsub.f32 v56, v57  }
0x8a: {  	v59 =	vld [tilespmem:$0x70]  }
0x8b: {  	v60 =	vld [tilespmem:$0x1F0];
	v3 =	vsub.f32 v3, v4;
	v0 =	vmul.f32 v0, v0;
	v1 =	vmul.f32 v58, v58;
	_ =	sdelay $0x1  }
0x8c: {  	v61 =	vmul.f32 v3, v3;
	v0 =	vadd.f32 v1, v0;
	_ =	sdelay $0x1  }
0x8d: {  	v0 =	vadd.f32 v61, v0;
	_ =	sdelay $0x1  }
0x8e: {  	[tilespmem:$0x1F9E0] =	vst v0  }
0x8f: {  	v0 =	vld.idx.msk [tilespmem:v59+s20+$0x0], $0xffff  }
0x90: {  	v62 =	vld.idx.msk [tilespmem:v60+s20+$0x0], $0xffff  }
0x91: {  	v63 =	vld.idx.msk [tilespmem:v59+s22+$0x0], $0xffff  }
0x92: {  	v8 =	vld.idx.msk [tilespmem:v60+s22+$0x0], $0xffff  }
0x93: {  	v2 =	vld.idx.msk [tilespmem:v59+s23+$0x0], $0xffff  }
0x94: {  	v4 =	vld.idx.msk [tilespmem:v60+s23+$0x0], $0xffff;
	_ =	sdelay $0x2  }
0x95: {  	v0 =	vsub.f32 v0, v62;
	v9 =	vsub.f32 v63, v8;
	_ =	sdelay $0x1  }
0x96: {  	v2 =	vsub.f32 v2, v4;
	v0 =	vmul.f32 v0, v0;
	v1 =	vmul.f32 v9, v9;
	_ =	sdelay $0x1  }
0x97: {  	v10 =	vmul.f32 v2, v2;
	v0 =	vadd.f32 v1, v0;
	_ =	sdelay $0x1  }
0x98: {  	v0 =	vadd.f32 v10, v0;
	_ =	sdelay $0x1  }
0x99: {  	s5 =	simm.s32 @!p0 $0x3;
	[tilespmem:$0x1F9F0] =	vst v0  }
0x9a: {  	_ =	swait.ge @!p0 [sflag:s5], $0x4000  }
0x9b: {  	[sflag:s5] =	ssyncset.done @!p0 $0x0  }
0x9c: {  	[sflag:s5] =	ssyncadd.s32 @!p0 $0xFFFFC000  }
0x9d: {  	_ =	swait.ge @!p0 [sflag:s5], $0x4000  }
0x9e: {  	[sflag:s5] =	ssyncset.done @!p0 $0x0  }
0x9f: {  	[sflag:s5] =	ssyncadd.s32 @!p0 $0xFFFFC000;
	s5 =	sand.u32 @!p0 $0x1FFFF800, s16  }
0xa0: {  	s28 =	simm.s32 @!p0 $0x8300;
	s26 =	simm.s32 @!p0 $0x0;
	s7 =	sadd.s32 @!p0 s10, s5  }
0xa1: {  	[hbm4b:s7+s26] =	stream.linear.scatter @!p0 [tilespmem:s28], [sflag:$0x6], $0x4000, $0x38;
	[tilespmem:$0x1FB00] =	vst v63  }
0xa2: {  	s5 =	sadd.s32 @!p0 s11, s5;
	s7 =	simm.s32 @!p0 $0x14300  }
0xa3: {  	[hbm4b:s5+s26] =	stream.linear.scatter @!p0 [tilespmem:s7], [sflag:$0x6], $0x4000, $0x38;
	[tilespmem:$0x1FB00] =	vst v63  }
0xa4: {  	s5 =	sand.u32 @!p0 $0x1FFFFFF0, s15  }
0xa5: {  	s7 =	simm.s32 @!p0 $0x1FA80;
	s5 =	sadd.s32 @!p0 s13, s5  }
0xa6: {  	[hbm4b:s5+s26] =	stream.linear.scatter @!p0 [tilespmem:s7], [sflag:$0x6], $0x80, $0x38;
	[tilespmem:$0x1FB00] =	vst v63  }
0xa7: {  	s26 =	simm.s32 @!p0 $0x5  }
0xa8: {  	_ =	swait.ge @!p0 [sflag:s26], $0x4000  }
0xa9: {  	[sflag:s26] =	ssyncset.done @!p0 $0x0  }
0xaa: {  	[sflag:s26] =	ssyncadd.s32 @!p0 $0xFFFFC000  }
0xab: {  	s7 =	sadd.s32 $0x20, s18;
	_ =	swait.ge @!p0 [sflag:s26], $0x4000  }
0xac: {  	s5 =	smov.u32 s24;
	p1 =	slt.u32 s7, $0x9C4;
	[sflag:s26] =	ssyncset.done @!p0 $0x0  }
0xad: {  	s5 =	smov.u32 @p1 s7;
	[sflag:s26] =	ssyncadd.s32 @!p0 $0xFFFFC000  }
0xae: {  	s7 =	sshll.u32 s5, $0x4;
	_ =	swait.ge @!p0 [sflag:s26], $0x80  }
0xaf: {  	s7 =	sand.u32 $0x1FFFFFF0, s7;
	[sflag:s26] =	ssyncset.done @!p0 $0x0  }
0xb0: {  	[sflag:s26] =	ssyncadd.s32 @!p0 $0xFFFFFF80;
	s26 =	sadd.s32 s8, s7  }
0xb1: {  	[tilespmem:s25], [sflag:$0x7] =	stream.linear.gather [hbm4b:s26+s1], $0x80, $0x38;
	[tilespmem:$0x1FB00] =	vst v63  }
0xb2: {  	_ =	swait.ge [sflag:s21], $0x80  }
0xb3: {  	[sflag:s21] =	ssyncset.done $0x0  }
0xb4: {  	s26 =	sadd.s32 s9, s7;
	[sflag:s21] =	ssyncadd.s32 $0xFFFFFF80  }
0xb5: {  	[tilespmem:s30], [sflag:$0x7] =	stream.linear.gather [hbm4b:s26+s1], $0x80, $0x38;
	[tilespmem:$0x1FB00] =	vst v63  }
0xb6: {  	_ =	swait.ge [sflag:s21], $0x80  }
0xb7: {  	[sflag:s21] =	ssyncset.done $0x0  }
0xb8: {  	s31 =	simm.s32 $0x4300;
	[sflag:s21] =	ssyncadd.s32 $0xFFFFFF80  }
0xb9: {  	[tilespmem:s31], [sflag:$0x2] =	stream.indirect.gather [hbm4b:s2+s25], $0x80, s25, s25, $0xb8;
	[tilespmem:$0x1FB00] =	vst v63  }
0xba: {  	s31 =	simm.s32 $0x10300  }
0xbb: {  	[tilespmem:s31], [sflag:$0x2] =	stream.indirect.gather [hbm4b:s3+s25], $0x80, s30, s25, $0xb8;
	[tilespmem:$0x1FB00] =	vst v63  }
0xbc: {  	v11 =	vld [tilespmem:$0x80]  }
0xbd: {  	v12 =	vld [tilespmem:$0x200];
	_ =	sdelay $0x6  }
0xbe: {  	v13 =	vld.idx.msk [tilespmem:v11+s20+$0x0], $0xffff  }
0xbf: {  	v14 =	vld.idx.msk [tilespmem:v12+s20+$0x0], $0xffff  }
0xc0: {  	v15 =	vld.idx.msk [tilespmem:v11+s22+$0x0], $0xffff  }
0xc1: {  	v16 =	vld.idx.msk [tilespmem:v12+s22+$0x0], $0xffff  }
0xc2: {  	v0 =	vld.idx.msk [tilespmem:v11+s23+$0x0], $0xffff  }
0xc3: {  	v1 =	vld.idx.msk [tilespmem:v12+s23+$0x0], $0xffff;
	_ =	sdelay $0x2  }
0xc4: {  	v2 =	vsub.f32 v13, v14;
	v17 =	vsub.f32 v15, v16  }
0xc5: {  	v18 =	vld [tilespmem:$0x90]  }
0xc6: {  	v19 =	vld [tilespmem:$0x210];
	v0 =	vsub.f32 v0, v1;
	v2 =	vmul.f32 v2, v2;
	v3 =	vmul.f32 v17, v17;
	_ =	sdelay $0x1  }
0xc7: {  	v0 =	vmul.f32 v0, v0;
	v2 =	vadd.f32 v3, v2;
	_ =	sdelay $0x1  }
0xc8: {  	v0 =	vadd.f32 v0, v2;
	_ =	sdelay $0x1  }
0xc9: {  	[tilespmem:$0x1FA00] =	vst v0  }
0xca: {  	v0 =	vld.idx.msk [tilespmem:v18+s20+$0x0], $0xffff  }
0xcb: {  	v20 =	vld.idx.msk [tilespmem:v19+s20+$0x0], $0xffff  }
0xcc: {  	v21 =	vld.idx.msk [tilespmem:v18+s22+$0x0], $0xffff  }
0xcd: {  	v22 =	vld.idx.msk [tilespmem:v19+s22+$0x0], $0xffff  }
0xce: {  	v4 =	vld.idx.msk [tilespmem:v18+s23+$0x0], $0xffff  }
0xcf: {  	v1 =	vld.idx.msk [tilespmem:v19+s23+$0x0], $0xffff;
	_ =	sdelay $0x2  }
0xd0: {  	v0 =	vsub.f32 v0, v20;
	v23 =	vsub.f32 v21, v22  }
0xd1: {  	v24 =	vld [tilespmem:$0xA0]  }
0xd2: {  	v25 =	vld [tilespmem:$0x220];
	v1 =	vsub.f32 v4, v1;
	v0 =	vmul.f32 v0, v0;
	v2 =	vmul.f32 v23, v23;
	_ =	sdelay $0x1  }
0xd3: {  	v1 =	vmul.f32 v1, v1;
	v0 =	vadd.f32 v2, v0;
	_ =	sdelay $0x1  }
0xd4: {  	v0 =	vadd.f32 v1, v0;
	_ =	sdelay $0x1  }
0xd5: {  	[tilespmem:$0x1FA10] =	vst v0  }
0xd6: {  	v0 =	vld.idx.msk [tilespmem:v24+s20+$0x0], $0xffff  }
0xd7: {  	v26 =	vld.idx.msk [tilespmem:v25+s20+$0x0], $0xffff  }
0xd8: {  	v27 =	vld.idx.msk [tilespmem:v24+s22+$0x0], $0xffff  }
0xd9: {  	v28 =	vld.idx.msk [tilespmem:v25+s22+$0x0], $0xffff  }
0xda: {  	v3 =	vld.idx.msk [tilespmem:v24+s23+$0x0], $0xffff  }
0xdb: {  	v4 =	vld.idx.msk [tilespmem:v25+s23+$0x0], $0xffff;
	_ =	sdelay $0x2  }
0xdc: {  	v0 =	vsub.f32 v0, v26;
	v29 =	vsub.f32 v27, v28  }
0xdd: {  	v30 =	vld [tilespmem:$0xB0]  }
0xde: {  	v31 =	vld [tilespmem:$0x230];
	v3 =	vsub.f32 v3, v4;
	v0 =	vmul.f32 v0, v0;
	v1 =	vmul.f32 v29, v29;
	_ =	sdelay $0x1  }
0xdf: {  	v32 =	vmul.f32 v3, v3;
	v0 =	vadd.f32 v1, v0;
	_ =	sdelay $0x1  }
0xe0: {  	v0 =	vadd.f32 v32, v0;
	_ =	sdelay $0x1  }
0xe1: {  	[tilespmem:$0x1FA20] =	vst v0  }
0xe2: {  	v0 =	vld.idx.msk [tilespmem:v30+s20+$0x0], $0xffff  }
0xe3: {  	v33 =	vld.idx.msk [tilespmem:v31+s20+$0x0], $0xffff  }
0xe4: {  	v34 =	vld.idx.msk [tilespmem:v30+s22+$0x0], $0xffff  }
0xe5: {  	v35 =	vld.idx.msk [tilespmem:v31+s22+$0x0], $0xffff  }
0xe6: {  	v2 =	vld.idx.msk [tilespmem:v30+s23+$0x0], $0xffff  }
0xe7: {  	v4 =	vld.idx.msk [tilespmem:v31+s23+$0x0], $0xffff;
	_ =	sdelay $0x2  }
0xe8: {  	v0 =	vsub.f32 v0, v33;
	v36 =	vsub.f32 v34, v35  }
0xe9: {  	v37 =	vld [tilespmem:$0xC0]  }
0xea: {  	v38 =	vld [tilespmem:$0x240];
	v2 =	vsub.f32 v2, v4;
	v0 =	vmul.f32 v0, v0;
	v1 =	vmul.f32 v36, v36;
	_ =	sdelay $0x1  }
0xeb: {  	v39 =	vmul.f32 v2, v2;
	v0 =	vadd.f32 v1, v0;
	_ =	sdelay $0x1  }
0xec: {  	v0 =	vadd.f32 v39, v0;
	_ =	sdelay $0x1  }
0xed: {  	[tilespmem:$0x1FA30] =	vst v0  }
0xee: {  	v0 =	vld.idx.msk [tilespmem:v37+s20+$0x0], $0xffff  }
0xef: {  	v40 =	vld.idx.msk [tilespmem:v38+s20+$0x0], $0xffff  }
0xf0: {  	v41 =	vld.idx.msk [tilespmem:v37+s22+$0x0], $0xffff  }
0xf1: {  	v42 =	vld.idx.msk [tilespmem:v38+s22+$0x0], $0xffff  }
0xf2: {  	v3 =	vld.idx.msk [tilespmem:v37+s23+$0x0], $0xffff  }
0xf3: {  	v4 =	vld.idx.msk [tilespmem:v38+s23+$0x0], $0xffff;
	_ =	sdelay $0x2  }
0xf4: {  	v0 =	vsub.f32 v0, v40;
	v43 =	vsub.f32 v41, v42  }
0xf5: {  	v44 =	vld [tilespmem:$0xD0]  }
0xf6: {  	v45 =	vld [tilespmem:$0x250];
	v3 =	vsub.f32 v3, v4;
	v0 =	vmul.f32 v0, v0;
	v1 =	vmul.f32 v43, v43;
	_ =	sdelay $0x1  }
0xf7: {  	v46 =	vmul.f32 v3, v3;
	v0 =	vadd.f32 v1, v0;
	_ =	sdelay $0x1  }
0xf8: {  	v0 =	vadd.f32 v46, v0;
	_ =	sdelay $0x1  }
0xf9: {  	[tilespmem:$0x1FA40] =	vst v0  }
0xfa: {  	v0 =	vld.idx.msk [tilespmem:v44+s20+$0x0], $0xffff  }
0xfb: {  	v47 =	vld.idx.msk [tilespmem:v45+s20+$0x0], $0xffff  }
0xfc: {  	v48 =	vld.idx.msk [tilespmem:v44+s22+$0x0], $0xffff  }
0xfd: {  	v49 =	vld.idx.msk [tilespmem:v45+s22+$0x0], $0xffff  }
0xfe: {  	v2 =	vld.idx.msk [tilespmem:v44+s23+$0x0], $0xffff  }
0xff: {  	v4 =	vld.idx.msk [tilespmem:v45+s23+$0x0], $0xffff;
	_ =	sdelay $0x2  }
0x100: {  	v0 =	vsub.f32 v0, v47;
	v50 =	vsub.f32 v48, v49  }
0x101: {  	v51 =	vld [tilespmem:$0xE0]  }
0x102: {  	v52 =	vld [tilespmem:$0x260];
	v2 =	vsub.f32 v2, v4;
	v0 =	vmul.f32 v0, v0;
	v1 =	vmul.f32 v50, v50;
	_ =	sdelay $0x1  }
0x103: {  	v53 =	vmul.f32 v2, v2;
	v0 =	vadd.f32 v1, v0;
	_ =	sdelay $0x1  }
0x104: {  	v0 =	vadd.f32 v53, v0;
	_ =	sdelay $0x1  }
0x105: {  	[tilespmem:$0x1FA50] =	vst v0  }
0x106: {  	v0 =	vld.idx.msk [tilespmem:v51+s20+$0x0], $0xffff  }
0x107: {  	v54 =	vld.idx.msk [tilespmem:v52+s20+$0x0], $0xffff  }
0x108: {  	v55 =	vld.idx.msk [tilespmem:v51+s22+$0x0], $0xffff  }
0x109: {  	v56 =	vld.idx.msk [tilespmem:v52+s22+$0x0], $0xffff  }
0x10a: {  	v3 =	vld.idx.msk [tilespmem:v51+s23+$0x0], $0xffff  }
0x10b: {  	v4 =	vld.idx.msk [tilespmem:v52+s23+$0x0], $0xffff;
	_ =	sdelay $0x2  }
0x10c: {  	v0 =	vsub.f32 v0, v54;
	v57 =	vsub.f32 v55, v56  }
0x10d: {  	v58 =	vld [tilespmem:$0xF0]  }
0x10e: {  	v59 =	vld [tilespmem:$0x270];
	v3 =	vsub.f32 v3, v4;
	v0 =	vmul.f32 v0, v0;
	v1 =	vmul.f32 v57, v57;
	_ =	sdelay $0x1  }
0x10f: {  	v60 =	vmul.f32 v3, v3;
	v0 =	vadd.f32 v1, v0;
	_ =	sdelay $0x1  }
0x110: {  	v0 =	vadd.f32 v60, v0;
	_ =	sdelay $0x1  }
0x111: {  	[tilespmem:$0x1FA60] =	vst v0  }
0x112: {  	v0 =	vld.idx.msk [tilespmem:v58+s20+$0x0], $0xffff  }
0x113: {  	v61 =	vld.idx.msk [tilespmem:v59+s20+$0x0], $0xffff  }
0x114: {  	v62 =	vld.idx.msk [tilespmem:v58+s22+$0x0], $0xffff  }
0x115: {  	v63 =	vld.idx.msk [tilespmem:v59+s22+$0x0], $0xffff  }
0x116: {  	v2 =	vld.idx.msk [tilespmem:v58+s23+$0x0], $0xffff  }
0x117: {  	v4 =	vld.idx.msk [tilespmem:v59+s23+$0x0], $0xffff;
	_ =	sdelay $0x2  }
0x118: {  	v0 =	vsub.f32 v0, v61;
	v7 =	vsub.f32 v62, v63;
	_ =	sdelay $0x1  }
0x119: {  	v2 =	vsub.f32 v2, v4;
	v0 =	vmul.f32 v0, v0;
	v1 =	vmul.f32 v7, v7;
	_ =	sdelay $0x1  }
0x11a: {  	v8 =	vmul.f32 v2, v2;
	v0 =	vadd.f32 v1, v0;
	_ =	sdelay $0x1  }
0x11b: {  	v0 =	vadd.f32 v8, v0;
	_ =	sdelay $0x1  }
0x11c: {  	[tilespmem:$0x1FA70] =	vst v0  }
0x11d: {  	_ =	swait.ge [sflag:s0], $0x4000  }
0x11e: {  	[sflag:s0] =	ssyncset.done $0x0  }
0x11f: {  	[sflag:s0] =	ssyncadd.s32 $0xFFFFC000  }
0x120: {  	s12 =	sshll.u32 s12, $0xB;
	_ =	swait.ge [sflag:s0], $0x4000  }
0x121: {  	s12 =	sand.u32 $0x1FFFF800, s12;
	[sflag:s0] =	ssyncset.done $0x0  }
0x122: {  	s28 =	simm.s32 $0x300;
	s26 =	sadd.s32 s10, s12;
	[sflag:s0] =	ssyncadd.s32 $0xFFFFC000  }
0x123: {  	[hbm4b:s26+s1] =	stream.linear.scatter [tilespmem:s28], [sflag:$0x4], $0x4000, $0x38;
	[tilespmem:$0x1FB00] =	vst v63  }
0x124: {  	s12 =	sadd.s32 s11, s12  }
0x125: {  	[hbm4b:s12+s1] =	stream.linear.scatter [tilespmem:s29], [sflag:$0x4], $0x4000, $0x38;
	[tilespmem:$0x1FB00] =	vst v63  }
0x126: {  	s19 =	sadd.s32 s13, s19;
	s26 =	rddreg [dreg:$0x2];
	s12 =	simm.s32 @!p0 $0x6  }
0x127: {  	[hbm4b:s19+s1] =	stream.linear.scatter [tilespmem:s26], [sflag:$0x4], $0x80, $0x38;
	[tilespmem:$0x1FB00] =	vst v63  }
0x128: {  	_ =	swait.ge @!p0 [sflag:s12], $0x4000  }
0x129: {  	[sflag:s12] =	ssyncset.done @!p0 $0x0  }
0x12a: {  	[sflag:s12] =	ssyncadd.s32 @!p0 $0xFFFFC000  }
0x12b: {  	s18 =	sadd.s32 $0x40, s18;
	_ =	swait.ge @!p0 [sflag:s12], $0x4000  }
0x12c: {  	p1 =	slt.u32 s18, $0x9C4;
	s19 =	smov.u32 s24;
	[sflag:s12] =	ssyncset.done @!p0 $0x0  }
0x12d: {  	s19 =	smov.u32 @p1 s18;
	[sflag:s12] =	ssyncadd.s32 @!p0 $0xFFFFC000  }
0x12e: {  	s18 =	sshll.u32 s19, $0x4;
	_ =	swait.ge @!p0 [sflag:s12], $0x80  }
0x12f: {  	s18 =	sand.u32 $0x1FFFFFF0, s18;
	[sflag:s12] =	ssyncset.done @!p0 $0x0  }
0x130: {  	[sflag:s12] =	ssyncadd.s32 @!p0 $0xFFFFFF80;
	s12 =	sadd.s32 s8, s18  }
0x131: {  	[tilespmem:s6], [sflag:$0x7] =	stream.linear.gather [hbm4b:s12+s1], $0x80, $0x38;
	[tilespmem:$0x1FB00] =	vst v63  }
0x132: {  	_ =	swait.ge [sflag:s21], $0x80  }
0x133: {  	[sflag:s21] =	ssyncset.done $0x0  }
0x134: {  	s12 =	sadd.s32 s9, s18;
	[sflag:s21] =	ssyncadd.s32 $0xFFFFFF80  }
0x135: {  	[tilespmem:s4], [sflag:$0x7] =	stream.linear.gather [hbm4b:s12+s1], $0x80, $0x38;
	[tilespmem:$0x1FB00] =	vst v63  }
0x136: {  	_ =	swait.ge [sflag:s21], $0x80  }
0x137: {  	[sflag:s21] =	ssyncset.done $0x0  }
0x138: {  	s19 =	simm.s32 $0x8300;
	[sflag:s21] =	ssyncadd.s32 $0xFFFFFF80  }
0x139: {  	[tilespmem:s19], [sflag:$0x3] =	stream.indirect.gather [hbm4b:s2+s25], $0x80, s6, s25, $0xb8;
	[tilespmem:$0x1FB00] =	vst v63  }
0x13a: {  	s12 =	simm.s32 $0x14300  }
0x13b: {  	[tilespmem:s12], [sflag:$0x3] =	stream.indirect.gather [hbm4b:s3+s25], $0x80, s4, s25, $0xb8;
	[tilespmem:$0x1FB00] =	vst v63  }
0x13c: {  	v9 =	vld [tilespmem:$0x100]  }
0x13d: {  	v10 =	vld [tilespmem:$0x280];
	_ =	sdelay $0x6  }
0x13e: {  	v11 =	vld.idx.msk [tilespmem:v9+s20+$0x0], $0xffff  }
0x13f: {  	v12 =	vld.idx.msk [tilespmem:v10+s20+$0x0], $0xffff  }
0x140: {  	v13 =	vld.idx.msk [tilespmem:v9+s22+$0x0], $0xffff  }
0x141: {  	v14 =	vld.idx.msk [tilespmem:v10+s22+$0x0], $0xffff  }
0x142: {  	v0 =	vld.idx.msk [tilespmem:v9+s23+$0x0], $0xffff  }
0x143: {  	v1 =	vld.idx.msk [tilespmem:v10+s23+$0x0], $0xffff;
	_ =	sdelay $0x2  }
0x144: {  	v2 =	vsub.f32 v11, v12;
	v15 =	vsub.f32 v13, v14  }
0x145: {  	v16 =	vld [tilespmem:$0x110]  }
0x146: {  	v17 =	vld [tilespmem:$0x290];
	v0 =	vsub.f32 v0, v1;
	v2 =	vmul.f32 v2, v2;
	v3 =	vmul.f32 v15, v15;
	_ =	sdelay $0x1  }
0x147: {  	v0 =	vmul.f32 v0, v0;
	v2 =	vadd.f32 v3, v2;
	_ =	sdelay $0x1  }
0x148: {  	v0 =	vadd.f32 v0, v2;
	_ =	sdelay $0x1  }
0x149: {  	[tilespmem:$0x1FA80] =	vst v0  }
0x14a: {  	v0 =	vld.idx.msk [tilespmem:v16+s20+$0x0], $0xffff  }
0x14b: {  	v18 =	vld.idx.msk [tilespmem:v17+s20+$0x0], $0xffff  }
0x14c: {  	v19 =	vld.idx.msk [tilespmem:v16+s22+$0x0], $0xffff  }
0x14d: {  	v20 =	vld.idx.msk [tilespmem:v17+s22+$0x0], $0xffff  }
0x14e: {  	v4 =	vld.idx.msk [tilespmem:v16+s23+$0x0], $0xffff  }
0x14f: {  	v1 =	vld.idx.msk [tilespmem:v17+s23+$0x0], $0xffff;
	_ =	sdelay $0x2  }
0x150: {  	v0 =	vsub.f32 v0, v18;
	v21 =	vsub.f32 v19, v20  }
0x151: {  	v22 =	vld [tilespmem:$0x120]  }
0x152: {  	v23 =	vld [tilespmem:$0x2A0];
	v1 =	vsub.f32 v4, v1;
	v0 =	vmul.f32 v0, v0;
	v2 =	vmul.f32 v21, v21;
	_ =	sdelay $0x1  }
0x153: {  	v1 =	vmul.f32 v1, v1;
	v0 =	vadd.f32 v2, v0;
	_ =	sdelay $0x1  }
0x154: {  	v0 =	vadd.f32 v1, v0;
	_ =	sdelay $0x1  }
0x155: {  	[tilespmem:$0x1FA90] =	vst v0  }
0x156: {  	v0 =	vld.idx.msk [tilespmem:v22+s20+$0x0], $0xffff  }
0x157: {  	v24 =	vld.idx.msk [tilespmem:v23+s20+$0x0], $0xffff  }
0x158: {  	v25 =	vld.idx.msk [tilespmem:v22+s22+$0x0], $0xffff  }
0x159: {  	v26 =	vld.idx.msk [tilespmem:v23+s22+$0x0], $0xffff  }
0x15a: {  	v3 =	vld.idx.msk [tilespmem:v22+s23+$0x0], $0xffff  }
0x15b: {  	v4 =	vld.idx.msk [tilespmem:v23+s23+$0x0], $0xffff;
	_ =	sdelay $0x2  }
0x15c: {  	v0 =	vsub.f32 v0, v24;
	v27 =	vsub.f32 v25, v26  }
0x15d: {  	v28 =	vld [tilespmem:$0x130]  }
0x15e: {  	v29 =	vld [tilespmem:$0x2B0];
	v3 =	vsub.f32 v3, v4;
	v0 =	vmul.f32 v0, v0;
	v1 =	vmul.f32 v27, v27;
	_ =	sdelay $0x1  }
0x15f: {  	v30 =	vmul.f32 v3, v3;
	v0 =	vadd.f32 v1, v0;
	_ =	sdelay $0x1  }
0x160: {  	v0 =	vadd.f32 v30, v0;
	_ =	sdelay $0x1  }
0x161: {  	[tilespmem:$0x1FAA0] =	vst v0  }
0x162: {  	v0 =	vld.idx.msk [tilespmem:v28+s20+$0x0], $0xffff  }
0x163: {  	v31 =	vld.idx.msk [tilespmem:v29+s20+$0x0], $0xffff  }
0x164: {  	v32 =	vld.idx.msk [tilespmem:v28+s22+$0x0], $0xffff  }
0x165: {  	v33 =	vld.idx.msk [tilespmem:v29+s22+$0x0], $0xffff  }
0x166: {  	v2 =	vld.idx.msk [tilespmem:v28+s23+$0x0], $0xffff  }
0x167: {  	v4 =	vld.idx.msk [tilespmem:v29+s23+$0x0], $0xffff;
	_ =	sdelay $0x2  }
0x168: {  	v0 =	vsub.f32 v0, v31;
	v34 =	vsub.f32 v32, v33  }
0x169: {  	v35 =	vld [tilespmem:$0x140]  }
0x16a: {  	v36 =	vld [tilespmem:$0x2C0];
	v2 =	vsub.f32 v2, v4;
	v0 =	vmul.f32 v0, v0;
	v1 =	vmul.f32 v34, v34;
	_ =	sdelay $0x1  }
0x16b: {  	v37 =	vmul.f32 v2, v2;
	v0 =	vadd.f32 v1, v0;
	_ =	sdelay $0x1  }
0x16c: {  	v0 =	vadd.f32 v37, v0;
	_ =	sdelay $0x1  }
0x16d: {  	[tilespmem:$0x1FAB0] =	vst v0  }
0x16e: {  	v0 =	vld.idx.msk [tilespmem:v35+s20+$0x0], $0xffff  }
0x16f: {  	v38 =	vld.idx.msk [tilespmem:v36+s20+$0x0], $0xffff  }
0x170: {  	v39 =	vld.idx.msk [tilespmem:v35+s22+$0x0], $0xffff  }
0x171: {  	v40 =	vld.idx.msk [tilespmem:v36+s22+$0x0], $0xffff  }
0x172: {  	v3 =	vld.idx.msk [tilespmem:v35+s23+$0x0], $0xffff  }
0x173: {  	v4 =	vld.idx.msk [tilespmem:v36+s23+$0x0], $0xffff;
	_ =	sdelay $0x2  }
0x174: {  	v0 =	vsub.f32 v0, v38;
	v41 =	vsub.f32 v39, v40  }
0x175: {  	v42 =	vld [tilespmem:$0x150]  }
0x176: {  	v43 =	vld [tilespmem:$0x2D0];
	v3 =	vsub.f32 v3, v4;
	v0 =	vmul.f32 v0, v0;
	v1 =	vmul.f32 v41, v41;
	_ =	sdelay $0x1  }
0x177: {  	v44 =	vmul.f32 v3, v3;
	v0 =	vadd.f32 v1, v0;
	_ =	sdelay $0x1  }
0x178: {  	v0 =	vadd.f32 v44, v0;
	_ =	sdelay $0x1  }
0x179: {  	[tilespmem:$0x1FAC0] =	vst v0  }
0x17a: {  	v0 =	vld.idx.msk [tilespmem:v42+s20+$0x0], $0xffff  }
0x17b: {  	v45 =	vld.idx.msk [tilespmem:v43+s20+$0x0], $0xffff  }
0x17c: {  	v46 =	vld.idx.msk [tilespmem:v42+s22+$0x0], $0xffff  }
0x17d: {  	v47 =	vld.idx.msk [tilespmem:v43+s22+$0x0], $0xffff  }
0x17e: {  	v2 =	vld.idx.msk [tilespmem:v42+s23+$0x0], $0xffff  }
0x17f: {  	v4 =	vld.idx.msk [tilespmem:v43+s23+$0x0], $0xffff;
	_ =	sdelay $0x2  }
0x180: {  	v0 =	vsub.f32 v0, v45;
	v48 =	vsub.f32 v46, v47  }
0x181: {  	v49 =	vld [tilespmem:$0x160]  }
0x182: {  	v50 =	vld [tilespmem:$0x2E0];
	v2 =	vsub.f32 v2, v4;
	v0 =	vmul.f32 v0, v0;
	v1 =	vmul.f32 v48, v48;
	_ =	sdelay $0x1  }
0x183: {  	v51 =	vmul.f32 v2, v2;
	v0 =	vadd.f32 v1, v0;
	_ =	sdelay $0x1  }
0x184: {  	v0 =	vadd.f32 v51, v0;
	_ =	sdelay $0x1  }
0x185: {  	[tilespmem:$0x1FAD0] =	vst v0  }
0x186: {  	v0 =	vld.idx.msk [tilespmem:v49+s20+$0x0], $0xffff  }
0x187: {  	v52 =	vld.idx.msk [tilespmem:v50+s20+$0x0], $0xffff  }
0x188: {  	v53 =	vld.idx.msk [tilespmem:v49+s22+$0x0], $0xffff  }
0x189: {  	v54 =	vld.idx.msk [tilespmem:v50+s22+$0x0], $0xffff  }
0x18a: {  	v3 =	vld.idx.msk [tilespmem:v49+s23+$0x0], $0xffff  }
0x18b: {  	v4 =	vld.idx.msk [tilespmem:v50+s23+$0x0], $0xffff;
	_ =	sdelay $0x2  }
0x18c: {  	v0 =	vsub.f32 v0, v52;
	v55 =	vsub.f32 v53, v54  }
0x18d: {  	v56 =	vld [tilespmem:$0x170]  }
0x18e: {  	v57 =	vld [tilespmem:$0x2F0];
	v3 =	vsub.f32 v3, v4;
	v0 =	vmul.f32 v0, v0;
	v1 =	vmul.f32 v55, v55;
	_ =	sdelay $0x1  }
0x18f: {  	v58 =	vmul.f32 v3, v3;
	v0 =	vadd.f32 v1, v0;
	_ =	sdelay $0x1  }
0x190: {  	v0 =	vadd.f32 v58, v0;
	_ =	sdelay $0x1  }
0x191: {  	[tilespmem:$0x1FAE0] =	vst v0  }
0x192: {  	v0 =	vld.idx.msk [tilespmem:v56+s20+$0x0], $0xffff  }
0x193: {  	v59 =	vld.idx.msk [tilespmem:v57+s20+$0x0], $0xffff  }
0x194: {  	v60 =	vld.idx.msk [tilespmem:v56+s22+$0x0], $0xffff  }
0x195: {  	v61 =	vld.idx.msk [tilespmem:v57+s22+$0x0], $0xffff  }
0x196: {  	v2 =	vld.idx.msk [tilespmem:v56+s23+$0x0], $0xffff  }
0x197: {  	v4 =	vld.idx.msk [tilespmem:v57+s23+$0x0], $0xffff;
	_ =	sdelay $0x2  }
0x198: {  	v0 =	vsub.f32 v0, v59;
	v62 =	vsub.f32 v60, v61;
	_ =	sdelay $0x1  }
0x199: {  	v2 =	vsub.f32 v2, v4;
	v0 =	vmul.f32 v0, v0;
	v1 =	vmul.f32 v62, v62;
	_ =	sdelay $0x1  }
0x19a: {  	v63 =	vmul.f32 v2, v2;
	v0 =	vadd.f32 v1, v0;
	_ =	sdelay $0x1  }
0x19b: {  	v0 =	vadd.f32 v63, v0;
	_ =	sdelay $0x1  }
0x19c: {  	[tilespmem:$0x1FAF0] =	vst v0  }
0x19d: {  	_ =	swait.ge [sflag:s14], $0x4000  }
0x19e: {  	[sflag:s14] =	ssyncset.done $0x0  }
0x19f: {  	[sflag:s14] =	ssyncadd.s32 $0xFFFFC000  }
0x1a0: {  	s17 =	sadd.s32 $0x60, s17;
	s5 =	sshll.u32 s5, $0xB;
	_ =	swait.ge [sflag:s14], $0x4000  }
0x1a1: {  	s5 =	sand.u32 $0x1FFFF800, s5;
	p0 =	sne.s32 s17, $0xA20;
	[sflag:s14] =	ssyncset.done $0x0  }
0x1a2: {  	s18 =	simm.s32 $0x4300;
	s12 =	sadd.s32 s10, s5;
	[sflag:s14] =	ssyncadd.s32 $0xFFFFC000  }
0x1a3: {  	[hbm4b:s12+s1] =	stream.linear.scatter [tilespmem:s18], [sflag:$0x5], $0x4000, $0x38;
	[tilespmem:$0x1FB00] =	vst v63  }
.Ltmp0:
0x1a4: {  	_ = 	snop;
	(pc) =	sbr.rel @p0 .LBB2_2-.Ltmp0, $4  }
0x1a5: {  	s16 =	sadd.s32 $0x30000, s16;
	s15 =	sadd.s32 $0x600, s15;
	s5 =	sadd.s32 s11, s5  }
0x1a6: {  	[hbm4b:s5+s1] =	stream.linear.scatter [tilespmem:s31], [sflag:$0x5], $0x4000, $0x38;
	[tilespmem:$0x1FB00] =	vst v63  }
0x1a7: {  	s26 =	simm.s32 $0x180;
	s18 =	rddreg [dreg:$0x3];
	s31 =	sadd.s32 s13, s7  }
0x1a8: {  	[hbm4b:s31+s1] =	stream.linear.scatter [tilespmem:s18], [sflag:$0x5], $0x80, $0x38;
	[tilespmem:$0x1FB00] =	vst v63  }
0x1a9: {  	s5 =	simm.s32 $0x3  }
0x1aa: {  	_ =	swait.ge [sflag:s5], $0x4000  }
0x1ab: {  	[sflag:s5] =	ssyncset.done $0x0  }
0x1ac: {  	[sflag:s5] =	ssyncadd.s32 $0xFFFFC000  }
0x1ad: {  	_ =	swait.ge [sflag:s5], $0x4000  }
0x1ae: {  	[sflag:s5] =	ssyncset.done $0x0  }
0x1af: {  	s7 =	rddreg [dreg:$0x7];
	[sflag:s5] =	ssyncadd.s32 $0xFFFFC000  }
0x1b0: {  	[hbm4b:s7+s1] =	stream.linear.scatter [tilespmem:s19], [sflag:$0x6], $0x4000, $0x38;
	[tilespmem:$0x1FB00] =	vst v63  }
0x1b1: {  	s12 =	rddreg [dreg:$0x8];
	s7 =	simm.s32 $0x14300  }
0x1b2: {  	[hbm4b:s12+s1] =	stream.linear.scatter [tilespmem:s7], [sflag:$0x6], $0x4000, $0x38;
	[tilespmem:$0x1FB00] =	vst v63  }
0x1b3: {  	s16 =	simm.s32 $0x1FA80;
	s17 =	simm.s32 $0x4;
	s15 =	rddreg [dreg:$0x9]  }
0x1b4: {  	[hbm4b:s15+s1] =	stream.linear.scatter [tilespmem:s16], [sflag:$0x6], $0x80, $0x38;
	[tilespmem:$0x1FB00] =	vst v63  }
0x1b5: {  	_ =	swait.ge [sflag:s17], $0x4000  }
0x1b6: {  	[sflag:s17] =	ssyncset.done $0x0  }
0x1b7: {  	[sflag:s17] =	ssyncadd.s32 $0xFFFFC000  }
0x1b8: {  	_ =	swait.ge [sflag:s17], $0x4000  }
0x1b9: {  	[sflag:s17] =	ssyncset.done $0x0  }
0x1ba: {  	[sflag:s17] =	ssyncadd.s32 $0xFFFFC000  }
0x1bb: {  	_ =	swait.ge [sflag:s17], $0x80  }
0x1bc: {  	[sflag:s17] =	ssyncset.done $0x0  }
0x1bd: {  	s18 =	simm.s32 $0x5;
	[sflag:s17] =	ssyncadd.s32 $0xFFFFFF80  }
0x1be: {  	_ =	swait.ge [sflag:s18], $0x4000  }
0x1bf: {  	[sflag:s18] =	ssyncset.done $0x0  }
0x1c0: {  	[sflag:s18] =	ssyncadd.s32 $0xFFFFC000  }
0x1c1: {  	_ =	swait.ge [sflag:s18], $0x4000  }
0x1c2: {  	[sflag:s18] =	ssyncset.done $0x0  }
0x1c3: {  	[sflag:s18] =	ssyncadd.s32 $0xFFFFC000  }
0x1c4: {  	_ =	swait.ge [sflag:s18], $0x80  }
0x1c5: {  	[sflag:s18] =	ssyncset.done $0x0  }
0x1c6: {  	s19 =	simm.s32 $0x6;
	[sflag:s18] =	ssyncadd.s32 $0xFFFFFF80  }
0x1c7: {  	_ =	swait.ge [sflag:s19], $0x4000  }
0x1c8: {  	[sflag:s19] =	ssyncset.done $0x0  }
0x1c9: {  	[sflag:s19] =	ssyncadd.s32 $0xFFFFC000  }
0x1ca: {  	_ =	swait.ge [sflag:s19], $0x4000  }
0x1cb: {  	[sflag:s19] =	ssyncset.done $0x0  }
0x1cc: {  	[sflag:s19] =	ssyncadd.s32 $0xFFFFC000  }
0x1cd: {  	_ =	swait.ge [sflag:s19], $0x80  }
0x1ce: {  	s12 =	rddreg [dreg:$0xd]  }
0x1cf: {  	s31 =	rddreg [dreg:$0xa];
	s12 =	sadd.s32 $0x1, s12  }
0x1d0: {  	p0 =	sne.s32 s12, s31  }
.Ltmp1:
0x1d1: {  	_ = 	snop;
	(pc) =	sbr.rel @p0 .LBB2_1-.Ltmp1, $3  }
0x1d2: {  	_ =	sdelay $0x1  }
0x1d3: {  	[sflag:s19] =	ssyncset.done $0x0  }
0x1d4: {  	[sflag:s19] =	ssyncadd.s32 $0xFFFFFF80  }
0x1d5: {  	_ =	sfence.sel $0x180000  }
0x1d6: {  	[bflag:$0x0] =	sbarrier.arrive $0xFFFF  }
0x1d7: {  	_ =	strace $0x90000047  }
0x1d8: {  	s0 =	stileid.u32;
	[bflag:$0x2] =	sbarrier.arrive $0xFFFF  }
0x1d9: {  	p0 =	sne.s32 s0, $0x0;
	s0 =	rddreg [dreg:$0x1]  }
0x1da: {  	s0 =	sadd.s32 @!p0 $0x100000, s0  }
0x1db: {  	[sflag:s0] =	ssyncadd.tile.s32 @!p0 $0x1;
	_ =	shalt  }
.Lfunc_end2:
_tile_overlayer_lowered:
.L_overlay_start_2:
0x1dc: {  	(tag) =	ssettag $0x2  }
0x1dd: {  	s0 =	rddreg [dreg:$0x0];
	s2 =	stileid.u32  }
0x1de: {  	s1 =	rddreg [dreg:$0x1];
	p0 =	sne.s32 s2, $0x0  }
0x1df: {  	s3 =	rddreg [dreg:$0x2];
	[bflag:$0x3] =	sbarrier.arrive $0xFFFF;
	s2 =	simm.s32 @!p0 $0x1C07  }
0x1e0: {  	[timem:s3], [sflag:s2] =	dma.local @!p0 [hbm:s0], s1  }
0x1e1: {  	s0 =	simm.s32 @!p0 $0x7  }
0x1e2: {  	_ =	swait.ge @!p0 [sflag:s0], s1  }
0x1e3: {  	s1 =	ssub.s32 @!p0 $0x0, s1;
	[sflag:s0] =	ssyncset.done @!p0 $0x0  }
0x1e4: {  	[sflag:s0] =	ssyncadd.s32 @!p0 s1  }
0x1e5: {  	[bflag:$0x3] =	sbarrier.arrive $0xFFFF  }
0x1e6: {  	_ =	shalt  }

// kernel: kernel.15.cloned.1.call-start
scs
__scs_entry_jumppad:
0x0: {  	(pc) =	sbr.rel $0x88, $3  }
0x1: {  	(tag) =	ssettag $0x0;
	lr =	simm.s32 $0x1  }
0x2: {  	[smem:$0x3F8F] =	sst lr;
	_ =	strace $0xD0000000  }
0x3: {  	_ = 	snop  }
0x4: {  	_ = 	snop  }
0x5: {  	_ = 	snop  }
0x6: {  	_ = 	snop  }
0x7: {  	_ = 	snop  }
__scs_overlays_trampoline_lowered:
0x8: {  	[smem:$0x3F9E] =	sst s0  }
0x9: {  	[smem:$0x3F9F] =	sst s1  }
0xa: {  	[smem:$0x3FA0] =	sst s2  }
0xb: {  	[smem:$0x3FA1] =	sst s3  }
0xc: {  	[smem:$0x3FA2] =	sst s4  }
0xd: {  	[smem:$0x3FA3] =	sst s5  }
0xe: {  	[smem:$0x3FA4] =	sst s6  }
0xf: {  	[smem:$0x3FA5] =	sst s7  }
0x10: {  	[smem:$0x3FA6] =	sst s8  }
0x11: {  	[smem:$0x3FA7] =	sst s9;
	s0 =	simm.s32 @!p0 $0x0  }
0x12: {  	s1 =	sld [smem:$0x3F8D];
	s0 =	simm.s32 @p0 $0x1  }
0x13: {  	[smem:$0x3FA8] =	sst s0;
	s0 =	simm.s32 @!p1 $0x0  }
0x14: {  	s2 =	sld [smem:$0x3F8C];
	s0 =	simm.s32 @p1 $0x1  }
0x15: {  	[smem:$0x3FA9] =	sst s0;
	s0 =	simm.s32 @!p2 $0x0  }
0x16: {  	s3 =	sld [smem:$0x3FDB];
	s0 =	simm.s32 @p2 $0x1  }
0x17: {  	s4 =	simm.s32 $0x1BF5;
	[smem:$0x3FAB] =	sst s0  }
0x18: {  	s0 =	sld [smem:$0x3F8E];
	_ =	swait.ge [sflag:s4], $0x0  }
0x19: {  	s7 =	sld [smem:$0x3F8F]  }
0x1a: {  	s8 =	sadd.s32 $0xFFFFE003, lr  }
0x1b: {  	s9 =	sadd.s32 $0xFFFFFEF7, lr;
	s5 =	simm.s32 $0xFFFFFFFF;
	p2 =	slt.u32 s8, $0xFFFFF086  }
0x1c: {  	p1 =	slt.u32 s9, $0xF7A;
	s5 =	simm.s32 @!p2 $0x0  }
0x1d: {  	s5 =	simm.s32 @p1 $0x1;
	p0 =	seq.s32 s7, s2  }
0x1e: {  	s7 =	smul.u32 @!p0 $0xF7A, s2;
	p2 =	seq.s32 @!p0 s5, $0x0  }
0x1f: {  	s9 =	smul.u32 $0xF7A, s1;
	s8 =	simm.s32 @!p0 $0x1BF5;
	p2 =	por !p2, p0  }
0x20: {  	[sflag:s8] =	ssyncset.s32 @!p0 $0xFFFFF086;
	s6 =	sadd.s32 @!p0 s3, s7;
	s7 =	simm.s32 @!p0 $0x108  }
0x21: {  	s3 =	sadd.s32 s3, s9;
	s6 =	sadd.s32 @!p0 $0x88, s6;
	s7 =	simm.s32 @p2 $0x1082  }
0x22: {  	[simem:s7], [sflag:s8] =	dma.local @!p0 [hbm:s6], $0xF7A  }
0x23: {  	s9 =	sor.u32 $0xD0000000, s2;
	s6 =	simm.s32 $0x108;
	_ =	swait.ge @!p0 [sflag:s8], $0x0  }
0x24: {  	s3 =	sadd.s32 $0x88, s3;
	s6 =	simm.s32 @!p1 $0x1082;
	[sflag:s4] =	ssyncset.s32 $0xFFFFF086  }
0x25: {  	[simem:s6], [sflag:s4] =	dma.local [hbm:s3], $0xF7A  }
0x26: {  	[smem:$0x3F8F] =	sst s1;
	(tag) =	ssettag s2;
	_ =	strace s9  }
0x27: {  	s1 =	sld [smem:$0x3F9F]  }
0x28: {  	s2 =	sld [smem:$0x3FA0]  }
0x29: {  	s4 =	sld [smem:$0x3FA2]  }
0x2a: {  	p0 =	seq.s32 s5, $0x0;
	s5 =	sld [smem:$0x3FA3]  }
0x2b: {  	s6 =	sld [smem:$0x3FA4]  }
0x2c: {  	s7 =	sld [smem:$0x3FA5]  }
0x2d: {  	s3 =	simm.s32 $0x108;
	s8 =	sld [smem:$0x3FA6]  }
0x2e: {  	s3 =	simm.s32 @!p0 $0x1082;
	s9 =	sld [smem:$0x3FA7]  }
0x2f: {  	lr =	sadd.s32 s0, s3;
	s0 =	sld [smem:$0x3F9E]  }
0x30: {  	s3 =	sld [smem:$0x3FA1]  }
0x31: {  	[smem:$0x3FAA] =	sst s10  }
0x32: {  	s10 =	sld [smem:$0x3FA8];
	_ =	sdelay $0x3  }
0x33: {  	p0 =	seq.s32 s10, $0x1;
	s10 =	sld [smem:$0x3FAA];
	_ =	sdelay $0x3  }
0x34: {  	[smem:$0x3FAA] =	sst s10  }
0x35: {  	s10 =	sld [smem:$0x3FA9];
	_ =	sdelay $0x3  }
0x36: {  	p1 =	seq.s32 s10, $0x1;
	s10 =	sld [smem:$0x3FAA];
	_ =	sdelay $0x3  }
0x37: {  	[smem:$0x3FAA] =	sst s10  }
0x38: {  	s10 =	sld [smem:$0x3FAB]  }
0x39: {  	_ = 	snop;
	(pc) =	sbr.ind lr, $3  }
0x3a: {  	_ = 	snop  }
0x3b: {  	_ = 	snop  }
0x3c: {  	p2 =	seq.s32 s10, $0x1;
	s10 =	sld [smem:$0x3FAA]  }
0x3d: {  	_ =	shalt  }
0x3e: {  	_ =	shalt  }
0x3f: {  	_ =	shalt  }
0x40: {  	_ =	shalt  }
0x41: {  	_ =	shalt  }
0x42: {  	_ =	shalt  }
0x43: {  	_ =	shalt  }
0x44: {  	_ =	shalt  }
0x45: {  	_ =	shalt  }
0x46: {  	_ =	shalt  }
0x47: {  	_ =	shalt  }
0x48: {  	_ =	shalt  }
0x49: {  	_ =	shalt  }
0x4a: {  	_ =	shalt  }
0x4b: {  	_ =	shalt  }
0x4c: {  	_ =	shalt  }
0x4d: {  	_ =	shalt  }
0x4e: {  	_ =	shalt  }
0x4f: {  	_ =	shalt  }
0x50: {  	_ =	shalt  }
0x51: {  	_ =	shalt  }
0x52: {  	_ =	shalt  }
0x53: {  	_ =	shalt  }
0x54: {  	_ =	shalt  }
0x55: {  	_ =	shalt  }
0x56: {  	_ =	shalt  }
0x57: {  	_ =	shalt  }
0x58: {  	_ =	shalt  }
0x59: {  	_ =	shalt  }
0x5a: {  	_ =	shalt  }
0x5b: {  	_ =	shalt  }
0x5c: {  	_ =	shalt  }
0x5d: {  	_ =	shalt  }
0x5e: {  	_ =	shalt  }
0x5f: {  	_ =	shalt  }
0x60: {  	_ =	shalt  }
0x61: {  	_ =	shalt  }
0x62: {  	_ =	shalt  }
0x63: {  	_ =	shalt  }
0x64: {  	_ =	shalt  }
0x65: {  	_ =	shalt  }
0x66: {  	_ =	shalt  }
0x67: {  	_ =	shalt  }
0x68: {  	_ =	shalt  }
0x69: {  	_ =	shalt  }
0x6a: {  	_ =	shalt  }
0x6b: {  	_ =	shalt  }
0x6c: {  	_ =	shalt  }
0x6d: {  	_ =	shalt  }
0x6e: {  	_ =	shalt  }
0x6f: {  	_ =	shalt  }
0x70: {  	_ =	shalt  }
0x71: {  	_ =	shalt  }
0x72: {  	_ =	shalt  }
0x73: {  	_ =	shalt  }
0x74: {  	_ =	shalt  }
0x75: {  	_ =	shalt  }
0x76: {  	_ =	shalt  }
0x77: {  	_ =	shalt  }
0x78: {  	_ =	shalt  }
0x79: {  	_ =	shalt  }
0x7a: {  	_ =	shalt  }
0x7b: {  	_ =	shalt  }
0x7c: {  	_ =	shalt  }
0x7d: {  	_ =	shalt  }
0x7e: {  	_ =	shalt  }
0x7f: {  	_ =	shalt  }
0x80: {  	_ =	shalt  }
0x81: {  	_ =	shalt  }
0x82: {  	_ =	shalt  }
0x83: {  	_ =	shalt  }
0x84: {  	_ =	shalt  }
0x85: {  	_ =	shalt  }
0x86: {  	_ =	shalt  }
0x87: {  	_ =	shalt  }
.Lfunc_end0:
.L_simem_size_0:
called_computation.1_lowered:
.L_overlay_start_0:
0x88: {  	s2 =	sld [smem:$0x3FD9]  }
0x89: {  	s3 =	sld [smem:$0x3FFE];
	_ =	sdelay $0x1  }
0x8a: {  	s1 =	srdreg.scid  }
0x8b: {  	s0 =	sand.u32 $0x1, s1  }
0x8c: {  	s16 =	sshll.u32 s0, $0xA;
	s2 =	sadd.s32 s3, s2  }
0x8d: {  	s2 =	sadd.s32 s2, s16  }
0x8e: {  	[smem:$0x3FB6] =	sst s2  }
0x8f: {  	_ = 	snop  }
0x90: {  	(tm) =	ssettm $0x1  }
0x91: {  	s17 =	sld [smem:$0x3FFB];
	_ =	sdelay $0x3  }
0x92: {  	_ =	strace s17  }
0x93: {  	s2 =	sld [smem:$0x3FFC];
	_ =	sdelay $0x3  }
0x94: {  	_ =	strace s2  }
0x95: {  	s2 =	sld [smem:$0x3FFD];
	_ =	sdelay $0x3  }
0x96: {  	_ =	strace s2  }
0x97: {  	_ =	strace $0x8FFFFFFF  }
0x98: {  	s18 =	sld [smem:$0x3FDB];
	_ =	sdelay $0x1  }
0x99: {  	s19 =	simm.s32 $_scs_section_size  }
0x9a: {  	s4 =	simm.s32 $_size__tile_overlayer_lowered;
	s5 =	simm.s32 $_tile_overlayer_lowered  }
0x9b: {  	s22 =	simm.s32 $0x1BFF;
	s21 =	sshll.u32 s5, $0x1;
	s2 =	sadd.s32 s19, s18  }
0x9c: {  	s6 =	simm.s32 $0x0;
	s20 =	sshll.u32 s4, $0x1;
	s4 =	sadd.s32 s21, s2  }
0x9d: {  	[timem:s6], [sflag:s22] =	dma.local [hbm:s4], s20  }
0x9e: {  	_ =	swait.ge [sflag:s22], s20  }
0x9f: {  	s3 =	ssub.s32 $0x0, s20;
	[sflag:s22] =	ssyncset.done $0x0  }
0xa0: {  	[sflag:s22] =	ssyncadd.s32 s3;
	_ =	sdelay $0x1  }
0xa1: {  	s23 =	simm.s32 $0x1B8B  }
0xa2: {  	_ =	swait.ge [sflag:s23], $0x1  }
0xa3: {  	[sflag:s23] =	ssyncset.done $0x0  }
0xa4: {  	s25 =	simm.s32 $0x1B8E;
	s24 =	sld [smem:$0x3FFE];
	[sflag:s23] =	ssyncadd.s32 $0xFFFFFFFF  }
0xa5: {  	s26 =	simm.s32 $execute0_lowered;
	[smem:$0x3FD2] =	sst s25  }
0xa6: {  	s4 =	sshll.u32 s26, $0x1;
	_ =	strace $0x80000049;
	[dreg:$0x1] =	wrdreg $0xFFFFFFFF  }
0xa7: {  	s28 =	simm.s32 $_size_execute0_lowered;
	s2 =	sadd.s32 s2, s4;
	[dreg:$0x0] =	wrdreg $0x0  }
0xa8: {  	s4 =	sshll.u32 s28, $0x1;
	[dreg:$0x2] =	wrdreg s2  }
0xa9: {  	[dreg:$0x3] =	wrdreg s4  }
0xaa: {  	[dreg:$0x4] =	wrdreg $0xC0  }
0xab: {  	_ =	task [dreg:s6], $0x5FFFF  }
0xac: {  	[dreg:$0x1] =	wrdreg $0xFFFFFFFF  }
0xad: {  	[dreg:$0x0] =	wrdreg $0x60  }
0xae: {  	[dreg:$0x2] =	wrdreg s24  }
0xaf: {  	[dreg:$0x3] =	wrdreg $0xC1800  }
0xb0: {  	[dreg:$0x4] =	wrdreg $0x9  }
0xb1: {  	_ =	task.clear_ibuf [dreg:s6], $0x5FFFF;
	_ =	strace $0x90000049  }
0xb2: {  	s29 =	simm.s32 $0x9;
	_ =	strace $0x8000004B  }
0xb3: {  	_ =	swait.ge [sflag:s29], $0x1  }
0xb4: {  	[sflag:s29] =	ssyncadd.s32 $0xFFFFFFFF  }
0xb5: {  	_ =	strace $0x9000004B  }
0xb6: {  	_ =	sfence  }
0xb7: {  	s30 =	sld [smem:$0x0];
	_ =	sdelay $0x2  }
0xb8: {  	s31 =	sshll.u32 s1, $0xD;
	s1 =	sshrl.u32 s1, $0x2  }
0xb9: {  	s3 =	sand.u32 $0x4000, s31;
	s1 =	sadd.s32 s1, s30  }
0xba: {  	s0 =	sor.u32 s3, s0;
	s1 =	sshll.u32 s1, $0x11  }
0xbb: {  	s0 =	sor.u32 s1, s0  }
0xbc: {  	s0 =	sadd.s32 $0x8F2B, s0  }
0xbd: {  	[sflag:s0] =	ssyncadd.remote.s32 $0x1  }
0xbe: {  	_ =	sfence.sel $0xFFFF  }
0xbf: {  	[dreg:$0x0] =	wrdreg $0xFFFFFFFF;
	(pc) =	sbr.abs _section_cstart, $3  }
0xc0: {  	[dreg:$0x1] =	wrdreg $0xFFFFFFFF  }
0xc1: {  	_ =	task.clear_ibuf [dreg:s6], $0x2FFFF;
	_ =	strace $0x9FFFFFFF  }
0xc2: {  	(tm) =	ssettm $0x7FFFFFFF  }
0xc3: {  	_ =	shalt  }
tec
execute0_lowered:
.L_overlay_start_1:
0x0: {  	(tag) =	ssettag $0x1  }
0x1: {  	s4 =	rddreg [dreg:$0x0];
	s0 =	srdreg.scid  }
0x2: {  	s2 =	rddreg [dreg:$0x1];
	s1 =	stileid.u32;
	s3 =	simm.s32 $0x0  }
0x3: {  	s5 =	sand.u32 $0x1, s0;
	s0 =	rddreg [dreg:$0x2];
	s7 =	smul.u32 $0x13C00, s1  }
0x4: {  	[smem:$0x7FF] =	sst s3;
	s12 =	sadd.s32 $0x12200, s4;
	s22 =	smul.u32 $0x4F000, s1  }
0x5: {  	s25 =	sshll.u32 s1, $0x6;
	s11 =	sshll.u32 s1, $0x7;
	s6 =	smul.u32 $0x271000, s5  }
0x6: {  	s26 =	sshll.u32 s1, $0xB;
	s8 =	smul.u32 $0x13C000, s5;
	_ =	strace $0x8000004A  }
0x7: {  	s10 =	ssub.s32 $0x2, s5;
	s24 =	smul.u32 $0x27100, s5;
	s5 =	sor.u32 $0x1C04, s25  }
0x8: {  	s21 =	sshrl.u32 s7, $0x3;
	s23 =	sshrl.u32 s10, $0x1;
	s9 =	sadd.s32 s6, s4  }
0x9: {  	s7 =	sadd.s32 s7, s8;
	s6 =	sadd.s32 s21, s4;
	s8 =	sshrl.u32 s22, $0x2  }
0xa: {  	s10 =	ssub.s32 s10, s23;
	s14 =	sadd.s32 s11, s24;
	s7 =	sshrl.u32 s7, $0x3  }
0xb: {  	s13 =	sadd.s32 s8, s2;
	s28 =	sadd.s32 $0x1000, s14;
	s8 =	sadd.s32 s26, s9  }
0xc: {  	s30 =	sadd.s32 $0x800, s14;
	s14 =	sshrl.u32 s14, $0x3;
	s7 =	sadd.s32 s7, s4  }
0xd: {  	s4 =	sadd.s32 $0xF1B800, s6;
	s29 =	sshrl.u32 s28, $0x3;
	s8 =	sadd.s32 $0x18DE200, s8  }
0xe: {  	s31 =	sshrl.u32 s30, $0x3;
	s13 =	sshrl.u32 s13, $0x3;
	s6 =	sadd.s32 $0xF43000, s7  }
0xf: {  	s7 =	smax.u32 s10, $0x1;
	s9 =	sadd.s32 s29, s12;
	s10 =	sor.u32 $0x20, s1  }
0x10: {  	s11 =	sadd.s32 s31, s12;
	s12 =	sadd.s32 s14, s12;
	s14 =	simm.s32 $0x4  }
.LBB2_1:
0x11: {  	[spmem:s13], [sflag:s5] =	dma.local [hbm:s4], $0x2780  }
0x12: {  	_ =	swait.ge [sflag:s14], $0x2780  }
0x13: {  	s15 =	sadd.s32 $0xFFFFFFE0, s10;
	[sflag:s14] =	ssyncset.done $0x0  }
0x14: {  	p1 =	sgt.u32 s15, $0x4E1;
	[sflag:s14] =	ssyncadd.s32 $0xFFFFD880  }
0x15: {  	s15 =	simm.s32 @!p1 $0x0;
	[bflag:$0x0] =	sbarrier.arrive $0xFFFF  }
0x16: {  	[tilespmem:s15], [sflag:$0x1] =	stream.linear.gather @!p1 [hbm4b:s12+s15], $0x80, $0x38;
	[tilespmem:$0x1FD80] =	vst v63  }
0x17: {  	p2 =	por $0x1, $0x1;
	s16 =	sadd.s32 @!p1 $0x0, s8;
	s17 =	simm.s32 @!p1 $0x180  }
0x18: {  	[tilespmem:s17], [sflag:$0x1] =	stream.linear.gather @!p1 [hbm4b:s16+s15], $0x4000, $0x38;
	[tilespmem:$0x1FD80] =	vst v63  }
0x19: {  	s16 =	simm.s32 @!p2 $0x3  }
0x1a: {  	_ =	swait.ge @!p2 [sflag:s16], $0x80  }
0x1b: {  	[sflag:s16] =	ssyncset.done @!p2 $0x0  }
0x1c: {  	[sflag:s16] =	ssyncadd.s32 @!p2 $0xFFFFFF80  }
0x1d: {  	s22 =	sadd.s32 $0xFFFFFFF0, s10;
	_ =	swait.ge @!p2 [sflag:s16], $0x4000  }
0x1e: {  	s18 =	simm.s32 @!p2 $0x8180;
	s19 =	simm.s32 @!p2 $0x80;
	[sflag:s16] =	ssyncset.done @!p2 $0x0  }
0x1f: {  	s20 =	simm.s32 @!p2 $0x100;
	s21 =	simm.s32 @!p2 $0x5;
	[sflag:s16] =	ssyncadd.s32 @!p2 $0xFFFFC000  }
0x20: {  	[spmem:s2] =	stream.indirect.scatter.add.f32 @!p2 [tilespmem:s18], [sflag:$0x5], $0x80, s20, s19, $0xb8;
	[tilespmem:$0x1FD80] =	vst v63  }
0x21: {  	p0 =	sgt.u32 s22, $0x4E1;
	_ =	swait.ge @!p2 [sflag:s21], $0x4000  }
0x22: {  	s22 =	simm.s32 @!p0 $0x80;
	[sflag:s21] =	ssyncset.done @!p2 $0x0  }
0x23: {  	s16 =	sadd.s32 @!p0 $0x0, s8;
	s18 =	simm.s32 @!p0 $0x0;
	[sflag:s21] =	ssyncadd.s32 @!p2 $0xFFFFC000  }
0x24: {  	[tilespmem:s22], [sflag:$0x2] =	stream.linear.gather @!p0 [hbm4b:s11+s18], $0x80, $0x38;
	[tilespmem:$0x1FD80] =	vst v63  }
0x25: {  	s16 =	sadd.s32 @!p0 $0x8000, s16;
	s19 =	simm.s32 @!p1 $0x1;
	s21 =	simm.s32 @!p0 $0x4180  }
0x26: {  	[tilespmem:s21], [sflag:$0x2] =	stream.linear.gather @!p0 [hbm4b:s16+s18], $0x4000, $0x38;
	[tilespmem:$0x1FD80] =	vst v63  }
0x27: {  	_ =	swait.ge @!p1 [sflag:s19], $0x80  }
0x28: {  	[sflag:s19] =	ssyncset.done @!p1 $0x0  }
0x29: {  	[sflag:s19] =	ssyncadd.s32 @!p1 $0xFFFFFF80  }
0x2a: {  	_ =	swait.ge @!p1 [sflag:s19], $0x4000  }
0x2b: {  	[sflag:s19] =	ssyncset.done @!p1 $0x0  }
0x2c: {  	s16 =	simm.s32 @!p1 $0x80;
	s18 =	simm.s32 @!p1 $0x5;
	[sflag:s19] =	ssyncadd.s32 @!p1 $0xFFFFC000  }
0x2d: {  	[spmem:s2] =	stream.indirect.scatter.add.f32 @!p1 [tilespmem:s17], [sflag:$0x5], $0x80, s15, s16, $0xb8;
	[tilespmem:$0x1FD80] =	vst v63  }
0x2e: {  	p2 =	sgt.u32 s10, $0x4E1;
	_ =	swait.ge @!p1 [sflag:s18], $0x4000  }
0x2f: {  	s15 =	simm.s32 @!p2 $0x0;
	[sflag:s18] =	ssyncset.done @!p1 $0x0  }
0x30: {  	s16 =	simm.s32 @!p2 $0x100;
	s17 =	sadd.s32 @!p2 $0x0, s8;
	[sflag:s18] =	ssyncadd.s32 @!p1 $0xFFFFC000  }
0x31: {  	[tilespmem:s16], [sflag:$0x3] =	stream.linear.gather @!p2 [hbm4b:s9+s15], $0x80, $0x38;
	[tilespmem:$0x1FD80] =	vst v63  }
0x32: {  	s23 =	simm.s32 @!p0 $0x2;
	s16 =	sadd.s32 @!p2 $0x10000, s17;
	s17 =	simm.s32 @!p2 $0x8180  }
0x33: {  	[tilespmem:s17], [sflag:$0x3] =	stream.linear.gather @!p2 [hbm4b:s16+s15], $0x4000, $0x38;
	[tilespmem:$0x1FD80] =	vst v63  }
0x34: {  	_ =	swait.ge @!p0 [sflag:s23], $0x80  }
0x35: {  	s25 =	simm.s32 @!p0 $0x4;
	[sflag:s23] =	ssyncset.done @!p0 $0x0  }
0x36: {  	s20 =	simm.s32 $0x30000;
	s19 =	sadd.s32 $0x300, s12;
	[sflag:s23] =	ssyncadd.s32 @!p0 $0xFFFFFF80  }
0x37: {  	s18 =	sadd.s32 $0x300, s11;
	s16 =	sadd.s32 $0x30, s10;
	_ =	swait.ge @!p0 [sflag:s23], $0x4000  }
0x38: {  	s15 =	simm.s32 $0x18000;
	s31 =	sadd.s32 $0xFFFFFFE0, s16;
	[sflag:s23] =	ssyncset.done @!p0 $0x0  }
0x39: {  	s17 =	sadd.s32 $0x300, s9;
	p1 =	sgt.u32 s31, $0x4E1;
	[sflag:s23] =	ssyncadd.s32 @!p0 $0xFFFFC000  }
.LBB2_2:
0x3a: {  	[spmem:s2] =	stream.indirect.scatter.add.f32 @!p0 [tilespmem:s21], [sflag:$0x4], $0x80, s22, s22, $0xb8;
	[tilespmem:$0x1FD80] =	vst v63  }
0x3b: {  	s23 =	smov.u32 s20  }
0x3c: {  	s20 =	sadd.s32 $0x18000, s20;
	s24 =	simm.s32 @!p1 $0x0;
	_ =	swait.ge @!p0 [sflag:s25], $0x4000  }
0x3d: {  	p2 =	sne.s32 s20, $0x288000;
	[sflag:s25] =	ssyncset.done @!p0 $0x0  }
0x3e: {  	[sflag:s25] =	ssyncadd.s32 @!p0 $0xFFFFC000  }
0x3f: {  	[tilespmem:s24], [sflag:$0x1] =	stream.linear.gather @!p1 [hbm4b:s19+s24], $0x80, $0x38;
	[tilespmem:$0x1FD80] =	vst v63  }
0x40: {  	s21 =	sadd.s32 @!p1 s15, s8;
	p3 =	seq.s32 s15, $0x0;
	s25 =	simm.s32 @!p1 $0x180  }
0x41: {  	[tilespmem:s25], [sflag:$0x1] =	stream.linear.gather @!p1 [hbm4b:s21+s24], $0x4000, $0x38;
	[tilespmem:$0x1FD80] =	vst v63  }
0x42: {  	s21 =	simm.s32 @!p3 $0x3  }
0x43: {  	_ =	swait.ge @!p3 [sflag:s21], $0x80  }
0x44: {  	s22 =	simm.s32 @!p3 $0x8180;
	[sflag:s21] =	ssyncset.done @!p3 $0x0  }
0x45: {  	s26 =	simm.s32 @!p3 $0x80;
	s28 =	simm.s32 @!p3 $0x100;
	[sflag:s21] =	ssyncadd.s32 @!p3 $0xFFFFFF80  }
0x46: {  	s30 =	sadd.s32 $0xFFFFFFF0, s16;
	s29 =	simm.s32 @!p3 $0x5;
	_ =	swait.ge @!p3 [sflag:s21], $0x4000  }
0x47: {  	p0 =	sgt.u32 s30, $0x4E1;
	[sflag:s21] =	ssyncset.done @!p3 $0x0  }
0x48: {  	[sflag:s21] =	ssyncadd.s32 @!p3 $0xFFFFC000  }
0x49: {  	[spmem:s2] =	stream.indirect.scatter.add.f32 @!p3 [tilespmem:s22], [sflag:$0x5], $0x80, s28, s26, $0xb8;
	[tilespmem:$0x1FD80] =	vst v63  }
0x4a: {  	s21 =	sadd.s32 @!p0 s15, s8;
	_ =	swait.ge @!p3 [sflag:s29], $0x4000  }
0x4b: {  	s26 =	sadd.s32 @!p0 $0x8000, s21;
	s21 =	simm.s32 @!p0 $0x4180;
	[sflag:s29] =	ssyncset.done @!p3 $0x0  }
0x4c: {  	s28 =	simm.s32 @!p0 $0x0;
	s22 =	simm.s32 @!p0 $0x80;
	[sflag:s29] =	ssyncadd.s32 @!p3 $0xFFFFC000  }
0x4d: {  	[tilespmem:s22], [sflag:$0x2] =	stream.linear.gather @!p0 [hbm4b:s18+s28], $0x80, $0x38;
	[tilespmem:$0x1FD80] =	vst v63  }
0x4e: {  	s29 =	simm.s32 @!p1 $0x1  }
0x4f: {  	[tilespmem:s21], [sflag:$0x2] =	stream.linear.gather @!p0 [hbm4b:s26+s28], $0x4000, $0x38;
	[tilespmem:$0x1FD80] =	vst v63  }
0x50: {  	_ =	swait.ge @!p1 [sflag:s29], $0x80  }
0x51: {  	[sflag:s29] =	ssyncset.done @!p1 $0x0  }
0x52: {  	s26 =	simm.s32 @!p1 $0x80;
	s28 =	simm.s32 @!p1 $0x5;
	[sflag:s29] =	ssyncadd.s32 @!p1 $0xFFFFFF80  }
0x53: {  	_ =	swait.ge @!p1 [sflag:s29], $0x4000  }
0x54: {  	[sflag:s29] =	ssyncset.done @!p1 $0x0  }
0x55: {  	[sflag:s29] =	ssyncadd.s32 @!p1 $0xFFFFC000  }
0x56: {  	[spmem:s2] =	stream.indirect.scatter.add.f32 @!p1 [tilespmem:s25], [sflag:$0x5], $0x80, s24, s26, $0xb8;
	[tilespmem:$0x1FD80] =	vst v63  }
0x57: {  	p3 =	sgt.u32 s16, $0x4E1;
	_ =	swait.ge @!p1 [sflag:s28], $0x4000  }
0x58: {  	s24 =	simm.s32 @!p3 $0x0;
	s25 =	simm.s32 @!p3 $0x100;
	[sflag:s28] =	ssyncset.done @!p1 $0x0  }
0x59: {  	s26 =	sadd.s32 @!p3 s15, s8;
	s15 =	smov.u32 s23;
	[sflag:s28] =	ssyncadd.s32 @!p1 $0xFFFFC000  }
0x5a: {  	[tilespmem:s25], [sflag:$0x3] =	stream.linear.gather @!p3 [hbm4b:s17+s24], $0x80, $0x38;
	[tilespmem:$0x1FD80] =	vst v63  }
0x5b: {  	s23 =	sadd.s32 @!p3 $0x10000, s26;
	s26 =	simm.s32 @!p0 $0x2;
	s25 =	simm.s32 @!p3 $0x8180  }
0x5c: {  	[tilespmem:s25], [sflag:$0x3] =	stream.linear.gather @!p3 [hbm4b:s23+s24], $0x4000, $0x38;
	[tilespmem:$0x1FD80] =	vst v63  }
0x5d: {  	_ =	swait.ge @!p0 [sflag:s26], $0x80  }
.Ltmp0:
0x5e: {  	[sflag:s26] =	ssyncset.done @!p0 $0x0;
	(pc) =	sbr.rel @p2 .LBB2_2-.Ltmp0, $4  }
0x5f: {  	s19 =	sadd.s32 $0x300, s19;
	[sflag:s26] =	ssyncadd.s32 @!p0 $0xFFFFFF80  }
0x60: {  	s16 =	sadd.s32 $0x30, s16;
	s18 =	sadd.s32 $0x300, s18;
	_ =	swait.ge @!p0 [sflag:s26], $0x4000  }
0x61: {  	s23 =	sadd.s32 $0xFFFFFFE0, s16;
	s25 =	simm.s32 @!p0 $0x4;
	[sflag:s26] =	ssyncset.done @!p0 $0x0  }
0x62: {  	s17 =	sadd.s32 $0x300, s17;
	p1 =	sgt.u32 s23, $0x4E1;
	[sflag:s26] =	ssyncadd.s32 @!p0 $0xFFFFC000  }
0x63: {  	[spmem:s2] =	stream.indirect.scatter.add.f32 @!p0 [tilespmem:s21], [sflag:$0x4], $0x80, s22, s22, $0xb8;
	[tilespmem:$0x1FD80] =	vst v63  }
0x64: {  	_ =	swait.ge @!p0 [sflag:s25], $0x4000  }
0x65: {  	[sflag:s25] =	ssyncset.done @!p0 $0x0  }
0x66: {  	s20 =	simm.s32 @!p1 $0x0;
	[sflag:s25] =	ssyncadd.s32 @!p0 $0xFFFFC000  }
0x67: {  	[tilespmem:s20], [sflag:$0x1] =	stream.linear.gather @!p1 [hbm4b:s19+s20], $0x80, $0x38;
	[tilespmem:$0x1FD80] =	vst v63  }
0x68: {  	s21 =	simm.s32 @!p1 $0x180;
	p2 =	seq.s32 s15, $0x0;
	s19 =	sadd.s32 @!p1 s15, s8  }
0x69: {  	[tilespmem:s21], [sflag:$0x1] =	stream.linear.gather @!p1 [hbm4b:s19+s20], $0x4000, $0x38;
	[tilespmem:$0x1FD80] =	vst v63  }
0x6a: {  	s19 =	simm.s32 @!p2 $0x3  }
0x6b: {  	_ =	swait.ge @!p2 [sflag:s19], $0x80  }
0x6c: {  	[sflag:s19] =	ssyncset.done @!p2 $0x0  }
0x6d: {  	[sflag:s19] =	ssyncadd.s32 @!p2 $0xFFFFFF80  }
0x6e: {  	s26 =	sadd.s32 $0xFFFFFFF0, s16;
	_ =	swait.ge @!p2 [sflag:s19], $0x4000  }
0x6f: {  	s22 =	simm.s32 @!p2 $0x8180;
	s23 =	simm.s32 @!p2 $0x80;
	[sflag:s19] =	ssyncset.done @!p2 $0x0  }
0x70: {  	s24 =	simm.s32 @!p2 $0x100;
	s25 =	simm.s32 @!p2 $0x5;
	[sflag:s19] =	ssyncadd.s32 @!p2 $0xFFFFC000  }
0x71: {  	[spmem:s2] =	stream.indirect.scatter.add.f32 @!p2 [tilespmem:s22], [sflag:$0x5], $0x80, s24, s23, $0xb8;
	[tilespmem:$0x1FD80] =	vst v63  }
0x72: {  	p0 =	sgt.u32 s26, $0x4E1;
	_ =	swait.ge @!p2 [sflag:s25], $0x4000  }
0x73: {  	s19 =	sadd.s32 @!p0 s15, s8;
	[sflag:s25] =	ssyncset.done @!p2 $0x0  }
0x74: {  	s22 =	simm.s32 @!p0 $0x0;
	s23 =	simm.s32 @!p0 $0x80;
	[sflag:s25] =	ssyncadd.s32 @!p2 $0xFFFFC000  }
0x75: {  	[tilespmem:s23], [sflag:$0x2] =	stream.linear.gather @!p0 [hbm4b:s18+s22], $0x80, $0x38;
	[tilespmem:$0x1FD80] =	vst v63  }
0x76: {  	s24 =	simm.s32 @!p1 $0x1;
	s18 =	sadd.s32 @!p0 $0x8000, s19;
	s19 =	simm.s32 @!p0 $0x4180  }
0x77: {  	[tilespmem:s19], [sflag:$0x2] =	stream.linear.gather @!p0 [hbm4b:s18+s22], $0x4000, $0x38;
	[tilespmem:$0x1FD80] =	vst v63  }
0x78: {  	_ =	swait.ge @!p1 [sflag:s24], $0x80  }
0x79: {  	[sflag:s24] =	ssyncset.done @!p1 $0x0  }
0x7a: {  	[sflag:s24] =	ssyncadd.s32 @!p1 $0xFFFFFF80  }
0x7b: {  	_ =	swait.ge @!p1 [sflag:s24], $0x4000  }
0x7c: {  	[sflag:s24] =	ssyncset.done @!p1 $0x0  }
0x7d: {  	s18 =	simm.s32 @!p1 $0x80;
	s22 =	simm.s32 @!p1 $0x5;
	[sflag:s24] =	ssyncadd.s32 @!p1 $0xFFFFC000  }
0x7e: {  	[spmem:s2] =	stream.indirect.scatter.add.f32 @!p1 [tilespmem:s21], [sflag:$0x5], $0x80, s20, s18, $0xb8;
	[tilespmem:$0x1FD80] =	vst v63  }
0x7f: {  	p2 =	sgt.u32 s16, $0x4E1;
	_ =	swait.ge @!p1 [sflag:s22], $0x4000  }
0x80: {  	s16 =	simm.s32 @!p2 $0x0;
	[sflag:s22] =	ssyncset.done @!p1 $0x0  }
0x81: {  	s15 =	sadd.s32 @!p2 s15, s8;
	s18 =	simm.s32 @!p2 $0x100;
	[sflag:s22] =	ssyncadd.s32 @!p1 $0xFFFFC000  }
0x82: {  	[tilespmem:s18], [sflag:$0x3] =	stream.linear.gather @!p2 [hbm4b:s17+s16], $0x80, $0x38;
	[tilespmem:$0x1FD80] =	vst v63  }
0x83: {  	s15 =	sadd.s32 @!p2 $0x10000, s15;
	s17 =	simm.s32 @!p2 $0x8180;
	s18 =	simm.s32 @!p0 $0x2  }
0x84: {  	[tilespmem:s17], [sflag:$0x3] =	stream.linear.gather @!p2 [hbm4b:s15+s16], $0x4000, $0x38;
	[tilespmem:$0x1FD80] =	vst v63  }
0x85: {  	_ =	swait.ge @!p0 [sflag:s18], $0x80  }
0x86: {  	[sflag:s18] =	ssyncset.done @!p0 $0x0  }
0x87: {  	[sflag:s18] =	ssyncadd.s32 @!p0 $0xFFFFFF80  }
0x88: {  	_ =	swait.ge @!p0 [sflag:s18], $0x4000  }
0x89: {  	[sflag:s18] =	ssyncset.done @!p0 $0x0  }
0x8a: {  	s15 =	simm.s32 @!p0 $0x4;
	[sflag:s18] =	ssyncadd.s32 @!p0 $0xFFFFC000  }
0x8b: {  	[spmem:s2] =	stream.indirect.scatter.add.f32 @!p0 [tilespmem:s19], [sflag:$0x4], $0x80, s23, s23, $0xb8;
	[tilespmem:$0x1FD80] =	vst v63  }
0x8c: {  	_ =	swait.ge @!p0 [sflag:s15], $0x4000  }
0x8d: {  	s3 =	sadd.s32 $0x1, s3;
	[sflag:s15] =	ssyncset.done @!p0 $0x0  }
0x8e: {  	[sflag:s15] =	ssyncadd.s32 @!p0 $0xFFFFC000;
	p0 =	sne.s32 s3, s7  }
.Ltmp1:
0x8f: {  	[bflag:$0x0] =	sbarrier.arrive $0xFFFF;
	(pc) =	sbr.rel @p0 .LBB2_1-.Ltmp1, $4  }
0x90: {  	[hbm:s6], [sflag:s5] =	dma.local [spmem:s13], $0x2780  }
0x91: {  	_ =	swait.ge [sflag:s14], $0x2780  }
0x92: {  	[sflag:s14] =	ssyncset.done $0x0  }
0x93: {  	[sflag:s14] =	ssyncadd.s32 $0xFFFFD880  }
0x94: {  	_ =	sfence.sel $0x180000  }
0x95: {  	[bflag:$0x0] =	sbarrier.arrive $0xFFFF  }
0x96: {  	p0 =	sne.s32 s1, $0x0;
	_ =	strace $0x9000004A  }
0x97: {  	s0 =	sadd.s32 @!p0 $0x100000, s0;
	[bflag:$0x2] =	sbarrier.arrive $0xFFFF  }
0x98: {  	[sflag:s0] =	ssyncadd.tile.s32 @!p0 $0x1;
	_ =	shalt  }
.Lfunc_end2:
_tile_overlayer_lowered:
.L_overlay_start_2:
0x99: {  	(tag) =	ssettag $0x2  }
0x9a: {  	s0 =	rddreg [dreg:$0x0];
	s2 =	stileid.u32  }
0x9b: {  	s1 =	rddreg [dreg:$0x1];
	p0 =	sne.s32 s2, $0x0  }
0x9c: {  	s3 =	rddreg [dreg:$0x2];
	[bflag:$0x3] =	sbarrier.arrive $0xFFFF;
	s2 =	simm.s32 @!p0 $0x1C04  }
0x9d: {  	[timem:s3], [sflag:s2] =	dma.local @!p0 [hbm:s0], s1  }
0x9e: {  	s0 =	simm.s32 @!p0 $0x4  }
0x9f: {  	_ =	swait.ge @!p0 [sflag:s0], s1  }
0xa0: {  	s1 =	ssub.s32 @!p0 $0x0, s1;
	[sflag:s0] =	ssyncset.done @!p0 $0x0  }
0xa1: {  	[sflag:s0] =	ssyncadd.s32 @!p0 s1  }
0xa2: {  	[bflag:$0x3] =	sbarrier.arrive $0xFFFF  }
0xa3: {  	_ =	shalt  }

// kernel: kernel.18.cloned.1.call-start
scs
__scs_entry_jumppad:
0x0: {  	(pc) =	sbr.rel $0x88, $3  }
0x1: {  	(tag) =	ssettag $0x0;
	lr =	simm.s32 $0x1  }
0x2: {  	[smem:$0x3F8F] =	sst lr;
	_ =	strace $0xD0000000  }
0x3: {  	_ = 	snop  }
0x4: {  	_ = 	snop  }
0x5: {  	_ = 	snop  }
0x6: {  	_ = 	snop  }
0x7: {  	_ = 	snop  }
__scs_overlays_trampoline_lowered:
0x8: {  	[smem:$0x3F9E] =	sst s0  }
0x9: {  	[smem:$0x3F9F] =	sst s1  }
0xa: {  	[smem:$0x3FA0] =	sst s2  }
0xb: {  	[smem:$0x3FA1] =	sst s3  }
0xc: {  	[smem:$0x3FA2] =	sst s4  }
0xd: {  	[smem:$0x3FA3] =	sst s5  }
0xe: {  	[smem:$0x3FA4] =	sst s6  }
0xf: {  	[smem:$0x3FA5] =	sst s7  }
0x10: {  	[smem:$0x3FA6] =	sst s8  }
0x11: {  	[smem:$0x3FA7] =	sst s9;
	s0 =	simm.s32 @!p0 $0x0  }
0x12: {  	s1 =	sld [smem:$0x3F8D];
	s0 =	simm.s32 @p0 $0x1  }
0x13: {  	[smem:$0x3FA8] =	sst s0;
	s0 =	simm.s32 @!p1 $0x0  }
0x14: {  	s2 =	sld [smem:$0x3F8C];
	s0 =	simm.s32 @p1 $0x1  }
0x15: {  	[smem:$0x3FA9] =	sst s0;
	s0 =	simm.s32 @!p2 $0x0  }
0x16: {  	s3 =	sld [smem:$0x3FDB];
	s0 =	simm.s32 @p2 $0x1  }
0x17: {  	s4 =	simm.s32 $0x1BF5;
	[smem:$0x3FAB] =	sst s0  }
0x18: {  	s0 =	sld [smem:$0x3F8E];
	_ =	swait.ge [sflag:s4], $0x0  }
0x19: {  	s7 =	sld [smem:$0x3F8F]  }
0x1a: {  	s8 =	sadd.s32 $0xFFFFE003, lr  }
0x1b: {  	s9 =	sadd.s32 $0xFFFFFEF7, lr;
	s5 =	simm.s32 $0xFFFFFFFF;
	p2 =	slt.u32 s8, $0xFFFFF086  }
0x1c: {  	p1 =	slt.u32 s9, $0xF7A;
	s5 =	simm.s32 @!p2 $0x0  }
0x1d: {  	s5 =	simm.s32 @p1 $0x1;
	p0 =	seq.s32 s7, s2  }
0x1e: {  	s7 =	smul.u32 @!p0 $0xF7A, s2;
	p2 =	seq.s32 @!p0 s5, $0x0  }
0x1f: {  	s9 =	smul.u32 $0xF7A, s1;
	s8 =	simm.s32 @!p0 $0x1BF5;
	p2 =	por !p2, p0  }
0x20: {  	[sflag:s8] =	ssyncset.s32 @!p0 $0xFFFFF086;
	s6 =	sadd.s32 @!p0 s3, s7;
	s7 =	simm.s32 @!p0 $0x108  }
0x21: {  	s3 =	sadd.s32 s3, s9;
	s6 =	sadd.s32 @!p0 $0x88, s6;
	s7 =	simm.s32 @p2 $0x1082  }
0x22: {  	[simem:s7], [sflag:s8] =	dma.local @!p0 [hbm:s6], $0xF7A  }
0x23: {  	s9 =	sor.u32 $0xD0000000, s2;
	s6 =	simm.s32 $0x108;
	_ =	swait.ge @!p0 [sflag:s8], $0x0  }
0x24: {  	s3 =	sadd.s32 $0x88, s3;
	s6 =	simm.s32 @!p1 $0x1082;
	[sflag:s4] =	ssyncset.s32 $0xFFFFF086  }
0x25: {  	[simem:s6], [sflag:s4] =	dma.local [hbm:s3], $0xF7A  }
0x26: {  	[smem:$0x3F8F] =	sst s1;
	(tag) =	ssettag s2;
	_ =	strace s9  }
0x27: {  	s1 =	sld [smem:$0x3F9F]  }
0x28: {  	s2 =	sld [smem:$0x3FA0]  }
0x29: {  	s4 =	sld [smem:$0x3FA2]  }
0x2a: {  	p0 =	seq.s32 s5, $0x0;
	s5 =	sld [smem:$0x3FA3]  }
0x2b: {  	s6 =	sld [smem:$0x3FA4]  }
0x2c: {  	s7 =	sld [smem:$0x3FA5]  }
0x2d: {  	s3 =	simm.s32 $0x108;
	s8 =	sld [smem:$0x3FA6]  }
0x2e: {  	s3 =	simm.s32 @!p0 $0x1082;
	s9 =	sld [smem:$0x3FA7]  }
0x2f: {  	lr =	sadd.s32 s0, s3;
	s0 =	sld [smem:$0x3F9E]  }
0x30: {  	s3 =	sld [smem:$0x3FA1]  }
0x31: {  	[smem:$0x3FAA] =	sst s10  }
0x32: {  	s10 =	sld [smem:$0x3FA8];
	_ =	sdelay $0x3  }
0x33: {  	p0 =	seq.s32 s10, $0x1;
	s10 =	sld [smem:$0x3FAA];
	_ =	sdelay $0x3  }
0x34: {  	[smem:$0x3FAA] =	sst s10  }
0x35: {  	s10 =	sld [smem:$0x3FA9];
	_ =	sdelay $0x3  }
0x36: {  	p1 =	seq.s32 s10, $0x1;
	s10 =	sld [smem:$0x3FAA];
	_ =	sdelay $0x3  }
0x37: {  	[smem:$0x3FAA] =	sst s10  }
0x38: {  	s10 =	sld [smem:$0x3FAB]  }
0x39: {  	_ = 	snop;
	(pc) =	sbr.ind lr, $3  }
0x3a: {  	_ = 	snop  }
0x3b: {  	_ = 	snop  }
0x3c: {  	p2 =	seq.s32 s10, $0x1;
	s10 =	sld [smem:$0x3FAA]  }
0x3d: {  	_ =	shalt  }
0x3e: {  	_ =	shalt  }
0x3f: {  	_ =	shalt  }
0x40: {  	_ =	shalt  }
0x41: {  	_ =	shalt  }
0x42: {  	_ =	shalt  }
0x43: {  	_ =	shalt  }
0x44: {  	_ =	shalt  }
0x45: {  	_ =	shalt  }
0x46: {  	_ =	shalt  }
0x47: {  	_ =	shalt  }
0x48: {  	_ =	shalt  }
0x49: {  	_ =	shalt  }
0x4a: {  	_ =	shalt  }
0x4b: {  	_ =	shalt  }
0x4c: {  	_ =	shalt  }
0x4d: {  	_ =	shalt  }
0x4e: {  	_ =	shalt  }
0x4f: {  	_ =	shalt  }
0x50: {  	_ =	shalt  }
0x51: {  	_ =	shalt  }
0x52: {  	_ =	shalt  }
0x53: {  	_ =	shalt  }
0x54: {  	_ =	shalt  }
0x55: {  	_ =	shalt  }
0x56: {  	_ =	shalt  }
0x57: {  	_ =	shalt  }
0x58: {  	_ =	shalt  }
0x59: {  	_ =	shalt  }
0x5a: {  	_ =	shalt  }
0x5b: {  	_ =	shalt  }
0x5c: {  	_ =	shalt  }
0x5d: {  	_ =	shalt  }
0x5e: {  	_ =	shalt  }
0x5f: {  	_ =	shalt  }
0x60: {  	_ =	shalt  }
0x61: {  	_ =	shalt  }
0x62: {  	_ =	shalt  }
0x63: {  	_ =	shalt  }
0x64: {  	_ =	shalt  }
0x65: {  	_ =	shalt  }
0x66: {  	_ =	shalt  }
0x67: {  	_ =	shalt  }
0x68: {  	_ =	shalt  }
0x69: {  	_ =	shalt  }
0x6a: {  	_ =	shalt  }
0x6b: {  	_ =	shalt  }
0x6c: {  	_ =	shalt  }
0x6d: {  	_ =	shalt  }
0x6e: {  	_ =	shalt  }
0x6f: {  	_ =	shalt  }
0x70: {  	_ =	shalt  }
0x71: {  	_ =	shalt  }
0x72: {  	_ =	shalt  }
0x73: {  	_ =	shalt  }
0x74: {  	_ =	shalt  }
0x75: {  	_ =	shalt  }
0x76: {  	_ =	shalt  }
0x77: {  	_ =	shalt  }
0x78: {  	_ =	shalt  }
0x79: {  	_ =	shalt  }
0x7a: {  	_ =	shalt  }
0x7b: {  	_ =	shalt  }
0x7c: {  	_ =	shalt  }
0x7d: {  	_ =	shalt  }
0x7e: {  	_ =	shalt  }
0x7f: {  	_ =	shalt  }
0x80: {  	_ =	shalt  }
0x81: {  	_ =	shalt  }
0x82: {  	_ =	shalt  }
0x83: {  	_ =	shalt  }
0x84: {  	_ =	shalt  }
0x85: {  	_ =	shalt  }
0x86: {  	_ =	shalt  }
0x87: {  	_ =	shalt  }
.Lfunc_end0:
.L_simem_size_0:
called_computation.2_lowered:
.L_overlay_start_0:
0x88: {  	s2 =	sld [smem:$0x3FD9]  }
0x89: {  	s3 =	sld [smem:$0x3FFE];
	_ =	sdelay $0x1  }
0x8a: {  	s1 =	srdreg.scid  }
0x8b: {  	s0 =	sand.u32 $0x1, s1  }
0x8c: {  	s16 =	sshll.u32 s0, $0xA;
	s2 =	sadd.s32 s3, s2  }
0x8d: {  	s2 =	sadd.s32 s2, s16  }
0x8e: {  	[smem:$0x3FB6] =	sst s2  }
0x8f: {  	_ = 	snop  }
0x90: {  	(tm) =	ssettm $0x1  }
0x91: {  	s17 =	sld [smem:$0x3FFB];
	_ =	sdelay $0x3  }
0x92: {  	_ =	strace s17  }
0x93: {  	s2 =	sld [smem:$0x3FFC];
	_ =	sdelay $0x3  }
0x94: {  	_ =	strace s2  }
0x95: {  	s2 =	sld [smem:$0x3FFD];
	_ =	sdelay $0x3  }
0x96: {  	_ =	strace s2  }
0x97: {  	_ =	strace $0x8FFFFFFF  }
0x98: {  	s18 =	sld [smem:$0x3FDB];
	_ =	sdelay $0x1  }
0x99: {  	s19 =	simm.s32 $_scs_section_size  }
0x9a: {  	s4 =	simm.s32 $_size__tile_overlayer_lowered;
	s5 =	simm.s32 $_tile_overlayer_lowered  }
0x9b: {  	s22 =	simm.s32 $0x1BFF;
	s21 =	sshll.u32 s5, $0x1;
	s2 =	sadd.s32 s19, s18  }
0x9c: {  	s6 =	simm.s32 $0x0;
	s20 =	sshll.u32 s4, $0x1;
	s4 =	sadd.s32 s21, s2  }
0x9d: {  	[timem:s6], [sflag:s22] =	dma.local [hbm:s4], s20  }
0x9e: {  	_ =	swait.ge [sflag:s22], s20  }
0x9f: {  	s3 =	ssub.s32 $0x0, s20;
	[sflag:s22] =	ssyncset.done $0x0  }
0xa0: {  	[sflag:s22] =	ssyncadd.s32 s3;
	_ =	sdelay $0x1  }
0xa1: {  	s23 =	simm.s32 $0x1B8B  }
0xa2: {  	_ =	swait.ge [sflag:s23], $0x1  }
0xa3: {  	[sflag:s23] =	ssyncset.done $0x0  }
0xa4: {  	s25 =	simm.s32 $0x1B8E;
	s24 =	sld [smem:$0x3FFE];
	[sflag:s23] =	ssyncadd.s32 $0xFFFFFFFF  }
0xa5: {  	s26 =	simm.s32 $execute0_lowered;
	[smem:$0x3FD2] =	sst s25  }
0xa6: {  	s4 =	sshll.u32 s26, $0x1;
	_ =	strace $0x8000004C;
	[dreg:$0x1] =	wrdreg $0xFFFFFFFF  }
0xa7: {  	s28 =	simm.s32 $_size_execute0_lowered;
	s2 =	sadd.s32 s2, s4;
	[dreg:$0x0] =	wrdreg $0x0  }
0xa8: {  	s4 =	sshll.u32 s28, $0x1;
	[dreg:$0x2] =	wrdreg s2  }
0xa9: {  	[dreg:$0x3] =	wrdreg s4  }
0xaa: {  	[dreg:$0x4] =	wrdreg $0xC0  }
0xab: {  	_ =	task [dreg:s6], $0x5FFFF  }
0xac: {  	[dreg:$0x1] =	wrdreg $0xFFFFFFFF  }
0xad: {  	[dreg:$0x0] =	wrdreg $0x60  }
0xae: {  	[dreg:$0x2] =	wrdreg s24  }
0xaf: {  	[dreg:$0x3] =	wrdreg $0x9  }
0xb0: {  	_ =	task.clear_ibuf [dreg:s6], $0x4FFFF;
	_ =	strace $0x9000004C  }
0xb1: {  	s29 =	simm.s32 $0x9;
	_ =	strace $0x8000004E  }
0xb2: {  	_ =	swait.ge [sflag:s29], $0x1  }
0xb3: {  	[sflag:s29] =	ssyncadd.s32 $0xFFFFFFFF  }
0xb4: {  	_ =	strace $0x9000004E  }
0xb5: {  	_ =	sfence  }
0xb6: {  	s30 =	sld [smem:$0x0];
	_ =	sdelay $0x2  }
0xb7: {  	s31 =	sshll.u32 s1, $0xD;
	s1 =	sshrl.u32 s1, $0x2  }
0xb8: {  	s3 =	sand.u32 $0x4000, s31;
	s1 =	sadd.s32 s1, s30  }
0xb9: {  	s0 =	sor.u32 s3, s0;
	s1 =	sshll.u32 s1, $0x11  }
0xba: {  	s0 =	sor.u32 s1, s0  }
0xbb: {  	s0 =	sadd.s32 $0x8F2B, s0  }
0xbc: {  	[sflag:s0] =	ssyncadd.remote.s32 $0x1  }
0xbd: {  	_ =	sfence.sel $0xFFFF  }
0xbe: {  	[dreg:$0x0] =	wrdreg $0xFFFFFFFF;
	(pc) =	sbr.abs _section_cstart, $3  }
0xbf: {  	[dreg:$0x1] =	wrdreg $0xFFFFFFFF  }
0xc0: {  	_ =	task.clear_ibuf [dreg:s6], $0x2FFFF;
	_ =	strace $0x9FFFFFFF  }
0xc1: {  	(tm) =	ssettm $0x7FFFFFFF  }
tec
execute0_lowered:
.L_overlay_start_1:
0x0: {  	(tag) =	ssettag $0x1  }
0x1: {  	s0 =	rddreg [dreg:$0x0];
	s1 =	simm.s32 $0x0  }
0x2: {  	s2 =	srdreg.scid;
	s7 =	stileid.u32;
	s14 =	simm.s32 $0x7  }
0x3: {  	s16 =	simm.s32 $0x80;
	s18 =	simm.s32 $0x10300;
	s22 =	simm.s32 $0x1  }
0x4: {  	s24 =	simm.s32 $0x280;
	s20 =	simm.s32 $0x8300;
	s21 =	simm.s32 $0x14300  }
0x5: {  	s28 =	simm.s32 $0x2;
	[smem:$0x7FF] =	sst s1;
	s3 =	sadd.s32 $0xF43000, s0  }
0x6: {  	s4 =	sadd.s32 $0xF6A200, s0;
	s2 =	sand.u32 $0x1, s2;
	s8 =	sshll.u32 s7, $0x1  }
0x7: {  	s5 =	sadd.s32 $0x12200, s0;
	s6 =	sadd.s32 $0x8400, s0;
	s26 =	sor.u32 s2, s8  }
0x8: {  	s7 =	sadd.s32 $0x1C000, s0;
	s10 =	ssub.s32 $0x2, s2;
	s2 =	sshll.u32 s26, $0xB  }
0x9: {  	s9 =	sadd.s32 $0x4FE000, s0;
	_ =	strace $0x8000004D;
	s29 =	sadd.s32 s7, s2  }
0xa: {  	s25 =	sshrl.u32 s10, $0x1;
	s30 =	sadd.s32 s9, s2;
	[dreg:$0x2] =	wrdreg s29  }
0xb: {  	s0 =	ssub.s32 s10, s25;
	s31 =	sor.u32 $0xFFFF0000, s2;
	[dreg:$0x3] =	wrdreg s30  }
0xc: {  	s23 =	simm.s32 $0x10300;
	s0 =	smax.u32 s0, $0x1;
	[dreg:$0x5] =	wrdreg s31  }
0xd: {  	s19 =	simm.s32 $0xC300;
	s8 =	simm.s32 $0x0;
	[dreg:$0x4] =	wrdreg s0  }
.LBB2_1:
0xe: {  	p0 =	por $0x1, $0x1  }
0xf: {  	[dreg:$0x6] =	wrdreg s8;
	s10 =	simm.s32 @!p0 $0x4  }
0x10: {  	s0 =	sadd.s32 $0x0, s26;
	_ =	swait.ge @!p0 [sflag:s10], $0x4000  }
0x11: {  	s2 =	smov.u32 s26;
	p1 =	slt.u32 s0, $0x9C4;
	[sflag:s10] =	ssyncset.done @!p0 $0x0  }
0x12: {  	s2 =	smov.u32 @p1 s0;
	[sflag:s10] =	ssyncadd.s32 @!p0 $0xFFFFC000  }
0x13: {  	s11 =	sshll.u32 s2, $0x4;
	_ =	swait.ge @!p0 [sflag:s10], $0x4000  }
0x14: {  	s11 =	sand.u32 $0x1FFFFFF0, s11;
	[sflag:s10] =	ssyncset.done @!p0 $0x0  }
0x15: {  	s15 =	sadd.s32 s5, s11;
	[sflag:s10] =	ssyncadd.s32 @!p0 $0xFFFFC000  }
0x16: {  	[tilespmem:s1], [sflag:$0x7] =	stream.linear.gather [hbm4b:s15+s1], $0x80, $0x38;
	[tilespmem:$0x18300] =	vst v63  }
0x17: {  	_ =	swait.ge [sflag:s14], $0x80  }
0x18: {  	[sflag:s14] =	ssyncset.done $0x0  }
0x19: {  	s25 =	simm.s32 $0x180;
	s17 =	sadd.s32 s6, s11;
	[sflag:s14] =	ssyncadd.s32 $0xFFFFFF80  }
0x1a: {  	[tilespmem:s25], [sflag:$0x7] =	stream.linear.gather [hbm4b:s17+s1], $0x80, $0x38;
	[tilespmem:$0x18300] =	vst v63  }
0x1b: {  	_ =	swait.ge [sflag:s14], $0x80  }
0x1c: {  	[sflag:s14] =	ssyncset.done $0x0  }
0x1d: {  	s15 =	simm.s32 $0x300;
	[sflag:s14] =	ssyncadd.s32 $0xFFFFFF80  }
0x1e: {  	[tilespmem:s15], [sflag:$0x1] =	stream.indirect.gather [hbm4b:s3+s16], $0x80, s1, s16, $0xb8;
	[tilespmem:$0x18300] =	vst v63  }
0x1f: {  	s10 =	simm.s32 @!p0 $0x3;
	s17 =	simm.s32 $0xC300  }
0x20: {  	[tilespmem:s17], [sflag:$0x1] =	stream.indirect.gather [hbm4b:s4+s16], $0x80, s25, s16, $0xb8;
	[tilespmem:$0x18300] =	vst v63  }
0x21: {  	_ =	swait.ge @!p0 [sflag:s10], $0x4000  }
0x22: {  	[sflag:s10] =	ssyncset.done @!p0 $0x0  }
0x23: {  	[sflag:s10] =	ssyncadd.s32 @!p0 $0xFFFFC000  }
0x24: {  	s8 =	rddreg [dreg:$0x5];
	_ =	swait.ge @!p0 [sflag:s10], $0x4000  }
0x25: {  	s13 =	simm.s32 @!p0 $0x8300;
	s11 =	sand.u32 @!p0 $0x1FFFF800, s8;
	[sflag:s10] =	ssyncset.done @!p0 $0x0  }
0x26: {  	s12 =	sadd.s32 @!p0 s7, s11;
	[sflag:s10] =	ssyncadd.s32 @!p0 $0xFFFFC000;
	s10 =	simm.s32 @!p0 $0x0  }
0x27: {  	[hbm4b:s12+s10] =	stream.linear.scatter @!p0 [tilespmem:s13], [sflag:$0x6], $0x4000, $0x38;
	[tilespmem:$0x18300] =	vst v63  }
0x28: {  	s11 =	sadd.s32 @!p0 s9, s11;
	s12 =	simm.s32 @!p0 $0x14300  }
0x29: {  	[hbm4b:s11+s10] =	stream.linear.scatter @!p0 [tilespmem:s12], [sflag:$0x6], $0x4000, $0x38;
	[tilespmem:$0x18300] =	vst v63  }
0x2a: {  	s10 =	simm.s32 @!p0 $0x5  }
0x2b: {  	s11 =	sadd.s32 $0x20, s0;
	_ =	swait.ge @!p0 [sflag:s10], $0x4000  }
0x2c: {  	s12 =	smov.u32 s26;
	p1 =	slt.u32 s11, $0x9C4;
	[sflag:s10] =	ssyncset.done @!p0 $0x0  }
0x2d: {  	s12 =	smov.u32 @p1 s11;
	[sflag:s10] =	ssyncadd.s32 @!p0 $0xFFFFC000  }
0x2e: {  	s11 =	sshll.u32 s12, $0x4;
	_ =	swait.ge @!p0 [sflag:s10], $0x4000  }
0x2f: {  	s11 =	sand.u32 $0x1FFFFFF0, s11;
	[sflag:s10] =	ssyncset.done @!p0 $0x0  }
0x30: {  	s29 =	sadd.s32 s5, s11;
	[sflag:s10] =	ssyncadd.s32 @!p0 $0xFFFFC000  }
0x31: {  	[tilespmem:s16], [sflag:$0x7] =	stream.linear.gather [hbm4b:s29+s1], $0x80, $0x38;
	[tilespmem:$0x18300] =	vst v63  }
0x32: {  	_ =	swait.ge [sflag:s14], $0x80  }
0x33: {  	[sflag:s14] =	ssyncset.done $0x0  }
0x34: {  	s31 =	simm.s32 $0x200;
	s30 =	sadd.s32 s6, s11;
	[sflag:s14] =	ssyncadd.s32 $0xFFFFFF80  }
0x35: {  	[tilespmem:s31], [sflag:$0x7] =	stream.linear.gather [hbm4b:s30+s1], $0x80, $0x38;
	[tilespmem:$0x18300] =	vst v63  }
0x36: {  	_ =	swait.ge [sflag:s14], $0x80  }
0x37: {  	[sflag:s14] =	ssyncset.done $0x0  }
0x38: {  	s13 =	simm.s32 $0x4300;
	[sflag:s14] =	ssyncadd.s32 $0xFFFFFF80  }
0x39: {  	[tilespmem:s13], [sflag:$0x2] =	stream.indirect.gather [hbm4b:s3+s16], $0x80, s16, s16, $0xb8;
	[tilespmem:$0x18300] =	vst v63  }
0x3a: {  	_ = 	snop  }
0x3b: {  	[tilespmem:s18], [sflag:$0x2] =	stream.indirect.gather [hbm4b:s4+s16], $0x80, s31, s16, $0xb8;
	[tilespmem:$0x18300] =	vst v63  }
0x3c: {  	_ =	swait.ge [sflag:s22], $0x4000  }
0x3d: {  	[sflag:s22] =	ssyncset.done $0x0  }
0x3e: {  	[sflag:s22] =	ssyncadd.s32 $0xFFFFC000  }
0x3f: {  	s2 =	sshll.u32 s2, $0xB;
	_ =	swait.ge [sflag:s22], $0x4000  }
0x40: {  	s2 =	sand.u32 $0x1FFFF800, s2;
	[sflag:s22] =	ssyncset.done $0x0  }
0x41: {  	s18 =	sadd.s32 s7, s2;
	[sflag:s22] =	ssyncadd.s32 $0xFFFFC000  }
0x42: {  	[hbm4b:s18+s1] =	stream.linear.scatter [tilespmem:s15], [sflag:$0x4], $0x4000, $0x38;
	[tilespmem:$0x18300] =	vst v63  }
0x43: {  	s10 =	simm.s32 @!p0 $0x6;
	s2 =	sadd.s32 s9, s2  }
0x44: {  	[hbm4b:s2+s1] =	stream.linear.scatter [tilespmem:s17], [sflag:$0x4], $0x4000, $0x38;
	[tilespmem:$0x18300] =	vst v63  }
0x45: {  	s0 =	sadd.s32 $0x40, s0;
	_ =	swait.ge @!p0 [sflag:s10], $0x4000  }
0x46: {  	p1 =	slt.u32 s0, $0x9C4;
	s2 =	smov.u32 s26;
	[sflag:s10] =	ssyncset.done @!p0 $0x0  }
0x47: {  	s2 =	smov.u32 @p1 s0;
	[sflag:s10] =	ssyncadd.s32 @!p0 $0xFFFFC000  }
0x48: {  	s0 =	sshll.u32 s2, $0x4;
	_ =	swait.ge @!p0 [sflag:s10], $0x4000  }
0x49: {  	s0 =	sand.u32 $0x1FFFFFF0, s0;
	[sflag:s10] =	ssyncset.done @!p0 $0x0  }
0x4a: {  	s29 =	simm.s32 $0x100;
	s25 =	sadd.s32 s5, s0;
	[sflag:s10] =	ssyncadd.s32 @!p0 $0xFFFFC000  }
0x4b: {  	[tilespmem:s29], [sflag:$0x7] =	stream.linear.gather [hbm4b:s25+s1], $0x80, $0x38;
	[tilespmem:$0x18300] =	vst v63  }
0x4c: {  	_ =	swait.ge [sflag:s14], $0x80  }
0x4d: {  	[sflag:s14] =	ssyncset.done $0x0  }
0x4e: {  	s0 =	sadd.s32 s6, s0;
	[sflag:s14] =	ssyncadd.s32 $0xFFFFFF80  }
0x4f: {  	[tilespmem:s24], [sflag:$0x7] =	stream.linear.gather [hbm4b:s0+s1], $0x80, $0x38;
	[tilespmem:$0x18300] =	vst v63  }
0x50: {  	_ =	swait.ge [sflag:s14], $0x80  }
0x51: {  	[sflag:s14] =	ssyncset.done $0x0  }
0x52: {  	[sflag:s14] =	ssyncadd.s32 $0xFFFFFF80  }
0x53: {  	[tilespmem:s20], [sflag:$0x3] =	stream.indirect.gather [hbm4b:s3+s16], $0x80, s29, s16, $0xb8;
	[tilespmem:$0x18300] =	vst v63  }
0x54: {  	_ = 	snop  }
0x55: {  	[tilespmem:s21], [sflag:$0x3] =	stream.indirect.gather [hbm4b:s4+s16], $0x80, s24, s16, $0xb8;
	[tilespmem:$0x18300] =	vst v63  }
0x56: {  	_ =	swait.ge [sflag:s28], $0x4000  }
0x57: {  	[sflag:s28] =	ssyncset.done $0x0  }
0x58: {  	[sflag:s28] =	ssyncadd.s32 $0xFFFFC000  }
0x59: {  	s30 =	sshll.u32 s12, $0xB;
	_ =	swait.ge [sflag:s28], $0x4000  }
0x5a: {  	s11 =	simm.s32 $0xC0;
	s0 =	sand.u32 $0x1FFFF800, s30;
	[sflag:s28] =	ssyncset.done $0x0  }
0x5b: {  	s12 =	simm.s32 $0x60;
	s31 =	sadd.s32 s7, s0;
	[sflag:s28] =	ssyncadd.s32 $0xFFFFC000  }
0x5c: {  	[hbm4b:s31+s1] =	stream.linear.scatter [tilespmem:s13], [sflag:$0x5], $0x4000, $0x38;
	[tilespmem:$0x18300] =	vst v63  }
0x5d: {  	s10 =	sadd.s32 $0x30000, s8;
	p0 =	por $0x0, $0x0;
	s13 =	sadd.s32 s9, s0  }
.LBB2_2:
0x5e: {  	s0 =	simm.s32 @!p0 $0x4  }
0x5f: {  	s29 =	sand.u32 @!p0 $0x1FFFF800, s10;
	s25 =	smov.u32 s11;
	s11 =	sadd.s32 $0x60, s11  }
0x60: {  	s12 =	sadd.s32 s12, s26;
	s30 =	smov.u32 s26;
	s8 =	smov.u32 s26  }
0x61: {  	[hbm4b:s13+s1] =	stream.linear.scatter [tilespmem:s23], [sflag:$0x5], $0x4000, $0x38;
	[tilespmem:$0x18300] =	vst v63  }
0x62: {  	s17 =	simm.s32 $0x180;
	s2 =	sadd.s32 @!p0 s7, s29;
	_ =	swait.ge @!p0 [sflag:s0], $0x4000  }
0x63: {  	p1 =	slt.u32 s12, $0x9C4;
	s13 =	sadd.s32 $0x20, s12;
	[sflag:s0] =	ssyncset.done @!p0 $0x0  }
0x64: {  	s30 =	smov.u32 @p1 s12;
	p1 =	slt.u32 s13, $0x9C4;
	[sflag:s0] =	ssyncadd.s32 @!p0 $0xFFFFC000  }
0x65: {  	s31 =	sshll.u32 s30, $0x4;
	s8 =	smov.u32 @p1 s13;
	_ =	swait.ge @!p0 [sflag:s0], $0x4000  }
0x66: {  	s13 =	sand.u32 $0x1FFFFFF0, s31;
	s31 =	sshll.u32 s8, $0x4;
	[sflag:s0] =	ssyncset.done @!p0 $0x0  }
0x67: {  	s15 =	sadd.s32 s5, s13;
	[sflag:s0] =	ssyncadd.s32 @!p0 $0xFFFFC000;
	s0 =	sand.u32 $0x1FFFFFF0, s31  }
0x68: {  	[tilespmem:s1], [sflag:$0x7] =	stream.linear.gather [hbm4b:s15+s1], $0x80, $0x38;
	[tilespmem:$0x18300] =	vst v63  }
0x69: {  	s15 =	sadd.s32 @!p0 s9, s29;
	s29 =	sshll.u32 s30, $0xB;
	_ =	swait.ge [sflag:s14], $0x80  }
0x6a: {  	s12 =	sadd.s32 $0x40, s12;
	s31 =	sand.u32 $0x1FFFF800, s29;
	[sflag:s14] =	ssyncset.done $0x0  }
0x6b: {  	p1 =	slt.u32 s12, $0x9C4;
	s13 =	sadd.s32 s6, s13;
	[sflag:s14] =	ssyncadd.s32 $0xFFFFFF80  }
0x6c: {  	[tilespmem:s17], [sflag:$0x7] =	stream.linear.gather [hbm4b:s13+s1], $0x80, $0x38;
	[tilespmem:$0x18300] =	vst v63  }
0x6d: {  	s18 =	simm.s32 $0x300;
	s13 =	smov.u32 s26  }
0x6e: {  	s8 =	sshll.u32 s8, $0xB;
	_ =	swait.ge [sflag:s14], $0x80;
	s13 =	smov.u32 @p1 s12  }
0x6f: {  	s29 =	sand.u32 $0x1FFFF800, s8;
	[sflag:s14] =	ssyncset.done $0x0;
	s12 =	sshll.u32 s13, $0x4  }
0x70: {  	s13 =	sadd.s32 s9, s29;
	[sflag:s14] =	ssyncadd.s32 $0xFFFFFF80;
	s30 =	sand.u32 $0x1FFFFFF0, s12  }
0x71: {  	[tilespmem:s18], [sflag:$0x1] =	stream.indirect.gather [hbm4b:s3+s16], $0x80, s1, s16, $0xb8;
	[tilespmem:$0x18300] =	vst v63  }
0x72: {  	s8 =	simm.s32 @!p0 $0x3;
	p1 =	sne.s32 s11, $0xA20;
	s12 =	smov.u32 s25  }
0x73: {  	[tilespmem:s19], [sflag:$0x1] =	stream.indirect.gather [hbm4b:s4+s16], $0x80, s17, s16, $0xb8;
	[tilespmem:$0x18300] =	vst v63  }
0x74: {  	_ =	swait.ge @!p0 [sflag:s8], $0x4000  }
0x75: {  	[sflag:s8] =	ssyncset.done @!p0 $0x0  }
0x76: {  	[sflag:s8] =	ssyncadd.s32 @!p0 $0xFFFFC000  }
0x77: {  	_ =	swait.ge @!p0 [sflag:s8], $0x4000  }
0x78: {  	[sflag:s8] =	ssyncset.done @!p0 $0x0  }
0x79: {  	s25 =	simm.s32 @!p0 $0x8300;
	[sflag:s8] =	ssyncadd.s32 @!p0 $0xFFFFC000;
	s8 =	simm.s32 @!p0 $0x0  }
0x7a: {  	[hbm4b:s2+s8] =	stream.linear.scatter @!p0 [tilespmem:s25], [sflag:$0x6], $0x4000, $0x38;
	[tilespmem:$0x18300] =	vst v63  }
0x7b: {  	s2 =	simm.s32 @!p0 $0x14300;
	s25 =	simm.s32 @!p0 $0x5  }
0x7c: {  	[hbm4b:s15+s8] =	stream.linear.scatter @!p0 [tilespmem:s2], [sflag:$0x6], $0x4000, $0x38;
	[tilespmem:$0x18300] =	vst v63  }
0x7d: {  	_ =	swait.ge @!p0 [sflag:s25], $0x4000  }
0x7e: {  	[sflag:s25] =	ssyncset.done @!p0 $0x0  }
0x7f: {  	[sflag:s25] =	ssyncadd.s32 @!p0 $0xFFFFC000  }
0x80: {  	_ =	swait.ge @!p0 [sflag:s25], $0x4000  }
0x81: {  	[sflag:s25] =	ssyncset.done @!p0 $0x0  }
0x82: {  	s2 =	sadd.s32 s5, s0;
	[sflag:s25] =	ssyncadd.s32 @!p0 $0xFFFFC000  }
0x83: {  	[tilespmem:s16], [sflag:$0x7] =	stream.linear.gather [hbm4b:s2+s1], $0x80, $0x38;
	[tilespmem:$0x18300] =	vst v63  }
0x84: {  	_ =	swait.ge [sflag:s14], $0x80  }
0x85: {  	[sflag:s14] =	ssyncset.done $0x0  }
0x86: {  	s0 =	sadd.s32 s6, s0;
	s2 =	simm.s32 $0x200;
	[sflag:s14] =	ssyncadd.s32 $0xFFFFFF80  }
0x87: {  	[tilespmem:s2], [sflag:$0x7] =	stream.linear.gather [hbm4b:s0+s1], $0x80, $0x38;
	[tilespmem:$0x18300] =	vst v63  }
0x88: {  	_ =	swait.ge [sflag:s14], $0x80  }
0x89: {  	[sflag:s14] =	ssyncset.done $0x0  }
0x8a: {  	s8 =	simm.s32 $0x4300;
	[sflag:s14] =	ssyncadd.s32 $0xFFFFFF80  }
0x8b: {  	[tilespmem:s8], [sflag:$0x2] =	stream.indirect.gather [hbm4b:s3+s16], $0x80, s16, s16, $0xb8;
	[tilespmem:$0x18300] =	vst v63  }
0x8c: {  	_ = 	snop  }
0x8d: {  	[tilespmem:s23], [sflag:$0x2] =	stream.indirect.gather [hbm4b:s4+s16], $0x80, s2, s16, $0xb8;
	[tilespmem:$0x18300] =	vst v63  }
0x8e: {  	_ =	swait.ge [sflag:s22], $0x4000  }
0x8f: {  	[sflag:s22] =	ssyncset.done $0x0  }
0x90: {  	[sflag:s22] =	ssyncadd.s32 $0xFFFFC000  }
0x91: {  	_ =	swait.ge [sflag:s22], $0x4000  }
0x92: {  	[sflag:s22] =	ssyncset.done $0x0  }
0x93: {  	s0 =	sadd.s32 s7, s31;
	[sflag:s22] =	ssyncadd.s32 $0xFFFFC000  }
0x94: {  	[hbm4b:s0+s1] =	stream.linear.scatter [tilespmem:s18], [sflag:$0x4], $0x4000, $0x38;
	[tilespmem:$0x18300] =	vst v63  }
0x95: {  	s2 =	simm.s32 @!p0 $0x6;
	s0 =	sadd.s32 s9, s31  }
0x96: {  	[hbm4b:s0+s1] =	stream.linear.scatter [tilespmem:s19], [sflag:$0x4], $0x4000, $0x38;
	[tilespmem:$0x18300] =	vst v63  }
0x97: {  	_ =	swait.ge @!p0 [sflag:s2], $0x4000  }
0x98: {  	[sflag:s2] =	ssyncset.done @!p0 $0x0  }
0x99: {  	[sflag:s2] =	ssyncadd.s32 @!p0 $0xFFFFC000  }
0x9a: {  	_ =	swait.ge @!p0 [sflag:s2], $0x4000  }
0x9b: {  	[sflag:s2] =	ssyncset.done @!p0 $0x0  }
0x9c: {  	s0 =	sadd.s32 s5, s30;
	[sflag:s2] =	ssyncadd.s32 @!p0 $0xFFFFC000;
	s2 =	simm.s32 $0x100  }
0x9d: {  	[tilespmem:s2], [sflag:$0x7] =	stream.linear.gather [hbm4b:s0+s1], $0x80, $0x38;
	[tilespmem:$0x18300] =	vst v63  }
0x9e: {  	_ =	swait.ge [sflag:s14], $0x80  }
0x9f: {  	[sflag:s14] =	ssyncset.done $0x0  }
0xa0: {  	s0 =	sadd.s32 s6, s30;
	[sflag:s14] =	ssyncadd.s32 $0xFFFFFF80  }
0xa1: {  	[tilespmem:s24], [sflag:$0x7] =	stream.linear.gather [hbm4b:s0+s1], $0x80, $0x38;
	[tilespmem:$0x18300] =	vst v63  }
0xa2: {  	_ =	swait.ge [sflag:s14], $0x80  }
0xa3: {  	[sflag:s14] =	ssyncset.done $0x0  }
0xa4: {  	[sflag:s14] =	ssyncadd.s32 $0xFFFFFF80  }
0xa5: {  	[tilespmem:s20], [sflag:$0x3] =	stream.indirect.gather [hbm4b:s3+s16], $0x80, s2, s16, $0xb8;
	[tilespmem:$0x18300] =	vst v63  }
0xa6: {  	_ = 	snop  }
0xa7: {  	[tilespmem:s21], [sflag:$0x3] =	stream.indirect.gather [hbm4b:s4+s16], $0x80, s24, s16, $0xb8;
	[tilespmem:$0x18300] =	vst v63  }
0xa8: {  	_ =	swait.ge [sflag:s28], $0x4000  }
0xa9: {  	[sflag:s28] =	ssyncset.done $0x0  }
.Ltmp0:
0xaa: {  	[sflag:s28] =	ssyncadd.s32 $0xFFFFC000;
	(pc) =	sbr.rel @p1 .LBB2_2-.Ltmp0, $4  }
0xab: {  	_ =	swait.ge [sflag:s28], $0x4000  }
0xac: {  	s10 =	sadd.s32 $0x30000, s10;
	[sflag:s28] =	ssyncset.done $0x0  }
0xad: {  	p0 =	seq.s32 s12, $0x0;
	s0 =	sadd.s32 s7, s29;
	[sflag:s28] =	ssyncadd.s32 $0xFFFFC000  }
0xae: {  	[hbm4b:s0+s1] =	stream.linear.scatter [tilespmem:s8], [sflag:$0x5], $0x4000, $0x38;
	[tilespmem:$0x18300] =	vst v63  }
0xaf: {  	s8 =	simm.s32 @!p0 $0x4;
	s17 =	simm.s32 $0x10300  }
0xb0: {  	[hbm4b:s13+s1] =	stream.linear.scatter [tilespmem:s17], [sflag:$0x5], $0x4000, $0x38;
	[tilespmem:$0x18300] =	vst v63  }
0xb1: {  	s0 =	sadd.s32 s12, s26;
	_ =	swait.ge @!p0 [sflag:s8], $0x4000  }
0xb2: {  	s2 =	smov.u32 s26;
	p1 =	slt.u32 s0, $0x9C4;
	[sflag:s8] =	ssyncset.done @!p0 $0x0  }
0xb3: {  	s2 =	smov.u32 @p1 s0;
	[sflag:s8] =	ssyncadd.s32 @!p0 $0xFFFFC000  }
0xb4: {  	s11 =	sshll.u32 s2, $0x4;
	_ =	swait.ge @!p0 [sflag:s8], $0x4000  }
0xb5: {  	s11 =	sand.u32 $0x1FFFFFF0, s11;
	[sflag:s8] =	ssyncset.done @!p0 $0x0  }
0xb6: {  	s21 =	sadd.s32 s5, s11;
	[sflag:s8] =	ssyncadd.s32 @!p0 $0xFFFFC000  }
0xb7: {  	[tilespmem:s1], [sflag:$0x7] =	stream.linear.gather [hbm4b:s21+s1], $0x80, $0x38;
	[tilespmem:$0x18300] =	vst v63  }
0xb8: {  	_ =	swait.ge [sflag:s14], $0x80  }
0xb9: {  	[sflag:s14] =	ssyncset.done $0x0  }
0xba: {  	s29 =	simm.s32 $0x180;
	s25 =	sadd.s32 s6, s11;
	[sflag:s14] =	ssyncadd.s32 $0xFFFFFF80  }
0xbb: {  	[tilespmem:s29], [sflag:$0x7] =	stream.linear.gather [hbm4b:s25+s1], $0x80, $0x38;
	[tilespmem:$0x18300] =	vst v63  }
0xbc: {  	_ =	swait.ge [sflag:s14], $0x80  }
0xbd: {  	[sflag:s14] =	ssyncset.done $0x0  }
0xbe: {  	s30 =	simm.s32 $0x300;
	[sflag:s14] =	ssyncadd.s32 $0xFFFFFF80  }
0xbf: {  	[tilespmem:s30], [sflag:$0x1] =	stream.indirect.gather [hbm4b:s3+s16], $0x80, s1, s16, $0xb8;
	[tilespmem:$0x18300] =	vst v63  }
0xc0: {  	s15 =	simm.s32 $0xC300;
	s8 =	simm.s32 @!p0 $0x3  }
0xc1: {  	[tilespmem:s15], [sflag:$0x1] =	stream.indirect.gather [hbm4b:s4+s16], $0x80, s29, s16, $0xb8;
	[tilespmem:$0x18300] =	vst v63  }
0xc2: {  	_ =	swait.ge @!p0 [sflag:s8], $0x4000  }
0xc3: {  	[sflag:s8] =	ssyncset.done @!p0 $0x0  }
0xc4: {  	[sflag:s8] =	ssyncadd.s32 @!p0 $0xFFFFC000  }
0xc5: {  	_ =	swait.ge @!p0 [sflag:s8], $0x4000  }
0xc6: {  	s10 =	sand.u32 @!p0 $0x1FFFF800, s10;
	s12 =	simm.s32 @!p0 $0x8300;
	[sflag:s8] =	ssyncset.done @!p0 $0x0  }
0xc7: {  	s11 =	sadd.s32 @!p0 s7, s10;
	[sflag:s8] =	ssyncadd.s32 @!p0 $0xFFFFC000;
	s8 =	simm.s32 @!p0 $0x0  }
0xc8: {  	[hbm4b:s11+s8] =	stream.linear.scatter @!p0 [tilespmem:s12], [sflag:$0x6], $0x4000, $0x38;
	[tilespmem:$0x18300] =	vst v63  }
0xc9: {  	s10 =	sadd.s32 @!p0 s9, s10;
	s11 =	simm.s32 @!p0 $0x14300  }
0xca: {  	[hbm4b:s10+s8] =	stream.linear.scatter @!p0 [tilespmem:s11], [sflag:$0x6], $0x4000, $0x38;
	[tilespmem:$0x18300] =	vst v63  }
0xcb: {  	s8 =	simm.s32 @!p0 $0x5  }
0xcc: {  	s10 =	sadd.s32 $0x20, s0;
	_ =	swait.ge @!p0 [sflag:s8], $0x4000  }
0xcd: {  	s11 =	smov.u32 s26;
	p1 =	slt.u32 s10, $0x9C4;
	[sflag:s8] =	ssyncset.done @!p0 $0x0  }
0xce: {  	s11 =	smov.u32 @p1 s10;
	[sflag:s8] =	ssyncadd.s32 @!p0 $0xFFFFC000  }
0xcf: {  	s10 =	sshll.u32 s11, $0x4;
	_ =	swait.ge @!p0 [sflag:s8], $0x4000  }
0xd0: {  	s10 =	sand.u32 $0x1FFFFFF0, s10;
	[sflag:s8] =	ssyncset.done @!p0 $0x0  }
0xd1: {  	s31 =	sadd.s32 s5, s10;
	[sflag:s8] =	ssyncadd.s32 @!p0 $0xFFFFC000  }
0xd2: {  	[tilespmem:s16], [sflag:$0x7] =	stream.linear.gather [hbm4b:s31+s1], $0x80, $0x38;
	[tilespmem:$0x18300] =	vst v63  }
0xd3: {  	_ =	swait.ge [sflag:s14], $0x80  }
0xd4: {  	[sflag:s14] =	ssyncset.done $0x0  }
0xd5: {  	s18 =	simm.s32 $0x200;
	s12 =	sadd.s32 s6, s10;
	[sflag:s14] =	ssyncadd.s32 $0xFFFFFF80  }
0xd6: {  	[tilespmem:s18], [sflag:$0x7] =	stream.linear.gather [hbm4b:s12+s1], $0x80, $0x38;
	[tilespmem:$0x18300] =	vst v63  }
0xd7: {  	_ =	swait.ge [sflag:s14], $0x80  }
0xd8: {  	[sflag:s14] =	ssyncset.done $0x0  }
0xd9: {  	s20 =	simm.s32 $0x4300;
	[sflag:s14] =	ssyncadd.s32 $0xFFFFFF80  }
0xda: {  	[tilespmem:s20], [sflag:$0x2] =	stream.indirect.gather [hbm4b:s3+s16], $0x80, s16, s16, $0xb8;
	[tilespmem:$0x18300] =	vst v63  }
0xdb: {  	_ = 	snop  }
0xdc: {  	[tilespmem:s17], [sflag:$0x2] =	stream.indirect.gather [hbm4b:s4+s16], $0x80, s18, s16, $0xb8;
	[tilespmem:$0x18300] =	vst v63  }
0xdd: {  	_ =	swait.ge [sflag:s22], $0x4000  }
0xde: {  	[sflag:s22] =	ssyncset.done $0x0  }
0xdf: {  	[sflag:s22] =	ssyncadd.s32 $0xFFFFC000  }
0xe0: {  	s2 =	sshll.u32 s2, $0xB;
	_ =	swait.ge [sflag:s22], $0x4000  }
0xe1: {  	s2 =	sand.u32 $0x1FFFF800, s2;
	[sflag:s22] =	ssyncset.done $0x0  }
0xe2: {  	s21 =	sadd.s32 s7, s2;
	[sflag:s22] =	ssyncadd.s32 $0xFFFFC000  }
0xe3: {  	[hbm4b:s21+s1] =	stream.linear.scatter [tilespmem:s30], [sflag:$0x4], $0x4000, $0x38;
	[tilespmem:$0x18300] =	vst v63  }
0xe4: {  	s2 =	sadd.s32 s9, s2;
	s8 =	simm.s32 @!p0 $0x6  }
0xe5: {  	[hbm4b:s2+s1] =	stream.linear.scatter [tilespmem:s15], [sflag:$0x4], $0x4000, $0x38;
	[tilespmem:$0x18300] =	vst v63  }
0xe6: {  	s0 =	sadd.s32 $0x40, s0;
	_ =	swait.ge @!p0 [sflag:s8], $0x4000  }
0xe7: {  	p1 =	slt.u32 s0, $0x9C4;
	s2 =	smov.u32 s26;
	[sflag:s8] =	ssyncset.done @!p0 $0x0  }
0xe8: {  	s2 =	smov.u32 @p1 s0;
	[sflag:s8] =	ssyncadd.s32 @!p0 $0xFFFFC000  }
0xe9: {  	s0 =	sshll.u32 s2, $0x4;
	_ =	swait.ge @!p0 [sflag:s8], $0x4000  }
0xea: {  	s0 =	sand.u32 $0x1FFFFFF0, s0;
	[sflag:s8] =	ssyncset.done @!p0 $0x0  }
0xeb: {  	s29 =	simm.s32 $0x100;
	s25 =	sadd.s32 s5, s0;
	[sflag:s8] =	ssyncadd.s32 @!p0 $0xFFFFC000  }
0xec: {  	[tilespmem:s29], [sflag:$0x7] =	stream.linear.gather [hbm4b:s25+s1], $0x80, $0x38;
	[tilespmem:$0x18300] =	vst v63  }
0xed: {  	_ =	swait.ge [sflag:s14], $0x80  }
0xee: {  	[sflag:s14] =	ssyncset.done $0x0  }
0xef: {  	s0 =	sadd.s32 s6, s0;
	[sflag:s14] =	ssyncadd.s32 $0xFFFFFF80  }
0xf0: {  	[tilespmem:s24], [sflag:$0x7] =	stream.linear.gather [hbm4b:s0+s1], $0x80, $0x38;
	[tilespmem:$0x18300] =	vst v63  }
0xf1: {  	_ =	swait.ge [sflag:s14], $0x80  }
0xf2: {  	[sflag:s14] =	ssyncset.done $0x0  }
0xf3: {  	s30 =	simm.s32 $0x8300;
	[sflag:s14] =	ssyncadd.s32 $0xFFFFFF80  }
0xf4: {  	[tilespmem:s30], [sflag:$0x3] =	stream.indirect.gather [hbm4b:s3+s16], $0x80, s29, s16, $0xb8;
	[tilespmem:$0x18300] =	vst v63  }
0xf5: {  	s31 =	simm.s32 $0x14300  }
0xf6: {  	[tilespmem:s31], [sflag:$0x3] =	stream.indirect.gather [hbm4b:s4+s16], $0x80, s24, s16, $0xb8;
	[tilespmem:$0x18300] =	vst v63  }
0xf7: {  	_ =	swait.ge [sflag:s28], $0x4000  }
0xf8: {  	[sflag:s28] =	ssyncset.done $0x0  }
0xf9: {  	[sflag:s28] =	ssyncadd.s32 $0xFFFFC000  }
0xfa: {  	s2 =	sshll.u32 s11, $0xB;
	_ =	swait.ge [sflag:s28], $0x4000  }
0xfb: {  	s0 =	sand.u32 $0x1FFFF800, s2;
	[sflag:s28] =	ssyncset.done $0x0  }
0xfc: {  	s11 =	sadd.s32 s7, s0;
	[sflag:s28] =	ssyncadd.s32 $0xFFFFC000  }
0xfd: {  	[hbm4b:s11+s1] =	stream.linear.scatter [tilespmem:s20], [sflag:$0x5], $0x4000, $0x38;
	[tilespmem:$0x18300] =	vst v63  }
0xfe: {  	s12 =	simm.s32 $0x3;
	s0 =	sadd.s32 s9, s0  }
0xff: {  	[hbm4b:s0+s1] =	stream.linear.scatter [tilespmem:s17], [sflag:$0x5], $0x4000, $0x38;
	[tilespmem:$0x18300] =	vst v63  }
0x100: {  	_ =	swait.ge [sflag:s12], $0x4000  }
0x101: {  	[sflag:s12] =	ssyncset.done $0x0  }
0x102: {  	[sflag:s12] =	ssyncadd.s32 $0xFFFFC000  }
0x103: {  	_ =	swait.ge [sflag:s12], $0x4000  }
0x104: {  	[sflag:s12] =	ssyncset.done $0x0  }
0x105: {  	s13 =	rddreg [dreg:$0x2];
	[sflag:s12] =	ssyncadd.s32 $0xFFFFC000  }
0x106: {  	[hbm4b:s13+s1] =	stream.linear.scatter [tilespmem:s30], [sflag:$0x6], $0x4000, $0x38;
	[tilespmem:$0x18300] =	vst v63  }
0x107: {  	s17 =	simm.s32 $0x4;
	s15 =	rddreg [dreg:$0x3]  }
0x108: {  	[hbm4b:s15+s1] =	stream.linear.scatter [tilespmem:s31], [sflag:$0x6], $0x4000, $0x38;
	[tilespmem:$0x18300] =	vst v63  }
0x109: {  	_ =	swait.ge [sflag:s17], $0x4000  }
0x10a: {  	[sflag:s17] =	ssyncset.done $0x0  }
0x10b: {  	[sflag:s17] =	ssyncadd.s32 $0xFFFFC000  }
0x10c: {  	_ =	swait.ge [sflag:s17], $0x4000  }
0x10d: {  	[sflag:s17] =	ssyncset.done $0x0  }
0x10e: {  	s25 =	simm.s32 $0x5;
	[sflag:s17] =	ssyncadd.s32 $0xFFFFC000  }
0x10f: {  	_ =	swait.ge [sflag:s25], $0x4000  }
0x110: {  	[sflag:s25] =	ssyncset.done $0x0  }
0x111: {  	[sflag:s25] =	ssyncadd.s32 $0xFFFFC000  }
0x112: {  	_ =	swait.ge [sflag:s25], $0x4000  }
0x113: {  	[sflag:s25] =	ssyncset.done $0x0  }
0x114: {  	s29 =	simm.s32 $0x6;
	[sflag:s25] =	ssyncadd.s32 $0xFFFFC000  }
0x115: {  	_ =	swait.ge [sflag:s29], $0x4000  }
0x116: {  	[sflag:s29] =	ssyncset.done $0x0  }
0x117: {  	[sflag:s29] =	ssyncadd.s32 $0xFFFFC000  }
0x118: {  	_ =	swait.ge [sflag:s29], $0x4000  }
0x119: {  	s30 =	rddreg [dreg:$0x6]  }
0x11a: {  	s31 =	rddreg [dreg:$0x4];
	s8 =	sadd.s32 $0x1, s30  }
0x11b: {  	p0 =	sne.s32 s8, s31  }
.Ltmp1:
0x11c: {  	_ = 	snop;
	(pc) =	sbr.rel @p0 .LBB2_1-.Ltmp1, $3  }
0x11d: {  	_ =	sdelay $0x1  }
0x11e: {  	s18 =	simm.s32 $0x10300;
	[sflag:s29] =	ssyncset.done $0x0  }
0x11f: {  	s21 =	simm.s32 $0x14300;
	s20 =	simm.s32 $0x8300;
	[sflag:s29] =	ssyncadd.s32 $0xFFFFC000  }
0x120: {  	_ =	sfence.sel $0x180000  }
0x121: {  	[bflag:$0x0] =	sbarrier.arrive $0xFFFF  }
0x122: {  	_ =	strace $0x9000004D  }
0x123: {  	s0 =	stileid.u32;
	[bflag:$0x2] =	sbarrier.arrive $0xFFFF  }
0x124: {  	p0 =	sne.s32 s0, $0x0;
	s0 =	rddreg [dreg:$0x1]  }
0x125: {  	s0 =	sadd.s32 @!p0 $0x100000, s0  }
0x126: {  	[sflag:s0] =	ssyncadd.tile.s32 @!p0 $0x1;
	_ =	shalt  }
.Lfunc_end2:
_tile_overlayer_lowered:
.L_overlay_start_2:
0x127: {  	(tag) =	ssettag $0x2  }
0x128: {  	s0 =	rddreg [dreg:$0x0];
	s2 =	stileid.u32  }
0x129: {  	s1 =	rddreg [dreg:$0x1];
	p0 =	sne.s32 s2, $0x0  }
0x12a: {  	s3 =	rddreg [dreg:$0x2];
	[bflag:$0x3] =	sbarrier.arrive $0xFFFF;
	s2 =	simm.s32 @!p0 $0x1C07  }
0x12b: {  	[timem:s3], [sflag:s2] =	dma.local @!p0 [hbm:s0], s1  }
0x12c: {  	s0 =	simm.s32 @!p0 $0x7  }
0x12d: {  	_ =	swait.ge @!p0 [sflag:s0], s1  }
0x12e: {  	s1 =	ssub.s32 @!p0 $0x0, s1;
	[sflag:s0] =	ssyncset.done @!p0 $0x0  }
0x12f: {  	[sflag:s0] =	ssyncadd.s32 @!p0 s1  }
0x130: {  	[bflag:$0x3] =	sbarrier.arrive $0xFFFF  }
0x131: {  	_ =	shalt  }

// kernel: kernel.21.cloned.1.call-start
scs
__scs_entry_jumppad:
0x0: {  	(pc) =	sbr.rel $0x88, $3  }
0x1: {  	(tag) =	ssettag $0x0;
	lr =	simm.s32 $0x1  }
0x2: {  	[smem:$0x3F8F] =	sst lr;
	_ =	strace $0xD0000000  }
0x3: {  	_ = 	snop  }
0x4: {  	_ = 	snop  }
0x5: {  	_ = 	snop  }
0x6: {  	_ = 	snop  }
0x7: {  	_ = 	snop  }
__scs_overlays_trampoline_lowered:
0x8: {  	[smem:$0x3F9E] =	sst s0  }
0x9: {  	[smem:$0x3F9F] =	sst s1  }
0xa: {  	[smem:$0x3FA0] =	sst s2  }
0xb: {  	[smem:$0x3FA1] =	sst s3  }
0xc: {  	[smem:$0x3FA2] =	sst s4  }
0xd: {  	[smem:$0x3FA3] =	sst s5  }
0xe: {  	[smem:$0x3FA4] =	sst s6  }
0xf: {  	[smem:$0x3FA5] =	sst s7  }
0x10: {  	[smem:$0x3FA6] =	sst s8  }
0x11: {  	[smem:$0x3FA7] =	sst s9;
	s0 =	simm.s32 @!p0 $0x0  }
0x12: {  	s1 =	sld [smem:$0x3F8D];
	s0 =	simm.s32 @p0 $0x1  }
0x13: {  	[smem:$0x3FA8] =	sst s0;
	s0 =	simm.s32 @!p1 $0x0  }
0x14: {  	s2 =	sld [smem:$0x3F8C];
	s0 =	simm.s32 @p1 $0x1  }
0x15: {  	[smem:$0x3FA9] =	sst s0;
	s0 =	simm.s32 @!p2 $0x0  }
0x16: {  	s3 =	sld [smem:$0x3FDB];
	s0 =	simm.s32 @p2 $0x1  }
0x17: {  	s4 =	simm.s32 $0x1BF5;
	[smem:$0x3FAB] =	sst s0  }
0x18: {  	s0 =	sld [smem:$0x3F8E];
	_ =	swait.ge [sflag:s4], $0x0  }
0x19: {  	s7 =	sld [smem:$0x3F8F]  }
0x1a: {  	s8 =	sadd.s32 $0xFFFFE003, lr  }
0x1b: {  	s9 =	sadd.s32 $0xFFFFFEF7, lr;
	s5 =	simm.s32 $0xFFFFFFFF;
	p2 =	slt.u32 s8, $0xFFFFF086  }
0x1c: {  	p1 =	slt.u32 s9, $0xF7A;
	s5 =	simm.s32 @!p2 $0x0  }
0x1d: {  	s5 =	simm.s32 @p1 $0x1;
	p0 =	seq.s32 s7, s2  }
0x1e: {  	s7 =	smul.u32 @!p0 $0xF7A, s2;
	p2 =	seq.s32 @!p0 s5, $0x0  }
0x1f: {  	s9 =	smul.u32 $0xF7A, s1;
	s8 =	simm.s32 @!p0 $0x1BF5;
	p2 =	por !p2, p0  }
0x20: {  	[sflag:s8] =	ssyncset.s32 @!p0 $0xFFFFF086;
	s6 =	sadd.s32 @!p0 s3, s7;
	s7 =	simm.s32 @!p0 $0x108  }
0x21: {  	s3 =	sadd.s32 s3, s9;
	s6 =	sadd.s32 @!p0 $0x88, s6;
	s7 =	simm.s32 @p2 $0x1082  }
0x22: {  	[simem:s7], [sflag:s8] =	dma.local @!p0 [hbm:s6], $0xF7A  }
0x23: {  	s9 =	sor.u32 $0xD0000000, s2;
	s6 =	simm.s32 $0x108;
	_ =	swait.ge @!p0 [sflag:s8], $0x0  }
0x24: {  	s3 =	sadd.s32 $0x88, s3;
	s6 =	simm.s32 @!p1 $0x1082;
	[sflag:s4] =	ssyncset.s32 $0xFFFFF086  }
0x25: {  	[simem:s6], [sflag:s4] =	dma.local [hbm:s3], $0xF7A  }
0x26: {  	[smem:$0x3F8F] =	sst s1;
	(tag) =	ssettag s2;
	_ =	strace s9  }
0x27: {  	s1 =	sld [smem:$0x3F9F]  }
0x28: {  	s2 =	sld [smem:$0x3FA0]  }
0x29: {  	s4 =	sld [smem:$0x3FA2]  }
0x2a: {  	p0 =	seq.s32 s5, $0x0;
	s5 =	sld [smem:$0x3FA3]  }
0x2b: {  	s6 =	sld [smem:$0x3FA4]  }
0x2c: {  	s7 =	sld [smem:$0x3FA5]  }
0x2d: {  	s3 =	simm.s32 $0x108;
	s8 =	sld [smem:$0x3FA6]  }
0x2e: {  	s3 =	simm.s32 @!p0 $0x1082;
	s9 =	sld [smem:$0x3FA7]  }
0x2f: {  	lr =	sadd.s32 s0, s3;
	s0 =	sld [smem:$0x3F9E]  }
0x30: {  	s3 =	sld [smem:$0x3FA1]  }
0x31: {  	[smem:$0x3FAA] =	sst s10  }
0x32: {  	s10 =	sld [smem:$0x3FA8];
	_ =	sdelay $0x3  }
0x33: {  	p0 =	seq.s32 s10, $0x1;
	s10 =	sld [smem:$0x3FAA];
	_ =	sdelay $0x3  }
0x34: {  	[smem:$0x3FAA] =	sst s10  }
0x35: {  	s10 =	sld [smem:$0x3FA9];
	_ =	sdelay $0x3  }
0x36: {  	p1 =	seq.s32 s10, $0x1;
	s10 =	sld [smem:$0x3FAA];
	_ =	sdelay $0x3  }
0x37: {  	[smem:$0x3FAA] =	sst s10  }
0x38: {  	s10 =	sld [smem:$0x3FAB]  }
0x39: {  	_ = 	snop;
	(pc) =	sbr.ind lr, $3  }
0x3a: {  	_ = 	snop  }
0x3b: {  	_ = 	snop  }
0x3c: {  	p2 =	seq.s32 s10, $0x1;
	s10 =	sld [smem:$0x3FAA]  }
0x3d: {  	_ =	shalt  }
0x3e: {  	_ =	shalt  }
0x3f: {  	_ =	shalt  }
0x40: {  	_ =	shalt  }
0x41: {  	_ =	shalt  }
0x42: {  	_ =	shalt  }
0x43: {  	_ =	shalt  }
0x44: {  	_ =	shalt  }
0x45: {  	_ =	shalt  }
0x46: {  	_ =	shalt  }
0x47: {  	_ =	shalt  }
0x48: {  	_ =	shalt  }
0x49: {  	_ =	shalt  }
0x4a: {  	_ =	shalt  }
0x4b: {  	_ =	shalt  }
0x4c: {  	_ =	shalt  }
0x4d: {  	_ =	shalt  }
0x4e: {  	_ =	shalt  }
0x4f: {  	_ =	shalt  }
0x50: {  	_ =	shalt  }
0x51: {  	_ =	shalt  }
0x52: {  	_ =	shalt  }
0x53: {  	_ =	shalt  }
0x54: {  	_ =	shalt  }
0x55: {  	_ =	shalt  }
0x56: {  	_ =	shalt  }
0x57: {  	_ =	shalt  }
0x58: {  	_ =	shalt  }
0x59: {  	_ =	shalt  }
0x5a: {  	_ =	shalt  }
0x5b: {  	_ =	shalt  }
0x5c: {  	_ =	shalt  }
0x5d: {  	_ =	shalt  }
0x5e: {  	_ =	shalt  }
0x5f: {  	_ =	shalt  }
0x60: {  	_ =	shalt  }
0x61: {  	_ =	shalt  }
0x62: {  	_ =	shalt  }
0x63: {  	_ =	shalt  }
0x64: {  	_ =	shalt  }
0x65: {  	_ =	shalt  }
0x66: {  	_ =	shalt  }
0x67: {  	_ =	shalt  }
0x68: {  	_ =	shalt  }
0x69: {  	_ =	shalt  }
0x6a: {  	_ =	shalt  }
0x6b: {  	_ =	shalt  }
0x6c: {  	_ =	shalt  }
0x6d: {  	_ =	shalt  }
0x6e: {  	_ =	shalt  }
0x6f: {  	_ =	shalt  }
0x70: {  	_ =	shalt  }
0x71: {  	_ =	shalt  }
0x72: {  	_ =	shalt  }
0x73: {  	_ =	shalt  }
0x74: {  	_ =	shalt  }
0x75: {  	_ =	shalt  }
0x76: {  	_ =	shalt  }
0x77: {  	_ =	shalt  }
0x78: {  	_ =	shalt  }
0x79: {  	_ =	shalt  }
0x7a: {  	_ =	shalt  }
0x7b: {  	_ =	shalt  }
0x7c: {  	_ =	shalt  }
0x7d: {  	_ =	shalt  }
0x7e: {  	_ =	shalt  }
0x7f: {  	_ =	shalt  }
0x80: {  	_ =	shalt  }
0x81: {  	_ =	shalt  }
0x82: {  	_ =	shalt  }
0x83: {  	_ =	shalt  }
0x84: {  	_ =	shalt  }
0x85: {  	_ =	shalt  }
0x86: {  	_ =	shalt  }
0x87: {  	_ =	shalt  }
.Lfunc_end0:
.L_simem_size_0:
called_computation.3_lowered:
.L_overlay_start_0:
0x88: {  	s2 =	sld [smem:$0x3FD9]  }
0x89: {  	s3 =	sld [smem:$0x3FFE];
	_ =	sdelay $0x1  }
0x8a: {  	s1 =	srdreg.scid  }
0x8b: {  	s0 =	sand.u32 $0x1, s1  }
0x8c: {  	s16 =	sshll.u32 s0, $0xA;
	s2 =	sadd.s32 s3, s2  }
0x8d: {  	s2 =	sadd.s32 s2, s16  }
0x8e: {  	[smem:$0x3FB6] =	sst s2  }
0x8f: {  	_ = 	snop  }
0x90: {  	(tm) =	ssettm $0x1  }
0x91: {  	s17 =	sld [smem:$0x3FFB];
	_ =	sdelay $0x3  }
0x92: {  	_ =	strace s17  }
0x93: {  	s2 =	sld [smem:$0x3FFC];
	_ =	sdelay $0x3  }
0x94: {  	_ =	strace s2  }
0x95: {  	s2 =	sld [smem:$0x3FFD];
	_ =	sdelay $0x3  }
0x96: {  	_ =	strace s2  }
0x97: {  	_ =	strace $0x8FFFFFFF  }
0x98: {  	s18 =	sld [smem:$0x3FDB];
	_ =	sdelay $0x1  }
0x99: {  	s19 =	simm.s32 $_scs_section_size  }
0x9a: {  	s4 =	simm.s32 $_size__tile_overlayer_lowered;
	s5 =	simm.s32 $_tile_overlayer_lowered  }
0x9b: {  	s22 =	simm.s32 $0x1BFF;
	s21 =	sshll.u32 s5, $0x1;
	s2 =	sadd.s32 s19, s18  }
0x9c: {  	s6 =	simm.s32 $0x0;
	s20 =	sshll.u32 s4, $0x1;
	s4 =	sadd.s32 s21, s2  }
0x9d: {  	[timem:s6], [sflag:s22] =	dma.local [hbm:s4], s20  }
0x9e: {  	_ =	swait.ge [sflag:s22], s20  }
0x9f: {  	s3 =	ssub.s32 $0x0, s20;
	[sflag:s22] =	ssyncset.done $0x0  }
0xa0: {  	[sflag:s22] =	ssyncadd.s32 s3;
	_ =	sdelay $0x1  }
0xa1: {  	s23 =	simm.s32 $0x1B8B  }
0xa2: {  	_ =	swait.ge [sflag:s23], $0x1  }
0xa3: {  	[sflag:s23] =	ssyncset.done $0x0  }
0xa4: {  	s25 =	simm.s32 $0x1B8E;
	s24 =	sld [smem:$0x3FFE];
	[sflag:s23] =	ssyncadd.s32 $0xFFFFFFFF  }
0xa5: {  	s26 =	simm.s32 $execute0_lowered;
	[smem:$0x3FD2] =	sst s25  }
0xa6: {  	s4 =	sshll.u32 s26, $0x1;
	_ =	strace $0x8000004F;
	[dreg:$0x1] =	wrdreg $0xFFFFFFFF  }
0xa7: {  	s28 =	simm.s32 $_size_execute0_lowered;
	s2 =	sadd.s32 s2, s4;
	[dreg:$0x0] =	wrdreg $0x0  }
0xa8: {  	s4 =	sshll.u32 s28, $0x1;
	[dreg:$0x2] =	wrdreg s2  }
0xa9: {  	[dreg:$0x3] =	wrdreg s4  }
0xaa: {  	[dreg:$0x4] =	wrdreg $0xC0  }
0xab: {  	_ =	task [dreg:s6], $0x5FFFF  }
0xac: {  	[dreg:$0x1] =	wrdreg $0xFFFFFFFF  }
0xad: {  	[dreg:$0x0] =	wrdreg $0x60  }
0xae: {  	[dreg:$0x2] =	wrdreg s24  }
0xaf: {  	[dreg:$0x3] =	wrdreg $0xC1800  }
0xb0: {  	[dreg:$0x4] =	wrdreg $0x9  }
0xb1: {  	_ =	task.clear_ibuf [dreg:s6], $0x5FFFF;
	_ =	strace $0x9000004F  }
0xb2: {  	s29 =	simm.s32 $0x9;
	_ =	strace $0x80000051  }
0xb3: {  	_ =	swait.ge [sflag:s29], $0x1  }
0xb4: {  	[sflag:s29] =	ssyncadd.s32 $0xFFFFFFFF  }
0xb5: {  	_ =	strace $0x90000051  }
0xb6: {  	_ =	sfence  }
0xb7: {  	s30 =	sld [smem:$0x0];
	_ =	sdelay $0x2  }
0xb8: {  	s31 =	sshll.u32 s1, $0xD;
	s1 =	sshrl.u32 s1, $0x2  }
0xb9: {  	s3 =	sand.u32 $0x4000, s31;
	s1 =	sadd.s32 s1, s30  }
0xba: {  	s0 =	sor.u32 s3, s0;
	s1 =	sshll.u32 s1, $0x11  }
0xbb: {  	s0 =	sor.u32 s1, s0  }
0xbc: {  	s0 =	sadd.s32 $0x8F2B, s0  }
0xbd: {  	[sflag:s0] =	ssyncadd.remote.s32 $0x1  }
0xbe: {  	_ =	sfence.sel $0xFFFF  }
0xbf: {  	[dreg:$0x0] =	wrdreg $0xFFFFFFFF;
	(pc) =	sbr.abs _section_cstart, $3  }
0xc0: {  	[dreg:$0x1] =	wrdreg $0xFFFFFFFF  }
0xc1: {  	_ =	task.clear_ibuf [dreg:s6], $0x2FFFF;
	_ =	strace $0x9FFFFFFF  }
0xc2: {  	(tm) =	ssettm $0x7FFFFFFF  }
0xc3: {  	_ =	shalt  }
tec
execute0_lowered:
.L_overlay_start_1:
0x0: {  	(tag) =	ssettag $0x1  }
0x1: {  	s4 =	rddreg [dreg:$0x0];
	s0 =	srdreg.scid  }
0x2: {  	s2 =	rddreg [dreg:$0x1];
	s1 =	stileid.u32;
	s3 =	simm.s32 $0x0  }
0x3: {  	s5 =	sand.u32 $0x1, s0;
	s0 =	rddreg [dreg:$0x2];
	s7 =	smul.u32 $0x13C00, s1  }
0x4: {  	[smem:$0x7FF] =	sst s3;
	s12 =	sadd.s32 $0x12200, s4;
	s22 =	smul.u32 $0x4F000, s1  }
0x5: {  	s25 =	sshll.u32 s1, $0x6;
	s11 =	sshll.u32 s1, $0x7;
	s6 =	smul.u32 $0x271000, s5  }
0x6: {  	s26 =	sshll.u32 s1, $0xB;
	s8 =	smul.u32 $0x13C000, s5;
	_ =	strace $0x80000050  }
0x7: {  	s10 =	ssub.s32 $0x2, s5;
	s24 =	smul.u32 $0x27100, s5;
	s5 =	sor.u32 $0x1C04, s25  }
0x8: {  	s21 =	sshrl.u32 s7, $0x3;
	s23 =	sshrl.u32 s10, $0x1;
	s9 =	sadd.s32 s6, s4  }
0x9: {  	s7 =	sadd.s32 s7, s8;
	s6 =	sadd.s32 s21, s4;
	s8 =	sshrl.u32 s22, $0x2  }
0xa: {  	s10 =	ssub.s32 s10, s23;
	s14 =	sadd.s32 s11, s24;
	s7 =	sshrl.u32 s7, $0x3  }
0xb: {  	s13 =	sadd.s32 s8, s2;
	s28 =	sadd.s32 $0x1000, s14;
	s8 =	sadd.s32 s26, s9  }
0xc: {  	s30 =	sadd.s32 $0x800, s14;
	s14 =	sshrl.u32 s14, $0x3;
	s7 =	sadd.s32 s7, s4  }
0xd: {  	s4 =	sadd.s32 $0xF1B800, s6;
	s29 =	sshrl.u32 s28, $0x3;
	s8 =	sadd.s32 $0x18DE200, s8  }
0xe: {  	s31 =	sshrl.u32 s30, $0x3;
	s13 =	sshrl.u32 s13, $0x3;
	s6 =	sadd.s32 $0xF43000, s7  }
0xf: {  	s7 =	smax.u32 s10, $0x1;
	s9 =	sadd.s32 s29, s12;
	s10 =	sor.u32 $0x20, s1  }
0x10: {  	s11 =	sadd.s32 s31, s12;
	s12 =	sadd.s32 s14, s12;
	s14 =	simm.s32 $0x4  }
.LBB2_1:
0x11: {  	[spmem:s13], [sflag:s5] =	dma.local [hbm:s4], $0x2780  }
0x12: {  	_ =	swait.ge [sflag:s14], $0x2780  }
0x13: {  	s15 =	sadd.s32 $0xFFFFFFE0, s10;
	[sflag:s14] =	ssyncset.done $0x0  }
0x14: {  	p1 =	sgt.u32 s15, $0x4E1;
	[sflag:s14] =	ssyncadd.s32 $0xFFFFD880  }
0x15: {  	s15 =	simm.s32 @!p1 $0x0;
	[bflag:$0x0] =	sbarrier.arrive $0xFFFF  }
0x16: {  	[tilespmem:s15], [sflag:$0x1] =	stream.linear.gather @!p1 [hbm4b:s12+s15], $0x80, $0x38;
	[tilespmem:$0x1FD80] =	vst v63  }
0x17: {  	p2 =	por $0x1, $0x1;
	s16 =	sadd.s32 @!p1 $0x0, s8;
	s17 =	simm.s32 @!p1 $0x180  }
0x18: {  	[tilespmem:s17], [sflag:$0x1] =	stream.linear.gather @!p1 [hbm4b:s16+s15], $0x4000, $0x38;
	[tilespmem:$0x1FD80] =	vst v63  }
0x19: {  	s16 =	simm.s32 @!p2 $0x3  }
0x1a: {  	_ =	swait.ge @!p2 [sflag:s16], $0x80  }
0x1b: {  	[sflag:s16] =	ssyncset.done @!p2 $0x0  }
0x1c: {  	[sflag:s16] =	ssyncadd.s32 @!p2 $0xFFFFFF80  }
0x1d: {  	s22 =	sadd.s32 $0xFFFFFFF0, s10;
	_ =	swait.ge @!p2 [sflag:s16], $0x4000  }
0x1e: {  	s18 =	simm.s32 @!p2 $0x8180;
	s19 =	simm.s32 @!p2 $0x80;
	[sflag:s16] =	ssyncset.done @!p2 $0x0  }
0x1f: {  	s20 =	simm.s32 @!p2 $0x100;
	s21 =	simm.s32 @!p2 $0x5;
	[sflag:s16] =	ssyncadd.s32 @!p2 $0xFFFFC000  }
0x20: {  	[spmem:s2] =	stream.indirect.scatter.add.f32 @!p2 [tilespmem:s18], [sflag:$0x5], $0x80, s20, s19, $0xb8;
	[tilespmem:$0x1FD80] =	vst v63  }
0x21: {  	p0 =	sgt.u32 s22, $0x4E1;
	_ =	swait.ge @!p2 [sflag:s21], $0x4000  }
0x22: {  	s22 =	simm.s32 @!p0 $0x80;
	[sflag:s21] =	ssyncset.done @!p2 $0x0  }
0x23: {  	s16 =	sadd.s32 @!p0 $0x0, s8;
	s18 =	simm.s32 @!p0 $0x0;
	[sflag:s21] =	ssyncadd.s32 @!p2 $0xFFFFC000  }
0x24: {  	[tilespmem:s22], [sflag:$0x2] =	stream.linear.gather @!p0 [hbm4b:s11+s18], $0x80, $0x38;
	[tilespmem:$0x1FD80] =	vst v63  }
0x25: {  	s16 =	sadd.s32 @!p0 $0x8000, s16;
	s19 =	simm.s32 @!p1 $0x1;
	s21 =	simm.s32 @!p0 $0x4180  }
0x26: {  	[tilespmem:s21], [sflag:$0x2] =	stream.linear.gather @!p0 [hbm4b:s16+s18], $0x4000, $0x38;
	[tilespmem:$0x1FD80] =	vst v63  }
0x27: {  	_ =	swait.ge @!p1 [sflag:s19], $0x80  }
0x28: {  	[sflag:s19] =	ssyncset.done @!p1 $0x0  }
0x29: {  	[sflag:s19] =	ssyncadd.s32 @!p1 $0xFFFFFF80  }
0x2a: {  	_ =	swait.ge @!p1 [sflag:s19], $0x4000  }
0x2b: {  	[sflag:s19] =	ssyncset.done @!p1 $0x0  }
0x2c: {  	s16 =	simm.s32 @!p1 $0x80;
	s18 =	simm.s32 @!p1 $0x5;
	[sflag:s19] =	ssyncadd.s32 @!p1 $0xFFFFC000  }
0x2d: {  	[spmem:s2] =	stream.indirect.scatter.add.f32 @!p1 [tilespmem:s17], [sflag:$0x5], $0x80, s15, s16, $0xb8;
	[tilespmem:$0x1FD80] =	vst v63  }
0x2e: {  	p2 =	sgt.u32 s10, $0x4E1;
	_ =	swait.ge @!p1 [sflag:s18], $0x4000  }
0x2f: {  	s15 =	simm.s32 @!p2 $0x0;
	[sflag:s18] =	ssyncset.done @!p1 $0x0  }
0x30: {  	s16 =	simm.s32 @!p2 $0x100;
	s17 =	sadd.s32 @!p2 $0x0, s8;
	[sflag:s18] =	ssyncadd.s32 @!p1 $0xFFFFC000  }
0x31: {  	[tilespmem:s16], [sflag:$0x3] =	stream.linear.gather @!p2 [hbm4b:s9+s15], $0x80, $0x38;
	[tilespmem:$0x1FD80] =	vst v63  }
0x32: {  	s23 =	simm.s32 @!p0 $0x2;
	s16 =	sadd.s32 @!p2 $0x10000, s17;
	s17 =	simm.s32 @!p2 $0x8180  }
0x33: {  	[tilespmem:s17], [sflag:$0x3] =	stream.linear.gather @!p2 [hbm4b:s16+s15], $0x4000, $0x38;
	[tilespmem:$0x1FD80] =	vst v63  }
0x34: {  	_ =	swait.ge @!p0 [sflag:s23], $0x80  }
0x35: {  	s25 =	simm.s32 @!p0 $0x4;
	[sflag:s23] =	ssyncset.done @!p0 $0x0  }
0x36: {  	s20 =	simm.s32 $0x30000;
	s19 =	sadd.s32 $0x300, s12;
	[sflag:s23] =	ssyncadd.s32 @!p0 $0xFFFFFF80  }
0x37: {  	s18 =	sadd.s32 $0x300, s11;
	s16 =	sadd.s32 $0x30, s10;
	_ =	swait.ge @!p0 [sflag:s23], $0x4000  }
0x38: {  	s15 =	simm.s32 $0x18000;
	s31 =	sadd.s32 $0xFFFFFFE0, s16;
	[sflag:s23] =	ssyncset.done @!p0 $0x0  }
0x39: {  	s17 =	sadd.s32 $0x300, s9;
	p1 =	sgt.u32 s31, $0x4E1;
	[sflag:s23] =	ssyncadd.s32 @!p0 $0xFFFFC000  }
.LBB2_2:
0x3a: {  	[spmem:s2] =	stream.indirect.scatter.add.f32 @!p0 [tilespmem:s21], [sflag:$0x4], $0x80, s22, s22, $0xb8;
	[tilespmem:$0x1FD80] =	vst v63  }
0x3b: {  	s23 =	smov.u32 s20  }
0x3c: {  	s20 =	sadd.s32 $0x18000, s20;
	s24 =	simm.s32 @!p1 $0x0;
	_ =	swait.ge @!p0 [sflag:s25], $0x4000  }
0x3d: {  	p2 =	sne.s32 s20, $0x288000;
	[sflag:s25] =	ssyncset.done @!p0 $0x0  }
0x3e: {  	[sflag:s25] =	ssyncadd.s32 @!p0 $0xFFFFC000  }
0x3f: {  	[tilespmem:s24], [sflag:$0x1] =	stream.linear.gather @!p1 [hbm4b:s19+s24], $0x80, $0x38;
	[tilespmem:$0x1FD80] =	vst v63  }
0x40: {  	s21 =	sadd.s32 @!p1 s15, s8;
	p3 =	seq.s32 s15, $0x0;
	s25 =	simm.s32 @!p1 $0x180  }
0x41: {  	[tilespmem:s25], [sflag:$0x1] =	stream.linear.gather @!p1 [hbm4b:s21+s24], $0x4000, $0x38;
	[tilespmem:$0x1FD80] =	vst v63  }
0x42: {  	s21 =	simm.s32 @!p3 $0x3  }
0x43: {  	_ =	swait.ge @!p3 [sflag:s21], $0x80  }
0x44: {  	s22 =	simm.s32 @!p3 $0x8180;
	[sflag:s21] =	ssyncset.done @!p3 $0x0  }
0x45: {  	s26 =	simm.s32 @!p3 $0x80;
	s28 =	simm.s32 @!p3 $0x100;
	[sflag:s21] =	ssyncadd.s32 @!p3 $0xFFFFFF80  }
0x46: {  	s30 =	sadd.s32 $0xFFFFFFF0, s16;
	s29 =	simm.s32 @!p3 $0x5;
	_ =	swait.ge @!p3 [sflag:s21], $0x4000  }
0x47: {  	p0 =	sgt.u32 s30, $0x4E1;
	[sflag:s21] =	ssyncset.done @!p3 $0x0  }
0x48: {  	[sflag:s21] =	ssyncadd.s32 @!p3 $0xFFFFC000  }
0x49: {  	[spmem:s2] =	stream.indirect.scatter.add.f32 @!p3 [tilespmem:s22], [sflag:$0x5], $0x80, s28, s26, $0xb8;
	[tilespmem:$0x1FD80] =	vst v63  }
0x4a: {  	s21 =	sadd.s32 @!p0 s15, s8;
	_ =	swait.ge @!p3 [sflag:s29], $0x4000  }
0x4b: {  	s26 =	sadd.s32 @!p0 $0x8000, s21;
	s21 =	simm.s32 @!p0 $0x4180;
	[sflag:s29] =	ssyncset.done @!p3 $0x0  }
0x4c: {  	s28 =	simm.s32 @!p0 $0x0;
	s22 =	simm.s32 @!p0 $0x80;
	[sflag:s29] =	ssyncadd.s32 @!p3 $0xFFFFC000  }
0x4d: {  	[tilespmem:s22], [sflag:$0x2] =	stream.linear.gather @!p0 [hbm4b:s18+s28], $0x80, $0x38;
	[tilespmem:$0x1FD80] =	vst v63  }
0x4e: {  	s29 =	simm.s32 @!p1 $0x1  }
0x4f: {  	[tilespmem:s21], [sflag:$0x2] =	stream.linear.gather @!p0 [hbm4b:s26+s28], $0x4000, $0x38;
	[tilespmem:$0x1FD80] =	vst v63  }
0x50: {  	_ =	swait.ge @!p1 [sflag:s29], $0x80  }
0x51: {  	[sflag:s29] =	ssyncset.done @!p1 $0x0  }
0x52: {  	s26 =	simm.s32 @!p1 $0x80;
	s28 =	simm.s32 @!p1 $0x5;
	[sflag:s29] =	ssyncadd.s32 @!p1 $0xFFFFFF80  }
0x53: {  	_ =	swait.ge @!p1 [sflag:s29], $0x4000  }
0x54: {  	[sflag:s29] =	ssyncset.done @!p1 $0x0  }
0x55: {  	[sflag:s29] =	ssyncadd.s32 @!p1 $0xFFFFC000  }
0x56: {  	[spmem:s2] =	stream.indirect.scatter.add.f32 @!p1 [tilespmem:s25], [sflag:$0x5], $0x80, s24, s26, $0xb8;
	[tilespmem:$0x1FD80] =	vst v63  }
0x57: {  	p3 =	sgt.u32 s16, $0x4E1;
	_ =	swait.ge @!p1 [sflag:s28], $0x4000  }
0x58: {  	s24 =	simm.s32 @!p3 $0x0;
	s25 =	simm.s32 @!p3 $0x100;
	[sflag:s28] =	ssyncset.done @!p1 $0x0  }
0x59: {  	s26 =	sadd.s32 @!p3 s15, s8;
	s15 =	smov.u32 s23;
	[sflag:s28] =	ssyncadd.s32 @!p1 $0xFFFFC000  }
0x5a: {  	[tilespmem:s25], [sflag:$0x3] =	stream.linear.gather @!p3 [hbm4b:s17+s24], $0x80, $0x38;
	[tilespmem:$0x1FD80] =	vst v63  }
0x5b: {  	s23 =	sadd.s32 @!p3 $0x10000, s26;
	s26 =	simm.s32 @!p0 $0x2;
	s25 =	simm.s32 @!p3 $0x8180  }
0x5c: {  	[tilespmem:s25], [sflag:$0x3] =	stream.linear.gather @!p3 [hbm4b:s23+s24], $0x4000, $0x38;
	[tilespmem:$0x1FD80] =	vst v63  }
0x5d: {  	_ =	swait.ge @!p0 [sflag:s26], $0x80  }
.Ltmp0:
0x5e: {  	[sflag:s26] =	ssyncset.done @!p0 $0x0;
	(pc) =	sbr.rel @p2 .LBB2_2-.Ltmp0, $4  }
0x5f: {  	s19 =	sadd.s32 $0x300, s19;
	[sflag:s26] =	ssyncadd.s32 @!p0 $0xFFFFFF80  }
0x60: {  	s16 =	sadd.s32 $0x30, s16;
	s18 =	sadd.s32 $0x300, s18;
	_ =	swait.ge @!p0 [sflag:s26], $0x4000  }
0x61: {  	s23 =	sadd.s32 $0xFFFFFFE0, s16;
	s25 =	simm.s32 @!p0 $0x4;
	[sflag:s26] =	ssyncset.done @!p0 $0x0  }
0x62: {  	s17 =	sadd.s32 $0x300, s17;
	p1 =	sgt.u32 s23, $0x4E1;
	[sflag:s26] =	ssyncadd.s32 @!p0 $0xFFFFC000  }
0x63: {  	[spmem:s2] =	stream.indirect.scatter.add.f32 @!p0 [tilespmem:s21], [sflag:$0x4], $0x80, s22, s22, $0xb8;
	[tilespmem:$0x1FD80] =	vst v63  }
0x64: {  	_ =	swait.ge @!p0 [sflag:s25], $0x4000  }
0x65: {  	[sflag:s25] =	ssyncset.done @!p0 $0x0  }
0x66: {  	s20 =	simm.s32 @!p1 $0x0;
	[sflag:s25] =	ssyncadd.s32 @!p0 $0xFFFFC000  }
0x67: {  	[tilespmem:s20], [sflag:$0x1] =	stream.linear.gather @!p1 [hbm4b:s19+s20], $0x80, $0x38;
	[tilespmem:$0x1FD80] =	vst v63  }
0x68: {  	s21 =	simm.s32 @!p1 $0x180;
	p2 =	seq.s32 s15, $0x0;
	s19 =	sadd.s32 @!p1 s15, s8  }
0x69: {  	[tilespmem:s21], [sflag:$0x1] =	stream.linear.gather @!p1 [hbm4b:s19+s20], $0x4000, $0x38;
	[tilespmem:$0x1FD80] =	vst v63  }
0x6a: {  	s19 =	simm.s32 @!p2 $0x3  }
0x6b: {  	_ =	swait.ge @!p2 [sflag:s19], $0x80  }
0x6c: {  	[sflag:s19] =	ssyncset.done @!p2 $0x0  }
0x6d: {  	[sflag:s19] =	ssyncadd.s32 @!p2 $0xFFFFFF80  }
0x6e: {  	s26 =	sadd.s32 $0xFFFFFFF0, s16;
	_ =	swait.ge @!p2 [sflag:s19], $0x4000  }
0x6f: {  	s22 =	simm.s32 @!p2 $0x8180;
	s23 =	simm.s32 @!p2 $0x80;
	[sflag:s19] =	ssyncset.done @!p2 $0x0  }
0x70: {  	s24 =	simm.s32 @!p2 $0x100;
	s25 =	simm.s32 @!p2 $0x5;
	[sflag:s19] =	ssyncadd.s32 @!p2 $0xFFFFC000  }
0x71: {  	[spmem:s2] =	stream.indirect.scatter.add.f32 @!p2 [tilespmem:s22], [sflag:$0x5], $0x80, s24, s23, $0xb8;
	[tilespmem:$0x1FD80] =	vst v63  }
0x72: {  	p0 =	sgt.u32 s26, $0x4E1;
	_ =	swait.ge @!p2 [sflag:s25], $0x4000  }
0x73: {  	s19 =	sadd.s32 @!p0 s15, s8;
	[sflag:s25] =	ssyncset.done @!p2 $0x0  }
0x74: {  	s22 =	simm.s32 @!p0 $0x0;
	s23 =	simm.s32 @!p0 $0x80;
	[sflag:s25] =	ssyncadd.s32 @!p2 $0xFFFFC000  }
0x75: {  	[tilespmem:s23], [sflag:$0x2] =	stream.linear.gather @!p0 [hbm4b:s18+s22], $0x80, $0x38;
	[tilespmem:$0x1FD80] =	vst v63  }
0x76: {  	s24 =	simm.s32 @!p1 $0x1;
	s18 =	sadd.s32 @!p0 $0x8000, s19;
	s19 =	simm.s32 @!p0 $0x4180  }
0x77: {  	[tilespmem:s19], [sflag:$0x2] =	stream.linear.gather @!p0 [hbm4b:s18+s22], $0x4000, $0x38;
	[tilespmem:$0x1FD80] =	vst v63  }
0x78: {  	_ =	swait.ge @!p1 [sflag:s24], $0x80  }
0x79: {  	[sflag:s24] =	ssyncset.done @!p1 $0x0  }
0x7a: {  	[sflag:s24] =	ssyncadd.s32 @!p1 $0xFFFFFF80  }
0x7b: {  	_ =	swait.ge @!p1 [sflag:s24], $0x4000  }
0x7c: {  	[sflag:s24] =	ssyncset.done @!p1 $0x0  }
0x7d: {  	s18 =	simm.s32 @!p1 $0x80;
	s22 =	simm.s32 @!p1 $0x5;
	[sflag:s24] =	ssyncadd.s32 @!p1 $0xFFFFC000  }
0x7e: {  	[spmem:s2] =	stream.indirect.scatter.add.f32 @!p1 [tilespmem:s21], [sflag:$0x5], $0x80, s20, s18, $0xb8;
	[tilespmem:$0x1FD80] =	vst v63  }
0x7f: {  	p2 =	sgt.u32 s16, $0x4E1;
	_ =	swait.ge @!p1 [sflag:s22], $0x4000  }
0x80: {  	s16 =	simm.s32 @!p2 $0x0;
	[sflag:s22] =	ssyncset.done @!p1 $0x0  }
0x81: {  	s15 =	sadd.s32 @!p2 s15, s8;
	s18 =	simm.s32 @!p2 $0x100;
	[sflag:s22] =	ssyncadd.s32 @!p1 $0xFFFFC000  }
0x82: {  	[tilespmem:s18], [sflag:$0x3] =	stream.linear.gather @!p2 [hbm4b:s17+s16], $0x80, $0x38;
	[tilespmem:$0x1FD80] =	vst v63  }
0x83: {  	s15 =	sadd.s32 @!p2 $0x10000, s15;
	s17 =	simm.s32 @!p2 $0x8180;
	s18 =	simm.s32 @!p0 $0x2  }
0x84: {  	[tilespmem:s17], [sflag:$0x3] =	stream.linear.gather @!p2 [hbm4b:s15+s16], $0x4000, $0x38;
	[tilespmem:$0x1FD80] =	vst v63  }
0x85: {  	_ =	swait.ge @!p0 [sflag:s18], $0x80  }
0x86: {  	[sflag:s18] =	ssyncset.done @!p0 $0x0  }
0x87: {  	[sflag:s18] =	ssyncadd.s32 @!p0 $0xFFFFFF80  }
0x88: {  	_ =	swait.ge @!p0 [sflag:s18], $0x4000  }
0x89: {  	[sflag:s18] =	ssyncset.done @!p0 $0x0  }
0x8a: {  	s15 =	simm.s32 @!p0 $0x4;
	[sflag:s18] =	ssyncadd.s32 @!p0 $0xFFFFC000  }
0x8b: {  	[spmem:s2] =	stream.indirect.scatter.add.f32 @!p0 [tilespmem:s19], [sflag:$0x4], $0x80, s23, s23, $0xb8;
	[tilespmem:$0x1FD80] =	vst v63  }
0x8c: {  	_ =	swait.ge @!p0 [sflag:s15], $0x4000  }
0x8d: {  	s3 =	sadd.s32 $0x1, s3;
	[sflag:s15] =	ssyncset.done @!p0 $0x0  }
0x8e: {  	[sflag:s15] =	ssyncadd.s32 @!p0 $0xFFFFC000;
	p0 =	sne.s32 s3, s7  }
.Ltmp1:
0x8f: {  	[bflag:$0x0] =	sbarrier.arrive $0xFFFF;
	(pc) =	sbr.rel @p0 .LBB2_1-.Ltmp1, $4  }
0x90: {  	[hbm:s6], [sflag:s5] =	dma.local [spmem:s13], $0x2780  }
0x91: {  	_ =	swait.ge [sflag:s14], $0x2780  }
0x92: {  	[sflag:s14] =	ssyncset.done $0x0  }
0x93: {  	[sflag:s14] =	ssyncadd.s32 $0xFFFFD880  }
0x94: {  	_ =	sfence.sel $0x180000  }
0x95: {  	[bflag:$0x0] =	sbarrier.arrive $0xFFFF  }
0x96: {  	p0 =	sne.s32 s1, $0x0;
	_ =	strace $0x90000050  }
0x97: {  	s0 =	sadd.s32 @!p0 $0x100000, s0;
	[bflag:$0x2] =	sbarrier.arrive $0xFFFF  }
0x98: {  	[sflag:s0] =	ssyncadd.tile.s32 @!p0 $0x1;
	_ =	shalt  }
.Lfunc_end2:
_tile_overlayer_lowered:
.L_overlay_start_2:
0x99: {  	(tag) =	ssettag $0x2  }
0x9a: {  	s0 =	rddreg [dreg:$0x0];
	s2 =	stileid.u32  }
0x9b: {  	s1 =	rddreg [dreg:$0x1];
	p0 =	sne.s32 s2, $0x0  }
0x9c: {  	s3 =	rddreg [dreg:$0x2];
	[bflag:$0x3] =	sbarrier.arrive $0xFFFF;
	s2 =	simm.s32 @!p0 $0x1C04  }
0x9d: {  	[timem:s3], [sflag:s2] =	dma.local @!p0 [hbm:s0], s1  }
0x9e: {  	s0 =	simm.s32 @!p0 $0x4  }
0x9f: {  	_ =	swait.ge @!p0 [sflag:s0], s1  }
0xa0: {  	s1 =	ssub.s32 @!p0 $0x0, s1;
	[sflag:s0] =	ssyncset.done @!p0 $0x0  }
0xa1: {  	[sflag:s0] =	ssyncadd.s32 @!p0 s1  }
0xa2: {  	[bflag:$0x3] =	sbarrier.arrive $0xFFFF  }
0xa3: {  	_ =	shalt  }

</sc_bundles>
